<compile_context>
chip_gen: v7x
topology: tpu7x:2x2x1
jax: 0.10.2.dev20260603
libtpu: 0.0.44.dev20260713+nightly
codegen_flags: <defaults>
</compile_context>

<pallas_src>
import functools

import numpy as np
import jax
import jax.numpy as jnp
from jax import lax
from jax.experimental import pallas as pl
from jax.experimental.pallas import tpu as pltpu
from jax.experimental.pallas import tpu_sc as plsc

_B, _T, _D, _MAXLEN = 16, 512, 256, 2048
_NW = 32
_CH = _MAXLEN // _NW


def _build_pos_table():
    pos = np.arange(_MAXLEN)[:, None].astype(np.float64)
    i = np.arange(_D)[None, :].astype(np.float64)
    angle = pos / np.power(10000.0, 2.0 * np.floor(i / 2.0) / _D)
    table = np.zeros((_MAXLEN, _D), dtype=np.float64)
    table[:, 0::2] = np.sin(angle[:, 0::2])
    table[:, 1::2] = np.cos(angle[:, 1::2])
    return table.astype(np.float32)


_POS_TABLE = _build_pos_table()



def _idx_body(dur_ref, idx_ref, mel_ref):
    c = dur_ref[0]
    for s in (1, 2, 4, 8, 16, 32, 64, 128, 256):
        c = c + jnp.concatenate(
            [jnp.zeros((1, s), jnp.int32), c[:, :-s]], axis=1)
    t = lax.broadcasted_iota(jnp.int32, (_MAXLEN, _T), 0)
    cnt = jnp.sum((c <= t).astype(jnp.int32), axis=1, keepdims=True)
    idx_ref[0] = cnt
    mel_ref[0] = c[:, _T - 1:]


def _compute_indices(duration_target):
    dur3 = duration_target.reshape(_B, 1, _T)
    idx3, mel3 = pl.pallas_call(
        _idx_body,
        grid=(_B,),
        in_specs=[pl.BlockSpec((1, 1, _T), lambda b: (b, 0, 0))],
        out_specs=[pl.BlockSpec((1, _MAXLEN, 1), lambda b: (b, 0, 0)),
                   pl.BlockSpec((1, 1, 1), lambda b: (b, 0, 0))],
        out_shape=[jax.ShapeDtypeStruct((_B, _MAXLEN, 1), jnp.int32),
                   jax.ShapeDtypeStruct((_B, 1, 1), jnp.int32)],
    )(dur3)
    return idx3.reshape(_B * _MAXLEN), mel3.reshape(_B)



def _dot(a, w):
    return lax.dot_general(a, w, (((1,), (0,)), ((), ())),
                           precision=lax.Precision.DEFAULT,
                           preferred_element_type=jnp.float32)


def _conv_relu_ln(h, w_ref, bias, g, beta):
    z = jnp.zeros((1, h.shape[1]), jnp.float32)
    hm = jnp.concatenate([z, h[:-1]], axis=0)
    hp = jnp.concatenate([h[1:], z], axis=0)
    y = _dot(hm, w_ref[0]) + _dot(h, w_ref[1]) + _dot(hp, w_ref[2]) + bias
    y = jnp.maximum(y, 0.0)
    m = jnp.mean(y, axis=1, keepdims=True)
    v = jnp.mean((y - m) ** 2, axis=1, keepdims=True)
    return (y - m) * lax.rsqrt(v + 1e-5) * g + beta


def _vp_body(x_ref, spe_ref, m_ref, w1_ref, b1_ref, g1_ref, be1_ref,
             w2_ref, b2_ref, g2_ref, be2_ref, lw_ref, lb_ref, out_ref):
    h = x_ref[0] + spe_ref[0]
    h = _conv_relu_ln(h, w1_ref, b1_ref[0], g1_ref[0], be1_ref[0])
    h = _conv_relu_ln(h, w2_ref, b2_ref[0], g2_ref[0], be2_ref[0])
    s = jnp.sum(h * lw_ref[0], axis=1, keepdims=True) + lb_ref[0, 0]
    out_ref[0] = s * (1.0 - m_ref[0])


def _variance_predictor(x, spembs, src_mask, c1w, c1b, l1g, l1b,
                        c2w, c2b, l2g, l2b, lw, lb):
    w1 = jnp.transpose(c1w, (2, 1, 0))
    w2 = jnp.transpose(c2w, (2, 1, 0))
    row = lambda a: a.reshape(1, -1)
    mask3 = src_mask.astype(jnp.float32).reshape(_B, _T, 1)
    full = lambda shape: pl.BlockSpec(shape, lambda b: (0,) * len(shape))
    logdur3 = pl.pallas_call(
        _vp_body,
        grid=(_B,),
        in_specs=[pl.BlockSpec((1, _T, _D), lambda b: (b, 0, 0)),
                  pl.BlockSpec((1, 1, _D), lambda b: (b, 0, 0)),
                  pl.BlockSpec((1, _T, 1), lambda b: (b, 0, 0)),
                  full((3, _D, _D)), full((1, _D)), full((1, _D)),
                  full((1, _D)),
                  full((3, _D, _D)), full((1, _D)), full((1, _D)),
                  full((1, _D)),
                  full((1, _D)), full((1, 1))],
        out_specs=pl.BlockSpec((1, _T, 1), lambda b: (b, 0, 0)),
        out_shape=jax.ShapeDtypeStruct((_B, _T, 1), jnp.float32),
    )(x, spembs.reshape(_B, 1, _D), mask3,
      w1, row(c1b), row(l1g), row(l1b),
      w2, row(c2b), row(l2g), row(l2b),
      row(lw), lb.reshape(1, 1))
    return logdur3.reshape(_B, _T)



_NBUF = 2


def _vmin(v):
    for _ in range(4):
        v = jnp.minimum(v, lax.rev(v, (0,)))
    return v[0]


def _vmax(v):
    for _ in range(4):
        v = jnp.maximum(v, lax.rev(v, (0,)))
    return v[0]


def _sc_body(x_ref, idx_ref, pos_ref, out_ref, lidx_v, win_v, out_v, pos_sh,
             sem_s, sem_i, sem_w):
    sid = lax.axis_index("s")
    wid = sid * 2 + lax.axis_index("c")
    t0 = wid * _CH
    pltpu.sync_copy(pos_ref.at[pl.ds(t0, _CH)], pos_sh.at[sid])
    idx_cps = [pltpu.async_copy(idx_ref.at[pl.ds(b * _MAXLEN + t0, _CH)],
                                lidx_v.at[pl.ds(b * _CH, _CH)], sem_i)
               for b in range(_B)]
    for cp in idx_cps:
        cp.wait()

    _TRASH = _NBUF * _CH

    def _first_jw(base):
        m = lidx_v[pl.ds(base, 16)]
        for v in range(1, _CH // 16):
            m = jnp.minimum(m, lidx_v[pl.ds(base + v * 16, 16)])
        return jnp.minimum((_vmin(m) >> 3) << 3, _T - _CH)

    def _prefetch(b, jw):
        jw = pl.multiple_of(jw, 8)
        wb = pl.multiple_of((b % 2) * _CH, _CH)
        pltpu.async_copy(x_ref.at[pl.ds(b * _T + jw, _CH)],
                         win_v.at[pl.ds(wb, _CH)], sem_w)

    jw_c0 = _first_jw(0)
    _prefetch(jnp.int32(0), jw_c0)

    def _loop_b(b, jw0):
        base = b * _CH
        obase = pl.multiple_of((b % _NBUF) * _CH, _CH)
        wbase = pl.multiple_of((b % 2) * _CH, _CH)
        @pl.when(b >= _NBUF)
        def _():
            pltpu.make_async_copy(out_v.at[pl.ds(0, _CH)],
                                  out_ref.at[pl.ds(t0, _CH)], sem_s).wait()

        pltpu.sync_copy(pos_sh.at[sid], out_v.at[pl.ds(obase, _CH)])

        pltpu.make_async_copy(x_ref.at[pl.ds(0, _CH)],
                              win_v.at[pl.ds(0, _CH)], sem_w).wait()

        jw_nextchunk = _first_jw(jnp.minimum(b + 1, _B - 1) * _CH)

        @pl.when(b + 1 < _B)
        def _():
            _prefetch(b + 1, jw_nextchunk)

        def _cover_pass(p, c):
            jw_row, rem = c
            live = rem > 0
            jw = pl.multiple_of(
                jnp.minimum((jw_row >> 3) << 3, _T - _CH), 8)

            @pl.when(jnp.logical_and(live, p > 0))
            def _():
                pltpu.sync_copy(x_ref.at[pl.ds(b * _T + jw, _CH)],
                                win_v.at[pl.ds(wbase, _CH)])

            @pl.when(live)
            def _():
                iota = lax.iota(jnp.int32, 16)

                def _group(v, carry):
                    lv = lidx_v[pl.ds(base + v * 16, 16)]
                    oki = jnp.logical_and(lv >= jw, lv < jw + _CH)
                    rlv = jnp.where(oki, wbase + lv - jw, wbase)
                    flv = jnp.where(oki, obase + v * 16 + iota, _TRASH)
                    for l in range(16):
                        rl = rlv[l]
                        f = flv[l]
                        for cc in range(_D // 16):
                            sl = pl.ds(cc * 16, 16)
                            plsc.addupdate(
                                out_v.at[f, sl], win_v[rl, sl])
                    return carry

                lax.fori_loop(0, _CH // 16, _group, 0)

            def _state():
                nxt = jnp.full((16,), _T, jnp.int32)
                unc = jnp.zeros((16,), jnp.int32)
                for v in range(_CH // 16):
                    lv = lidx_v[pl.ds(base + v * 16, 16)]
                    covi = jnp.where(
                        jnp.logical_or(lv < jw + _CH, lv >= _T), 1, 0)
                    nxt = jnp.minimum(nxt,
                                      jnp.where(covi > 0, _T, lv))
                    unc = jnp.maximum(unc, 1 - covi)
                return _vmin(nxt), _vmax(unc)

            return lax.cond(live, _state,
                            lambda: (jw_row, jnp.int32(0)))

        lax.fori_loop(0, 12, _cover_pass, (jw0, jnp.int32(_CH)))
        pltpu.async_copy(out_v.at[pl.ds(obase, _CH)],
                         out_ref.at[pl.ds(b * _MAXLEN + t0, _CH)], sem_s)
        return jw_nextchunk

    lax.fori_loop(0, _B, _loop_b, jw_c0)
    for _ in range(_NBUF):
        pltpu.make_async_copy(out_v.at[pl.ds(0, _CH)],
                              out_ref.at[pl.ds(t0, _CH)], sem_s).wait()


@functools.lru_cache(maxsize=1)
def _get_sc_gather():
    return functools.partial(
        pl.kernel,
        mesh=plsc.VectorSubcoreMesh(core_axis_name="c", subcore_axis_name="s"),
        out_type=jax.ShapeDtypeStruct((_B * _MAXLEN, _D), jnp.float32),
        scratch_types=[pltpu.VMEM((_B * _CH,), jnp.int32),
                       pltpu.VMEM((2 * _CH, _D), jnp.float32),
                       pltpu.VMEM((_NBUF * _CH + 8, _D), jnp.float32),
                       pltpu.VMEM_SHARED((16, _CH, _D), jnp.float32),
                       pltpu.SemaphoreType.DMA,
                       pltpu.SemaphoreType.DMA,
                       pltpu.SemaphoreType.DMA],
    )(_sc_body)



def kernel(spembs, x, src_mask, duration_target, max_len,
           c1w, c1b, l1g, l1b, c2w, c2b, l2g, l2b, lw, lb):
    del max_len
    idx_flat, mel_len = _compute_indices(duration_target)
    pos = jnp.asarray(_POS_TABLE)
    out_flat = _get_sc_gather()(x.reshape(_B * _T, _D), idx_flat, pos)
    log_duration_prediction = _variance_predictor(
        x, spembs, src_mask, c1w, c1b, l1g, l1b, c2w, c2b, l2g, l2b, lw, lb)
    var_output = out_flat.reshape(_B, _MAXLEN, _D)
    return (var_output, log_duration_prediction, mel_len)

# --- scband reference (transcript-rebuilt; emitter-appended) ---
"""Pipeline reference for scband-variance-adaptor-35794257445216 (READ-ONLY COPY).

The authoritative reference and input builder live on the scoring server;
editing this copy changes nothing except your own understanding.
"""

import jax, jax.numpy as jnp
import numpy as np

B, T_SRC, D_MODEL, FILTER, KERNEL, MAX_LEN = 16, 512, 256, 256, 3, 2048

def sinusoid_table(n_position, d_hid):
    pos = np.arange(n_position)[:, None].astype(np.float64)
    i = np.arange(d_hid)[None, :].astype(np.float64)
    angle = pos / np.power(10000.0, 2.0 * np.floor(i / 2.0) / d_hid)
    table = np.zeros((n_position, d_hid), dtype=np.float64)
    table[:, 0::2] = np.sin(angle[:, 0::2])
    table[:, 1::2] = np.cos(angle[:, 1::2])
    return jnp.asarray(table, dtype=jnp.float32)

def layer_norm(h, g, b, eps=1e-5):
    m = jnp.mean(h, axis=-1, keepdims=True)
    v = jnp.var(h, axis=-1, keepdims=True)
    return (h - m) / jnp.sqrt(v + eps) * g + b

def conv1d_same(h, w, b):
    pad = (w.shape[2] - 1) // 2
    y = jax.lax.conv_general_dilated(h, w, (1,), [(pad, pad)], dimension_numbers=('NHC', 'OIH', 'NHC'))
    return y + b

def variance_predictor(h, mask, c1w, c1b, l1g, l1b, c2w, c2b, l2g, l2b, lw, lb):
    h = jax.nn.relu(conv1d_same(h, c1w, c1b))
    h = layer_norm(h, l1g, l1b)
    h = jax.nn.relu(conv1d_same(h, c2w, c2b))
    h = layer_norm(h, l2g, l2b)
    out = (h @ lw + lb)[..., 0]
    return jnp.where(mask, 0.0, out)

def length_regulator(x, dur, max_len):
    cum = jnp.cumsum(dur, axis=1)
    positions = jnp.arange(MAX_LEN)
    def expand_one(xb, cb):
        idx = jnp.searchsorted(cb, positions, side='right')
        g = xb[jnp.clip(idx, 0, xb.shape[0] - 1)]
        return jnp.where((positions < jnp.minimum(cb[-1], max_len))[:, None], g, 0.0)
    out = jax.vmap(expand_one)(x, cum)
    return out, cum[:, -1]

def setup_inputs(seed: int = 0):
    key = jax.random.key(seed)
    ks = jax.random.split(key, 8)
    return {
        'spembs': jax.random.normal(ks[0], (B, D_MODEL), dtype=jnp.float32),
        'x': jax.random.normal(ks[1], (B, T_SRC, D_MODEL), dtype=jnp.float32),
        'src_mask': jnp.zeros((B, T_SRC), dtype=bool),
        'duration_target': jax.random.randint(ks[2], (B, T_SRC), 0, 8, dtype=jnp.int32),
        'max_len': MAX_LEN,
        'c1w': jax.random.normal(ks[3], (FILTER, D_MODEL, KERNEL), dtype=jnp.float32) * 0.05,
        'c1b': jnp.zeros((FILTER,), dtype=jnp.float32),
        'l1g': jnp.ones((FILTER,), dtype=jnp.float32),
        'l1b': jnp.zeros((FILTER,), dtype=jnp.float32),
        'c2w': jax.random.normal(ks[4], (FILTER, FILTER, KERNEL), dtype=jnp.float32) * 0.05,
        'c2b': jnp.zeros((FILTER,), dtype=jnp.float32),
        'l2g': jnp.ones((FILTER,), dtype=jnp.float32),
        'l2b': jnp.zeros((FILTER,), dtype=jnp.float32),
        'lw': jax.random.normal(ks[5], (FILTER, 1), dtype=jnp.float32) * 0.05,
        'lb': jnp.zeros((1,), dtype=jnp.float32),
    }

def reference(spembs, x, src_mask, duration_target, max_len, c1w, c1b, l1g, l1b, c2w, c2b, l2g, l2b, lw, lb):
    dur_in = x + spembs[:, None, :]
    log_duration_prediction = variance_predictor(dur_in, src_mask, c1w, c1b, l1g, l1b, c2w, c2b, l2g, l2b, lw, lb)
    xr, mel_len = length_regulator(x, duration_target, max_len)
    pos_enc = sinusoid_table(MAX_LEN + 1, x.shape[-1])
    var_output = xr + pos_enc[None, :MAX_LEN, :]
    return (var_output, log_duration_prediction, mel_len)

if __name__ == "__main__":
    import jax
    _d = setup_inputs()
    print(jax.jit(kernel)(*tuple(_d.values())))

</pallas_src>

<mosaic_0001>
#map = affine_map<(d0, d1) -> (0, 0)>
#map1 = affine_map<(d0, d1) -> (0)>
module attributes {stable_mosaic.version = 14 : i64} {
  func.func @_sc_body(%arg0: i32, %arg1: i32, %arg2: memref<8192x256xf32, #tpu.memory_space<hbm>>, %arg3: memref<32768xi32, #tpu.memory_space<hbm>>, %arg4: memref<2048x256xf32, #tpu.memory_space<hbm>>, %arg5: memref<32768x256xf32, #tpu.memory_space<hbm>>, %arg6: memref<1024xi32, #tpu.memory_space<vmem>>, %arg7: memref<128x256xf32, #tpu.memory_space<vmem>>, %arg8: memref<136x256xf32, #tpu.memory_space<vmem>>, %arg9: memref<16x64x256xf32, #tpu.memory_space<vmem_shared>>, %arg10: memref<!tpu.dma_semaphore, #tpu.memory_space<semaphore_mem>>, %arg11: memref<!tpu.dma_semaphore, #tpu.memory_space<semaphore_mem>>, %arg12: memref<!tpu.dma_semaphore, #tpu.memory_space<semaphore_mem>>) attributes {dimension_semantics = [#tpu.dimension_semantics<core_parallel>, #tpu.dimension_semantics<subcore_parallel>], iteration_bounds = array<i64: 2, 16>, scalar_prefetch = 0 : i64, scratch_operands = 7 : i64, tpu.core_type = #tpu.core_type<sc_vector_subcore>, window_params = [{transform_indices = #map}, {transform_indices = #map1}, {transform_indices = #map}, {transform_indices = #map}]} {
    %mul3A = arith.constant 2 : i32
    %mul3A_0 = arith.muli %arg1, %mul3A : i32
    %add3A = arith.addi %mul3A_0, %arg0 : i32
    %mul3A_1 = arith.constant 64 : i32
    %mul3A_2 = arith.muli %add3A, %mul3A_1 : i32
    "tpu.region"() ({
      %run_scoped3A = tpu.sem_alloc : memref<!tpu.dma_semaphore, #tpu.memory_space<semaphore_mem>>
      %dma_start3A_315 = arith.constant 0 : i32
      %dma_start3A_316 = arith.constant 0 : i32
      %dma_start3A_317 = tpu.memref_slice %arg9[%arg1, %dma_start3A_315, %dma_start3A_316] : memref<16x64x256xf32, #tpu.memory_space<vmem_shared>> -> memref<1x64x256xf32, #tpu.memory_space<vmem_shared>>
      %dma_start3A_318 = tpu.memref_squeeze %dma_start3A_317 : memref<1x64x256xf32, #tpu.memory_space<vmem_shared>> -> memref<64x256xf32, #tpu.memory_space<vmem_shared>>
      %dma_start3A_319 = arith.constant 0 : i32
      %dma_start3A_320 = tpu.memref_slice %arg4[%mul3A_2, %dma_start3A_319] : memref<2048x256xf32, #tpu.memory_space<hbm>> -> memref<64x256xf32, #tpu.memory_space<hbm>>
      tpu.enqueue_dma source(%dma_start3A_320 : memref<64x256xf32, #tpu.memory_space<hbm>>) target(%dma_start3A_318 : memref<64x256xf32, #tpu.memory_space<vmem_shared>>) target_semaphore(%run_scoped3A : memref<!tpu.dma_semaphore, #tpu.memory_space<semaphore_mem>>)
      %dma_wait3A_321 = arith.constant 0 : i32
      %dma_wait3A_322 = arith.constant 0 : i32
      %dma_wait3A_323 = tpu.memref_slice %arg9[%arg1, %dma_wait3A_321, %dma_wait3A_322] : memref<16x64x256xf32, #tpu.memory_space<vmem_shared>> -> memref<1x64x256xf32, #tpu.memory_space<vmem_shared>>
      %dma_wait3A_324 = tpu.memref_squeeze %dma_wait3A_323 : memref<1x64x256xf32, #tpu.memory_space<vmem_shared>> -> memref<64x256xf32, #tpu.memory_space<vmem_shared>>
      %dma_wait3A_325 = arith.constant 0 : i32
      %dma_wait3A_326 = tpu.memref_slice %arg4[%mul3A_2, %dma_wait3A_325] : memref<2048x256xf32, #tpu.memory_space<hbm>> -> memref<64x256xf32, #tpu.memory_space<hbm>>
      tpu.wait_dma2 semaphore(%run_scoped3A : memref<!tpu.dma_semaphore, #tpu.memory_space<semaphore_mem>>) src(%dma_wait3A_326 : memref<64x256xf32, #tpu.memory_space<hbm>>) dst(%dma_wait3A_324 : memref<64x256xf32, #tpu.memory_space<vmem_shared>>)
      tpu.yield
    }) : () -> ()
    %add3A_3 = arith.constant 0 : i32
    %add3A_4 = arith.addi %add3A_3, %mul3A_2 : i32
    %dma_start3A = arith.constant 0 : i32
    %dma_start3A_5 = tpu.memref_slice %arg6[%dma_start3A] : memref<1024xi32, #tpu.memory_space<vmem>> -> memref<64xi32, #tpu.memory_space<vmem>>
    %dma_start3A_6 = tpu.memref_slice %arg3[%add3A_4] : memref<32768xi32, #tpu.memory_space<hbm>> -> memref<64xi32, #tpu.memory_space<hbm>>
    %dma_start3A_7 = arith.constant 0 : i32
    %dma_start3A_8 = tpu.memref_slice %arg6[%dma_start3A_7] : memref<1024xi32, #tpu.memory_space<vmem>> -> memref<64xi32, #tpu.memory_space<vmem>>
    %dma_start3A_9 = tpu.memref_slice %arg3[%add3A_4] : memref<32768xi32, #tpu.memory_space<hbm>> -> memref<64xi32, #tpu.memory_space<hbm>>
    tpu.enqueue_dma source(%dma_start3A_9 : memref<64xi32, #tpu.memory_space<hbm>>) target(%dma_start3A_8 : memref<64xi32, #tpu.memory_space<vmem>>) target_semaphore(%arg11 : memref<!tpu.dma_semaphore, #tpu.memory_space<semaphore_mem>>)
    %add3A_10 = arith.constant 2048 : i32
    %add3A_11 = arith.addi %add3A_10, %mul3A_2 : i32
    %dma_start3A_12 = arith.constant 64 : i32
    %dma_start3A_13 = tpu.memref_slice %arg6[%dma_start3A_12] : memref<1024xi32, #tpu.memory_space<vmem>> -> memref<64xi32, #tpu.memory_space<vmem>>
    %dma_start3A_14 = tpu.memref_slice %arg3[%add3A_11] : memref<32768xi32, #tpu.memory_space<hbm>> -> memref<64xi32, #tpu.memory_space<hbm>>
    %dma_start3A_15 = arith.constant 64 : i32
    %dma_start3A_16 = tpu.memref_slice %arg6[%dma_start3A_15] : memref<1024xi32, #tpu.memory_space<vmem>> -> memref<64xi32, #tpu.memory_space<vmem>>
    %dma_start3A_17 = tpu.memref_slice %arg3[%add3A_11] : memref<32768xi32, #tpu.memory_space<hbm>> -> memref<64xi32, #tpu.memory_space<hbm>>
    tpu.enqueue_dma source(%dma_start3A_17 : memref<64xi32, #tpu.memory_space<hbm>>) target(%dma_start3A_16 : memref<64xi32, #tpu.memory_space<vmem>>) target_semaphore(%arg11 : memref<!tpu.dma_semaphore, #tpu.memory_space<semaphore_mem>>)
    %add3A_18 = arith.constant 4096 : i32
    %add3A_19 = arith.addi %add3A_18, %mul3A_2 : i32
    %dma_start3A_20 = arith.constant 128 : i32
    %dma_start3A_21 = tpu.memref_slice %arg6[%dma_start3A_20] : memref<1024xi32, #tpu.memory_space<vmem>> -> memref<64xi32, #tpu.memory_space<vmem>>
    %dma_start3A_22 = tpu.memref_slice %arg3[%add3A_19] : memref<32768xi32, #tpu.memory_space<hbm>> -> memref<64xi32, #tpu.memory_space<hbm>>
    %dma_start3A_23 = arith.constant 128 : i32
    %dma_start3A_24 = tpu.memref_slice %arg6[%dma_start3A_23] : memref<1024xi32, #tpu.memory_space<vmem>> -> memref<64xi32, #tpu.memory_space<vmem>>
    %dma_start3A_25 = tpu.memref_slice %arg3[%add3A_19] : memref<32768xi32, #tpu.memory_space<hbm>> -> memref<64xi32, #tpu.memory_space<hbm>>
    tpu.enqueue_dma source(%dma_start3A_25 : memref<64xi32, #tpu.memory_space<hbm>>) target(%dma_start3A_24 : memref<64xi32, #tpu.memory_space<vmem>>) target_semaphore(%arg11 : memref<!tpu.dma_semaphore, #tpu.memory_space<semaphore_mem>>)
    %add3A_26 = arith.constant 6144 : i32
    %add3A_27 = arith.addi %add3A_26, %mul3A_2 : i32
    %dma_start3A_28 = arith.constant 192 : i32
    %dma_start3A_29 = tpu.memref_slice %arg6[%dma_start3A_28] : memref<1024xi32, #tpu.memory_space<vmem>> -> memref<64xi32, #tpu.memory_space<vmem>>
    %dma_start3A_30 = tpu.memref_slice %arg3[%add3A_27] : memref<32768xi32, #tpu.memory_space<hbm>> -> memref<64xi32, #tpu.memory_space<hbm>>
    %dma_start3A_31 = arith.constant 192 : i32
    %dma_start3A_32 = tpu.memref_slice %arg6[%dma_start3A_31] : memref<1024xi32, #tpu.memory_space<vmem>> -> memref<64xi32, #tpu.memory_space<vmem>>
    %dma_start3A_33 = tpu.memref_slice %arg3[%add3A_27] : memref<32768xi32, #tpu.memory_space<hbm>> -> memref<64xi32, #tpu.memory_space<hbm>>
    tpu.enqueue_dma source(%dma_start3A_33 : memref<64xi32, #tpu.memory_space<hbm>>) target(%dma_start3A_32 : memref<64xi32, #tpu.memory_space<vmem>>) target_semaphore(%arg11 : memref<!tpu.dma_semaphore, #tpu.memory_space<semaphore_mem>>)
    %add3A_34 = arith.constant 8192 : i32
    %add3A_35 = arith.addi %add3A_34, %mul3A_2 : i32
    %dma_start3A_36 = arith.constant 256 : i32
    %dma_start3A_37 = tpu.memref_slice %arg6[%dma_start3A_36] : memref<1024xi32, #tpu.memory_space<vmem>> -> memref<64xi32, #tpu.memory_space<vmem>>
    %dma_start3A_38 = tpu.memref_slice %arg3[%add3A_35] : memref<32768xi32, #tpu.memory_space<hbm>> -> memref<64xi32, #tpu.memory_space<hbm>>
    %dma_start3A_39 = arith.constant 256 : i32
    %dma_start3A_40 = tpu.memref_slice %arg6[%dma_start3A_39] : memref<1024xi32, #tpu.memory_space<vmem>> -> memref<64xi32, #tpu.memory_space<vmem>>
    %dma_start3A_41 = tpu.memref_slice %arg3[%add3A_35] : memref<32768xi32, #tpu.memory_space<hbm>> -> memref<64xi32, #tpu.memory_space<hbm>>
    tpu.enqueue_dma source(%dma_start3A_41 : memref<64xi32, #tpu.memory_space<hbm>>) target(%dma_start3A_40 : memref<64xi32, #tpu.memory_space<vmem>>) target_semaphore(%arg11 : memref<!tpu.dma_semaphore, #tpu.memory_space<semaphore_mem>>)
    %add3A_42 = arith.constant 10240 : i32
    %add3A_43 = arith.addi %add3A_42, %mul3A_2 : i32
    %dma_start3A_44 = arith.constant 320 : i32
    %dma_start3A_45 = tpu.memref_slice %arg6[%dma_start3A_44] : memref<1024xi32, #tpu.memory_space<vmem>> -> memref<64xi32, #tpu.memory_space<vmem>>
    %dma_start3A_46 = tpu.memref_slice %arg3[%add3A_43] : memref<32768xi32, #tpu.memory_space<hbm>> -> memref<64xi32, #tpu.memory_space<hbm>>
    %dma_start3A_47 = arith.constant 320 : i32
    %dma_start3A_48 = tpu.memref_slice %arg6[%dma_start3A_47] : memref<1024xi32, #tpu.memory_space<vmem>> -> memref<64xi32, #tpu.memory_space<vmem>>
    %dma_start3A_49 = tpu.memref_slice %arg3[%add3A_43] : memref<32768xi32, #tpu.memory_space<hbm>> -> memref<64xi32, #tpu.memory_space<hbm>>
    tpu.enqueue_dma source(%dma_start3A_49 : memref<64xi32, #tpu.memory_space<hbm>>) target(%dma_start3A_48 : memref<64xi32, #tpu.memory_space<vmem>>) target_semaphore(%arg11 : memref<!tpu.dma_semaphore, #tpu.memory_space<semaphore_mem>>)
    %add3A_50 = arith.constant 12288 : i32
    %add3A_51 = arith.addi %add3A_50, %mul3A_2 : i32
    %dma_start3A_52 = arith.constant 384 : i32
    %dma_start3A_53 = tpu.memref_slice %arg6[%dma_start3A_52] : memref<1024xi32, #tpu.memory_space<vmem>> -> memref<64xi32, #tpu.memory_space<vmem>>
    %dma_start3A_54 = tpu.memref_slice %arg3[%add3A_51] : memref<32768xi32, #tpu.memory_space<hbm>> -> memref<64xi32, #tpu.memory_space<hbm>>
    %dma_start3A_55 = arith.constant 384 : i32
    %dma_start3A_56 = tpu.memref_slice %arg6[%dma_start3A_55] : memref<1024xi32, #tpu.memory_space<vmem>> -> memref<64xi32, #tpu.memory_space<vmem>>
    %dma_start3A_57 = tpu.memref_slice %arg3[%add3A_51] : memref<32768xi32, #tpu.memory_space<hbm>> -> memref<64xi32, #tpu.memory_space<hbm>>
    tpu.enqueue_dma source(%dma_start3A_57 : memref<64xi32, #tpu.memory_space<hbm>>) target(%dma_start3A_56 : memref<64xi32, #tpu.memory_space<vmem>>) target_semaphore(%arg11 : memref<!tpu.dma_semaphore, #tpu.memory_space<semaphore_mem>>)
    %add3A_58 = arith.constant 14336 : i32
    %add3A_59 = arith.addi %add3A_58, %mul3A_2 : i32
    %dma_start3A_60 = arith.constant 448 : i32
    %dma_start3A_61 = tpu.memref_slice %arg6[%dma_start3A_60] : memref<1024xi32, #tpu.memory_space<vmem>> -> memref<64xi32, #tpu.memory_space<vmem>>
    %dma_start3A_62 = tpu.memref_slice %arg3[%add3A_59] : memref<32768xi32, #tpu.memory_space<hbm>> -> memref<64xi32, #tpu.memory_space<hbm>>
    %dma_start3A_63 = arith.constant 448 : i32
    %dma_start3A_64 = tpu.memref_slice %arg6[%dma_start3A_63] : memref<1024xi32, #tpu.memory_space<vmem>> -> memref<64xi32, #tpu.memory_space<vmem>>
    %dma_start3A_65 = tpu.memref_slice %arg3[%add3A_59] : memref<32768xi32, #tpu.memory_space<hbm>> -> memref<64xi32, #tpu.memory_space<hbm>>
    tpu.enqueue_dma source(%dma_start3A_65 : memref<64xi32, #tpu.memory_space<hbm>>) target(%dma_start3A_64 : memref<64xi32, #tpu.memory_space<vmem>>) target_semaphore(%arg11 : memref<!tpu.dma_semaphore, #tpu.memory_space<semaphore_mem>>)
    %add3A_66 = arith.constant 16384 : i32
    %add3A_67 = arith.addi %add3A_66, %mul3A_2 : i32
    %dma_start3A_68 = arith.constant 512 : i32
    %dma_start3A_69 = tpu.memref_slice %arg6[%dma_start3A_68] : memref<1024xi32, #tpu.memory_space<vmem>> -> memref<64xi32, #tpu.memory_space<vmem>>
    %dma_start3A_70 = tpu.memref_slice %arg3[%add3A_67] : memref<32768xi32, #tpu.memory_space<hbm>> -> memref<64xi32, #tpu.memory_space<hbm>>
    %dma_start3A_71 = arith.constant 512 : i32
    %dma_start3A_72 = tpu.memref_slice %arg6[%dma_start3A_71] : memref<1024xi32, #tpu.memory_space<vmem>> -> memref<64xi32, #tpu.memory_space<vmem>>
    %dma_start3A_73 = tpu.memref_slice %arg3[%add3A_67] : memref<32768xi32, #tpu.memory_space<hbm>> -> memref<64xi32, #tpu.memory_space<hbm>>
    tpu.enqueue_dma source(%dma_start3A_73 : memref<64xi32, #tpu.memory_space<hbm>>) target(%dma_start3A_72 : memref<64xi32, #tpu.memory_space<vmem>>) target_semaphore(%arg11 : memref<!tpu.dma_semaphore, #tpu.memory_space<semaphore_mem>>)
    %add3A_74 = arith.constant 18432 : i32
    %add3A_75 = arith.addi %add3A_74, %mul3A_2 : i32
    %dma_start3A_76 = arith.constant 576 : i32
    %dma_start3A_77 = tpu.memref_slice %arg6[%dma_start3A_76] : memref<1024xi32, #tpu.memory_space<vmem>> -> memref<64xi32, #tpu.memory_space<vmem>>
    %dma_start3A_78 = tpu.memref_slice %arg3[%add3A_75] : memref<32768xi32, #tpu.memory_space<hbm>> -> memref<64xi32, #tpu.memory_space<hbm>>
    %dma_start3A_79 = arith.constant 576 : i32
    %dma_start3A_80 = tpu.memref_slice %arg6[%dma_start3A_79] : memref<1024xi32, #tpu.memory_space<vmem>> -> memref<64xi32, #tpu.memory_space<vmem>>
    %dma_start3A_81 = tpu.memref_slice %arg3[%add3A_75] : memref<32768xi32, #tpu.memory_space<hbm>> -> memref<64xi32, #tpu.memory_space<hbm>>
    tpu.enqueue_dma source(%dma_start3A_81 : memref<64xi32, #tpu.memory_space<hbm>>) target(%dma_start3A_80 : memref<64xi32, #tpu.memory_space<vmem>>) target_semaphore(%arg11 : memref<!tpu.dma_semaphore, #tpu.memory_space<semaphore_mem>>)
    %add3A_82 = arith.constant 20480 : i32
    %add3A_83 = arith.addi %add3A_82, %mul3A_2 : i32
    %dma_start3A_84 = arith.constant 640 : i32
    %dma_start3A_85 = tpu.memref_slice %arg6[%dma_start3A_84] : memref<1024xi32, #tpu.memory_space<vmem>> -> memref<64xi32, #tpu.memory_space<vmem>>
    %dma_start3A_86 = tpu.memref_slice %arg3[%add3A_83] : memref<32768xi32, #tpu.memory_space<hbm>> -> memref<64xi32, #tpu.memory_space<hbm>>
    %dma_start3A_87 = arith.constant 640 : i32
    %dma_start3A_88 = tpu.memref_slice %arg6[%dma_start3A_87] : memref<1024xi32, #tpu.memory_space<vmem>> -> memref<64xi32, #tpu.memory_space<vmem>>
    %dma_start3A_89 = tpu.memref_slice %arg3[%add3A_83] : memref<32768xi32, #tpu.memory_space<hbm>> -> memref<64xi32, #tpu.memory_space<hbm>>
    tpu.enqueue_dma source(%dma_start3A_89 : memref<64xi32, #tpu.memory_space<hbm>>) target(%dma_start3A_88 : memref<64xi32, #tpu.memory_space<vmem>>) target_semaphore(%arg11 : memref<!tpu.dma_semaphore, #tpu.memory_space<semaphore_mem>>)
    %add3A_90 = arith.constant 22528 : i32
    %add3A_91 = arith.addi %add3A_90, %mul3A_2 : i32
    %dma_start3A_92 = arith.constant 704 : i32
    %dma_start3A_93 = tpu.memref_slice %arg6[%dma_start3A_92] : memref<1024xi32, #tpu.memory_space<vmem>> -> memref<64xi32, #tpu.memory_space<vmem>>
    %dma_start3A_94 = tpu.memref_slice %arg3[%add3A_91] : memref<32768xi32, #tpu.memory_space<hbm>> -> memref<64xi32, #tpu.memory_space<hbm>>
    %dma_start3A_95 = arith.constant 704 : i32
    %dma_start3A_96 = tpu.memref_slice %arg6[%dma_start3A_95] : memref<1024xi32, #tpu.memory_space<vmem>> -> memref<64xi32, #tpu.memory_space<vmem>>
    %dma_start3A_97 = tpu.memref_slice %arg3[%add3A_91] : memref<32768xi32, #tpu.memory_space<hbm>> -> memref<64xi32, #tpu.memory_space<hbm>>
    tpu.enqueue_dma source(%dma_start3A_97 : memref<64xi32, #tpu.memory_space<hbm>>) target(%dma_start3A_96 : memref<64xi32, #tpu.memory_space<vmem>>) target_semaphore(%arg11 : memref<!tpu.dma_semaphore, #tpu.memory_space<semaphore_mem>>)
    %add3A_98 = arith.constant 24576 : i32
    %add3A_99 = arith.addi %add3A_98, %mul3A_2 : i32
    %dma_start3A_100 = arith.constant 768 : i32
    %dma_start3A_101 = tpu.memref_slice %arg6[%dma_start3A_100] : memref<1024xi32, #tpu.memory_space<vmem>> -> memref<64xi32, #tpu.memory_space<vmem>>
    %dma_start3A_102 = tpu.memref_slice %arg3[%add3A_99] : memref<32768xi32, #tpu.memory_space<hbm>> -> memref<64xi32, #tpu.memory_space<hbm>>
    %dma_start3A_103 = arith.constant 768 : i32
    %dma_start3A_104 = tpu.memref_slice %arg6[%dma_start3A_103] : memref<1024xi32, #tpu.memory_space<vmem>> -> memref<64xi32, #tpu.memory_space<vmem>>
    %dma_start3A_105 = tpu.memref_slice %arg3[%add3A_99] : memref<32768xi32, #tpu.memory_space<hbm>> -> memref<64xi32, #tpu.memory_space<hbm>>
    tpu.enqueue_dma source(%dma_start3A_105 : memref<64xi32, #tpu.memory_space<hbm>>) target(%dma_start3A_104 : memref<64xi32, #tpu.memory_space<vmem>>) target_semaphore(%arg11 : memref<!tpu.dma_semaphore, #tpu.memory_space<semaphore_mem>>)
    %add3A_106 = arith.constant 26624 : i32
    %add3A_107 = arith.addi %add3A_106, %mul3A_2 : i32
    %dma_start3A_108 = arith.constant 832 : i32
    %dma_start3A_109 = tpu.memref_slice %arg6[%dma_start3A_108] : memref<1024xi32, #tpu.memory_space<vmem>> -> memref<64xi32, #tpu.memory_space<vmem>>
    %dma_start3A_110 = tpu.memref_slice %arg3[%add3A_107] : memref<32768xi32, #tpu.memory_space<hbm>> -> memref<64xi32, #tpu.memory_space<hbm>>
    %dma_start3A_111 = arith.constant 832 : i32
    %dma_start3A_112 = tpu.memref_slice %arg6[%dma_start3A_111] : memref<1024xi32, #tpu.memory_space<vmem>> -> memref<64xi32, #tpu.memory_space<vmem>>
    %dma_start3A_113 = tpu.memref_slice %arg3[%add3A_107] : memref<32768xi32, #tpu.memory_space<hbm>> -> memref<64xi32, #tpu.memory_space<hbm>>
    tpu.enqueue_dma source(%dma_start3A_113 : memref<64xi32, #tpu.memory_space<hbm>>) target(%dma_start3A_112 : memref<64xi32, #tpu.memory_space<vmem>>) target_semaphore(%arg11 : memref<!tpu.dma_semaphore, #tpu.memory_space<semaphore_mem>>)
    %add3A_114 = arith.constant 28672 : i32
    %add3A_115 = arith.addi %add3A_114, %mul3A_2 : i32
    %dma_start3A_116 = arith.constant 896 : i32
    %dma_start3A_117 = tpu.memref_slice %arg6[%dma_start3A_116] : memref<1024xi32, #tpu.memory_space<vmem>> -> memref<64xi32, #tpu.memory_space<vmem>>
    %dma_start3A_118 = tpu.memref_slice %arg3[%add3A_115] : memref<32768xi32, #tpu.memory_space<hbm>> -> memref<64xi32, #tpu.memory_space<hbm>>
    %dma_start3A_119 = arith.constant 896 : i32
    %dma_start3A_120 = tpu.memref_slice %arg6[%dma_start3A_119] : memref<1024xi32, #tpu.memory_space<vmem>> -> memref<64xi32, #tpu.memory_space<vmem>>
    %dma_start3A_121 = tpu.memref_slice %arg3[%add3A_115] : memref<32768xi32, #tpu.memory_space<hbm>> -> memref<64xi32, #tpu.memory_space<hbm>>
    tpu.enqueue_dma source(%dma_start3A_121 : memref<64xi32, #tpu.memory_space<hbm>>) target(%dma_start3A_120 : memref<64xi32, #tpu.memory_space<vmem>>) target_semaphore(%arg11 : memref<!tpu.dma_semaphore, #tpu.memory_space<semaphore_mem>>)
    %add3A_122 = arith.constant 30720 : i32
    %add3A_123 = arith.addi %add3A_122, %mul3A_2 : i32
    %dma_start3A_124 = arith.constant 960 : i32
    %dma_start3A_125 = tpu.memref_slice %arg6[%dma_start3A_124] : memref<1024xi32, #tpu.memory_space<vmem>> -> memref<64xi32, #tpu.memory_space<vmem>>
    %dma_start3A_126 = tpu.memref_slice %arg3[%add3A_123] : memref<32768xi32, #tpu.memory_space<hbm>> -> memref<64xi32, #tpu.memory_space<hbm>>
    %dma_start3A_127 = arith.constant 960 : i32
    %dma_start3A_128 = tpu.memref_slice %arg6[%dma_start3A_127] : memref<1024xi32, #tpu.memory_space<vmem>> -> memref<64xi32, #tpu.memory_space<vmem>>
    %dma_start3A_129 = tpu.memref_slice %arg3[%add3A_123] : memref<32768xi32, #tpu.memory_space<hbm>> -> memref<64xi32, #tpu.memory_space<hbm>>
    tpu.enqueue_dma source(%dma_start3A_129 : memref<64xi32, #tpu.memory_space<hbm>>) target(%dma_start3A_128 : memref<64xi32, #tpu.memory_space<vmem>>) target_semaphore(%arg11 : memref<!tpu.dma_semaphore, #tpu.memory_space<semaphore_mem>>)
    %dma_wait3A = arith.constant 0 : i32
    %dma_wait3A_130 = tpu.memref_slice %arg6[%dma_wait3A] : memref<1024xi32, #tpu.memory_space<vmem>> -> memref<64xi32, #tpu.memory_space<vmem>>
    %dma_wait3A_131 = tpu.memref_slice %arg3[%add3A_4] : memref<32768xi32, #tpu.memory_space<hbm>> -> memref<64xi32, #tpu.memory_space<hbm>>
    %dma_wait3A_132 = arith.constant 0 : i32
    %dma_wait3A_133 = tpu.memref_slice %arg6[%dma_wait3A_132] : memref<1024xi32, #tpu.memory_space<vmem>> -> memref<64xi32, #tpu.memory_space<vmem>>
    %dma_wait3A_134 = tpu.memref_slice %arg3[%add3A_4] : memref<32768xi32, #tpu.memory_space<hbm>> -> memref<64xi32, #tpu.memory_space<hbm>>
    tpu.wait_dma2 semaphore(%arg11 : memref<!tpu.dma_semaphore, #tpu.memory_space<semaphore_mem>>) src(%dma_wait3A_134 : memref<64xi32, #tpu.memory_space<hbm>>) dst(%dma_wait3A_133 : memref<64xi32, #tpu.memory_space<vmem>>)
    %dma_wait3A_135 = arith.constant 64 : i32
    %dma_wait3A_136 = tpu.memref_slice %arg6[%dma_wait3A_135] : memref<1024xi32, #tpu.memory_space<vmem>> -> memref<64xi32, #tpu.memory_space<vmem>>
    %dma_wait3A_137 = tpu.memref_slice %arg3[%add3A_11] : memref<32768xi32, #tpu.memory_space<hbm>> -> memref<64xi32, #tpu.memory_space<hbm>>
    %dma_wait3A_138 = arith.constant 64 : i32
    %dma_wait3A_139 = tpu.memref_slice %arg6[%dma_wait3A_138] : memref<1024xi32, #tpu.memory_space<vmem>> -> memref<64xi32, #tpu.memory_space<vmem>>
    %dma_wait3A_140 = tpu.memref_slice %arg3[%add3A_11] : memref<32768xi32, #tpu.memory_space<hbm>> -> memref<64xi32, #tpu.memory_space<hbm>>
    tpu.wait_dma2 semaphore(%arg11 : memref<!tpu.dma_semaphore, #tpu.memory_space<semaphore_mem>>) src(%dma_wait3A_140 : memref<64xi32, #tpu.memory_space<hbm>>) dst(%dma_wait3A_139 : memref<64xi32, #tpu.memory_space<vmem>>)
    %dma_wait3A_141 = arith.constant 128 : i32
    %dma_wait3A_142 = tpu.memref_slice %arg6[%dma_wait3A_141] : memref<1024xi32, #tpu.memory_space<vmem>> -> memref<64xi32, #tpu.memory_space<vmem>>
    %dma_wait3A_143 = tpu.memref_slice %arg3[%add3A_19] : memref<32768xi32, #tpu.memory_space<hbm>> -> memref<64xi32, #tpu.memory_space<hbm>>
    %dma_wait3A_144 = arith.constant 128 : i32
    %dma_wait3A_145 = tpu.memref_slice %arg6[%dma_wait3A_144] : memref<1024xi32, #tpu.memory_space<vmem>> -> memref<64xi32, #tpu.memory_space<vmem>>
    %dma_wait3A_146 = tpu.memref_slice %arg3[%add3A_19] : memref<32768xi32, #tpu.memory_space<hbm>> -> memref<64xi32, #tpu.memory_space<hbm>>
    tpu.wait_dma2 semaphore(%arg11 : memref<!tpu.dma_semaphore, #tpu.memory_space<semaphore_mem>>) src(%dma_wait3A_146 : memref<64xi32, #tpu.memory_space<hbm>>) dst(%dma_wait3A_145 : memref<64xi32, #tpu.memory_space<vmem>>)
    %dma_wait3A_147 = arith.constant 192 : i32
    %dma_wait3A_148 = tpu.memref_slice %arg6[%dma_wait3A_147] : memref<1024xi32, #tpu.memory_space<vmem>> -> memref<64xi32, #tpu.memory_space<vmem>>
    %dma_wait3A_149 = tpu.memref_slice %arg3[%add3A_27] : memref<32768xi32, #tpu.memory_space<hbm>> -> memref<64xi32, #tpu.memory_space<hbm>>
    %dma_wait3A_150 = arith.constant 192 : i32
    %dma_wait3A_151 = tpu.memref_slice %arg6[%dma_wait3A_150] : memref<1024xi32, #tpu.memory_space<vmem>> -> memref<64xi32, #tpu.memory_space<vmem>>
    %dma_wait3A_152 = tpu.memref_slice %arg3[%add3A_27] : memref<32768xi32, #tpu.memory_space<hbm>> -> memref<64xi32, #tpu.memory_space<hbm>>
    tpu.wait_dma2 semaphore(%arg11 : memref<!tpu.dma_semaphore, #tpu.memory_space<semaphore_mem>>) src(%dma_wait3A_152 : memref<64xi32, #tpu.memory_space<hbm>>) dst(%dma_wait3A_151 : memref<64xi32, #tpu.memory_space<vmem>>)
    %dma_wait3A_153 = arith.constant 256 : i32
    %dma_wait3A_154 = tpu.memref_slice %arg6[%dma_wait3A_153] : memref<1024xi32, #tpu.memory_space<vmem>> -> memref<64xi32, #tpu.memory_space<vmem>>
    %dma_wait3A_155 = tpu.memref_slice %arg3[%add3A_35] : memref<32768xi32, #tpu.memory_space<hbm>> -> memref<64xi32, #tpu.memory_space<hbm>>
    %dma_wait3A_156 = arith.constant 256 : i32
    %dma_wait3A_157 = tpu.memref_slice %arg6[%dma_wait3A_156] : memref<1024xi32, #tpu.memory_space<vmem>> -> memref<64xi32, #tpu.memory_space<vmem>>
    %dma_wait3A_158 = tpu.memref_slice %arg3[%add3A_35] : memref<32768xi32, #tpu.memory_space<hbm>> -> memref<64xi32, #tpu.memory_space<hbm>>
    tpu.wait_dma2 semaphore(%arg11 : memref<!tpu.dma_semaphore, #tpu.memory_space<semaphore_mem>>) src(%dma_wait3A_158 : memref<64xi32, #tpu.memory_space<hbm>>) dst(%dma_wait3A_157 : memref<64xi32, #tpu.memory_space<vmem>>)
    %dma_wait3A_159 = arith.constant 320 : i32
    %dma_wait3A_160 = tpu.memref_slice %arg6[%dma_wait3A_159] : memref<1024xi32, #tpu.memory_space<vmem>> -> memref<64xi32, #tpu.memory_space<vmem>>
    %dma_wait3A_161 = tpu.memref_slice %arg3[%add3A_43] : memref<32768xi32, #tpu.memory_space<hbm>> -> memref<64xi32, #tpu.memory_space<hbm>>
    %dma_wait3A_162 = arith.constant 320 : i32
    %dma_wait3A_163 = tpu.memref_slice %arg6[%dma_wait3A_162] : memref<1024xi32, #tpu.memory_space<vmem>> -> memref<64xi32, #tpu.memory_space<vmem>>
    %dma_wait3A_164 = tpu.memref_slice %arg3[%add3A_43] : memref<32768xi32, #tpu.memory_space<hbm>> -> memref<64xi32, #tpu.memory_space<hbm>>
    tpu.wait_dma2 semaphore(%arg11 : memref<!tpu.dma_semaphore, #tpu.memory_space<semaphore_mem>>) src(%dma_wait3A_164 : memref<64xi32, #tpu.memory_space<hbm>>) dst(%dma_wait3A_163 : memref<64xi32, #tpu.memory_space<vmem>>)
    %dma_wait3A_165 = arith.constant 384 : i32
    %dma_wait3A_166 = tpu.memref_slice %arg6[%dma_wait3A_165] : memref<1024xi32, #tpu.memory_space<vmem>> -> memref<64xi32, #tpu.memory_space<vmem>>
    %dma_wait3A_167 = tpu.memref_slice %arg3[%add3A_51] : memref<32768xi32, #tpu.memory_space<hbm>> -> memref<64xi32, #tpu.memory_space<hbm>>
    %dma_wait3A_168 = arith.constant 384 : i32
    %dma_wait3A_169 = tpu.memref_slice %arg6[%dma_wait3A_168] : memref<1024xi32, #tpu.memory_space<vmem>> -> memref<64xi32, #tpu.memory_space<vmem>>
    %dma_wait3A_170 = tpu.memref_slice %arg3[%add3A_51] : memref<32768xi32, #tpu.memory_space<hbm>> -> memref<64xi32, #tpu.memory_space<hbm>>
    tpu.wait_dma2 semaphore(%arg11 : memref<!tpu.dma_semaphore, #tpu.memory_space<semaphore_mem>>) src(%dma_wait3A_170 : memref<64xi32, #tpu.memory_space<hbm>>) dst(%dma_wait3A_169 : memref<64xi32, #tpu.memory_space<vmem>>)
    %dma_wait3A_171 = arith.constant 448 : i32
    %dma_wait3A_172 = tpu.memref_slice %arg6[%dma_wait3A_171] : memref<1024xi32, #tpu.memory_space<vmem>> -> memref<64xi32, #tpu.memory_space<vmem>>
    %dma_wait3A_173 = tpu.memref_slice %arg3[%add3A_59] : memref<32768xi32, #tpu.memory_space<hbm>> -> memref<64xi32, #tpu.memory_space<hbm>>
    %dma_wait3A_174 = arith.constant 448 : i32
    %dma_wait3A_175 = tpu.memref_slice %arg6[%dma_wait3A_174] : memref<1024xi32, #tpu.memory_space<vmem>> -> memref<64xi32, #tpu.memory_space<vmem>>
    %dma_wait3A_176 = tpu.memref_slice %arg3[%add3A_59] : memref<32768xi32, #tpu.memory_space<hbm>> -> memref<64xi32, #tpu.memory_space<hbm>>
    tpu.wait_dma2 semaphore(%arg11 : memref<!tpu.dma_semaphore, #tpu.memory_space<semaphore_mem>>) src(%dma_wait3A_176 : memref<64xi32, #tpu.memory_space<hbm>>) dst(%dma_wait3A_175 : memref<64xi32, #tpu.memory_space<vmem>>)
    %dma_wait3A_177 = arith.constant 512 : i32
    %dma_wait3A_178 = tpu.memref_slice %arg6[%dma_wait3A_177] : memref<1024xi32, #tpu.memory_space<vmem>> -> memref<64xi32, #tpu.memory_space<vmem>>
    %dma_wait3A_179 = tpu.memref_slice %arg3[%add3A_67] : memref<32768xi32, #tpu.memory_space<hbm>> -> memref<64xi32, #tpu.memory_space<hbm>>
    %dma_wait3A_180 = arith.constant 512 : i32
    %dma_wait3A_181 = tpu.memref_slice %arg6[%dma_wait3A_180] : memref<1024xi32, #tpu.memory_space<vmem>> -> memref<64xi32, #tpu.memory_space<vmem>>
    %dma_wait3A_182 = tpu.memref_slice %arg3[%add3A_67] : memref<32768xi32, #tpu.memory_space<hbm>> -> memref<64xi32, #tpu.memory_space<hbm>>
    tpu.wait_dma2 semaphore(%arg11 : memref<!tpu.dma_semaphore, #tpu.memory_space<semaphore_mem>>) src(%dma_wait3A_182 : memref<64xi32, #tpu.memory_space<hbm>>) dst(%dma_wait3A_181 : memref<64xi32, #tpu.memory_space<vmem>>)
    %dma_wait3A_183 = arith.constant 576 : i32
    %dma_wait3A_184 = tpu.memref_slice %arg6[%dma_wait3A_183] : memref<1024xi32, #tpu.memory_space<vmem>> -> memref<64xi32, #tpu.memory_space<vmem>>
    %dma_wait3A_185 = tpu.memref_slice %arg3[%add3A_75] : memref<32768xi32, #tpu.memory_space<hbm>> -> memref<64xi32, #tpu.memory_space<hbm>>
    %dma_wait3A_186 = arith.constant 576 : i32
    %dma_wait3A_187 = tpu.memref_slice %arg6[%dma_wait3A_186] : memref<1024xi32, #tpu.memory_space<vmem>> -> memref<64xi32, #tpu.memory_space<vmem>>
    %dma_wait3A_188 = tpu.memref_slice %arg3[%add3A_75] : memref<32768xi32, #tpu.memory_space<hbm>> -> memref<64xi32, #tpu.memory_space<hbm>>
    tpu.wait_dma2 semaphore(%arg11 : memref<!tpu.dma_semaphore, #tpu.memory_space<semaphore_mem>>) src(%dma_wait3A_188 : memref<64xi32, #tpu.memory_space<hbm>>) dst(%dma_wait3A_187 : memref<64xi32, #tpu.memory_space<vmem>>)
    %dma_wait3A_189 = arith.constant 640 : i32
    %dma_wait3A_190 = tpu.memref_slice %arg6[%dma_wait3A_189] : memref<1024xi32, #tpu.memory_space<vmem>> -> memref<64xi32, #tpu.memory_space<vmem>>
    %dma_wait3A_191 = tpu.memref_slice %arg3[%add3A_83] : memref<32768xi32, #tpu.memory_space<hbm>> -> memref<64xi32, #tpu.memory_space<hbm>>
    %dma_wait3A_192 = arith.constant 640 : i32
    %dma_wait3A_193 = tpu.memref_slice %arg6[%dma_wait3A_192] : memref<1024xi32, #tpu.memory_space<vmem>> -> memref<64xi32, #tpu.memory_space<vmem>>
    %dma_wait3A_194 = tpu.memref_slice %arg3[%add3A_83] : memref<32768xi32, #tpu.memory_space<hbm>> -> memref<64xi32, #tpu.memory_space<hbm>>
    tpu.wait_dma2 semaphore(%arg11 : memref<!tpu.dma_semaphore, #tpu.memory_space<semaphore_mem>>) src(%dma_wait3A_194 : memref<64xi32, #tpu.memory_space<hbm>>) dst(%dma_wait3A_193 : memref<64xi32, #tpu.memory_space<vmem>>)
    %dma_wait3A_195 = arith.constant 704 : i32
    %dma_wait3A_196 = tpu.memref_slice %arg6[%dma_wait3A_195] : memref<1024xi32, #tpu.memory_space<vmem>> -> memref<64xi32, #tpu.memory_space<vmem>>
    %dma_wait3A_197 = tpu.memref_slice %arg3[%add3A_91] : memref<32768xi32, #tpu.memory_space<hbm>> -> memref<64xi32, #tpu.memory_space<hbm>>
    %dma_wait3A_198 = arith.constant 704 : i32
    %dma_wait3A_199 = tpu.memref_slice %arg6[%dma_wait3A_198] : memref<1024xi32, #tpu.memory_space<vmem>> -> memref<64xi32, #tpu.memory_space<vmem>>
    %dma_wait3A_200 = tpu.memref_slice %arg3[%add3A_91] : memref<32768xi32, #tpu.memory_space<hbm>> -> memref<64xi32, #tpu.memory_space<hbm>>
    tpu.wait_dma2 semaphore(%arg11 : memref<!tpu.dma_semaphore, #tpu.memory_space<semaphore_mem>>) src(%dma_wait3A_200 : memref<64xi32, #tpu.memory_space<hbm>>) dst(%dma_wait3A_199 : memref<64xi32, #tpu.memory_space<vmem>>)
    %dma_wait3A_201 = arith.constant 768 : i32
    %dma_wait3A_202 = tpu.memref_slice %arg6[%dma_wait3A_201] : memref<1024xi32, #tpu.memory_space<vmem>> -> memref<64xi32, #tpu.memory_space<vmem>>
    %dma_wait3A_203 = tpu.memref_slice %arg3[%add3A_99] : memref<32768xi32, #tpu.memory_space<hbm>> -> memref<64xi32, #tpu.memory_space<hbm>>
    %dma_wait3A_204 = arith.constant 768 : i32
    %dma_wait3A_205 = tpu.memref_slice %arg6[%dma_wait3A_204] : memref<1024xi32, #tpu.memory_space<vmem>> -> memref<64xi32, #tpu.memory_space<vmem>>
    %dma_wait3A_206 = tpu.memref_slice %arg3[%add3A_99] : memref<32768xi32, #tpu.memory_space<hbm>> -> memref<64xi32, #tpu.memory_space<hbm>>
    tpu.wait_dma2 semaphore(%arg11 : memref<!tpu.dma_semaphore, #tpu.memory_space<semaphore_mem>>) src(%dma_wait3A_206 : memref<64xi32, #tpu.memory_space<hbm>>) dst(%dma_wait3A_205 : memref<64xi32, #tpu.memory_space<vmem>>)
    %dma_wait3A_207 = arith.constant 832 : i32
    %dma_wait3A_208 = tpu.memref_slice %arg6[%dma_wait3A_207] : memref<1024xi32, #tpu.memory_space<vmem>> -> memref<64xi32, #tpu.memory_space<vmem>>
    %dma_wait3A_209 = tpu.memref_slice %arg3[%add3A_107] : memref<32768xi32, #tpu.memory_space<hbm>> -> memref<64xi32, #tpu.memory_space<hbm>>
    %dma_wait3A_210 = arith.constant 832 : i32
    %dma_wait3A_211 = tpu.memref_slice %arg6[%dma_wait3A_210] : memref<1024xi32, #tpu.memory_space<vmem>> -> memref<64xi32, #tpu.memory_space<vmem>>
    %dma_wait3A_212 = tpu.memref_slice %arg3[%add3A_107] : memref<32768xi32, #tpu.memory_space<hbm>> -> memref<64xi32, #tpu.memory_space<hbm>>
    tpu.wait_dma2 semaphore(%arg11 : memref<!tpu.dma_semaphore, #tpu.memory_space<semaphore_mem>>) src(%dma_wait3A_212 : memref<64xi32, #tpu.memory_space<hbm>>) dst(%dma_wait3A_211 : memref<64xi32, #tpu.memory_space<vmem>>)
    %dma_wait3A_213 = arith.constant 896 : i32
    %dma_wait3A_214 = tpu.memref_slice %arg6[%dma_wait3A_213] : memref<1024xi32, #tpu.memory_space<vmem>> -> memref<64xi32, #tpu.memory_space<vmem>>
    %dma_wait3A_215 = tpu.memref_slice %arg3[%add3A_115] : memref<32768xi32, #tpu.memory_space<hbm>> -> memref<64xi32, #tpu.memory_space<hbm>>
    %dma_wait3A_216 = arith.constant 896 : i32
    %dma_wait3A_217 = tpu.memref_slice %arg6[%dma_wait3A_216] : memref<1024xi32, #tpu.memory_space<vmem>> -> memref<64xi32, #tpu.memory_space<vmem>>
    %dma_wait3A_218 = tpu.memref_slice %arg3[%add3A_115] : memref<32768xi32, #tpu.memory_space<hbm>> -> memref<64xi32, #tpu.memory_space<hbm>>
    tpu.wait_dma2 semaphore(%arg11 : memref<!tpu.dma_semaphore, #tpu.memory_space<semaphore_mem>>) src(%dma_wait3A_218 : memref<64xi32, #tpu.memory_space<hbm>>) dst(%dma_wait3A_217 : memref<64xi32, #tpu.memory_space<vmem>>)
    %dma_wait3A_219 = arith.constant 960 : i32
    %dma_wait3A_220 = tpu.memref_slice %arg6[%dma_wait3A_219] : memref<1024xi32, #tpu.memory_space<vmem>> -> memref<64xi32, #tpu.memory_space<vmem>>
    %dma_wait3A_221 = tpu.memref_slice %arg3[%add3A_123] : memref<32768xi32, #tpu.memory_space<hbm>> -> memref<64xi32, #tpu.memory_space<hbm>>
    %dma_wait3A_222 = arith.constant 960 : i32
    %dma_wait3A_223 = tpu.memref_slice %arg6[%dma_wait3A_222] : memref<1024xi32, #tpu.memory_space<vmem>> -> memref<64xi32, #tpu.memory_space<vmem>>
    %dma_wait3A_224 = tpu.memref_slice %arg3[%add3A_123] : memref<32768xi32, #tpu.memory_space<hbm>> -> memref<64xi32, #tpu.memory_space<hbm>>
    tpu.wait_dma2 semaphore(%arg11 : memref<!tpu.dma_semaphore, #tpu.memory_space<semaphore_mem>>) src(%dma_wait3A_224 : memref<64xi32, #tpu.memory_space<hbm>>) dst(%dma_wait3A_223 : memref<64xi32, #tpu.memory_space<vmem>>)
    %get3A = arith.constant 0 : index
    %get3A_225 = tpu.vector_load %arg6[%get3A] {strides = array<i32>} : memref<1024xi32, #tpu.memory_space<vmem>>, vector<16xi32>,
    %get3A_226 = vector.shape_cast %get3A_225 : vector<16xi32> to vector<16xi32>
    %get3A_227 = arith.constant 16 : index
    %get3A_228 = tpu.vector_load %arg6[%get3A_227] {strides = array<i32>} : memref<1024xi32, #tpu.memory_space<vmem>>, vector<16xi32>,
    %get3A_229 = vector.shape_cast %get3A_228 : vector<16xi32> to vector<16xi32>
    %min3A = arith.minsi %get3A_226, %get3A_229 : vector<16xi32>
    %get3A_230 = arith.constant 32 : index
    %get3A_231 = tpu.vector_load %arg6[%get3A_230] {strides = array<i32>} : memref<1024xi32, #tpu.memory_space<vmem>>, vector<16xi32>,
    %get3A_232 = vector.shape_cast %get3A_231 : vector<16xi32> to vector<16xi32>
    %min3A_233 = arith.minsi %min3A, %get3A_232 : vector<16xi32>
    %get3A_234 = arith.constant 48 : index
    %get3A_235 = tpu.vector_load %arg6[%get3A_234] {strides = array<i32>} : memref<1024xi32, #tpu.memory_space<vmem>>, vector<16xi32>,
    %get3A_236 = vector.shape_cast %get3A_235 : vector<16xi32> to vector<16xi32>
    %min3A_237 = arith.minsi %min3A_233, %get3A_236 : vector<16xi32>
    %rev3A = arith.constant 15 : i32
    %rev3A_238 = vector.broadcast %rev3A : i32 to vector<16xi32>
    %rev3A_239 = tpu.iota {dimensions = array<i32: 0>} : vector<16xi32>
    %rev3A_240 = arith.subi %rev3A_238, %rev3A_239 : vector<16xi32>
    %rev3A_241 = tpu.dynamic_gather %min3A_237[%rev3A_240] in [0] : vector<16xi32>, vector<16xi32> -> vector<16xi32>
    %min3A_242 = arith.minsi %min3A_237, %rev3A_241 : vector<16xi32>
    %rev3A_243 = arith.constant 15 : i32
    %rev3A_244 = vector.broadcast %rev3A_243 : i32 to vector<16xi32>
    %rev3A_245 = tpu.iota {dimensions = array<i32: 0>} : vector<16xi32>
    %rev3A_246 = arith.subi %rev3A_244, %rev3A_245 : vector<16xi32>
    %rev3A_247 = tpu.dynamic_gather %min3A_242[%rev3A_246] in [0] : vector<16xi32>, vector<16xi32> -> vector<16xi32>
    %min3A_248 = arith.minsi %min3A_242, %rev3A_247 : vector<16xi32>
    %rev3A_249 = arith.constant 15 : i32
    %rev3A_250 = vector.broadcast %rev3A_249 : i32 to vector<16xi32>
    %rev3A_251 = tpu.iota {dimensions = array<i32: 0>} : vector<16xi32>
    %rev3A_252 = arith.subi %rev3A_250, %rev3A_251 : vector<16xi32>
    %rev3A_253 = tpu.dynamic_gather %min3A_248[%rev3A_252] in [0] : vector<16xi32>, vector<16xi32> -> vector<16xi32>
    %min3A_254 = arith.minsi %min3A_248, %rev3A_253 : vector<16xi32>
    %rev3A_255 = arith.constant 15 : i32
    %rev3A_256 = vector.broadcast %rev3A_255 : i32 to vector<16xi32>
    %rev3A_257 = tpu.iota {dimensions = array<i32: 0>} : vector<16xi32>
    %rev3A_258 = arith.subi %rev3A_256, %rev3A_257 : vector<16xi32>
    %rev3A_259 = tpu.dynamic_gather %min3A_254[%rev3A_258] in [0] : vector<16xi32>, vector<16xi32> -> vector<16xi32>
    %min3A_260 = arith.minsi %min3A_254, %rev3A_259 : vector<16xi32>
    %slice3A = vector.extract_strided_slice %min3A_260 {offsets = [0], sizes = [1], strides = [1]} : vector<16xi32> to vector<1xi32>
    %squeeze3A = vector.extract %slice3A[0] : i32 from vector<1xi32>
    %shift_right_arithmetic3A = arith.constant 3 : i32
    %shift_right_arithmetic3A_261 = arith.shrsi %squeeze3A, %shift_right_arithmetic3A : i32
    %shift_left3A = arith.constant 3 : i32
    %shift_left3A_262 = arith.shli %shift_right_arithmetic3A_261, %shift_left3A : i32
    %min3A_263 = arith.constant 448 : i32
    %min3A_264 = arith.minsi %shift_left3A_262, %min3A_263 : i32
    %multiple_of3A = tpu.assume_multiple %min3A_264, 8 : i32
    %jit3A = arith.constant 0 : i32
    %jit3A_265 = arith.constant 2 : i32
    %eq3A = arith.constant 0 : i32
    %eq3A_266 = arith.cmpi eq, %jit3A_265, %eq3A : i32
    %jit3A_267 = arith.constant 1 : i32
    %select_n3A = arith.select %eq3A_266, %jit3A_267, %jit3A_265 : i32
    %rem3A = arith.remsi %jit3A, %select_n3A : i32
    %ne3A = arith.constant 0 : i32
    %ne3A_268 = arith.cmpi ne, %rem3A, %ne3A : i32
    %lt3A = arith.constant 0 : i32
    %lt3A_269 = arith.cmpi slt, %rem3A, %lt3A : i32
    %lt3A_270 = arith.constant 0 : i32
    %lt3A_271 = arith.cmpi slt, %select_n3A, %lt3A_270 : i32
    %ne3A_272 = arith.xori %lt3A_269, %lt3A_271 : i1
    %and3A = arith.andi %ne3A_272, %ne3A_268 : i1
    %add3A_273 = arith.addi %rem3A, %select_n3A : i32
    %select_n3A_274 = arith.select %and3A, %add3A_273, %rem3A : i32
    %mul3A_275 = arith.constant 64 : i32
    %mul3A_276 = arith.muli %select_n3A_274, %mul3A_275 : i32
    %multiple_of3A_277 = tpu.assume_multiple %mul3A_276, 64 : i32
    %mul3A_278 = arith.constant 0 : i32
    %mul3A_279 = arith.constant 512 : i32
    %mul3A_280 = arith.muli %mul3A_278, %mul3A_279 : i32
    %add3A_281 = arith.addi %mul3A_280, %multiple_of3A : i32
    %dma_start3A_282 = arith.constant 0 : i32
    %dma_start3A_283 = tpu.memref_slice %arg7[%multiple_of3A_277, %dma_start3A_282] : memref<128x256xf32, #tpu.memory_space<vmem>> -> memref<64x256xf32, #tpu.memory_space<vmem>>
    %dma_start3A_284 = arith.constant 0 : i32
    %dma_start3A_285 = tpu.memref_slice %arg2[%add3A_281, %dma_start3A_284] : memref<8192x256xf32, #tpu.memory_space<hbm>> -> memref<64x256xf32, #tpu.memory_space<hbm>>
    %dma_start3A_286 = arith.constant 0 : i32
    %dma_start3A_287 = tpu.memref_slice %arg7[%multiple_of3A_277, %dma_start3A_286] : memref<128x256xf32, #tpu.memory_space<vmem>> -> memref<64x256xf32, #tpu.memory_space<vmem>>
    %dma_start3A_288 = arith.constant 0 : i32
    %dma_start3A_289 = tpu.memref_slice %arg2[%add3A_281, %dma_start3A_288] : memref<8192x256xf32, #tpu.memory_space<hbm>> -> memref<64x256xf32, #tpu.memory_space<hbm>>
    tpu.enqueue_dma source(%dma_start3A_289 : memref<64x256xf32, #tpu.memory_space<hbm>>) target(%dma_start3A_287 : memref<64x256xf32, #tpu.memory_space<vmem>>) target_semaphore(%arg12 : memref<!tpu.dma_semaphore, #tpu.memory_space<semaphore_mem>>)
    %scan3A = arith.constant 0 : i32
    %scan3A_290 = arith.constant 16 : i32
    %scan3A_291 = arith.addi %scan3A, %scan3A_290 : i32
    %scan3A_292 = arith.constant 1 : i32
    %scan3A_293 = scf.for %scan3A_315 = %scan3A to %scan3A_291 step %scan3A_292 iter_args(%scan3A_316 = %min3A_264) -> (i32)  : i32 {
      %mul3A_317 = arith.constant 64 : i32
      %mul3A_318 = arith.muli %scan3A_315, %mul3A_317 : i32
      %jit3A_319 = arith.constant 2 : i32
      %eq3A_320 = arith.constant 0 : i32
      %eq3A_321 = arith.cmpi eq, %jit3A_319, %eq3A_320 : i32
      %jit3A_322 = arith.constant 1 : i32
      %select_n3A_323 = arith.select %eq3A_321, %jit3A_322, %jit3A_319 : i32
      %rem3A_324 = arith.remsi %scan3A_315, %select_n3A_323 : i32
      %ne3A_325 = arith.constant 0 : i32
      %ne3A_326 = arith.cmpi ne, %rem3A_324, %ne3A_325 : i32
      %lt3A_327 = arith.constant 0 : i32
      %lt3A_328 = arith.cmpi slt, %rem3A_324, %lt3A_327 : i32
      %lt3A_329 = arith.constant 0 : i32
      %lt3A_330 = arith.cmpi slt, %select_n3A_323, %lt3A_329 : i32
      %ne3A_331 = arith.xori %lt3A_328, %lt3A_330 : i1
      %and3A_332 = arith.andi %ne3A_331, %ne3A_326 : i1
      %add3A_333 = arith.addi %rem3A_324, %select_n3A_323 : i32
      %select_n3A_334 = arith.select %and3A_332, %add3A_333, %rem3A_324 : i32
      %mul3A_335 = arith.constant 64 : i32
      %mul3A_336 = arith.muli %select_n3A_334, %mul3A_335 : i32
      %multiple_of3A_337 = tpu.assume_multiple %mul3A_336, 64 : i32
      %jit3A_338 = arith.constant 2 : i32
      %eq3A_339 = arith.constant 0 : i32
      %eq3A_340 = arith.cmpi eq, %jit3A_338, %eq3A_339 : i32
      %jit3A_341 = arith.constant 1 : i32
      %select_n3A_342 = arith.select %eq3A_340, %jit3A_341, %jit3A_338 : i32
      %rem3A_343 = arith.remsi %scan3A_315, %select_n3A_342 : i32
      %ne3A_344 = arith.constant 0 : i32
      %ne3A_345 = arith.cmpi ne, %rem3A_343, %ne3A_344 : i32
      %lt3A_346 = arith.constant 0 : i32
      %lt3A_347 = arith.cmpi slt, %rem3A_343, %lt3A_346 : i32
      %lt3A_348 = arith.constant 0 : i32
      %lt3A_349 = arith.cmpi slt, %select_n3A_342, %lt3A_348 : i32
      %ne3A_350 = arith.xori %lt3A_347, %lt3A_349 : i1
      %and3A_351 = arith.andi %ne3A_350, %ne3A_345 : i1
      %add3A_352 = arith.addi %rem3A_343, %select_n3A_342 : i32
      %select_n3A_353 = arith.select %and3A_351, %add3A_352, %rem3A_343 : i32
      %mul3A_354 = arith.constant 64 : i32
      %mul3A_355 = arith.muli %select_n3A_353, %mul3A_354 : i32
      %multiple_of3A_356 = tpu.assume_multiple %mul3A_355, 64 : i32
      %ge3A = arith.constant 2 : i32
      %ge3A_357 = arith.cmpi sge, %scan3A_315, %ge3A : i32
      %convert_element_type3A = arith.extui %ge3A_357 : i1 to i32
      %cond3A = arith.constant 0 : i32
      %cond3A_358 = arith.cmpi ne, %convert_element_type3A, %cond3A : i32
      scf.if %cond3A_358 {
        %dma_wait3A_455 = arith.constant 0 : i32
        %dma_wait3A_456 = arith.constant 0 : i32
        %dma_wait3A_457 = tpu.memref_slice %arg8[%dma_wait3A_455, %dma_wait3A_456] : memref<136x256xf32, #tpu.memory_space<vmem>> -> memref<64x256xf32, #tpu.memory_space<vmem>>
        %dma_wait3A_458 = arith.constant 0 : i32
        %dma_wait3A_459 = tpu.memref_slice %arg5[%mul3A_2, %dma_wait3A_458] : memref<32768x256xf32, #tpu.memory_space<hbm>> -> memref<64x256xf32, #tpu.memory_space<hbm>>
        %dma_wait3A_460 = arith.constant 0 : i32
        %dma_wait3A_461 = tpu.memref_slice %arg5[%mul3A_2, %dma_wait3A_460] : memref<32768x256xf32, #tpu.memory_space<hbm>> -> memref<64x256xf32, #tpu.memory_space<hbm>>
        %dma_wait3A_462 = arith.constant 0 : i32
        %dma_wait3A_463 = arith.constant 0 : i32
        %dma_wait3A_464 = tpu.memref_slice %arg8[%dma_wait3A_462, %dma_wait3A_463] : memref<136x256xf32, #tpu.memory_space<vmem>> -> memref<64x256xf32, #tpu.memory_space<vmem>>
        tpu.wait_dma2 semaphore(%arg10 : memref<!tpu.dma_semaphore, #tpu.memory_space<semaphore_mem>>) src(%dma_wait3A_464 : memref<64x256xf32, #tpu.memory_space<vmem>>) dst(%dma_wait3A_461 : memref<64x256xf32, #tpu.memory_space<hbm>>)
      } else {
      }
      "tpu.region"() ({
        %run_scoped3A = tpu.sem_alloc : memref<!tpu.dma_semaphore, #tpu.memory_space<semaphore_mem>>
        %dma_start3A_455 = arith.constant 0 : i32
        %dma_start3A_456 = tpu.memref_slice %arg8[%multiple_of3A_337, %dma_start3A_455] : memref<136x256xf32, #tpu.memory_space<vmem>> -> memref<64x256xf32, #tpu.memory_space<vmem>>
        %dma_start3A_457 = arith.constant 0 : i32
        %dma_start3A_458 = arith.constant 0 : i32
        %dma_start3A_459 = tpu.memref_slice %arg9[%arg1, %dma_start3A_457, %dma_start3A_458] : memref<16x64x256xf32, #tpu.memory_space<vmem_shared>> -> memref<1x64x256xf32, #tpu.memory_space<vmem_shared>>
        %dma_start3A_460 = tpu.memref_squeeze %dma_start3A_459 : memref<1x64x256xf32, #tpu.memory_space<vmem_shared>> -> memref<64x256xf32, #tpu.memory_space<vmem_shared>>
        %dma_start3A_461 = arith.constant 0 : i32
        %dma_start3A_462 = tpu.memref_slice %arg8[%multiple_of3A_337, %dma_start3A_461] : memref<136x256xf32, #tpu.memory_space<vmem>> -> memref<64x256xf32, #tpu.memory_space<vmem>>
        %dma_start3A_463 = arith.constant 0 : i32
        %dma_start3A_464 = arith.constant 0 : i32
        %dma_start3A_465 = tpu.memref_slice %arg9[%arg1, %dma_start3A_463, %dma_start3A_464] : memref<16x64x256xf32, #tpu.memory_space<vmem_shared>> -> memref<1x64x256xf32, #tpu.memory_space<vmem_shared>>
        %dma_start3A_466 = tpu.memref_squeeze %dma_start3A_465 : memref<1x64x256xf32, #tpu.memory_space<vmem_shared>> -> memref<64x256xf32, #tpu.memory_space<vmem_shared>>
        tpu.enqueue_dma source(%dma_start3A_466 : memref<64x256xf32, #tpu.memory_space<vmem_shared>>) target(%dma_start3A_462 : memref<64x256xf32, #tpu.memory_space<vmem>>) target_semaphore(%run_scoped3A : memref<!tpu.dma_semaphore, #tpu.memory_space<semaphore_mem>>)
        %dma_wait3A_467 = arith.constant 0 : i32
        %dma_wait3A_468 = tpu.memref_slice %arg8[%multiple_of3A_337, %dma_wait3A_467] : memref<136x256xf32, #tpu.memory_space<vmem>> -> memref<64x256xf32, #tpu.memory_space<vmem>>
        %dma_wait3A_469 = arith.constant 0 : i32
        %dma_wait3A_470 = arith.constant 0 : i32
        %dma_wait3A_471 = tpu.memref_slice %arg9[%arg1, %dma_wait3A_469, %dma_wait3A_470] : memref<16x64x256xf32, #tpu.memory_space<vmem_shared>> -> memref<1x64x256xf32, #tpu.memory_space<vmem_shared>>
        %dma_wait3A_472 = tpu.memref_squeeze %dma_wait3A_471 : memref<1x64x256xf32, #tpu.memory_space<vmem_shared>> -> memref<64x256xf32, #tpu.memory_space<vmem_shared>>
        %dma_wait3A_473 = arith.constant 0 : i32
        %dma_wait3A_474 = tpu.memref_slice %arg8[%multiple_of3A_337, %dma_wait3A_473] : memref<136x256xf32, #tpu.memory_space<vmem>> -> memref<64x256xf32, #tpu.memory_space<vmem>>
        %dma_wait3A_475 = arith.constant 0 : i32
        %dma_wait3A_476 = arith.constant 0 : i32
        %dma_wait3A_477 = tpu.memref_slice %arg9[%arg1, %dma_wait3A_475, %dma_wait3A_476] : memref<16x64x256xf32, #tpu.memory_space<vmem_shared>> -> memref<1x64x256xf32, #tpu.memory_space<vmem_shared>>
        %dma_wait3A_478 = tpu.memref_squeeze %dma_wait3A_477 : memref<1x64x256xf32, #tpu.memory_space<vmem_shared>> -> memref<64x256xf32, #tpu.memory_space<vmem_shared>>
        tpu.wait_dma2 semaphore(%run_scoped3A : memref<!tpu.dma_semaphore, #tpu.memory_space<semaphore_mem>>) src(%dma_wait3A_478 : memref<64x256xf32, #tpu.memory_space<vmem_shared>>) dst(%dma_wait3A_474 : memref<64x256xf32, #tpu.memory_space<vmem>>)
        tpu.yield
      }) : () -> ()
      %dma_wait3A_359 = arith.constant 0 : i32
      %dma_wait3A_360 = arith.constant 0 : i32
      %dma_wait3A_361 = tpu.memref_slice %arg7[%dma_wait3A_359, %dma_wait3A_360] : memref<128x256xf32, #tpu.memory_space<vmem>> -> memref<64x256xf32, #tpu.memory_space<vmem>>
      %dma_wait3A_362 = arith.constant 0 : i32
      %dma_wait3A_363 = arith.constant 0 : i32
      %dma_wait3A_364 = tpu.memref_slice %arg2[%dma_wait3A_362, %dma_wait3A_363] : memref<8192x256xf32, #tpu.memory_space<hbm>> -> memref<64x256xf32, #tpu.memory_space<hbm>>
      %dma_wait3A_365 = arith.constant 0 : i32
      %dma_wait3A_366 = arith.constant 0 : i32
      %dma_wait3A_367 = tpu.memref_slice %arg7[%dma_wait3A_365, %dma_wait3A_366] : memref<128x256xf32, #tpu.memory_space<vmem>> -> memref<64x256xf32, #tpu.memory_space<vmem>>
      %dma_wait3A_368 = arith.constant 0 : i32
      %dma_wait3A_369 = arith.constant 0 : i32
      %dma_wait3A_370 = tpu.memref_slice %arg2[%dma_wait3A_368, %dma_wait3A_369] : memref<8192x256xf32, #tpu.memory_space<hbm>> -> memref<64x256xf32, #tpu.memory_space<hbm>>
      tpu.wait_dma2 semaphore(%arg12 : memref<!tpu.dma_semaphore, #tpu.memory_space<semaphore_mem>>) src(%dma_wait3A_370 : memref<64x256xf32, #tpu.memory_space<hbm>>) dst(%dma_wait3A_367 : memref<64x256xf32, #tpu.memory_space<vmem>>)
      %add3A_371 = arith.constant 1 : i32
      %add3A_372 = arith.addi %scan3A_315, %add3A_371 : i32
      %min3A_373 = arith.constant 15 : i32
      %min3A_374 = arith.minsi %add3A_372, %min3A_373 : i32
      %mul3A_375 = arith.constant 64 : i32
      %mul3A_376 = arith.muli %min3A_374, %mul3A_375 : i32
      %get3A_377 = arith.index_cast %mul3A_376 : i32 to index
      %get3A_378 = tpu.vector_load %arg6[%get3A_377] {strides = array<i32>} : memref<1024xi32, #tpu.memory_space<vmem>>, vector<16xi32>,
      %get3A_379 = vector.shape_cast %get3A_378 : vector<16xi32> to vector<16xi32>
      %add3A_380 = arith.constant 16 : i32
      %add3A_381 = arith.addi %mul3A_376, %add3A_380 : i32
      %get3A_382 = arith.index_cast %add3A_381 : i32 to index
      %get3A_383 = tpu.vector_load %arg6[%get3A_382] {strides = array<i32>} : memref<1024xi32, #tpu.memory_space<vmem>>, vector<16xi32>,
      %get3A_384 = vector.shape_cast %get3A_383 : vector<16xi32> to vector<16xi32>
      %min3A_385 = arith.minsi %get3A_379, %get3A_384 : vector<16xi32>
      %add3A_386 = arith.constant 32 : i32
      %add3A_387 = arith.addi %mul3A_376, %add3A_386 : i32
      %get3A_388 = arith.index_cast %add3A_387 : i32 to index
      %get3A_389 = tpu.vector_load %arg6[%get3A_388] {strides = array<i32>} : memref<1024xi32, #tpu.memory_space<vmem>>, vector<16xi32>,
      %get3A_390 = vector.shape_cast %get3A_389 : vector<16xi32> to vector<16xi32>
      %min3A_391 = arith.minsi %min3A_385, %get3A_390 : vector<16xi32>
      %add3A_392 = arith.constant 48 : i32
      %add3A_393 = arith.addi %mul3A_376, %add3A_392 : i32
      %get3A_394 = arith.index_cast %add3A_393 : i32 to index
      %get3A_395 = tpu.vector_load %arg6[%get3A_394] {strides = array<i32>} : memref<1024xi32, #tpu.memory_space<vmem>>, vector<16xi32>,
      %get3A_396 = vector.shape_cast %get3A_395 : vector<16xi32> to vector<16xi32>
      %min3A_397 = arith.minsi %min3A_391, %get3A_396 : vector<16xi32>
      %rev3A_398 = arith.constant 15 : i32
      %rev3A_399 = vector.broadcast %rev3A_398 : i32 to vector<16xi32>
      %rev3A_400 = tpu.iota {dimensions = array<i32: 0>} : vector<16xi32>
      %rev3A_401 = arith.subi %rev3A_399, %rev3A_400 : vector<16xi32>
      %rev3A_402 = tpu.dynamic_gather %min3A_397[%rev3A_401] in [0] : vector<16xi32>, vector<16xi32> -> vector<16xi32>
      %min3A_403 = arith.minsi %min3A_397, %rev3A_402 : vector<16xi32>
      %rev3A_404 = arith.constant 15 : i32
      %rev3A_405 = vector.broadcast %rev3A_404 : i32 to vector<16xi32>
      %rev3A_406 = tpu.iota {dimensions = array<i32: 0>} : vector<16xi32>
      %rev3A_407 = arith.subi %rev3A_405, %rev3A_406 : vector<16xi32>
      %rev3A_408 = tpu.dynamic_gather %min3A_403[%rev3A_407] in [0] : vector<16xi32>, vector<16xi32> -> vector<16xi32>
      %min3A_409 = arith.minsi %min3A_403, %rev3A_408 : vector<16xi32>
      %rev3A_410 = arith.constant 15 : i32
      %rev3A_411 = vector.broadcast %rev3A_410 : i32 to vector<16xi32>
      %rev3A_412 = tpu.iota {dimensions = array<i32: 0>} : vector<16xi32>
      %rev3A_413 = arith.subi %rev3A_411, %rev3A_412 : vector<16xi32>
      %rev3A_414 = tpu.dynamic_gather %min3A_409[%rev3A_413] in [0] : vector<16xi32>, vector<16xi32> -> vector<16xi32>
      %min3A_415 = arith.minsi %min3A_409, %rev3A_414 : vector<16xi32>
      %rev3A_416 = arith.constant 15 : i32
      %rev3A_417 = vector.broadcast %rev3A_416 : i32 to vector<16xi32>
      %rev3A_418 = tpu.iota {dimensions = array<i32: 0>} : vector<16xi32>
      %rev3A_419 = arith.subi %rev3A_417, %rev3A_418 : vector<16xi32>
      %rev3A_420 = tpu.dynamic_gather %min3A_415[%rev3A_419] in [0] : vector<16xi32>, vector<16xi32> -> vector<16xi32>
      %min3A_421 = arith.minsi %min3A_415, %rev3A_420 : vector<16xi32>
      %slice3A_422 = vector.extract_strided_slice %min3A_421 {offsets = [0], sizes = [1], strides = [1]} : vector<16xi32> to vector<1xi32>
      %squeeze3A_423 = vector.extract %slice3A_422[0] : i32 from vector<1xi32>
      %shift_right_arithmetic3A_424 = arith.constant 3 : i32
      %shift_right_arithmetic3A_425 = arith.shrsi %squeeze3A_423, %shift_right_arithmetic3A_424 : i32
      %shift_left3A_426 = arith.constant 3 : i32
      %shift_left3A_427 = arith.shli %shift_right_arithmetic3A_425, %shift_left3A_426 : i32
      %min3A_428 = arith.constant 448 : i32
      %min3A_429 = arith.minsi %shift_left3A_427, %min3A_428 : i32
      %add3A_430 = arith.constant 1 : i32
      %add3A_431 = arith.addi %scan3A_315, %add3A_430 : i32
      %lt3A_432 = arith.constant 16 : i32
      %lt3A_433 = arith.cmpi slt, %add3A_431, %lt3A_432 : i32
      %convert_element_type3A_434 = arith.extui %lt3A_433 : i1 to i32
      %cond3A_435 = arith.constant 0 : i32
      %cond3A_436 = arith.cmpi ne, %convert_element_type3A_434, %cond3A_435 : i32
      scf.if %cond3A_436 {
        %add3A_455 = arith.constant 1 : i32
        %add3A_456 = arith.addi %scan3A_315, %add3A_455 : i32
        %multiple_of3A_457 = tpu.assume_multiple %min3A_429, 8 : i32
        %jit3A_458 = arith.constant 2 : i32
        %eq3A_459 = arith.constant 0 : i32
        %eq3A_460 = arith.cmpi eq, %jit3A_458, %eq3A_459 : i32
        %jit3A_461 = arith.constant 1 : i32
        %select_n3A_462 = arith.select %eq3A_460, %jit3A_461, %jit3A_458 : i32
        %rem3A_463 = arith.remsi %add3A_456, %select_n3A_462 : i32
        %ne3A_464 = arith.constant 0 : i32
        %ne3A_465 = arith.cmpi ne, %rem3A_463, %ne3A_464 : i32
        %lt3A_466 = arith.constant 0 : i32
        %lt3A_467 = arith.cmpi slt, %rem3A_463, %lt3A_466 : i32
        %lt3A_468 = arith.constant 0 : i32
        %lt3A_469 = arith.cmpi slt, %select_n3A_462, %lt3A_468 : i32
        %ne3A_470 = arith.xori %lt3A_467, %lt3A_469 : i1
        %and3A_471 = arith.andi %ne3A_470, %ne3A_465 : i1
        %add3A_472 = arith.addi %rem3A_463, %select_n3A_462 : i32
        %select_n3A_473 = arith.select %and3A_471, %add3A_472, %rem3A_463 : i32
        %mul3A_474 = arith.constant 64 : i32
        %mul3A_475 = arith.muli %select_n3A_473, %mul3A_474 : i32
        %multiple_of3A_476 = tpu.assume_multiple %mul3A_475, 64 : i32
        %mul3A_477 = arith.constant 512 : i32
        %mul3A_478 = arith.muli %add3A_456, %mul3A_477 : i32
        %add3A_479 = arith.addi %mul3A_478, %multiple_of3A_457 : i32
        %dma_start3A_480 = arith.constant 0 : i32
        %dma_start3A_481 = tpu.memref_slice %arg7[%multiple_of3A_476, %dma_start3A_480] : memref<128x256xf32, #tpu.memory_space<vmem>> -> memref<64x256xf32, #tpu.memory_space<vmem>>
        %dma_start3A_482 = arith.constant 0 : i32
        %dma_start3A_483 = tpu.memref_slice %arg2[%add3A_479, %dma_start3A_482] : memref<8192x256xf32, #tpu.memory_space<hbm>> -> memref<64x256xf32, #tpu.memory_space<hbm>>
        %dma_start3A_484 = arith.constant 0 : i32
        %dma_start3A_485 = tpu.memref_slice %arg7[%multiple_of3A_476, %dma_start3A_484] : memref<128x256xf32, #tpu.memory_space<vmem>> -> memref<64x256xf32, #tpu.memory_space<vmem>>
        %dma_start3A_486 = arith.constant 0 : i32
        %dma_start3A_487 = tpu.memref_slice %arg2[%add3A_479, %dma_start3A_486] : memref<8192x256xf32, #tpu.memory_space<hbm>> -> memref<64x256xf32, #tpu.memory_space<hbm>>
        tpu.enqueue_dma source(%dma_start3A_487 : memref<64x256xf32, #tpu.memory_space<hbm>>) target(%dma_start3A_485 : memref<64x256xf32, #tpu.memory_space<vmem>>) target_semaphore(%arg12 : memref<!tpu.dma_semaphore, #tpu.memory_space<semaphore_mem>>)
      } else {
      }
      %scan3A_437 = arith.constant 64 : i32
      %scan3A_438 = arith.constant 0 : i32
      %scan3A_439 = arith.constant 12 : i32
      %scan3A_440 = arith.addi %scan3A_438, %scan3A_439 : i32
      %scan3A_441 = arith.constant 1 : i32
      %scan3A_442:2 = scf.for %scan3A_455 = %scan3A_438 to %scan3A_440 step %scan3A_441 iter_args(%scan3A_456 = %scan3A_316, %scan3A_457 = %scan3A_437) -> (i32, i32)  : i32 {
        %gt3A = arith.constant 0 : i32
        %gt3A_458 = arith.cmpi sgt, %scan3A_457, %gt3A : i32
        %shift_right_arithmetic3A_459 = arith.constant 3 : i32
        %shift_right_arithmetic3A_460 = arith.shrsi %scan3A_456, %shift_right_arithmetic3A_459 : i32
        %shift_left3A_461 = arith.constant 3 : i32
        %shift_left3A_462 = arith.shli %shift_right_arithmetic3A_460, %shift_left3A_461 : i32
        %min3A_463 = arith.constant 448 : i32
        %min3A_464 = arith.minsi %shift_left3A_462, %min3A_463 : i32
        %multiple_of3A_465 = tpu.assume_multiple %min3A_464, 8 : i32
        %gt3A_466 = arith.constant 0 : i32
        %gt3A_467 = arith.cmpi sgt, %scan3A_455, %gt3A_466 : i32
        %and3A_468 = arith.andi %gt3A_458, %gt3A_467 : i1
        %convert_element_type3A_469 = arith.extui %and3A_468 : i1 to i32
        %cond3A_470 = arith.constant 0 : i32
        %cond3A_471 = arith.cmpi ne, %convert_element_type3A_469, %cond3A_470 : i32
        scf.if %cond3A_471 {
          %mul3A_479 = arith.constant 512 : i32
          %mul3A_480 = arith.muli %scan3A_315, %mul3A_479 : i32
          %add3A_481 = arith.addi %mul3A_480, %multiple_of3A_465 : i32
          "tpu.region"() ({
            %run_scoped3A = tpu.sem_alloc : memref<!tpu.dma_semaphore, #tpu.memory_space<semaphore_mem>>
            %dma_start3A_482 = arith.constant 0 : i32
            %dma_start3A_483 = tpu.memref_slice %arg7[%multiple_of3A_356, %dma_start3A_482] : memref<128x256xf32, #tpu.memory_space<vmem>> -> memref<64x256xf32, #tpu.memory_space<vmem>>
            %dma_start3A_484 = arith.constant 0 : i32
            %dma_start3A_485 = tpu.memref_slice %arg2[%add3A_481, %dma_start3A_484] : memref<8192x256xf32, #tpu.memory_space<hbm>> -> memref<64x256xf32, #tpu.memory_space<hbm>>
            %dma_start3A_486 = arith.constant 0 : i32
            %dma_start3A_487 = tpu.memref_slice %arg7[%multiple_of3A_356, %dma_start3A_486] : memref<128x256xf32, #tpu.memory_space<vmem>> -> memref<64x256xf32, #tpu.memory_space<vmem>>
            %dma_start3A_488 = arith.constant 0 : i32
            %dma_start3A_489 = tpu.memref_slice %arg2[%add3A_481, %dma_start3A_488] : memref<8192x256xf32, #tpu.memory_space<hbm>> -> memref<64x256xf32, #tpu.memory_space<hbm>>
            tpu.enqueue_dma source(%dma_start3A_489 : memref<64x256xf32, #tpu.memory_space<hbm>>) target(%dma_start3A_487 : memref<64x256xf32, #tpu.memory_space<vmem>>) target_semaphore(%run_scoped3A : memref<!tpu.dma_semaphore, #tpu.memory_space<semaphore_mem>>)
            %dma_wait3A_490 = arith.constant 0 : i32
            %dma_wait3A_491 = tpu.memref_slice %arg7[%multiple_of3A_356, %dma_wait3A_490] : memref<128x256xf32, #tpu.memory_space<vmem>> -> memref<64x256xf32, #tpu.memory_space<vmem>>
            %dma_wait3A_492 = arith.constant 0 : i32
            %dma_wait3A_493 = tpu.memref_slice %arg2[%add3A_481, %dma_wait3A_492] : memref<8192x256xf32, #tpu.memory_space<hbm>> -> memref<64x256xf32, #tpu.memory_space<hbm>>
            %dma_wait3A_494 = arith.constant 0 : i32
            %dma_wait3A_495 = tpu.memref_slice %arg7[%multiple_of3A_356, %dma_wait3A_494] : memref<128x256xf32, #tpu.memory_space<vmem>> -> memref<64x256xf32, #tpu.memory_space<vmem>>
            %dma_wait3A_496 = arith.constant 0 : i32
            %dma_wait3A_497 = tpu.memref_slice %arg2[%add3A_481, %dma_wait3A_496] : memref<8192x256xf32, #tpu.memory_space<hbm>> -> memref<64x256xf32, #tpu.memory_space<hbm>>
            tpu.wait_dma2 semaphore(%run_scoped3A : memref<!tpu.dma_semaphore, #tpu.memory_space<semaphore_mem>>) src(%dma_wait3A_497 : memref<64x256xf32, #tpu.memory_space<hbm>>) dst(%dma_wait3A_495 : memref<64x256xf32, #tpu.memory_space<vmem>>)
            tpu.yield
          }) : () -> ()
        } else {
        }
        %convert_element_type3A_472 = arith.extui %gt3A_458 : i1 to i32
        %cond3A_473 = arith.constant 0 : i32
        %cond3A_474 = arith.cmpi ne, %convert_element_type3A_472, %cond3A_473 : i32
        scf.if %cond3A_474 {
          %iota3A = tpu.iota {dimensions = array<i32: 0>} : vector<16xi32>
          %scan3A_479 = arith.constant 0 : i32
          %scan3A_480 = arith.constant 0 : i32
          %scan3A_481 = arith.constant 4 : i32
          %scan3A_482 = arith.addi %scan3A_480, %scan3A_481 : i32
          %scan3A_483 = arith.constant 1 : i32
          scf.for %scan3A_485 = %scan3A_480 to %scan3A_482 step %scan3A_483  : i32 {
            %mul3A_486 = arith.constant 16 : i32
            %mul3A_487 = arith.muli %scan3A_485, %mul3A_486 : i32
            %add3A_488 = arith.addi %mul3A_318, %mul3A_487 : i32
            %get3A_489 = arith.index_cast %add3A_488 : i32 to index
            %get3A_490 = tpu.vector_load %arg6[%get3A_489] {strides = array<i32>} : memref<1024xi32, #tpu.memory_space<vmem>>, vector<16xi32>,
            %get3A_491 = vector.shape_cast %get3A_490 : vector<16xi32> to vector<16xi32>
            %ge3A_492 = vector.broadcast %multiple_of3A_465 : i32 to vector<16xi32>
            %ge3A_493 = arith.cmpi sge, %get3A_491, %ge3A_492 : vector<16xi32>
            %add3A_494 = arith.constant 64 : i32
            %add3A_495 = arith.addi %multiple_of3A_465, %add3A_494 : i32
            %lt3A_496 = vector.broadcast %add3A_495 : i32 to vector<16xi32>
            %lt3A_497 = arith.cmpi slt, %get3A_491, %lt3A_496 : vector<16xi32>
            %and3A_498 = arith.andi %ge3A_493, %lt3A_497 : vector<16xi1>
            %add3A_499 = vector.broadcast %multiple_of3A_356 : i32 to vector<16xi32>
            %add3A_500 = arith.addi %add3A_499, %get3A_491 : vector<16xi32>
            %sub3A = vector.broadcast %multiple_of3A_465 : i32 to vector<16xi32>
            %sub3A_501 = arith.subi %add3A_500, %sub3A : vector<16xi32>
            %broadcast_in_dim3A = vector.broadcast %multiple_of3A_356 : i32 to vector<16xi32>
            %select_n3A_502 = arith.select %and3A_498, %sub3A_501, %broadcast_in_dim3A : vector<16xi1>, vector<16xi32>
            %mul3A_503 = arith.constant 16 : i32
            %mul3A_504 = arith.muli %scan3A_485, %mul3A_503 : i32
            %add3A_505 = arith.addi %multiple_of3A_337, %mul3A_504 : i32
            %add3A_506 = vector.broadcast %add3A_505 : i32 to vector<16xi32>
            %add3A_507 = arith.addi %add3A_506, %iota3A : vector<16xi32>
            %jit3A_508 = arith.constant 128 : i32
            %broadcast_in_dim3A_509 = vector.broadcast %jit3A_508 : i32 to vector<16xi32>
            %select_n3A_510 = arith.select %and3A_498, %add3A_507, %broadcast_in_dim3A_509 : vector<16xi1>, vector<16xi32>
            %slice3A_511 = vector.extract_strided_slice %select_n3A_502 {offsets = [0], sizes = [1], strides = [1]} : vector<16xi32> to vector<1xi32>
            %squeeze3A_512 = vector.extract %slice3A_511[0] : i32 from vector<1xi32>
            %slice3A_513 = vector.extract_strided_slice %select_n3A_510 {offsets = [0], sizes = [1], strides = [1]} : vector<16xi32> to vector<1xi32>
            %squeeze3A_514 = vector.extract %slice3A_513[0] : i32 from vector<1xi32>
            %get3A_515 = arith.index_cast %squeeze3A_512 : i32 to index
            %get3A_516 = arith.constant 0 : index
            %get3A_517 = tpu.vector_load %arg7[%get3A_515, %get3A_516] {strides = array<i32>} : memref<128x256xf32, #tpu.memory_space<vmem>>, vector<1x16xf32>,
            %get3A_518 = vector.shape_cast %get3A_517 : vector<1x16xf32> to vector<16xf32>
            %swap3A = arith.index_cast %squeeze3A_514 : i32 to index
            %swap3A_519 = arith.constant 0 : index
            %swap3A_520 = tpu.vector_load %arg8[%swap3A, %swap3A_519] {strides = array<i32>} : memref<136x256xf32, #tpu.memory_space<vmem>>, vector<1x16xf32>,
            %swap3A_521 = vector.shape_cast %swap3A_520 : vector<1x16xf32> to vector<16xf32>
            %swap3A_522 = vector.shape_cast %get3A_518 : vector<16xf32> to vector<1x16xf32>
            tpu.vector_store %arg8[%swap3A, %swap3A_519], %swap3A_522 {add = true, strides = array<i32>} : memref<136x256xf32, #tpu.memory_space<vmem>>, vector<1x16xf32>,
            %get3A_523 = arith.index_cast %squeeze3A_512 : i32 to index
            %get3A_524 = arith.constant 16 : index
            %get3A_525 = tpu.vector_load %arg7[%get3A_523, %get3A_524] {strides = array<i32>} : memref<128x256xf32, #tpu.memory_space<vmem>>, vector<1x16xf32>,
            %get3A_526 = vector.shape_cast %get3A_525 : vector<1x16xf32> to vector<16xf32>
            %swap3A_527 = arith.index_cast %squeeze3A_514 : i32 to index
            %swap3A_528 = arith.constant 16 : index
            %swap3A_529 = tpu.vector_load %arg8[%swap3A_527, %swap3A_528] {strides = array<i32>} : memref<136x256xf32, #tpu.memory_space<vmem>>, vector<1x16xf32>,
            %swap3A_530 = vector.shape_cast %swap3A_529 : vector<1x16xf32> to vector<16xf32>
            %swap3A_531 = vector.shape_cast %get3A_526 : vector<16xf32> to vector<1x16xf32>
            tpu.vector_store %arg8[%swap3A_527, %swap3A_528], %swap3A_531 {add = true, strides = array<i32>} : memref<136x256xf32, #tpu.memory_space<vmem>>, vector<1x16xf32>,
            %get3A_532 = arith.index_cast %squeeze3A_512 : i32 to index
            %get3A_533 = arith.constant 32 : index
            %get3A_534 = tpu.vector_load %arg7[%get3A_532, %get3A_533] {strides = array<i32>} : memref<128x256xf32, #tpu.memory_space<vmem>>, vector<1x16xf32>,
            %get3A_535 = vector.shape_cast %get3A_534 : vector<1x16xf32> to vector<16xf32>
            %swap3A_536 = arith.index_cast %squeeze3A_514 : i32 to index
            %swap3A_537 = arith.constant 32 : index
            %swap3A_538 = tpu.vector_load %arg8[%swap3A_536, %swap3A_537] {strides = array<i32>} : memref<136x256xf32, #tpu.memory_space<vmem>>, vector<1x16xf32>,
            %swap3A_539 = vector.shape_cast %swap3A_538 : vector<1x16xf32> to vector<16xf32>
            %swap3A_540 = vector.shape_cast %get3A_535 : vector<16xf32> to vector<1x16xf32>
            tpu.vector_store %arg8[%swap3A_536, %swap3A_537], %swap3A_540 {add = true, strides = array<i32>} : memref<136x256xf32, #tpu.memory_space<vmem>>, vector<1x16xf32>,
            %get3A_541 = arith.index_cast %squeeze3A_512 : i32 to index
            %get3A_542 = arith.constant 48 : index
            %get3A_543 = tpu.vector_load %arg7[%get3A_541, %get3A_542] {strides = array<i32>} : memref<128x256xf32, #tpu.memory_space<vmem>>, vector<1x16xf32>,
            %get3A_544 = vector.shape_cast %get3A_543 : vector<1x16xf32> to vector<16xf32>
            %swap3A_545 = arith.index_cast %squeeze3A_514 : i32 to index
            %swap3A_546 = arith.constant 48 : index
            %swap3A_547 = tpu.vector_load %arg8[%swap3A_545, %swap3A_546] {strides = array<i32>} : memref<136x256xf32, #tpu.memory_space<vmem>>, vector<1x16xf32>,
            %swap3A_548 = vector.shape_cast %swap3A_547 : vector<1x16xf32> to vector<16xf32>
            %swap3A_549 = vector.shape_cast %get3A_544 : vector<16xf32> to vector<1x16xf32>
            tpu.vector_store %arg8[%swap3A_545, %swap3A_546], %swap3A_549 {add = true, strides = array<i32>} : memref<136x256xf32, #tpu.memory_space<vmem>>, vector<1x16xf32>,
            %get3A_550 = arith.index_cast %squeeze3A_512 : i32 to index
            %get3A_551 = arith.constant 64 : index
            %get3A_552 = tpu.vector_load %arg7[%get3A_550, %get3A_551] {strides = array<i32>} : memref<128x256xf32, #tpu.memory_space<vmem>>, vector<1x16xf32>,
            %get3A_553 = vector.shape_cast %get3A_552 : vector<1x16xf32> to vector<16xf32>
            %swap3A_554 = arith.index_cast %squeeze3A_514 : i32 to index
            %swap3A_555 = arith.constant 64 : index
            %swap3A_556 = tpu.vector_load %arg8[%swap3A_554, %swap3A_555] {strides = array<i32>} : memref<136x256xf32, #tpu.memory_space<vmem>>, vector<1x16xf32>,
            %swap3A_557 = vector.shape_cast %swap3A_556 : vector<1x16xf32> to vector<16xf32>
            %swap3A_558 = vector.shape_cast %get3A_553 : vector<16xf32> to vector<1x16xf32>
            tpu.vector_store %arg8[%swap3A_554, %swap3A_555], %swap3A_558 {add = true, strides = array<i32>} : memref<136x256xf32, #tpu.memory_space<vmem>>, vector<1x16xf32>,
            %get3A_559 = arith.index_cast %squeeze3A_512 : i32 to index
            %get3A_560 = arith.constant 80 : index
            %get3A_561 = tpu.vector_load %arg7[%get3A_559, %get3A_560] {strides = array<i32>} : memref<128x256xf32, #tpu.memory_space<vmem>>, vector<1x16xf32>,
            %get3A_562 = vector.shape_cast %get3A_561 : vector<1x16xf32> to vector<16xf32>
            %swap3A_563 = arith.index_cast %squeeze3A_514 : i32 to index
            %swap3A_564 = arith.constant 80 : index
            %swap3A_565 = tpu.vector_load %arg8[%swap3A_563, %swap3A_564] {strides = array<i32>} : memref<136x256xf32, #tpu.memory_space<vmem>>, vector<1x16xf32>,
            %swap3A_566 = vector.shape_cast %swap3A_565 : vector<1x16xf32> to vector<16xf32>
            %swap3A_567 = vector.shape_cast %get3A_562 : vector<16xf32> to vector<1x16xf32>
            tpu.vector_store %arg8[%swap3A_563, %swap3A_564], %swap3A_567 {add = true, strides = array<i32>} : memref<136x256xf32, #tpu.memory_space<vmem>>, vector<1x16xf32>,
            %get3A_568 = arith.index_cast %squeeze3A_512 : i32 to index
            %get3A_569 = arith.constant 96 : index
            %get3A_570 = tpu.vector_load %arg7[%get3A_568, %get3A_569] {strides = array<i32>} : memref<128x256xf32, #tpu.memory_space<vmem>>, vector<1x16xf32>,
            %get3A_571 = vector.shape_cast %get3A_570 : vector<1x16xf32> to vector<16xf32>
            %swap3A_572 = arith.index_cast %squeeze3A_514 : i32 to index
            %swap3A_573 = arith.constant 96 : index
            %swap3A_574 = tpu.vector_load %arg8[%swap3A_572, %swap3A_573] {strides = array<i32>} : memref<136x256xf32, #tpu.memory_space<vmem>>, vector<1x16xf32>,
            %swap3A_575 = vector.shape_cast %swap3A_574 : vector<1x16xf32> to vector<16xf32>
            %swap3A_576 = vector.shape_cast %get3A_571 : vector<16xf32> to vector<1x16xf32>
            tpu.vector_store %arg8[%swap3A_572, %swap3A_573], %swap3A_576 {add = true, strides = array<i32>} : memref<136x256xf32, #tpu.memory_space<vmem>>, vector<1x16xf32>,
            %get3A_577 = arith.index_cast %squeeze3A_512 : i32 to index
            %get3A_578 = arith.constant 112 : index
            %get3A_579 = tpu.vector_load %arg7[%get3A_577, %get3A_578] {strides = array<i32>} : memref<128x256xf32, #tpu.memory_space<vmem>>, vector<1x16xf32>,
            %get3A_580 = vector.shape_cast %get3A_579 : vector<1x16xf32> to vector<16xf32>
            %swap3A_581 = arith.index_cast %squeeze3A_514 : i32 to index
            %swap3A_582 = arith.constant 112 : index
            %swap3A_583 = tpu.vector_load %arg8[%swap3A_581, %swap3A_582] {strides = array<i32>} : memref<136x256xf32, #tpu.memory_space<vmem>>, vector<1x16xf32>,
            %swap3A_584 = vector.shape_cast %swap3A_583 : vector<1x16xf32> to vector<16xf32>
            %swap3A_585 = vector.shape_cast %get3A_580 : vector<16xf32> to vector<1x16xf32>
            tpu.vector_store %arg8[%swap3A_581, %swap3A_582], %swap3A_585 {add = true, strides = array<i32>} : memref<136x256xf32, #tpu.memory_space<vmem>>, vector<1x16xf32>,
            %get3A_586 = arith.index_cast %squeeze3A_512 : i32 to index
            %get3A_587 = arith.constant 128 : index
            %get3A_588 = tpu.vector_load %arg7[%get3A_586, %get3A_587] {strides = array<i32>} : memref<128x256xf32, #tpu.memory_space<vmem>>, vector<1x16xf32>,
            %get3A_589 = vector.shape_cast %get3A_588 : vector<1x16xf32> to vector<16xf32>
            %swap3A_590 = arith.index_cast %squeeze3A_514 : i32 to index
            %swap3A_591 = arith.constant 128 : index
            %swap3A_592 = tpu.vector_load %arg8[%swap3A_590, %swap3A_591] {strides = array<i32>} : memref<136x256xf32, #tpu.memory_space<vmem>>, vector<1x16xf32>,
            %swap3A_593 = vector.shape_cast %swap3A_592 : vector<1x16xf32> to vector<16xf32>
            %swap3A_594 = vector.shape_cast %get3A_589 : vector<16xf32> to vector<1x16xf32>
            tpu.vector_store %arg8[%swap3A_590, %swap3A_591], %swap3A_594 {add = true, strides = array<i32>} : memref<136x256xf32, #tpu.memory_space<vmem>>, vector<1x16xf32>,
            %get3A_595 = arith.index_cast %squeeze3A_512 : i32 to index
            %get3A_596 = arith.constant 144 : index
            %get3A_597 = tpu.vector_load %arg7[%get3A_595, %get3A_596] {strides = array<i32>} : memref<128x256xf32, #tpu.memory_space<vmem>>, vector<1x16xf32>,
            %get3A_598 = vector.shape_cast %get3A_597 : vector<1x16xf32> to vector<16xf32>
            %swap3A_599 = arith.index_cast %squeeze3A_514 : i32 to index
            %swap3A_600 = arith.constant 144 : index
            %swap3A_601 = tpu.vector_load %arg8[%swap3A_599, %swap3A_600] {strides = array<i32>} : memref<136x256xf32, #tpu.memory_space<vmem>>, vector<1x16xf32>,
            %swap3A_602 = vector.shape_cast %swap3A_601 : vector<1x16xf32> to vector<16xf32>
            %swap3A_603 = vector.shape_cast %get3A_598 : vector<16xf32> to vector<1x16xf32>
            tpu.vector_store %arg8[%swap3A_599, %swap3A_600], %swap3A_603 {add = true, strides = array<i32>} : memref<136x256xf32, #tpu.memory_space<vmem>>, vector<1x16xf32>,
            %get3A_604 = arith.index_cast %squeeze3A_512 : i32 to index
            %get3A_605 = arith.constant 160 : index
            %get3A_606 = tpu.vector_load %arg7[%get3A_604, %get3A_605] {strides = array<i32>} : memref<128x256xf32, #tpu.memory_space<vmem>>, vector<1x16xf32>,
            %get3A_607 = vector.shape_cast %get3A_606 : vector<1x16xf32> to vector<16xf32>
            %swap3A_608 = arith.index_cast %squeeze3A_514 : i32 to index
            %swap3A_609 = arith.constant 160 : index
            %swap3A_610 = tpu.vector_load %arg8[%swap3A_608, %swap3A_609] {strides = array<i32>} : memref<136x256xf32, #tpu.memory_space<vmem>>, vector<1x16xf32>,
            %swap3A_611 = vector.shape_cast %swap3A_610 : vector<1x16xf32> to vector<16xf32>
            %swap3A_612 = vector.shape_cast %get3A_607 : vector<16xf32> to vector<1x16xf32>
            tpu.vector_store %arg8[%swap3A_608, %swap3A_609], %swap3A_612 {add = true, strides = array<i32>} : memref<136x256xf32, #tpu.memory_space<vmem>>, vector<1x16xf32>,
            %get3A_613 = arith.index_cast %squeeze3A_512 : i32 to index
            %get3A_614 = arith.constant 176 : index
            %get3A_615 = tpu.vector_load %arg7[%get3A_613, %get3A_614] {strides = array<i32>} : memref<128x256xf32, #tpu.memory_space<vmem>>, vector<1x16xf32>,
            %get3A_616 = vector.shape_cast %get3A_615 : vector<1x16xf32> to vector<16xf32>
            %swap3A_617 = arith.index_cast %squeeze3A_514 : i32 to index
            %swap3A_618 = arith.constant 176 : index
            %swap3A_619 = tpu.vector_load %arg8[%swap3A_617, %swap3A_618] {strides = array<i32>} : memref<136x256xf32, #tpu.memory_space<vmem>>, vector<1x16xf32>,
            %swap3A_620 = vector.shape_cast %swap3A_619 : vector<1x16xf32> to vector<16xf32>
            %swap3A_621 = vector.shape_cast %get3A_616 : vector<16xf32> to vector<1x16xf32>
            tpu.vector_store %arg8[%swap3A_617, %swap3A_618], %swap3A_621 {add = true, strides = array<i32>} : memref<136x256xf32, #tpu.memory_space<vmem>>, vector<1x16xf32>,
            %get3A_622 = arith.index_cast %squeeze3A_512 : i32 to index
            %get3A_623 = arith.constant 192 : index
            %get3A_624 = tpu.vector_load %arg7[%get3A_622, %get3A_623] {strides = array<i32>} : memref<128x256xf32, #tpu.memory_space<vmem>>, vector<1x16xf32>,
            %get3A_625 = vector.shape_cast %get3A_624 : vector<1x16xf32> to vector<16xf32>
            %swap3A_626 = arith.index_cast %squeeze3A_514 : i32 to index
            %swap3A_627 = arith.constant 192 : index
            %swap3A_628 = tpu.vector_load %arg8[%swap3A_626, %swap3A_627] {strides = array<i32>} : memref<136x256xf32, #tpu.memory_space<vmem>>, vector<1x16xf32>,
            %swap3A_629 = vector.shape_cast %swap3A_628 : vector<1x16xf32> to vector<16xf32>
            %swap3A_630 = vector.shape_cast %get3A_625 : vector<16xf32> to vector<1x16xf32>
            tpu.vector_store %arg8[%swap3A_626, %swap3A_627], %swap3A_630 {add = true, strides = array<i32>} : memref<136x256xf32, #tpu.memory_space<vmem>>, vector<1x16xf32>,
            %get3A_631 = arith.index_cast %squeeze3A_512 : i32 to index
            %get3A_632 = arith.constant 208 : index
            %get3A_633 = tpu.vector_load %arg7[%get3A_631, %get3A_632] {strides = array<i32>} : memref<128x256xf32, #tpu.memory_space<vmem>>, vector<1x16xf32>,
            %get3A_634 = vector.shape_cast %get3A_633 : vector<1x16xf32> to vector<16xf32>
            %swap3A_635 = arith.index_cast %squeeze3A_514 : i32 to index
            %swap3A_636 = arith.constant 208 : index
            %swap3A_637 = tpu.vector_load %arg8[%swap3A_635, %swap3A_636] {strides = array<i32>} : memref<136x256xf32, #tpu.memory_space<vmem>>, vector<1x16xf32>,
            %swap3A_638 = vector.shape_cast %swap3A_637 : vector<1x16xf32> to vector<16xf32>
            %swap3A_639 = vector.shape_cast %get3A_634 : vector<16xf32> to vector<1x16xf32>
            tpu.vector_store %arg8[%swap3A_635, %swap3A_636], %swap3A_639 {add = true, strides = array<i32>} : memref<136x256xf32, #tpu.memory_space<vmem>>, vector<1x16xf32>,
            %get3A_640 = arith.index_cast %squeeze3A_512 : i32 to index
            %get3A_641 = arith.constant 224 : index
            %get3A_642 = tpu.vector_load %arg7[%get3A_640, %get3A_641] {strides = array<i32>} : memref<128x256xf32, #tpu.memory_space<vmem>>, vector<1x16xf32>,
            %get3A_643 = vector.shape_cast %get3A_642 : vector<1x16xf32> to vector<16xf32>
            %swap3A_644 = arith.index_cast %squeeze3A_514 : i32 to index
            %swap3A_645 = arith.constant 224 : index
            %swap3A_646 = tpu.vector_load %arg8[%swap3A_644, %swap3A_645] {strides = array<i32>} : memref<136x256xf32, #tpu.memory_space<vmem>>, vector<1x16xf32>,
            %swap3A_647 = vector.shape_cast %swap3A_646 : vector<1x16xf32> to vector<16xf32>
            %swap3A_648 = vector.shape_cast %get3A_643 : vector<16xf32> to vector<1x16xf32>
            tpu.vector_store %arg8[%swap3A_644, %swap3A_645], %swap3A_648 {add = true, strides = array<i32>} : memref<136x256xf32, #tpu.memory_space<vmem>>, vector<1x16xf32>,
            %get3A_649 = arith.index_cast %squeeze3A_512 : i32 to index
            %get3A_650 = arith.constant 240 : index
            %get3A_651 = tpu.vector_load %arg7[%get3A_649, %get3A_650] {strides = array<i32>} : memref<128x256xf32, #tpu.memory_space<vmem>>, vector<1x16xf32>,
            %get3A_652 = vector.shape_cast %get3A_651 : vector<1x16xf32> to vector<16xf32>
            %swap3A_653 = arith.index_cast %squeeze3A_514 : i32 to index
            %swap3A_654 = arith.constant 240 : index
            %swap3A_655 = tpu.vector_load %arg8[%swap3A_653, %swap3A_654] {strides = array<i32>} : memref<136x256xf32, #tpu.memory_space<vmem>>, vector<1x16xf32>,
            %swap3A_656 = vector.shape_cast %swap3A_655 : vector<1x16xf32> to vector<16xf32>
            %swap3A_657 = vector.shape_cast %get3A_652 : vector<16xf32> to vector<1x16xf32>
            tpu.vector_store %arg8[%swap3A_653, %swap3A_654], %swap3A_657 {add = true, strides = array<i32>} : memref<136x256xf32, #tpu.memory_space<vmem>>, vector<1x16xf32>,
            %slice3A_658 = vector.extract_strided_slice %select_n3A_502 {offsets = [1], sizes = [1], strides = [1]} : vector<16xi32> to vector<1xi32>
            %squeeze3A_659 = vector.extract %slice3A_658[0] : i32 from vector<1xi32>
            %slice3A_660 = vector.extract_strided_slice %select_n3A_510 {offsets = [1], sizes = [1], strides = [1]} : vector<16xi32> to vector<1xi32>
            %squeeze3A_661 = vector.extract %slice3A_660[0] : i32 from vector<1xi32>
            %get3A_662 = arith.index_cast %squeeze3A_659 : i32 to index
            %get3A_663 = arith.constant 0 : index
            %get3A_664 = tpu.vector_load %arg7[%get3A_662, %get3A_663] {strides = array<i32>} : memref<128x256xf32, #tpu.memory_space<vmem>>, vector<1x16xf32>,
            %get3A_665 = vector.shape_cast %get3A_664 : vector<1x16xf32> to vector<16xf32>
            %swap3A_666 = arith.index_cast %squeeze3A_661 : i32 to index
            %swap3A_667 = arith.constant 0 : index
            %swap3A_668 = tpu.vector_load %arg8[%swap3A_666, %swap3A_667] {strides = array<i32>} : memref<136x256xf32, #tpu.memory_space<vmem>>, vector<1x16xf32>,
            %swap3A_669 = vector.shape_cast %swap3A_668 : vector<1x16xf32> to vector<16xf32>
            %swap3A_670 = vector.shape_cast %get3A_665 : vector<16xf32> to vector<1x16xf32>
            tpu.vector_store %arg8[%swap3A_666, %swap3A_667], %swap3A_670 {add = true, strides = array<i32>} : memref<136x256xf32, #tpu.memory_space<vmem>>, vector<1x16xf32>,
            %get3A_671 = arith.index_cast %squeeze3A_659 : i32 to index
            %get3A_672 = arith.constant 16 : index
            %get3A_673 = tpu.vector_load %arg7[%get3A_671, %get3A_672] {strides = array<i32>} : memref<128x256xf32, #tpu.memory_space<vmem>>, vector<1x16xf32>,
            %get3A_674 = vector.shape_cast %get3A_673 : vector<1x16xf32> to vector<16xf32>
            %swap3A_675 = arith.index_cast %squeeze3A_661 : i32 to index
            %swap3A_676 = arith.constant 16 : index
            %swap3A_677 = tpu.vector_load %arg8[%swap3A_675, %swap3A_676] {strides = array<i32>} : memref<136x256xf32, #tpu.memory_space<vmem>>, vector<1x16xf32>,
            %swap3A_678 = vector.shape_cast %swap3A_677 : vector<1x16xf32> to vector<16xf32>
            %swap3A_679 = vector.shape_cast %get3A_674 : vector<16xf32> to vector<1x16xf32>
            tpu.vector_store %arg8[%swap3A_675, %swap3A_676], %swap3A_679 {add = true, strides = array<i32>} : memref<136x256xf32, #tpu.memory_space<vmem>>, vector<1x16xf32>,
            %get3A_680 = arith.index_cast %squeeze3A_659 : i32 to index
            %get3A_681 = arith.constant 32 : index
            %get3A_682 = tpu.vector_load %arg7[%get3A_680, %get3A_681] {strides = array<i32>} : memref<128x256xf32, #tpu.memory_space<vmem>>, vector<1x16xf32>,
            %get3A_683 = vector.shape_cast %get3A_682 : vector<1x16xf32> to vector<16xf32>
            %swap3A_684 = arith.index_cast %squeeze3A_661 : i32 to index
            %swap3A_685 = arith.constant 32 : index
            %swap3A_686 = tpu.vector_load %arg8[%swap3A_684, %swap3A_685] {strides = array<i32>} : memref<136x256xf32, #tpu.memory_space<vmem>>, vector<1x16xf32>,
            %swap3A_687 = vector.shape_cast %swap3A_686 : vector<1x16xf32> to vector<16xf32>
            %swap3A_688 = vector.shape_cast %get3A_683 : vector<16xf32> to vector<1x16xf32>
            tpu.vector_store %arg8[%swap3A_684, %swap3A_685], %swap3A_688 {add = true, strides = array<i32>} : memref<136x256xf32, #tpu.memory_space<vmem>>, vector<1x16xf32>,
            %get3A_689 = arith.index_cast %squeeze3A_659 : i32 to index
            %get3A_690 = arith.constant 48 : index
            %get3A_691 = tpu.vector_load %arg7[%get3A_689, %get3A_690] {strides = array<i32>} : memref<128x256xf32, #tpu.memory_space<vmem>>, vector<1x16xf32>,
            %get3A_692 = vector.shape_cast %get3A_691 : vector<1x16xf32> to vector<16xf32>
            %swap3A_693 = arith.index_cast %squeeze3A_661 : i32 to index
            %swap3A_694 = arith.constant 48 : index
            %swap3A_695 = tpu.vector_load %arg8[%swap3A_693, %swap3A_694] {strides = array<i32>} : memref<136x256xf32, #tpu.memory_space<vmem>>, vector<1x16xf32>,
            %swap3A_696 = vector.shape_cast %swap3A_695 : vector<1x16xf32> to vector<16xf32>
            %swap3A_697 = vector.shape_cast %get3A_692 : vector<16xf32> to vector<1x16xf32>
            tpu.vector_store %arg8[%swap3A_693, %swap3A_694], %swap3A_697 {add = true, strides = array<i32>} : memref<136x256xf32, #tpu.memory_space<vmem>>, vector<1x16xf32>,
            %get3A_698 = arith.index_cast %squeeze3A_659 : i32 to index
            %get3A_699 = arith.constant 64 : index
            %get3A_700 = tpu.vector_load %arg7[%get3A_698, %get3A_699] {strides = array<i32>} : memref<128x256xf32, #tpu.memory_space<vmem>>, vector<1x16xf32>,
            %get3A_701 = vector.shape_cast %get3A_700 : vector<1x16xf32> to vector<16xf32>
            %swap3A_702 = arith.index_cast %squeeze3A_661 : i32 to index
            %swap3A_703 = arith.constant 64 : index
            %swap3A_704 = tpu.vector_load %arg8[%swap3A_702, %swap3A_703] {strides = array<i32>} : memref<136x256xf32, #tpu.memory_space<vmem>>, vector<1x16xf32>,
            %swap3A_705 = vector.shape_cast %swap3A_704 : vector<1x16xf32> to vector<16xf32>
            %swap3A_706 = vector.shape_cast %get3A_701 : vector<16xf32> to vector<1x16xf32>
            tpu.vector_store %arg8[%swap3A_702, %swap3A_703], %swap3A_706 {add = true, strides = array<i32>} : memref<136x256xf32, #tpu.memory_space<vmem>>, vector<1x16xf32>,
            %get3A_707 = arith.index_cast %squeeze3A_659 : i32 to index
            %get3A_708 = arith.constant 80 : index
            %get3A_709 = tpu.vector_load %arg7[%get3A_707, %get3A_708] {strides = array<i32>} : memref<128x256xf32, #tpu.memory_space<vmem>>, vector<1x16xf32>,
            %get3A_710 = vector.shape_cast %get3A_709 : vector<1x16xf32> to vector<16xf32>
            %swap3A_711 = arith.index_cast %squeeze3A_661 : i32 to index
            %swap3A_712 = arith.constant 80 : index
            %swap3A_713 = tpu.vector_load %arg8[%swap3A_711, %swap3A_712] {strides = array<i32>} : memref<136x256xf32, #tpu.memory_space<vmem>>, vector<1x16xf32>,
            %swap3A_714 = vector.shape_cast %swap3A_713 : vector<1x16xf32> to vector<16xf32>
            %swap3A_715 = vector.shape_cast %get3A_710 : vector<16xf32> to vector<1x16xf32>
            tpu.vector_store %arg8[%swap3A_711, %swap3A_712], %swap3A_715 {add = true, strides = array<i32>} : memref<136x256xf32, #tpu.memory_space<vmem>>, vector<1x16xf32>,
            %get3A_716 = arith.index_cast %squeeze3A_659 : i32 to index
            %get3A_717 = arith.constant 96 : index
            %get3A_718 = tpu.vector_load %arg7[%get3A_716, %get3A_717] {strides = array<i32>} : memref<128x256xf32, #tpu.memory_space<vmem>>, vector<1x16xf32>,
            %get3A_719 = vector.shape_cast %get3A_718 : vector<1x16xf32> to vector<16xf32>
            %swap3A_720 = arith.index_cast %squeeze3A_661 : i32 to index
            %swap3A_721 = arith.constant 96 : index
            %swap3A_722 = tpu.vector_load %arg8[%swap3A_720, %swap3A_721] {strides = array<i32>} : memref<136x256xf32, #tpu.memory_space<vmem>>, vector<1x16xf32>,
            %swap3A_723 = vector.shape_cast %swap3A_722 : vector<1x16xf32> to vector<16xf32>
            %swap3A_724 = vector.shape_cast %get3A_719 : vector<16xf32> to vector<1x16xf32>
            tpu.vector_store %arg8[%swap3A_720, %swap3A_721], %swap3A_724 {add = true, strides = array<i32>} : memref<136x256xf32, #tpu.memory_space<vmem>>, vector<1x16xf32>,
            %get3A_725 = arith.index_cast %squeeze3A_659 : i32 to index
            %get3A_726 = arith.constant 112 : index
            %get3A_727 = tpu.vector_load %arg7[%get3A_725, %get3A_726] {strides = array<i32>} : memref<128x256xf32, #tpu.memory_space<vmem>>, vector<1x16xf32>,
            %get3A_728 = vector.shape_cast %get3A_727 : vector<1x16xf32> to vector<16xf32>
            %swap3A_729 = arith.index_cast %squeeze3A_661 : i32 to index
            %swap3A_730 = arith.constant 112 : index
            %swap3A_731 = tpu.vector_load %arg8[%swap3A_729, %swap3A_730] {strides = array<i32>} : memref<136x256xf32, #tpu.memory_space<vmem>>, vector<1x16xf32>,
            %swap3A_732 = vector.shape_cast %swap3A_731 : vector<1x16xf32> to vector<16xf32>
            %swap3A_733 = vector.shape_cast %get3A_728 : vector<16xf32> to vector<1x16xf32>
            tpu.vector_store %arg8[%swap3A_729, %swap3A_730], %swap3A_733 {add = true, strides = array<i32>} : memref<136x256xf32, #tpu.memory_space<vmem>>, vector<1x16xf32>,
            %get3A_734 = arith.index_cast %squeeze3A_659 : i32 to index
            %get3A_735 = arith.constant 128 : index
            %get3A_736 = tpu.vector_load %arg7[%get3A_734, %get3A_735] {strides = array<i32>} : memref<128x256xf32, #tpu.memory_space<vmem>>, vector<1x16xf32>,
            %get3A_737 = vector.shape_cast %get3A_736 : vector<1x16xf32> to vector<16xf32>
            %swap3A_738 = arith.index_cast %squeeze3A_661 : i32 to index
            %swap3A_739 = arith.constant 128 : index
            %swap3A_740 = tpu.vector_load %arg8[%swap3A_738, %swap3A_739] {strides = array<i32>} : memref<136x256xf32, #tpu.memory_space<vmem>>, vector<1x16xf32>,
            %swap3A_741 = vector.shape_cast %swap3A_740 : vector<1x16xf32> to vector<16xf32>
            %swap3A_742 = vector.shape_cast %get3A_737 : vector<16xf32> to vector<1x16xf32>
            tpu.vector_store %arg8[%swap3A_738, %swap3A_739], %swap3A_742 {add = true, strides = array<i32>} : memref<136x256xf32, #tpu.memory_space<vmem>>, vector<1x16xf32>,
            %get3A_743 = arith.index_cast %squeeze3A_659 : i32 to index
            %get3A_744 = arith.constant 144 : index
            %get3A_745 = tpu.vector_load %arg7[%get3A_743, %get3A_744] {strides = array<i32>} : memref<128x256xf32, #tpu.memory_space<vmem>>, vector<1x16xf32>,
            %get3A_746 = vector.shape_cast %get3A_745 : vector<1x16xf32> to vector<16xf32>
            %swap3A_747 = arith.index_cast %squeeze3A_661 : i32 to index
            %swap3A_748 = arith.constant 144 : index
            %swap3A_749 = tpu.vector_load %arg8[%swap3A_747, %swap3A_748] {strides = array<i32>} : memref<136x256xf32, #tpu.memory_space<vmem>>, vector<1x16xf32>,
            %swap3A_750 = vector.shape_cast %swap3A_749 : vector<1x16xf32> to vector<16xf32>
            %swap3A_751 = vector.shape_cast %get3A_746 : vector<16xf32> to vector<1x16xf32>
            tpu.vector_store %arg8[%swap3A_747, %swap3A_748], %swap3A_751 {add = true, strides = array<i32>} : memref<136x256xf32, #tpu.memory_space<vmem>>, vector<1x16xf32>,
            %get3A_752 = arith.index_cast %squeeze3A_659 : i32 to index
            %get3A_753 = arith.constant 160 : index
            %get3A_754 = tpu.vector_load %arg7[%get3A_752, %get3A_753] {strides = array<i32>} : memref<128x256xf32, #tpu.memory_space<vmem>>, vector<1x16xf32>,
            %get3A_755 = vector.shape_cast %get3A_754 : vector<1x16xf32> to vector<16xf32>
            %swap3A_756 = arith.index_cast %squeeze3A_661 : i32 to index
            %swap3A_757 = arith.constant 160 : index
            %swap3A_758 = tpu.vector_load %arg8[%swap3A_756, %swap3A_757] {strides = array<i32>} : memref<136x256xf32, #tpu.memory_space<vmem>>, vector<1x16xf32>,
            %swap3A_759 = vector.shape_cast %swap3A_758 : vector<1x16xf32> to vector<16xf32>
            %swap3A_760 = vector.shape_cast %get3A_755 : vector<16xf32> to vector<1x16xf32>
            tpu.vector_store %arg8[%swap3A_756, %swap3A_757], %swap3A_760 {add = true, strides = array<i32>} : memref<136x256xf32, #tpu.memory_space<vmem>>, vector<1x16xf32>,
            %get3A_761 = arith.index_cast %squeeze3A_659 : i32 to index
            %get3A_762 = arith.constant 176 : index
            %get3A_763 = tpu.vector_load %arg7[%get3A_761, %get3A_762] {strides = array<i32>} : memref<128x256xf32, #tpu.memory_space<vmem>>, vector<1x16xf32>,
            %get3A_764 = vector.shape_cast %get3A_763 : vector<1x16xf32> to vector<16xf32>
            %swap3A_765 = arith.index_cast %squeeze3A_661 : i32 to index
            %swap3A_766 = arith.constant 176 : index
            %swap3A_767 = tpu.vector_load %arg8[%swap3A_765, %swap3A_766] {strides = array<i32>} : memref<136x256xf32, #tpu.memory_space<vmem>>, vector<1x16xf32>,
            %swap3A_768 = vector.shape_cast %swap3A_767 : vector<1x16xf32> to vector<16xf32>
            %swap3A_769 = vector.shape_cast %get3A_764 : vector<16xf32> to vector<1x16xf32>
            tpu.vector_store %arg8[%swap3A_765, %swap3A_766], %swap3A_769 {add = true, strides = array<i32>} : memref<136x256xf32, #tpu.memory_space<vmem>>, vector<1x16xf32>,
            %get3A_770 = arith.index_cast %squeeze3A_659 : i32 to index
            %get3A_771 = arith.constant 192 : index
            %get3A_772 = tpu.vector_load %arg7[%get3A_770, %get3A_771] {strides = array<i32>} : memref<128x256xf32, #tpu.memory_space<vmem>>, vector<1x16xf32>,
            %get3A_773 = vector.shape_cast %get3A_772 : vector<1x16xf32> to vector<16xf32>
            %swap3A_774 = arith.index_cast %squeeze3A_661 : i32 to index
            %swap3A_775 = arith.constant 192 : index
            %swap3A_776 = tpu.vector_load %arg8[%swap3A_774, %swap3A_775] {strides = array<i32>} : memref<136x256xf32, #tpu.memory_space<vmem>>, vector<1x16xf32>,
            %swap3A_777 = vector.shape_cast %swap3A_776 : vector<1x16xf32> to vector<16xf32>
            %swap3A_778 = vector.shape_cast %get3A_773 : vector<16xf32> to vector<1x16xf32>
            tpu.vector_store %arg8[%swap3A_774, %swap3A_775], %swap3A_778 {add = true, strides = array<i32>} : memref<136x256xf32, #tpu.memory_space<vmem>>, vector<1x16xf32>,
            %get3A_779 = arith.index_cast %squeeze3A_659 : i32 to index
            %get3A_780 = arith.constant 208 : index
            %get3A_781 = tpu.vector_load %arg7[%get3A_779, %get3A_780] {strides = array<i32>} : memref<128x256xf32, #tpu.memory_space<vmem>>, vector<1x16xf32>,
            %get3A_782 = vector.shape_cast %get3A_781 : vector<1x16xf32> to vector<16xf32>
            %swap3A_783 = arith.index_cast %squeeze3A_661 : i32 to index
            %swap3A_784 = arith.constant 208 : index
            %swap3A_785 = tpu.vector_load %arg8[%swap3A_783, %swap3A_784] {strides = array<i32>} : memref<136x256xf32, #tpu.memory_space<vmem>>, vector<1x16xf32>,
            %swap3A_786 = vector.shape_cast %swap3A_785 : vector<1x16xf32> to vector<16xf32>
            %swap3A_787 = vector.shape_cast %get3A_782 : vector<16xf32> to vector<1x16xf32>
            tpu.vector_store %arg8[%swap3A_783, %swap3A_784], %swap3A_787 {add = true, strides = array<i32>} : memref<136x256xf32, #tpu.memory_space<vmem>>, vector<1x16xf32>,
            %get3A_788 = arith.index_cast %squeeze3A_659 : i32 to index
            %get3A_789 = arith.constant 224 : index
            %get3A_790 = tpu.vector_load %arg7[%get3A_788, %get3A_789] {strides = array<i32>} : memref<128x256xf32, #tpu.memory_space<vmem>>, vector<1x16xf32>,
            %get3A_791 = vector.shape_cast %get3A_790 : vector<1x16xf32> to vector<16xf32>
            %swap3A_792 = arith.index_cast %squeeze3A_661 : i32 to index
            %swap3A_793 = arith.constant 224 : index
            %swap3A_794 = tpu.vector_load %arg8[%swap3A_792, %swap3A_793] {strides = array<i32>} : memref<136x256xf32, #tpu.memory_space<vmem>>, vector<1x16xf32>,
            %swap3A_795 = vector.shape_cast %swap3A_794 : vector<1x16xf32> to vector<16xf32>
            %swap3A_796 = vector.shape_cast %get3A_791 : vector<16xf32> to vector<1x16xf32>
            tpu.vector_store %arg8[%swap3A_792, %swap3A_793], %swap3A_796 {add = true, strides = array<i32>} : memref<136x256xf32, #tpu.memory_space<vmem>>, vector<1x16xf32>,
            %get3A_797 = arith.index_cast %squeeze3A_659 : i32 to index
            %get3A_798 = arith.constant 240 : index
            %get3A_799 = tpu.vector_load %arg7[%get3A_797, %get3A_798] {strides = array<i32>} : memref<128x256xf32, #tpu.memory_space<vmem>>, vector<1x16xf32>,
            %get3A_800 = vector.shape_cast %get3A_799 : vector<1x16xf32> to vector<16xf32>
            %swap3A_801 = arith.index_cast %squeeze3A_661 : i32 to index
            %swap3A_802 = arith.constant 240 : index
            %swap3A_803 = tpu.vector_load %arg8[%swap3A_801, %swap3A_802] {strides = array<i32>} : memref<136x256xf32, #tpu.memory_space<vmem>>, vector<1x16xf32>,
            %swap3A_804 = vector.shape_cast %swap3A_803 : vector<1x16xf32> to vector<16xf32>
            %swap3A_805 = vector.shape_cast %get3A_800 : vector<16xf32> to vector<1x16xf32>
            tpu.vector_store %arg8[%swap3A_801, %swap3A_802], %swap3A_805 {add = true, strides = array<i32>} : memref<136x256xf32, #tpu.memory_space<vmem>>, vector<1x16xf32>,
            %slice3A_806 = vector.extract_strided_slice %select_n3A_502 {offsets = [2], sizes = [1], strides = [1]} : vector<16xi32> to vector<1xi32>
            %squeeze3A_807 = vector.extract %slice3A_806[0] : i32 from vector<1xi32>
            %slice3A_808 = vector.extract_strided_slice %select_n3A_510 {offsets = [2], sizes = [1], strides = [1]} : vector<16xi32> to vector<1xi32>
            %squeeze3A_809 = vector.extract %slice3A_808[0] : i32 from vector<1xi32>
            %get3A_810 = arith.index_cast %squeeze3A_807 : i32 to index
            %get3A_811 = arith.constant 0 : index
            %get3A_812 = tpu.vector_load %arg7[%get3A_810, %get3A_811] {strides = array<i32>} : memref<128x256xf32, #tpu.memory_space<vmem>>, vector<1x16xf32>,
            %get3A_813 = vector.shape_cast %get3A_812 : vector<1x16xf32> to vector<16xf32>
            %swap3A_814 = arith.index_cast %squeeze3A_809 : i32 to index
            %swap3A_815 = arith.constant 0 : index
            %swap3A_816 = tpu.vector_load %arg8[%swap3A_814, %swap3A_815] {strides = array<i32>} : memref<136x256xf32, #tpu.memory_space<vmem>>, vector<1x16xf32>,
            %swap3A_817 = vector.shape_cast %swap3A_816 : vector<1x16xf32> to vector<16xf32>
            %swap3A_818 = vector.shape_cast %get3A_813 : vector<16xf32> to vector<1x16xf32>
            tpu.vector_store %arg8[%swap3A_814, %swap3A_815], %swap3A_818 {add = true, strides = array<i32>} : memref<136x256xf32, #tpu.memory_space<vmem>>, vector<1x16xf32>,
            %get3A_819 = arith.index_cast %squeeze3A_807 : i32 to index
            %get3A_820 = arith.constant 16 : index
            %get3A_821 = tpu.vector_load %arg7[%get3A_819, %get3A_820] {strides = array<i32>} : memref<128x256xf32, #tpu.memory_space<vmem>>, vector<1x16xf32>,
            %get3A_822 = vector.shape_cast %get3A_821 : vector<1x16xf32> to vector<16xf32>
            %swap3A_823 = arith.index_cast %squeeze3A_809 : i32 to index
            %swap3A_824 = arith.constant 16 : index
            %swap3A_825 = tpu.vector_load %arg8[%swap3A_823, %swap3A_824] {strides = array<i32>} : memref<136x256xf32, #tpu.memory_space<vmem>>, vector<1x16xf32>,
            %swap3A_826 = vector.shape_cast %swap3A_825 : vector<1x16xf32> to vector<16xf32>
            %swap3A_827 = vector.shape_cast %get3A_822 : vector<16xf32> to vector<1x16xf32>
            tpu.vector_store %arg8[%swap3A_823, %swap3A_824], %swap3A_827 {add = true, strides = array<i32>} : memref<136x256xf32, #tpu.memory_space<vmem>>, vector<1x16xf32>,
            %get3A_828 = arith.index_cast %squeeze3A_807 : i32 to index
            %get3A_829 = arith.constant 32 : index
            %get3A_830 = tpu.vector_load %arg7[%get3A_828, %get3A_829] {strides = array<i32>} : memref<128x256xf32, #tpu.memory_space<vmem>>, vector<1x16xf32>,
            %get3A_831 = vector.shape_cast %get3A_830 : vector<1x16xf32> to vector<16xf32>
            %swap3A_832 = arith.index_cast %squeeze3A_809 : i32 to index
            %swap3A_833 = arith.constant 32 : index
            %swap3A_834 = tpu.vector_load %arg8[%swap3A_832, %swap3A_833] {strides = array<i32>} : memref<136x256xf32, #tpu.memory_space<vmem>>, vector<1x16xf32>,
            %swap3A_835 = vector.shape_cast %swap3A_834 : vector<1x16xf32> to vector<16xf32>
            %swap3A_836 = vector.shape_cast %get3A_831 : vector<16xf32> to vector<1x16xf32>
            tpu.vector_store %arg8[%swap3A_832, %swap3A_833], %swap3A_836 {add = true, strides = array<i32>} : memref<136x256xf32, #tpu.memory_space<vmem>>, vector<1x16xf32>,
            %get3A_837 = arith.index_cast %squeeze3A_807 : i32 to index
            %get3A_838 = arith.constant 48 : index
            %get3A_839 = tpu.vector_load %arg7[%get3A_837, %get3A_838] {strides = array<i32>} : memref<128x256xf32, #tpu.memory_space<vmem>>, vector<1x16xf32>,
            %get3A_840 = vector.shape_cast %get3A_839 : vector<1x16xf32> to vector<16xf32>
            %swap3A_841 = arith.index_cast %squeeze3A_809 : i32 to index
            %swap3A_842 = arith.constant 48 : index
            %swap3A_843 = tpu.vector_load %arg8[%swap3A_841, %swap3A_842] {strides = array<i32>} : memref<136x256xf32, #tpu.memory_space<vmem>>, vector<1x16xf32>,
            %swap3A_844 = vector.shape_cast %swap3A_843 : vector<1x16xf32> to vector<16xf32>
            %swap3A_845 = vector.shape_cast %get3A_840 : vector<16xf32> to vector<1x16xf32>
            tpu.vector_store %arg8[%swap3A_841, %swap3A_842], %swap3A_845 {add = true, strides = array<i32>} : memref<136x256xf32, #tpu.memory_space<vmem>>, vector<1x16xf32>,
            %get3A_846 = arith.index_cast %squeeze3A_807 : i32 to index
            %get3A_847 = arith.constant 64 : index
            %get3A_848 = tpu.vector_load %arg7[%get3A_846, %get3A_847] {strides = array<i32>} : memref<128x256xf32, #tpu.memory_space<vmem>>, vector<1x16xf32>,
            %get3A_849 = vector.shape_cast %get3A_848 : vector<1x16xf32> to vector<16xf32>
            %swap3A_850 = arith.index_cast %squeeze3A_809 : i32 to index
            %swap3A_851 = arith.constant 64 : index
            %swap3A_852 = tpu.vector_load %arg8[%swap3A_850, %swap3A_851] {strides = array<i32>} : memref<136x256xf32, #tpu.memory_space<vmem>>, vector<1x16xf32>,
            %swap3A_853 = vector.shape_cast %swap3A_852 : vector<1x16xf32> to vector<16xf32>
            %swap3A_854 = vector.shape_cast %get3A_849 : vector<16xf32> to vector<1x16xf32>
            tpu.vector_store %arg8[%swap3A_850, %swap3A_851], %swap3A_854 {add = true, strides = array<i32>} : memref<136x256xf32, #tpu.memory_space<vmem>>, vector<1x16xf32>,
            %get3A_855 = arith.index_cast %squeeze3A_807 : i32 to index
            %get3A_856 = arith.constant 80 : index
            %get3A_857 = tpu.vector_load %arg7[%get3A_855, %get3A_856] {strides = array<i32>} : memref<128x256xf32, #tpu.memory_space<vmem>>, vector<1x16xf32>,
            %get3A_858 = vector.shape_cast %get3A_857 : vector<1x16xf32> to vector<16xf32>
            %swap3A_859 = arith.index_cast %squeeze3A_809 : i32 to index
            %swap3A_860 = arith.constant 80 : index
            %swap3A_861 = tpu.vector_load %arg8[%swap3A_859, %swap3A_860] {strides = array<i32>} : memref<136x256xf32, #tpu.memory_space<vmem>>, vector<1x16xf32>,
            %swap3A_862 = vector.shape_cast %swap3A_861 : vector<1x16xf32> to vector<16xf32>
            %swap3A_863 = vector.shape_cast %get3A_858 : vector<16xf32> to vector<1x16xf32>
            tpu.vector_store %arg8[%swap3A_859, %swap3A_860], %swap3A_863 {add = true, strides = array<i32>} : memref<136x256xf32, #tpu.memory_space<vmem>>, vector<1x16xf32>,
            %get3A_864 = arith.index_cast %squeeze3A_807 : i32 to index
            %get3A_865 = arith.constant 96 : index
            %get3A_866 = tpu.vector_load %arg7[%get3A_864, %get3A_865] {strides = array<i32>} : memref<128x256xf32, #tpu.memory_space<vmem>>, vector<1x16xf32>,
            %get3A_867 = vector.shape_cast %get3A_866 : vector<1x16xf32> to vector<16xf32>
            %swap3A_868 = arith.index_cast %squeeze3A_809 : i32 to index
            %swap3A_869 = arith.constant 96 : index
            %swap3A_870 = tpu.vector_load %arg8[%swap3A_868, %swap3A_869] {strides = array<i32>} : memref<136x256xf32, #tpu.memory_space<vmem>>, vector<1x16xf32>,
            %swap3A_871 = vector.shape_cast %swap3A_870 : vector<1x16xf32> to vector<16xf32>
            %swap3A_872 = vector.shape_cast %get3A_867 : vector<16xf32> to vector<1x16xf32>
            tpu.vector_store %arg8[%swap3A_868, %swap3A_869], %swap3A_872 {add = true, strides = array<i32>} : memref<136x256xf32, #tpu.memory_space<vmem>>, vector<1x16xf32>,
            %get3A_873 = arith.index_cast %squeeze3A_807 : i32 to index
            %get3A_874 = arith.constant 112 : index
            %get3A_875 = tpu.vector_load %arg7[%get3A_873, %get3A_874] {strides = array<i32>} : memref<128x256xf32, #tpu.memory_space<vmem>>, vector<1x16xf32>,
            %get3A_876 = vector.shape_cast %get3A_875 : vector<1x16xf32> to vector<16xf32>
            %swap3A_877 = arith.index_cast %squeeze3A_809 : i32 to index
            %swap3A_878 = arith.constant 112 : index
            %swap3A_879 = tpu.vector_load %arg8[%swap3A_877, %swap3A_878] {strides = array<i32>} : memref<136x256xf32, #tpu.memory_space<vmem>>, vector<1x16xf32>,
            %swap3A_880 = vector.shape_cast %swap3A_879 : vector<1x16xf32> to vector<16xf32>
            %swap3A_881 = vector.shape_cast %get3A_876 : vector<16xf32> to vector<1x16xf32>
            tpu.vector_store %arg8[%swap3A_877, %swap3A_878], %swap3A_881 {add = true, strides = array<i32>} : memref<136x256xf32, #tpu.memory_space<vmem>>, vector<1x16xf32>,
            %get3A_882 = arith.index_cast %squeeze3A_807 : i32 to index
            %get3A_883 = arith.constant 128 : index
            %get3A_884 = tpu.vector_load %arg7[%get3A_882, %get3A_883] {strides = array<i32>} : memref<128x256xf32, #tpu.memory_space<vmem>>, vector<1x16xf32>,
            %get3A_885 = vector.shape_cast %get3A_884 : vector<1x16xf32> to vector<16xf32>
            %swap3A_886 = arith.index_cast %squeeze3A_809 : i32 to index
            %swap3A_887 = arith.constant 128 : index
            %swap3A_888 = tpu.vector_load %arg8[%swap3A_886, %swap3A_887] {strides = array<i32>} : memref<136x256xf32, #tpu.memory_space<vmem>>, vector<1x16xf32>,
            %swap3A_889 = vector.shape_cast %swap3A_888 : vector<1x16xf32> to vector<16xf32>
            %swap3A_890 = vector.shape_cast %get3A_885 : vector<16xf32> to vector<1x16xf32>
            tpu.vector_store %arg8[%swap3A_886, %swap3A_887], %swap3A_890 {add = true, strides = array<i32>} : memref<136x256xf32, #tpu.memory_space<vmem>>, vector<1x16xf32>,
            %get3A_891 = arith.index_cast %squeeze3A_807 : i32 to index
            %get3A_892 = arith.constant 144 : index
            %get3A_893 = tpu.vector_load %arg7[%get3A_891, %get3A_892] {strides = array<i32>} : memref<128x256xf32, #tpu.memory_space<vmem>>, vector<1x16xf32>,
            %get3A_894 = vector.shape_cast %get3A_893 : vector<1x16xf32> to vector<16xf32>
            %swap3A_895 = arith.index_cast %squeeze3A_809 : i32 to index
            %swap3A_896 = arith.constant 144 : index
            %swap3A_897 = tpu.vector_load %arg8[%swap3A_895, %swap3A_896] {strides = array<i32>} : memref<136x256xf32, #tpu.memory_space<vmem>>, vector<1x16xf32>,
            %swap3A_898 = vector.shape_cast %swap3A_897 : vector<1x16xf32> to vector<16xf32>
            %swap3A_899 = vector.shape_cast %get3A_894 : vector<16xf32> to vector<1x16xf32>
            tpu.vector_store %arg8[%swap3A_895, %swap3A_896], %swap3A_899 {add = true, strides = array<i32>} : memref<136x256xf32, #tpu.memory_space<vmem>>, vector<1x16xf32>,
            %get3A_900 = arith.index_cast %squeeze3A_807 : i32 to index
            %get3A_901 = arith.constant 160 : index
            %get3A_902 = tpu.vector_load %arg7[%get3A_900, %get3A_901] {strides = array<i32>} : memref<128x256xf32, #tpu.memory_space<vmem>>, vector<1x16xf32>,
            %get3A_903 = vector.shape_cast %get3A_902 : vector<1x16xf32> to vector<16xf32>
            %swap3A_904 = arith.index_cast %squeeze3A_809 : i32 to index
            %swap3A_905 = arith.constant 160 : index
            %swap3A_906 = tpu.vector_load %arg8[%swap3A_904, %swap3A_905] {strides = array<i32>} : memref<136x256xf32, #tpu.memory_space<vmem>>, vector<1x16xf32>,
            %swap3A_907 = vector.shape_cast %swap3A_906 : vector<1x16xf32> to vector<16xf32>
            %swap3A_908 = vector.shape_cast %get3A_903 : vector<16xf32> to vector<1x16xf32>
            tpu.vector_store %arg8[%swap3A_904, %swap3A_905], %swap3A_908 {add = true, strides = array<i32>} : memref<136x256xf32, #tpu.memory_space<vmem>>, vector<1x16xf32>,
            %get3A_909 = arith.index_cast %squeeze3A_807 : i32 to index
            %get3A_910 = arith.constant 176 : index
            %get3A_911 = tpu.vector_load %arg7[%get3A_909, %get3A_910] {strides = array<i32>} : memref<128x256xf32, #tpu.memory_space<vmem>>, vector<1x16xf32>,
            %get3A_912 = vector.shape_cast %get3A_911 : vector<1x16xf32> to vector<16xf32>
            %swap3A_913 = arith.index_cast %squeeze3A_809 : i32 to index
            %swap3A_914 = arith.constant 176 : index
            %swap3A_915 = tpu.vector_load %arg8[%swap3A_913, %swap3A_914] {strides = array<i32>} : memref<136x256xf32, #tpu.memory_space<vmem>>, vector<1x16xf32>,
            %swap3A_916 = vector.shape_cast %swap3A_915 : vector<1x16xf32> to vector<16xf32>
            %swap3A_917 = vector.shape_cast %get3A_912 : vector<16xf32> to vector<1x16xf32>
            tpu.vector_store %arg8[%swap3A_913, %swap3A_914], %swap3A_917 {add = true, strides = array<i32>} : memref<136x256xf32, #tpu.memory_space<vmem>>, vector<1x16xf32>,
            %get3A_918 = arith.index_cast %squeeze3A_807 : i32 to index
            %get3A_919 = arith.constant 192 : index
            %get3A_920 = tpu.vector_load %arg7[%get3A_918, %get3A_919] {strides = array<i32>} : memref<128x256xf32, #tpu.memory_space<vmem>>, vector<1x16xf32>,
            %get3A_921 = vector.shape_cast %get3A_920 : vector<1x16xf32> to vector<16xf32>
            %swap3A_922 = arith.index_cast %squeeze3A_809 : i32 to index
            %swap3A_923 = arith.constant 192 : index
            %swap3A_924 = tpu.vector_load %arg8[%swap3A_922, %swap3A_923] {strides = array<i32>} : memref<136x256xf32, #tpu.memory_space<vmem>>, vector<1x16xf32>,
            %swap3A_925 = vector.shape_cast %swap3A_924 : vector<1x16xf32> to vector<16xf32>
            %swap3A_926 = vector.shape_cast %get3A_921 : vector<16xf32> to vector<1x16xf32>
            tpu.vector_store %arg8[%swap3A_922, %swap3A_923], %swap3A_926 {add = true, strides = array<i32>} : memref<136x256xf32, #tpu.memory_space<vmem>>, vector<1x16xf32>,
            %get3A_927 = arith.index_cast %squeeze3A_807 : i32 to index
            %get3A_928 = arith.constant 208 : index
            %get3A_929 = tpu.vector_load %arg7[%get3A_927, %get3A_928] {strides = array<i32>} : memref<128x256xf32, #tpu.memory_space<vmem>>, vector<1x16xf32>,
            %get3A_930 = vector.shape_cast %get3A_929 : vector<1x16xf32> to vector<16xf32>
            %swap3A_931 = arith.index_cast %squeeze3A_809 : i32 to index
            %swap3A_932 = arith.constant 208 : index
            %swap3A_933 = tpu.vector_load %arg8[%swap3A_931, %swap3A_932] {strides = array<i32>} : memref<136x256xf32, #tpu.memory_space<vmem>>, vector<1x16xf32>,
            %swap3A_934 = vector.shape_cast %swap3A_933 : vector<1x16xf32> to vector<16xf32>
            %swap3A_935 = vector.shape_cast %get3A_930 : vector<16xf32> to vector<1x16xf32>
            tpu.vector_store %arg8[%swap3A_931, %swap3A_932], %swap3A_935 {add = true, strides = array<i32>} : memref<136x256xf32, #tpu.memory_space<vmem>>, vector<1x16xf32>,
            %get3A_936 = arith.index_cast %squeeze3A_807 : i32 to index
            %get3A_937 = arith.constant 224 : index
            %get3A_938 = tpu.vector_load %arg7[%get3A_936, %get3A_937] {strides = array<i32>} : memref<128x256xf32, #tpu.memory_space<vmem>>, vector<1x16xf32>,
            %get3A_939 = vector.shape_cast %get3A_938 : vector<1x16xf32> to vector<16xf32>
            %swap3A_940 = arith.index_cast %squeeze3A_809 : i32 to index
            %swap3A_941 = arith.constant 224 : index
            %swap3A_942 = tpu.vector_load %arg8[%swap3A_940, %swap3A_941] {strides = array<i32>} : memref<136x256xf32, #tpu.memory_space<vmem>>, vector<1x16xf32>,
            %swap3A_943 = vector.shape_cast %swap3A_942 : vector<1x16xf32> to vector<16xf32>
            %swap3A_944 = vector.shape_cast %get3A_939 : vector<16xf32> to vector<1x16xf32>
            tpu.vector_store %arg8[%swap3A_940, %swap3A_941], %swap3A_944 {add = true, strides = array<i32>} : memref<136x256xf32, #tpu.memory_space<vmem>>, vector<1x16xf32>,
            %get3A_945 = arith.index_cast %squeeze3A_807 : i32 to index
            %get3A_946 = arith.constant 240 : index
            %get3A_947 = tpu.vector_load %arg7[%get3A_945, %get3A_946] {strides = array<i32>} : memref<128x256xf32, #tpu.memory_space<vmem>>, vector<1x16xf32>,
            %get3A_948 = vector.shape_cast %get3A_947 : vector<1x16xf32> to vector<16xf32>
            %swap3A_949 = arith.index_cast %squeeze3A_809 : i32 to index
            %swap3A_950 = arith.constant 240 : index
            %swap3A_951 = tpu.vector_load %arg8[%swap3A_949, %swap3A_950] {strides = array<i32>} : memref<136x256xf32, #tpu.memory_space<vmem>>, vector<1x16xf32>,
            %swap3A_952 = vector.shape_cast %swap3A_951 : vector<1x16xf32> to vector<16xf32>
            %swap3A_953 = vector.shape_cast %get3A_948 : vector<16xf32> to vector<1x16xf32>
            tpu.vector_store %arg8[%swap3A_949, %swap3A_950], %swap3A_953 {add = true, strides = array<i32>} : memref<136x256xf32, #tpu.memory_space<vmem>>, vector<1x16xf32>,
            %slice3A_954 = vector.extract_strided_slice %select_n3A_502 {offsets = [3], sizes = [1], strides = [1]} : vector<16xi32> to vector<1xi32>
            %squeeze3A_955 = vector.extract %slice3A_954[0] : i32 from vector<1xi32>
            %slice3A_956 = vector.extract_strided_slice %select_n3A_510 {offsets = [3], sizes = [1], strides = [1]} : vector<16xi32> to vector<1xi32>
            %squeeze3A_957 = vector.extract %slice3A_956[0] : i32 from vector<1xi32>
            %get3A_958 = arith.index_cast %squeeze3A_955 : i32 to index
            %get3A_959 = arith.constant 0 : index
            %get3A_960 = tpu.vector_load %arg7[%get3A_958, %get3A_959] {strides = array<i32>} : memref<128x256xf32, #tpu.memory_space<vmem>>, vector<1x16xf32>,
            %get3A_961 = vector.shape_cast %get3A_960 : vector<1x16xf32> to vector<16xf32>
            %swap3A_962 = arith.index_cast %squeeze3A_957 : i32 to index
            %swap3A_963 = arith.constant 0 : index
            %swap3A_964 = tpu.vector_load %arg8[%swap3A_962, %swap3A_963] {strides = array<i32>} : memref<136x256xf32, #tpu.memory_space<vmem>>, vector<1x16xf32>,
            %swap3A_965 = vector.shape_cast %swap3A_964 : vector<1x16xf32> to vector<16xf32>
            %swap3A_966 = vector.shape_cast %get3A_961 : vector<16xf32> to vector<1x16xf32>
            tpu.vector_store %arg8[%swap3A_962, %swap3A_963], %swap3A_966 {add = true, strides = array<i32>} : memref<136x256xf32, #tpu.memory_space<vmem>>, vector<1x16xf32>,
            %get3A_967 = arith.index_cast %squeeze3A_955 : i32 to index
            %get3A_968 = arith.constant 16 : index
            %get3A_969 = tpu.vector_load %arg7[%get3A_967, %get3A_968] {strides = array<i32>} : memref<128x256xf32, #tpu.memory_space<vmem>>, vector<1x16xf32>,
            %get3A_970 = vector.shape_cast %get3A_969 : vector<1x16xf32> to vector<16xf32>
            %swap3A_971 = arith.index_cast %squeeze3A_957 : i32 to index
            %swap3A_972 = arith.constant 16 : index
            %swap3A_973 = tpu.vector_load %arg8[%swap3A_971, %swap3A_972] {strides = array<i32>} : memref<136x256xf32, #tpu.memory_space<vmem>>, vector<1x16xf32>,
            %swap3A_974 = vector.shape_cast %swap3A_973 : vector<1x16xf32> to vector<16xf32>
            %swap3A_975 = vector.shape_cast %get3A_970 : vector<16xf32> to vector<1x16xf32>
            tpu.vector_store %arg8[%swap3A_971, %swap3A_972], %swap3A_975 {add = true, strides = array<i32>} : memref<136x256xf32, #tpu.memory_space<vmem>>, vector<1x16xf32>,
            %get3A_976 = arith.index_cast %squeeze3A_955 : i32 to index
            %get3A_977 = arith.constant 32 : index
            %get3A_978 = tpu.vector_load %arg7[%get3A_976, %get3A_977] {strides = array<i32>} : memref<128x256xf32, #tpu.memory_space<vmem>>, vector<1x16xf32>,
            %get3A_979 = vector.shape_cast %get3A_978 : vector<1x16xf32> to vector<16xf32>
            %swap3A_980 = arith.index_cast %squeeze3A_957 : i32 to index
            %swap3A_981 = arith.constant 32 : index
            %swap3A_982 = tpu.vector_load %arg8[%swap3A_980, %swap3A_981] {strides = array<i32>} : memref<136x256xf32, #tpu.memory_space<vmem>>, vector<1x16xf32>,
            %swap3A_983 = vector.shape_cast %swap3A_982 : vector<1x16xf32> to vector<16xf32>
            %swap3A_984 = vector.shape_cast %get3A_979 : vector<16xf32> to vector<1x16xf32>
            tpu.vector_store %arg8[%swap3A_980, %swap3A_981], %swap3A_984 {add = true, strides = array<i32>} : memref<136x256xf32, #tpu.memory_space<vmem>>, vector<1x16xf32>,
            %get3A_985 = arith.index_cast %squeeze3A_955 : i32 to index
            %get3A_986 = arith.constant 48 : index
            %get3A_987 = tpu.vector_load %arg7[%get3A_985, %get3A_986] {strides = array<i32>} : memref<128x256xf32, #tpu.memory_space<vmem>>, vector<1x16xf32>,
            %get3A_988 = vector.shape_cast %get3A_987 : vector<1x16xf32> to vector<16xf32>
            %swap3A_989 = arith.index_cast %squeeze3A_957 : i32 to index
            %swap3A_990 = arith.constant 48 : index
            %swap3A_991 = tpu.vector_load %arg8[%swap3A_989, %swap3A_990] {strides = array<i32>} : memref<136x256xf32, #tpu.memory_space<vmem>>, vector<1x16xf32>,
            %swap3A_992 = vector.shape_cast %swap3A_991 : vector<1x16xf32> to vector<16xf32>
            %swap3A_993 = vector.shape_cast %get3A_988 : vector<16xf32> to vector<1x16xf32>
            tpu.vector_store %arg8[%swap3A_989, %swap3A_990], %swap3A_993 {add = true, strides = array<i32>} : memref<136x256xf32, #tpu.memory_space<vmem>>, vector<1x16xf32>,
            %get3A_994 = arith.index_cast %squeeze3A_955 : i32 to index
            %get3A_995 = arith.constant 64 : index
            %get3A_996 = tpu.vector_load %arg7[%get3A_994, %get3A_995] {strides = array<i32>} : memref<128x256xf32, #tpu.memory_space<vmem>>, vector<1x16xf32>,
            %get3A_997 = vector.shape_cast %get3A_996 : vector<1x16xf32> to vector<16xf32>
            %swap3A_998 = arith.index_cast %squeeze3A_957 : i32 to index
            %swap3A_999 = arith.constant 64 : index
            %swap3A_1000 = tpu.vector_load %arg8[%swap3A_998, %swap3A_999] {strides = array<i32>} : memref<136x256xf32, #tpu.memory_space<vmem>>, vector<1x16xf32>,
            %swap3A_1001 = vector.shape_cast %swap3A_1000 : vector<1x16xf32> to vector<16xf32>
            %swap3A_1002 = vector.shape_cast %get3A_997 : vector<16xf32> to vector<1x16xf32>
            tpu.vector_store %arg8[%swap3A_998, %swap3A_999], %swap3A_1002 {add = true, strides = array<i32>} : memref<136x256xf32, #tpu.memory_space<vmem>>, vector<1x16xf32>,
            %get3A_1003 = arith.index_cast %squeeze3A_955 : i32 to index
            %get3A_1004 = arith.constant 80 : index
            %get3A_1005 = tpu.vector_load %arg7[%get3A_1003, %get3A_1004] {strides = array<i32>} : memref<128x256xf32, #tpu.memory_space<vmem>>, vector<1x16xf32>,
            %get3A_1006 = vector.shape_cast %get3A_1005 : vector<1x16xf32> to vector<16xf32>
            %swap3A_1007 = arith.index_cast %squeeze3A_957 : i32 to index
            %swap3A_1008 = arith.constant 80 : index
            %swap3A_1009 = tpu.vector_load %arg8[%swap3A_1007, %swap3A_1008] {strides = array<i32>} : memref<136x256xf32, #tpu.memory_space<vmem>>, vector<1x16xf32>,
            %swap3A_1010 = vector.shape_cast %swap3A_1009 : vector<1x16xf32> to vector<16xf32>
            %swap3A_1011 = vector.shape_cast %get3A_1006 : vector<16xf32> to vector<1x16xf32>
            tpu.vector_store %arg8[%swap3A_1007, %swap3A_1008], %swap3A_1011 {add = true, strides = array<i32>} : memref<136x256xf32, #tpu.memory_space<vmem>>, vector<1x16xf32>,
            %get3A_1012 = arith.index_cast %squeeze3A_955 : i32 to index
            %get3A_1013 = arith.constant 96 : index
            %get3A_1014 = tpu.vector_load %arg7[%get3A_1012, %get3A_1013] {strides = array<i32>} : memref<128x256xf32, #tpu.memory_space<vmem>>, vector<1x16xf32>,
            %get3A_1015 = vector.shape_cast %get3A_1014 : vector<1x16xf32> to vector<16xf32>
            %swap3A_1016 = arith.index_cast %squeeze3A_957 : i32 to index
            %swap3A_1017 = arith.constant 96 : index
            %swap3A_1018 = tpu.vector_load %arg8[%swap3A_1016, %swap3A_1017] {strides = array<i32>} : memref<136x256xf32, #tpu.memory_space<vmem>>, vector<1x16xf32>,
            %swap3A_1019 = vector.shape_cast %swap3A_1018 : vector<1x16xf32> to vector<16xf32>
            %swap3A_1020 = vector.shape_cast %get3A_1015 : vector<16xf32> to vector<1x16xf32>
            tpu.vector_store %arg8[%swap3A_1016, %swap3A_1017], %swap3A_1020 {add = true, strides = array<i32>} : memref<136x256xf32, #tpu.memory_space<vmem>>, vector<1x16xf32>,
            %get3A_1021 = arith.index_cast %squeeze3A_955 : i32 to index
            %get3A_1022 = arith.constant 112 : index
            %get3A_1023 = tpu.vector_load %arg7[%get3A_1021, %get3A_1022] {strides = array<i32>} : memref<128x256xf32, #tpu.memory_space<vmem>>, vector<1x16xf32>,
            %get3A_1024 = vector.shape_cast %get3A_1023 : vector<1x16xf32> to vector<16xf32>
            %swap3A_1025 = arith.index_cast %squeeze3A_957 : i32 to index
            %swap3A_1026 = arith.constant 112 : index
            %swap3A_1027 = tpu.vector_load %arg8[%swap3A_1025, %swap3A_1026] {strides = array<i32>} : memref<136x256xf32, #tpu.memory_space<vmem>>, vector<1x16xf32>,
            %swap3A_1028 = vector.shape_cast %swap3A_1027 : vector<1x16xf32> to vector<16xf32>
            %swap3A_1029 = vector.shape_cast %get3A_1024 : vector<16xf32> to vector<1x16xf32>
            tpu.vector_store %arg8[%swap3A_1025, %swap3A_1026], %swap3A_1029 {add = true, strides = array<i32>} : memref<136x256xf32, #tpu.memory_space<vmem>>, vector<1x16xf32>,
            %get3A_1030 = arith.index_cast %squeeze3A_955 : i32 to index
            %get3A_1031 = arith.constant 128 : index
            %get3A_1032 = tpu.vector_load %arg7[%get3A_1030, %get3A_1031] {strides = array<i32>} : memref<128x256xf32, #tpu.memory_space<vmem>>, vector<1x16xf32>,
            %get3A_1033 = vector.shape_cast %get3A_1032 : vector<1x16xf32> to vector<16xf32>
            %swap3A_1034 = arith.index_cast %squeeze3A_957 : i32 to index
            %swap3A_1035 = arith.constant 128 : index
            %swap3A_1036 = tpu.vector_load %arg8[%swap3A_1034, %swap3A_1035] {strides = array<i32>} : memref<136x256xf32, #tpu.memory_space<vmem>>, vector<1x16xf32>,
            %swap3A_1037 = vector.shape_cast %swap3A_1036 : vector<1x16xf32> to vector<16xf32>
            %swap3A_1038 = vector.shape_cast %get3A_1033 : vector<16xf32> to vector<1x16xf32>
            tpu.vector_store %arg8[%swap3A_1034, %swap3A_1035], %swap3A_1038 {add = true, strides = array<i32>} : memref<136x256xf32, #tpu.memory_space<vmem>>, vector<1x16xf32>,
            %get3A_1039 = arith.index_cast %squeeze3A_955 : i32 to index
            %get3A_1040 = arith.constant 144 : index
            %get3A_1041 = tpu.vector_load %arg7[%get3A_1039, %get3A_1040] {strides = array<i32>} : memref<128x256xf32, #tpu.memory_space<vmem>>, vector<1x16xf32>,
            %get3A_1042 = vector.shape_cast %get3A_1041 : vector<1x16xf32> to vector<16xf32>
            %swap3A_1043 = arith.index_cast %squeeze3A_957 : i32 to index
            %swap3A_1044 = arith.constant 144 : index
            %swap3A_1045 = tpu.vector_load %arg8[%swap3A_1043, %swap3A_1044] {strides = array<i32>} : memref<136x256xf32, #tpu.memory_space<vmem>>, vector<1x16xf32>,
            %swap3A_1046 = vector.shape_cast %swap3A_1045 : vector<1x16xf32> to vector<16xf32>
            %swap3A_1047 = vector.shape_cast %get3A_1042 : vector<16xf32> to vector<1x16xf32>
            tpu.vector_store %arg8[%swap3A_1043, %swap3A_1044], %swap3A_1047 {add = true, strides = array<i32>} : memref<136x256xf32, #tpu.memory_space<vmem>>, vector<1x16xf32>,
            %get3A_1048 = arith.index_cast %squeeze3A_955 : i32 to index
            %get3A_1049 = arith.constant 160 : index
            %get3A_1050 = tpu.vector_load %arg7[%get3A_1048, %get3A_1049] {strides = array<i32>} : memref<128x256xf32, #tpu.memory_space<vmem>>, vector<1x16xf32>,
            %get3A_1051 = vector.shape_cast %get3A_1050 : vector<1x16xf32> to vector<16xf32>
            %swap3A_1052 = arith.index_cast %squeeze3A_957 : i32 to index
            %swap3A_1053 = arith.constant 160 : index
            %swap3A_1054 = tpu.vector_load %arg8[%swap3A_1052, %swap3A_1053] {strides = array<i32>} : memref<136x256xf32, #tpu.memory_space<vmem>>, vector<1x16xf32>,
            %swap3A_1055 = vector.shape_cast %swap3A_1054 : vector<1x16xf32> to vector<16xf32>
            %swap3A_1056 = vector.shape_cast %get3A_1051 : vector<16xf32> to vector<1x16xf32>
            tpu.vector_store %arg8[%swap3A_1052, %swap3A_1053], %swap3A_1056 {add = true, strides = array<i32>} : memref<136x256xf32, #tpu.memory_space<vmem>>, vector<1x16xf32>,
            %get3A_1057 = arith.index_cast %squeeze3A_955 : i32 to index
            %get3A_1058 = arith.constant 176 : index
            %get3A_1059 = tpu.vector_load %arg7[%get3A_1057, %get3A_1058] {strides = array<i32>} : memref<128x256xf32, #tpu.memory_space<vmem>>, vector<1x16xf32>,
            %get3A_1060 = vector.shape_cast %get3A_1059 : vector<1x16xf32> to vector<16xf32>
            %swap3A_1061 = arith.index_cast %squeeze3A_957 : i32 to index
            %swap3A_1062 = arith.constant 176 : index
            %swap3A_1063 = tpu.vector_load %arg8[%swap3A_1061, %swap3A_1062] {strides = array<i32>} : memref<136x256xf32, #tpu.memory_space<vmem>>, vector<1x16xf32>,
            %swap3A_1064 = vector.shape_cast %swap3A_1063 : vector<1x16xf32> to vector<16xf32>
            %swap3A_1065 = vector.shape_cast %get3A_1060 : vector<16xf32> to vector<1x16xf32>
            tpu.vector_store %arg8[%swap3A_1061, %swap3A_1062], %swap3A_1065 {add = true, strides = array<i32>} : memref<136x256xf32, #tpu.memory_space<vmem>>, vector<1x16xf32>,
            %get3A_1066 = arith.index_cast %squeeze3A_955 : i32 to index
            %get3A_1067 = arith.constant 192 : index
            %get3A_1068 = tpu.vector_load %arg7[%get3A_1066, %get3A_1067] {strides = array<i32>} : memref<128x256xf32, #tpu.memory_space<vmem>>, vector<1x16xf32>,
            %get3A_1069 = vector.shape_cast %get3A_1068 : vector<1x16xf32> to vector<16xf32>
            %swap3A_1070 = arith.index_cast %squeeze3A_957 : i32 to index
            %swap3A_1071 = arith.constant 192 : index
            %swap3A_1072 = tpu.vector_load %arg8[%swap3A_1070, %swap3A_1071] {strides = array<i32>} : memref<136x256xf32, #tpu.memory_space<vmem>>, vector<1x16xf32>,
            %swap3A_1073 = vector.shape_cast %swap3A_1072 : vector<1x16xf32> to vector<16xf32>
            %swap3A_1074 = vector.shape_cast %get3A_1069 : vector<16xf32> to vector<1x16xf32>
            tpu.vector_store %arg8[%swap3A_1070, %swap3A_1071], %swap3A_1074 {add = true, strides = array<i32>} : memref<136x256xf32, #tpu.memory_space<vmem>>, vector<1x16xf32>,
            %get3A_1075 = arith.index_cast %squeeze3A_955 : i32 to index
            %get3A_1076 = arith.constant 208 : index
            %get3A_1077 = tpu.vector_load %arg7[%get3A_1075, %get3A_1076] {strides = array<i32>} : memref<128x256xf32, #tpu.memory_space<vmem>>, vector<1x16xf32>,
            %get3A_1078 = vector.shape_cast %get3A_1077 : vector<1x16xf32> to vector<16xf32>
            %swap3A_1079 = arith.index_cast %squeeze3A_957 : i32 to index
            %swap3A_1080 = arith.constant 208 : index
            %swap3A_1081 = tpu.vector_load %arg8[%swap3A_1079, %swap3A_1080] {strides = array<i32>} : memref<136x256xf32, #tpu.memory_space<vmem>>, vector<1x16xf32>,
            %swap3A_1082 = vector.shape_cast %swap3A_1081 : vector<1x16xf32> to vector<16xf32>
            %swap3A_1083 = vector.shape_cast %get3A_1078 : vector<16xf32> to vector<1x16xf32>
            tpu.vector_store %arg8[%swap3A_1079, %swap3A_1080], %swap3A_1083 {add = true, strides = array<i32>} : memref<136x256xf32, #tpu.memory_space<vmem>>, vector<1x16xf32>,
            %get3A_1084 = arith.index_cast %squeeze3A_955 : i32 to index
            %get3A_1085 = arith.constant 224 : index
            %get3A_1086 = tpu.vector_load %arg7[%get3A_1084, %get3A_1085] {strides = array<i32>} : memref<128x256xf32, #tpu.memory_space<vmem>>, vector<1x16xf32>,
            %get3A_1087 = vector.shape_cast %get3A_1086 : vector<1x16xf32> to vector<16xf32>
            %swap3A_1088 = arith.index_cast %squeeze3A_957 : i32 to index
            %swap3A_1089 = arith.constant 224 : index
            %swap3A_1090 = tpu.vector_load %arg8[%swap3A_1088, %swap3A_1089] {strides = array<i32>} : memref<136x256xf32, #tpu.memory_space<vmem>>, vector<1x16xf32>,
            %swap3A_1091 = vector.shape_cast %swap3A_1090 : vector<1x16xf32> to vector<16xf32>
            %swap3A_1092 = vector.shape_cast %get3A_1087 : vector<16xf32> to vector<1x16xf32>
            tpu.vector_store %arg8[%swap3A_1088, %swap3A_1089], %swap3A_1092 {add = true, strides = array<i32>} : memref<136x256xf32, #tpu.memory_space<vmem>>, vector<1x16xf32>,
            %get3A_1093 = arith.index_cast %squeeze3A_955 : i32 to index
            %get3A_1094 = arith.constant 240 : index
            %get3A_1095 = tpu.vector_load %arg7[%get3A_1093, %get3A_1094] {strides = array<i32>} : memref<128x256xf32, #tpu.memory_space<vmem>>, vector<1x16xf32>,
            %get3A_1096 = vector.shape_cast %get3A_1095 : vector<1x16xf32> to vector<16xf32>
            %swap3A_1097 = arith.index_cast %squeeze3A_957 : i32 to index
            %swap3A_1098 = arith.constant 240 : index
            %swap3A_1099 = tpu.vector_load %arg8[%swap3A_1097, %swap3A_1098] {strides = array<i32>} : memref<136x256xf32, #tpu.memory_space<vmem>>, vector<1x16xf32>,
            %swap3A_1100 = vector.shape_cast %swap3A_1099 : vector<1x16xf32> to vector<16xf32>
            %swap3A_1101 = vector.shape_cast %get3A_1096 : vector<16xf32> to vector<1x16xf32>
            tpu.vector_store %arg8[%swap3A_1097, %swap3A_1098], %swap3A_1101 {add = true, strides = array<i32>} : memref<136x256xf32, #tpu.memory_space<vmem>>, vector<1x16xf32>,
            %slice3A_1102 = vector.extract_strided_slice %select_n3A_502 {offsets = [4], sizes = [1], strides = [1]} : vector<16xi32> to vector<1xi32>
            %squeeze3A_1103 = vector.extract %slice3A_1102[0] : i32 from vector<1xi32>
            %slice3A_1104 = vector.extract_strided_slice %select_n3A_510 {offsets = [4], sizes = [1], strides = [1]} : vector<16xi32> to vector<1xi32>
            %squeeze3A_1105 = vector.extract %slice3A_1104[0] : i32 from vector<1xi32>
            %get3A_1106 = arith.index_cast %squeeze3A_1103 : i32 to index
            %get3A_1107 = arith.constant 0 : index
            %get3A_1108 = tpu.vector_load %arg7[%get3A_1106, %get3A_1107] {strides = array<i32>} : memref<128x256xf32, #tpu.memory_space<vmem>>, vector<1x16xf32>,
            %get3A_1109 = vector.shape_cast %get3A_1108 : vector<1x16xf32> to vector<16xf32>
            %swap3A_1110 = arith.index_cast %squeeze3A_1105 : i32 to index
            %swap3A_1111 = arith.constant 0 : index
            %swap3A_1112 = tpu.vector_load %arg8[%swap3A_1110, %swap3A_1111] {strides = array<i32>} : memref<136x256xf32, #tpu.memory_space<vmem>>, vector<1x16xf32>,
            %swap3A_1113 = vector.shape_cast %swap3A_1112 : vector<1x16xf32> to vector<16xf32>
            %swap3A_1114 = vector.shape_cast %get3A_1109 : vector<16xf32> to vector<1x16xf32>
            tpu.vector_store %arg8[%swap3A_1110, %swap3A_1111], %swap3A_1114 {add = true, strides = array<i32>} : memref<136x256xf32, #tpu.memory_space<vmem>>, vector<1x16xf32>,
            %get3A_1115 = arith.index_cast %squeeze3A_1103 : i32 to index
            %get3A_1116 = arith.constant 16 : index
            %get3A_1117 = tpu.vector_load %arg7[%get3A_1115, %get3A_1116] {strides = array<i32>} : memref<128x256xf32, #tpu.memory_space<vmem>>, vector<1x16xf32>,
            %get3A_1118 = vector.shape_cast %get3A_1117 : vector<1x16xf32> to vector<16xf32>
            %swap3A_1119 = arith.index_cast %squeeze3A_1105 : i32 to index
            %swap3A_1120 = arith.constant 16 : index
            %swap3A_1121 = tpu.vector_load %arg8[%swap3A_1119, %swap3A_1120] {strides = array<i32>} : memref<136x256xf32, #tpu.memory_space<vmem>>, vector<1x16xf32>,
            %swap3A_1122 = vector.shape_cast %swap3A_1121 : vector<1x16xf32> to vector<16xf32>
            %swap3A_1123 = vector.shape_cast %get3A_1118 : vector<16xf32> to vector<1x16xf32>
            tpu.vector_store %arg8[%swap3A_1119, %swap3A_1120], %swap3A_1123 {add = true, strides = array<i32>} : memref<136x256xf32, #tpu.memory_space<vmem>>, vector<1x16xf32>,
            %get3A_1124 = arith.index_cast %squeeze3A_1103 : i32 to index
            %get3A_1125 = arith.constant 32 : index
            %get3A_1126 = tpu.vector_load %arg7[%get3A_1124, %get3A_1125] {strides = array<i32>} : memref<128x256xf32, #tpu.memory_space<vmem>>, vector<1x16xf32>,
            %get3A_1127 = vector.shape_cast %get3A_1126 : vector<1x16xf32> to vector<16xf32>
            %swap3A_1128 = arith.index_cast %squeeze3A_1105 : i32 to index
            %swap3A_1129 = arith.constant 32 : index
            %swap3A_1130 = tpu.vector_load %arg8[%swap3A_1128, %swap3A_1129] {strides = array<i32>} : memref<136x256xf32, #tpu.memory_space<vmem>>, vector<1x16xf32>,
            %swap3A_1131 = vector.shape_cast %swap3A_1130 : vector<1x16xf32> to vector<16xf32>
            %swap3A_1132 = vector.shape_cast %get3A_1127 : vector<16xf32> to vector<1x16xf32>
            tpu.vector_store %arg8[%swap3A_1128, %swap3A_1129], %swap3A_1132 {add = true, strides = array<i32>} : memref<136x256xf32, #tpu.memory_space<vmem>>, vector<1x16xf32>,
            %get3A_1133 = arith.index_cast %squeeze3A_1103 : i32 to index
            %get3A_1134 = arith.constant 48 : index
            %get3A_1135 = tpu.vector_load %arg7[%get3A_1133, %get3A_1134] {strides = array<i32>} : memref<128x256xf32, #tpu.memory_space<vmem>>, vector<1x16xf32>,
            %get3A_1136 = vector.shape_cast %get3A_1135 : vector<1x16xf32> to vector<16xf32>
            %swap3A_1137 = arith.index_cast %squeeze3A_1105 : i32 to index
            %swap3A_1138 = arith.constant 48 : index
            %swap3A_1139 = tpu.vector_load %arg8[%swap3A_1137, %swap3A_1138] {strides = array<i32>} : memref<136x256xf32, #tpu.memory_space<vmem>>, vector<1x16xf32>,
            %swap3A_1140 = vector.shape_cast %swap3A_1139 : vector<1x16xf32> to vector<16xf32>
            %swap3A_1141 = vector.shape_cast %get3A_1136 : vector<16xf32> to vector<1x16xf32>
            tpu.vector_store %arg8[%swap3A_1137, %swap3A_1138], %swap3A_1141 {add = true, strides = array<i32>} : memref<136x256xf32, #tpu.memory_space<vmem>>, vector<1x16xf32>,
            %get3A_1142 = arith.index_cast %squeeze3A_1103 : i32 to index
            %get3A_1143 = arith.constant 64 : index
            %get3A_1144 = tpu.vector_load %arg7[%get3A_1142, %get3A_1143] {strides = array<i32>} : memref<128x256xf32, #tpu.memory_space<vmem>>, vector<1x16xf32>,
            %get3A_1145 = vector.shape_cast %get3A_1144 : vector<1x16xf32> to vector<16xf32>
            %swap3A_1146 = arith.index_cast %squeeze3A_1105 : i32 to index
            %swap3A_1147 = arith.constant 64 : index
            %swap3A_1148 = tpu.vector_load %arg8[%swap3A_1146, %swap3A_1147] {strides = array<i32>} : memref<136x256xf32, #tpu.memory_space<vmem>>, vector<1x16xf32>,
            %swap3A_1149 = vector.shape_cast %swap3A_1148 : vector<1x16xf32> to vector<16xf32>
            %swap3A_1150 = vector.shape_cast %get3A_1145 : vector<16xf32> to vector<1x16xf32>
            tpu.vector_store %arg8[%swap3A_1146, %swap3A_1147], %swap3A_1150 {add = true, strides = array<i32>} : memref<136x256xf32, #tpu.memory_space<vmem>>, vector<1x16xf32>,
            %get3A_1151 = arith.index_cast %squeeze3A_1103 : i32 to index
            %get3A_1152 = arith.constant 80 : index
            %get3A_1153 = tpu.vector_load %arg7[%get3A_1151, %get3A_1152] {strides = array<i32>} : memref<128x256xf32, #tpu.memory_space<vmem>>, vector<1x16xf32>,
            %get3A_1154 = vector.shape_cast %get3A_1153 : vector<1x16xf32> to vector<16xf32>
            %swap3A_1155 = arith.index_cast %squeeze3A_1105 : i32 to index
            %swap3A_1156 = arith.constant 80 : index
            %swap3A_1157 = tpu.vector_load %arg8[%swap3A_1155, %swap3A_1156] {strides = array<i32>} : memref<136x256xf32, #tpu.memory_space<vmem>>, vector<1x16xf32>,
            %swap3A_1158 = vector.shape_cast %swap3A_1157 : vector<1x16xf32> to vector<16xf32>
            %swap3A_1159 = vector.shape_cast %get3A_1154 : vector<16xf32> to vector<1x16xf32>
            tpu.vector_store %arg8[%swap3A_1155, %swap3A_1156], %swap3A_1159 {add = true, strides = array<i32>} : memref<136x256xf32, #tpu.memory_space<vmem>>, vector<1x16xf32>,
            %get3A_1160 = arith.index_cast %squeeze3A_1103 : i32 to index
            %get3A_1161 = arith.constant 96 : index
            %get3A_1162 = tpu.vector_load %arg7[%get3A_1160, %get3A_1161] {strides = array<i32>} : memref<128x256xf32, #tpu.memory_space<vmem>>, vector<1x16xf32>,
            %get3A_1163 = vector.shape_cast %get3A_1162 : vector<1x16xf32> to vector<16xf32>
            %swap3A_1164 = arith.index_cast %squeeze3A_1105 : i32 to index
            %swap3A_1165 = arith.constant 96 : index
            %swap3A_1166 = tpu.vector_load %arg8[%swap3A_1164, %swap3A_1165] {strides = array<i32>} : memref<136x256xf32, #tpu.memory_space<vmem>>, vector<1x16xf32>,
            %swap3A_1167 = vector.shape_cast %swap3A_1166 : vector<1x16xf32> to vector<16xf32>
            %swap3A_1168 = vector.shape_cast %get3A_1163 : vector<16xf32> to vector<1x16xf32>
            tpu.vector_store %arg8[%swap3A_1164, %swap3A_1165], %swap3A_1168 {add = true, strides = array<i32>} : memref<136x256xf32, #tpu.memory_space<vmem>>, vector<1x16xf32>,
            %get3A_1169 = arith.index_cast %squeeze3A_1103 : i32 to index
            %get3A_1170 = arith.constant 112 : index
            %get3A_1171 = tpu.vector_load %arg7[%get3A_1169, %get3A_1170] {strides = array<i32>} : memref<128x256xf32, #tpu.memory_space<vmem>>, vector<1x16xf32>,
            %get3A_1172 = vector.shape_cast %get3A_1171 : vector<1x16xf32> to vector<16xf32>
            %swap3A_1173 = arith.index_cast %squeeze3A_1105 : i32 to index
            %swap3A_1174 = arith.constant 112 : index
            %swap3A_1175 = tpu.vector_load %arg8[%swap3A_1173, %swap3A_1174] {strides = array<i32>} : memref<136x256xf32, #tpu.memory_space<vmem>>, vector<1x16xf32>,
            %swap3A_1176 = vector.shape_cast %swap3A_1175 : vector<1x16xf32> to vector<16xf32>
            %swap3A_1177 = vector.shape_cast %get3A_1172 : vector<16xf32> to vector<1x16xf32>
            tpu.vector_store %arg8[%swap3A_1173, %swap3A_1174], %swap3A_1177 {add = true, strides = array<i32>} : memref<136x256xf32, #tpu.memory_space<vmem>>, vector<1x16xf32>,
            %get3A_1178 = arith.index_cast %squeeze3A_1103 : i32 to index
            %get3A_1179 = arith.constant 128 : index
            %get3A_1180 = tpu.vector_load %arg7[%get3A_1178, %get3A_1179] {strides = array<i32>} : memref<128x256xf32, #tpu.memory_space<vmem>>, vector<1x16xf32>,
            %get3A_1181 = vector.shape_cast %get3A_1180 : vector<1x16xf32> to vector<16xf32>
            %swap3A_1182 = arith.index_cast %squeeze3A_1105 : i32 to index
            %swap3A_1183 = arith.constant 128 : index
            %swap3A_1184 = tpu.vector_load %arg8[%swap3A_1182, %swap3A_1183] {strides = array<i32>} : memref<136x256xf32, #tpu.memory_space<vmem>>, vector<1x16xf32>,
            %swap3A_1185 = vector.shape_cast %swap3A_1184 : vector<1x16xf32> to vector<16xf32>
            %swap3A_1186 = vector.shape_cast %get3A_1181 : vector<16xf32> to vector<1x16xf32>
            tpu.vector_store %arg8[%swap3A_1182, %swap3A_1183], %swap3A_1186 {add = true, strides = array<i32>} : memref<136x256xf32, #tpu.memory_space<vmem>>, vector<1x16xf32>,
            %get3A_1187 = arith.index_cast %squeeze3A_1103 : i32 to index
            %get3A_1188 = arith.constant 144 : index
            %get3A_1189 = tpu.vector_load %arg7[%get3A_1187, %get3A_1188] {strides = array<i32>} : memref<128x256xf32, #tpu.memory_space<vmem>>, vector<1x16xf32>,
            %get3A_1190 = vector.shape_cast %get3A_1189 : vector<1x16xf32> to vector<16xf32>
            %swap3A_1191 = arith.index_cast %squeeze3A_1105 : i32 to index
            %swap3A_1192 = arith.constant 144 : index
            %swap3A_1193 = tpu.vector_load %arg8[%swap3A_1191, %swap3A_1192] {strides = array<i32>} : memref<136x256xf32, #tpu.memory_space<vmem>>, vector<1x16xf32>,
            %swap3A_1194 = vector.shape_cast %swap3A_1193 : vector<1x16xf32> to vector<16xf32>
            %swap3A_1195 = vector.shape_cast %get3A_1190 : vector<16xf32> to vector<1x16xf32>
            tpu.vector_store %arg8[%swap3A_1191, %swap3A_1192], %swap3A_1195 {add = true, strides = array<i32>} : memref<136x256xf32, #tpu.memory_space<vmem>>, vector<1x16xf32>,
            %get3A_1196 = arith.index_cast %squeeze3A_1103 : i32 to index
            %get3A_1197 = arith.constant 160 : index
            %get3A_1198 = tpu.vector_load %arg7[%get3A_1196, %get3A_1197] {strides = array<i32>} : memref<128x256xf32, #tpu.memory_space<vmem>>, vector<1x16xf32>,
            %get3A_1199 = vector.shape_cast %get3A_1198 : vector<1x16xf32> to vector<16xf32>
            %swap3A_1200 = arith.index_cast %squeeze3A_1105 : i32 to index
            %swap3A_1201 = arith.constant 160 : index
            %swap3A_1202 = tpu.vector_load %arg8[%swap3A_1200, %swap3A_1201] {strides = array<i32>} : memref<136x256xf32, #tpu.memory_space<vmem>>, vector<1x16xf32>,
            %swap3A_1203 = vector.shape_cast %swap3A_1202 : vector<1x16xf32> to vector<16xf32>
            %swap3A_1204 = vector.shape_cast %get3A_1199 : vector<16xf32> to vector<1x16xf32>
            tpu.vector_store %arg8[%swap3A_1200, %swap3A_1201], %swap3A_1204 {add = true, strides = array<i32>} : memref<136x256xf32, #tpu.memory_space<vmem>>, vector<1x16xf32>,
            %get3A_1205 = arith.index_cast %squeeze3A_1103 : i32 to index
            %get3A_1206 = arith.constant 176 : index
            %get3A_1207 = tpu.vector_load %arg7[%get3A_1205, %get3A_1206] {strides = array<i32>} : memref<128x256xf32, #tpu.memory_space<vmem>>, vector<1x16xf32>,
            %get3A_1208 = vector.shape_cast %get3A_1207 : vector<1x16xf32> to vector<16xf32>
            %swap3A_1209 = arith.index_cast %squeeze3A_1105 : i32 to index
            %swap3A_1210 = arith.constant 176 : index
            %swap3A_1211 = tpu.vector_load %arg8[%swap3A_1209, %swap3A_1210] {strides = array<i32>} : memref<136x256xf32, #tpu.memory_space<vmem>>, vector<1x16xf32>,
            %swap3A_1212 = vector.shape_cast %swap3A_1211 : vector<1x16xf32> to vector<16xf32>
            %swap3A_1213 = vector.shape_cast %get3A_1208 : vector<16xf32> to vector<1x16xf32>
            tpu.vector_store %arg8[%swap3A_1209, %swap3A_1210], %swap3A_1213 {add = true, strides = array<i32>} : memref<136x256xf32, #tpu.memory_space<vmem>>, vector<1x16xf32>,
            %get3A_1214 = arith.index_cast %squeeze3A_1103 : i32 to index
            %get3A_1215 = arith.constant 192 : index
            %get3A_1216 = tpu.vector_load %arg7[%get3A_1214, %get3A_1215] {strides = array<i32>} : memref<128x256xf32, #tpu.memory_space<vmem>>, vector<1x16xf32>,
            %get3A_1217 = vector.shape_cast %get3A_1216 : vector<1x16xf32> to vector<16xf32>
            %swap3A_1218 = arith.index_cast %squeeze3A_1105 : i32 to index
            %swap3A_1219 = arith.constant 192 : index
            %swap3A_1220 = tpu.vector_load %arg8[%swap3A_1218, %swap3A_1219] {strides = array<i32>} : memref<136x256xf32, #tpu.memory_space<vmem>>, vector<1x16xf32>,
            %swap3A_1221 = vector.shape_cast %swap3A_1220 : vector<1x16xf32> to vector<16xf32>
            %swap3A_1222 = vector.shape_cast %get3A_1217 : vector<16xf32> to vector<1x16xf32>
            tpu.vector_store %arg8[%swap3A_1218, %swap3A_1219], %swap3A_1222 {add = true, strides = array<i32>} : memref<136x256xf32, #tpu.memory_space<vmem>>, vector<1x16xf32>,
            %get3A_1223 = arith.index_cast %squeeze3A_1103 : i32 to index
            %get3A_1224 = arith.constant 208 : index
            %get3A_1225 = tpu.vector_load %arg7[%get3A_1223, %get3A_1224] {strides = array<i32>} : memref<128x256xf32, #tpu.memory_space<vmem>>, vector<1x16xf32>,
            %get3A_1226 = vector.shape_cast %get3A_1225 : vector<1x16xf32> to vector<16xf32>
            %swap3A_1227 = arith.index_cast %squeeze3A_1105 : i32 to index
            %swap3A_1228 = arith.constant 208 : index
            %swap3A_1229 = tpu.vector_load %arg8[%swap3A_1227, %swap3A_1228] {strides = array<i32>} : memref<136x256xf32, #tpu.memory_space<vmem>>, vector<1x16xf32>,
            %swap3A_1230 = vector.shape_cast %swap3A_1229 : vector<1x16xf32> to vector<16xf32>
            %swap3A_1231 = vector.shape_cast %get3A_1226 : vector<16xf32> to vector<1x16xf32>
            tpu.vector_store %arg8[%swap3A_1227, %swap3A_1228], %swap3A_1231 {add = true, strides = array<i32>} : memref<136x256xf32, #tpu.memory_space<vmem>>, vector<1x16xf32>,
            %get3A_1232 = arith.index_cast %squeeze3A_1103 : i32 to index
            %get3A_1233 = arith.constant 224 : index
            %get3A_1234 = tpu.vector_load %arg7[%get3A_1232, %get3A_1233] {strides = array<i32>} : memref<128x256xf32, #tpu.memory_space<vmem>>, vector<1x16xf32>,
            %get3A_1235 = vector.shape_cast %get3A_1234 : vector<1x16xf32> to vector<16xf32>
            %swap3A_1236 = arith.index_cast %squeeze3A_1105 : i32 to index
            %swap3A_1237 = arith.constant 224 : index
            %swap3A_1238 = tpu.vector_load %arg8[%swap3A_1236, %swap3A_1237] {strides = array<i32>} : memref<136x256xf32, #tpu.memory_space<vmem>>, vector<1x16xf32>,
            %swap3A_1239 = vector.shape_cast %swap3A_1238 : vector<1x16xf32> to vector<16xf32>
            %swap3A_1240 = vector.shape_cast %get3A_1235 : vector<16xf32> to vector<1x16xf32>
            tpu.vector_store %arg8[%swap3A_1236, %swap3A_1237], %swap3A_1240 {add = true, strides = array<i32>} : memref<136x256xf32, #tpu.memory_space<vmem>>, vector<1x16xf32>,
            %get3A_1241 = arith.index_cast %squeeze3A_1103 : i32 to index
            %get3A_1242 = arith.constant 240 : index
            %get3A_1243 = tpu.vector_load %arg7[%get3A_1241, %get3A_1242] {strides = array<i32>} : memref<128x256xf32, #tpu.memory_space<vmem>>, vector<1x16xf32>,
            %get3A_1244 = vector.shape_cast %get3A_1243 : vector<1x16xf32> to vector<16xf32>
            %swap3A_1245 = arith.index_cast %squeeze3A_1105 : i32 to index
            %swap3A_1246 = arith.constant 240 : index
            %swap3A_1247 = tpu.vector_load %arg8[%swap3A_1245, %swap3A_1246] {strides = array<i32>} : memref<136x256xf32, #tpu.memory_space<vmem>>, vector<1x16xf32>,
            %swap3A_1248 = vector.shape_cast %swap3A_1247 : vector<1x16xf32> to vector<16xf32>
            %swap3A_1249 = vector.shape_cast %get3A_1244 : vector<16xf32> to vector<1x16xf32>
            tpu.vector_store %arg8[%swap3A_1245, %swap3A_1246], %swap3A_1249 {add = true, strides = array<i32>} : memref<136x256xf32, #tpu.memory_space<vmem>>, vector<1x16xf32>,
            %slice3A_1250 = vector.extract_strided_slice %select_n3A_502 {offsets = [5], sizes = [1], strides = [1]} : vector<16xi32> to vector<1xi32>
            %squeeze3A_1251 = vector.extract %slice3A_1250[0] : i32 from vector<1xi32>
            %slice3A_1252 = vector.extract_strided_slice %select_n3A_510 {offsets = [5], sizes = [1], strides = [1]} : vector<16xi32> to vector<1xi32>
            %squeeze3A_1253 = vector.extract %slice3A_1252[0] : i32 from vector<1xi32>
            %get3A_1254 = arith.index_cast %squeeze3A_1251 : i32 to index
            %get3A_1255 = arith.constant 0 : index
            %get3A_1256 = tpu.vector_load %arg7[%get3A_1254, %get3A_1255] {strides = array<i32>} : memref<128x256xf32, #tpu.memory_space<vmem>>, vector<1x16xf32>,
            %get3A_1257 = vector.shape_cast %get3A_1256 : vector<1x16xf32> to vector<16xf32>
            %swap3A_1258 = arith.index_cast %squeeze3A_1253 : i32 to index
            %swap3A_1259 = arith.constant 0 : index
            %swap3A_1260 = tpu.vector_load %arg8[%swap3A_1258, %swap3A_1259] {strides = array<i32>} : memref<136x256xf32, #tpu.memory_space<vmem>>, vector<1x16xf32>,
            %swap3A_1261 = vector.shape_cast %swap3A_1260 : vector<1x16xf32> to vector<16xf32>
            %swap3A_1262 = vector.shape_cast %get3A_1257 : vector<16xf32> to vector<1x16xf32>
            tpu.vector_store %arg8[%swap3A_1258, %swap3A_1259], %swap3A_1262 {add = true, strides = array<i32>} : memref<136x256xf32, #tpu.memory_space<vmem>>, vector<1x16xf32>,
            %get3A_1263 = arith.index_cast %squeeze3A_1251 : i32 to index
            %get3A_1264 = arith.constant 16 : index
            %get3A_1265 = tpu.vector_load %arg7[%get3A_1263, %get3A_1264] {strides = array<i32>} : memref<128x256xf32, #tpu.memory_space<vmem>>, vector<1x16xf32>,
            %get3A_1266 = vector.shape_cast %get3A_1265 : vector<1x16xf32> to vector<16xf32>
            %swap3A_1267 = arith.index_cast %squeeze3A_1253 : i32 to index
            %swap3A_1268 = arith.constant 16 : index
            %swap3A_1269 = tpu.vector_load %arg8[%swap3A_1267, %swap3A_1268] {strides = array<i32>} : memref<136x256xf32, #tpu.memory_space<vmem>>, vector<1x16xf32>,
            %swap3A_1270 = vector.shape_cast %swap3A_1269 : vector<1x16xf32> to vector<16xf32>
            %swap3A_1271 = vector.shape_cast %get3A_1266 : vector<16xf32> to vector<1x16xf32>
            tpu.vector_store %arg8[%swap3A_1267, %swap3A_1268], %swap3A_1271 {add = true, strides = array<i32>} : memref<136x256xf32, #tpu.memory_space<vmem>>, vector<1x16xf32>,
            %get3A_1272 = arith.index_cast %squeeze3A_1251 : i32 to index
            %get3A_1273 = arith.constant 32 : index
            %get3A_1274 = tpu.vector_load %arg7[%get3A_1272, %get3A_1273] {strides = array<i32>} : memref<128x256xf32, #tpu.memory_space<vmem>>, vector<1x16xf32>,
            %get3A_1275 = vector.shape_cast %get3A_1274 : vector<1x16xf32> to vector<16xf32>
            %swap3A_1276 = arith.index_cast %squeeze3A_1253 : i32 to index
            %swap3A_1277 = arith.constant 32 : index
            %swap3A_1278 = tpu.vector_load %arg8[%swap3A_1276, %swap3A_1277] {strides = array<i32>} : memref<136x256xf32, #tpu.memory_space<vmem>>, vector<1x16xf32>,
            %swap3A_1279 = vector.shape_cast %swap3A_1278 : vector<1x16xf32> to vector<16xf32>
            %swap3A_1280 = vector.shape_cast %get3A_1275 : vector<16xf32> to vector<1x16xf32>
            tpu.vector_store %arg8[%swap3A_1276, %swap3A_1277], %swap3A_1280 {add = true, strides = array<i32>} : memref<136x256xf32, #tpu.memory_space<vmem>>, vector<1x16xf32>,
            %get3A_1281 = arith.index_cast %squeeze3A_1251 : i32 to index
            %get3A_1282 = arith.constant 48 : index
            %get3A_1283 = tpu.vector_load %arg7[%get3A_1281, %get3A_1282] {strides = array<i32>} : memref<128x256xf32, #tpu.memory_space<vmem>>, vector<1x16xf32>,
            %get3A_1284 = vector.shape_cast %get3A_1283 : vector<1x16xf32> to vector<16xf32>
            %swap3A_1285 = arith.index_cast %squeeze3A_1253 : i32 to index
            %swap3A_1286 = arith.constant 48 : index
            %swap3A_1287 = tpu.vector_load %arg8[%swap3A_1285, %swap3A_1286] {strides = array<i32>} : memref<136x256xf32, #tpu.memory_space<vmem>>, vector<1x16xf32>,
            %swap3A_1288 = vector.shape_cast %swap3A_1287 : vector<1x16xf32> to vector<16xf32>
            %swap3A_1289 = vector.shape_cast %get3A_1284 : vector<16xf32> to vector<1x16xf32>
            tpu.vector_store %arg8[%swap3A_1285, %swap3A_1286], %swap3A_1289 {add = true, strides = array<i32>} : memref<136x256xf32, #tpu.memory_space<vmem>>, vector<1x16xf32>,
            %get3A_1290 = arith.index_cast %squeeze3A_1251 : i32 to index
            %get3A_1291 = arith.constant 64 : index
            %get3A_1292 = tpu.vector_load %arg7[%get3A_1290, %get3A_1291] {strides = array<i32>} : memref<128x256xf32, #tpu.memory_space<vmem>>, vector<1x16xf32>,
            %get3A_1293 = vector.shape_cast %get3A_1292 : vector<1x16xf32> to vector<16xf32>
            %swap3A_1294 = arith.index_cast %squeeze3A_1253 : i32 to index
            %swap3A_1295 = arith.constant 64 : index
            %swap3A_1296 = tpu.vector_load %arg8[%swap3A_1294, %swap3A_1295] {strides = array<i32>} : memref<136x256xf32, #tpu.memory_space<vmem>>, vector<1x16xf32>,
            %swap3A_1297 = vector.shape_cast %swap3A_1296 : vector<1x16xf32> to vector<16xf32>
            %swap3A_1298 = vector.shape_cast %get3A_1293 : vector<16xf32> to vector<1x16xf32>
            tpu.vector_store %arg8[%swap3A_1294, %swap3A_1295], %swap3A_1298 {add = true, strides = array<i32>} : memref<136x256xf32, #tpu.memory_space<vmem>>, vector<1x16xf32>,
            %get3A_1299 = arith.index_cast %squeeze3A_1251 : i32 to index
            %get3A_1300 = arith.constant 80 : index
            %get3A_1301 = tpu.vector_load %arg7[%get3A_1299, %get3A_1300] {strides = array<i32>} : memref<128x256xf32, #tpu.memory_space<vmem>>, vector<1x16xf32>,
            %get3A_1302 = vector.shape_cast %get3A_1301 : vector<1x16xf32> to vector<16xf32>
            %swap3A_1303 = arith.index_cast %squeeze3A_1253 : i32 to index
            %swap3A_1304 = arith.constant 80 : index
            %swap3A_1305 = tpu.vector_load %arg8[%swap3A_1303, %swap3A_1304] {strides = array<i32>} : memref<136x256xf32, #tpu.memory_space<vmem>>, vector<1x16xf32>,
            %swap3A_1306 = vector.shape_cast %swap3A_1305 : vector<1x16xf32> to vector<16xf32>
            %swap3A_1307 = vector.shape_cast %get3A_1302 : vector<16xf32> to vector<1x16xf32>
            tpu.vector_store %arg8[%swap3A_1303, %swap3A_1304], %swap3A_1307 {add = true, strides = array<i32>} : memref<136x256xf32, #tpu.memory_space<vmem>>, vector<1x16xf32>,
            %get3A_1308 = arith.index_cast %squeeze3A_1251 : i32 to index
            %get3A_1309 = arith.constant 96 : index
            %get3A_1310 = tpu.vector_load %arg7[%get3A_1308, %get3A_1309] {strides = array<i32>} : memref<128x256xf32, #tpu.memory_space<vmem>>, vector<1x16xf32>,
            %get3A_1311 = vector.shape_cast %get3A_1310 : vector<1x16xf32> to vector<16xf32>
            %swap3A_1312 = arith.index_cast %squeeze3A_1253 : i32 to index
            %swap3A_1313 = arith.constant 96 : index
            %swap3A_1314 = tpu.vector_load %arg8[%swap3A_1312, %swap3A_1313] {strides = array<i32>} : memref<136x256xf32, #tpu.memory_space<vmem>>, vector<1x16xf32>,
            %swap3A_1315 = vector.shape_cast %swap3A_1314 : vector<1x16xf32> to vector<16xf32>
            %swap3A_1316 = vector.shape_cast %get3A_1311 : vector<16xf32> to vector<1x16xf32>
            tpu.vector_store %arg8[%swap3A_1312, %swap3A_1313], %swap3A_1316 {add = true, strides = array<i32>} : memref<136x256xf32, #tpu.memory_space<vmem>>, vector<1x16xf32>,
            %get3A_1317 = arith.index_cast %squeeze3A_1251 : i32 to index
            %get3A_1318 = arith.constant 112 : index
            %get3A_1319 = tpu.vector_load %arg7[%get3A_1317, %get3A_1318] {strides = array<i32>} : memref<128x256xf32, #tpu.memory_space<vmem>>, vector<1x16xf32>,
            %get3A_1320 = vector.shape_cast %get3A_1319 : vector<1x16xf32> to vector<16xf32>
            %swap3A_1321 = arith.index_cast %squeeze3A_1253 : i32 to index
            %swap3A_1322 = arith.constant 112 : index
            %swap3A_1323 = tpu.vector_load %arg8[%swap3A_1321, %swap3A_1322] {strides = array<i32>} : memref<136x256xf32, #tpu.memory_space<vmem>>, vector<1x16xf32>,
            %swap3A_1324 = vector.shape_cast %swap3A_1323 : vector<1x16xf32> to vector<16xf32>
            %swap3A_1325 = vector.shape_cast %get3A_1320 : vector<16xf32> to vector<1x16xf32>
            tpu.vector_store %arg8[%swap3A_1321, %swap3A_1322], %swap3A_1325 {add = true, strides = array<i32>} : memref<136x256xf32, #tpu.memory_space<vmem>>, vector<1x16xf32>,
            %get3A_1326 = arith.index_cast %squeeze3A_1251 : i32 to index
            %get3A_1327 = arith.constant 128 : index
            %get3A_1328 = tpu.vector_load %arg7[%get3A_1326, %get3A_1327] {strides = array<i32>} : memref<128x256xf32, #tpu.memory_space<vmem>>, vector<1x16xf32>,
            %get3A_1329 = vector.shape_cast %get3A_1328 : vector<1x16xf32> to vector<16xf32>
            %swap3A_1330 = arith.index_cast %squeeze3A_1253 : i32 to index
            %swap3A_1331 = arith.constant 128 : index
            %swap3A_1332 = tpu.vector_load %arg8[%swap3A_1330, %swap3A_1331] {strides = array<i32>} : memref<136x256xf32, #tpu.memory_space<vmem>>, vector<1x16xf32>,
            %swap3A_1333 = vector.shape_cast %swap3A_1332 : vector<1x16xf32> to vector<16xf32>
            %swap3A_1334 = vector.shape_cast %get3A_1329 : vector<16xf32> to vector<1x16xf32>
            tpu.vector_store %arg8[%swap3A_1330, %swap3A_1331], %swap3A_1334 {add = true, strides = array<i32>} : memref<136x256xf32, #tpu.memory_space<vmem>>, vector<1x16xf32>,
            %get3A_1335 = arith.index_cast %squeeze3A_1251 : i32 to index
            %get3A_1336 = arith.constant 144 : index
            %get3A_1337 = tpu.vector_load %arg7[%get3A_1335, %get3A_1336] {strides = array<i32>} : memref<128x256xf32, #tpu.memory_space<vmem>>, vector<1x16xf32>,
            %get3A_1338 = vector.shape_cast %get3A_1337 : vector<1x16xf32> to vector<16xf32>
            %swap3A_1339 = arith.index_cast %squeeze3A_1253 : i32 to index
            %swap3A_1340 = arith.constant 144 : index
            %swap3A_1341 = tpu.vector_load %arg8[%swap3A_1339, %swap3A_1340] {strides = array<i32>} : memref<136x256xf32, #tpu.memory_space<vmem>>, vector<1x16xf32>,
            %swap3A_1342 = vector.shape_cast %swap3A_1341 : vector<1x16xf32> to vector<16xf32>
            %swap3A_1343 = vector.shape_cast %get3A_1338 : vector<16xf32> to vector<1x16xf32>
            tpu.vector_store %arg8[%swap3A_1339, %swap3A_1340], %swap3A_1343 {add = true, strides = array<i32>} : memref<136x256xf32, #tpu.memory_space<vmem>>, vector<1x16xf32>,
            %get3A_1344 = arith.index_cast %squeeze3A_1251 : i32 to index
            %get3A_1345 = arith.constant 160 : index
            %get3A_1346 = tpu.vector_load %arg7[%get3A_1344, %get3A_1345] {strides = array<i32>} : memref<128x256xf32, #tpu.memory_space<vmem>>, vector<1x16xf32>,
            %get3A_1347 = vector.shape_cast %get3A_1346 : vector<1x16xf32> to vector<16xf32>
            %swap3A_1348 = arith.index_cast %squeeze3A_1253 : i32 to index
            %swap3A_1349 = arith.constant 160 : index
            %swap3A_1350 = tpu.vector_load %arg8[%swap3A_1348, %swap3A_1349] {strides = array<i32>} : memref<136x256xf32, #tpu.memory_space<vmem>>, vector<1x16xf32>,
            %swap3A_1351 = vector.shape_cast %swap3A_1350 : vector<1x16xf32> to vector<16xf32>
            %swap3A_1352 = vector.shape_cast %get3A_1347 : vector<16xf32> to vector<1x16xf32>
            tpu.vector_store %arg8[%swap3A_1348, %swap3A_1349], %swap3A_1352 {add = true, strides = array<i32>} : memref<136x256xf32, #tpu.memory_space<vmem>>, vector<1x16xf32>,
            %get3A_1353 = arith.index_cast %squeeze3A_1251 : i32 to index
            %get3A_1354 = arith.constant 176 : index
            %get3A_1355 = tpu.vector_load %arg7[%get3A_1353, %get3A_1354] {strides = array<i32>} : memref<128x256xf32, #tpu.memory_space<vmem>>, vector<1x16xf32>,
            %get3A_1356 = vector.shape_cast %get3A_1355 : vector<1x16xf32> to vector<16xf32>
            %swap3A_1357 = arith.index_cast %squeeze3A_1253 : i32 to index
            %swap3A_1358 = arith.constant 176 : index
            %swap3A_1359 = tpu.vector_load %arg8[%swap3A_1357, %swap3A_1358] {strides = array<i32>} : memref<136x256xf32, #tpu.memory_space<vmem>>, vector<1x16xf32>,
            %swap3A_1360 = vector.shape_cast %swap3A_1359 : vector<1x16xf32> to vector<16xf32>
            %swap3A_1361 = vector.shape_cast %get3A_1356 : vector<16xf32> to vector<1x16xf32>
            tpu.vector_store %arg8[%swap3A_1357, %swap3A_1358], %swap3A_1361 {add = true, strides = array<i32>} : memref<136x256xf32, #tpu.memory_space<vmem>>, vector<1x16xf32>,
            %get3A_1362 = arith.index_cast %squeeze3A_1251 : i32 to index
            %get3A_1363 = arith.constant 192 : index
            %get3A_1364 = tpu.vector_load %arg7[%get3A_1362, %get3A_1363] {strides = array<i32>} : memref<128x256xf32, #tpu.memory_space<vmem>>, vector<1x16xf32>,
            %get3A_1365 = vector.shape_cast %get3A_1364 : vector<1x16xf32> to vector<16xf32>
            %swap3A_1366 = arith.index_cast %squeeze3A_1253 : i32 to index
            %swap3A_1367 = arith.constant 192 : index
            %swap3A_1368 = tpu.vector_load %arg8[%swap3A_1366, %swap3A_1367] {strides = array<i32>} : memref<136x256xf32, #tpu.memory_space<vmem>>, vector<1x16xf32>,
            %swap3A_1369 = vector.shape_cast %swap3A_1368 : vector<1x16xf32> to vector<16xf32>
            %swap3A_1370 = vector.shape_cast %get3A_1365 : vector<16xf32> to vector<1x16xf32>
            tpu.vector_store %arg8[%swap3A_1366, %swap3A_1367], %swap3A_1370 {add = true, strides = array<i32>} : memref<136x256xf32, #tpu.memory_space<vmem>>, vector<1x16xf32>,
            %get3A_1371 = arith.index_cast %squeeze3A_1251 : i32 to index
            %get3A_1372 = arith.constant 208 : index
            %get3A_1373 = tpu.vector_load %arg7[%get3A_1371, %get3A_1372] {strides = array<i32>} : memref<128x256xf32, #tpu.memory_space<vmem>>, vector<1x16xf32>,
            %get3A_1374 = vector.shape_cast %get3A_1373 : vector<1x16xf32> to vector<16xf32>
            %swap3A_1375 = arith.index_cast %squeeze3A_1253 : i32 to index
            %swap3A_1376 = arith.constant 208 : index
            %swap3A_1377 = tpu.vector_load %arg8[%swap3A_1375, %swap3A_1376] {strides = array<i32>} : memref<136x256xf32, #tpu.memory_space<vmem>>, vector<1x16xf32>,
            %swap3A_1378 = vector.shape_cast %swap3A_1377 : vector<1x16xf32> to vector<16xf32>
            %swap3A_1379 = vector.shape_cast %get3A_1374 : vector<16xf32> to vector<1x16xf32>
            tpu.vector_store %arg8[%swap3A_1375, %swap3A_1376], %swap3A_1379 {add = true, strides = array<i32>} : memref<136x256xf32, #tpu.memory_space<vmem>>, vector<1x16xf32>,
            %get3A_1380 = arith.index_cast %squeeze3A_1251 : i32 to index
            %get3A_1381 = arith.constant 224 : index
            %get3A_1382 = tpu.vector_load %arg7[%get3A_1380, %get3A_1381] {strides = array<i32>} : memref<128x256xf32, #tpu.memory_space<vmem>>, vector<1x16xf32>,
            %get3A_1383 = vector.shape_cast %get3A_1382 : vector<1x16xf32> to vector<16xf32>
            %swap3A_1384 = arith.index_cast %squeeze3A_1253 : i32 to index
            %swap3A_1385 = arith.constant 224 : index
            %swap3A_1386 = tpu.vector_load %arg8[%swap3A_1384, %swap3A_1385] {strides = array<i32>} : memref<136x256xf32, #tpu.memory_space<vmem>>, vector<1x16xf32>,
            %swap3A_1387 = vector.shape_cast %swap3A_1386 : vector<1x16xf32> to vector<16xf32>
            %swap3A_1388 = vector.shape_cast %get3A_1383 : vector<16xf32> to vector<1x16xf32>
            tpu.vector_store %arg8[%swap3A_1384, %swap3A_1385], %swap3A_1388 {add = true, strides = array<i32>} : memref<136x256xf32, #tpu.memory_space<vmem>>, vector<1x16xf32>,
            %get3A_1389 = arith.index_cast %squeeze3A_1251 : i32 to index
            %get3A_1390 = arith.constant 240 : index
            %get3A_1391 = tpu.vector_load %arg7[%get3A_1389, %get3A_1390] {strides = array<i32>} : memref<128x256xf32, #tpu.memory_space<vmem>>, vector<1x16xf32>,
            %get3A_1392 = vector.shape_cast %get3A_1391 : vector<1x16xf32> to vector<16xf32>
            %swap3A_1393 = arith.index_cast %squeeze3A_1253 : i32 to index
            %swap3A_1394 = arith.constant 240 : index
            %swap3A_1395 = tpu.vector_load %arg8[%swap3A_1393, %swap3A_1394] {strides = array<i32>} : memref<136x256xf32, #tpu.memory_space<vmem>>, vector<1x16xf32>,
            %swap3A_1396 = vector.shape_cast %swap3A_1395 : vector<1x16xf32> to vector<16xf32>
            %swap3A_1397 = vector.shape_cast %get3A_1392 : vector<16xf32> to vector<1x16xf32>
            tpu.vector_store %arg8[%swap3A_1393, %swap3A_1394], %swap3A_1397 {add = true, strides = array<i32>} : memref<136x256xf32, #tpu.memory_space<vmem>>, vector<1x16xf32>,
            %slice3A_1398 = vector.extract_strided_slice %select_n3A_502 {offsets = [6], sizes = [1], strides = [1]} : vector<16xi32> to vector<1xi32>
            %squeeze3A_1399 = vector.extract %slice3A_1398[0] : i32 from vector<1xi32>
            %slice3A_1400 = vector.extract_strided_slice %select_n3A_510 {offsets = [6], sizes = [1], strides = [1]} : vector<16xi32> to vector<1xi32>
            %squeeze3A_1401 = vector.extract %slice3A_1400[0] : i32 from vector<1xi32>
            %get3A_1402 = arith.index_cast %squeeze3A_1399 : i32 to index
            %get3A_1403 = arith.constant 0 : index
            %get3A_1404 = tpu.vector_load %arg7[%get3A_1402, %get3A_1403] {strides = array<i32>} : memref<128x256xf32, #tpu.memory_space<vmem>>, vector<1x16xf32>,
            %get3A_1405 = vector.shape_cast %get3A_1404 : vector<1x16xf32> to vector<16xf32>
            %swap3A_1406 = arith.index_cast %squeeze3A_1401 : i32 to index
            %swap3A_1407 = arith.constant 0 : index
            %swap3A_1408 = tpu.vector_load %arg8[%swap3A_1406, %swap3A_1407] {strides = array<i32>} : memref<136x256xf32, #tpu.memory_space<vmem>>, vector<1x16xf32>,
            %swap3A_1409 = vector.shape_cast %swap3A_1408 : vector<1x16xf32> to vector<16xf32>
            %swap3A_1410 = vector.shape_cast %get3A_1405 : vector<16xf32> to vector<1x16xf32>
            tpu.vector_store %arg8[%swap3A_1406, %swap3A_1407], %swap3A_1410 {add = true, strides = array<i32>} : memref<136x256xf32, #tpu.memory_space<vmem>>, vector<1x16xf32>,
            %get3A_1411 = arith.index_cast %squeeze3A_1399 : i32 to index
            %get3A_1412 = arith.constant 16 : index
            %get3A_1413 = tpu.vector_load %arg7[%get3A_1411, %get3A_1412] {strides = array<i32>} : memref<128x256xf32, #tpu.memory_space<vmem>>, vector<1x16xf32>,
            %get3A_1414 = vector.shape_cast %get3A_1413 : vector<1x16xf32> to vector<16xf32>
            %swap3A_1415 = arith.index_cast %squeeze3A_1401 : i32 to index
            %swap3A_1416 = arith.constant 16 : index
            %swap3A_1417 = tpu.vector_load %arg8[%swap3A_1415, %swap3A_1416] {strides = array<i32>} : memref<136x256xf32, #tpu.memory_space<vmem>>, vector<1x16xf32>,
            %swap3A_1418 = vector.shape_cast %swap3A_1417 : vector<1x16xf32> to vector<16xf32>
            %swap3A_1419 = vector.shape_cast %get3A_1414 : vector<16xf32> to vector<1x16xf32>
            tpu.vector_store %arg8[%swap3A_1415, %swap3A_1416], %swap3A_1419 {add = true, strides = array<i32>} : memref<136x256xf32, #tpu.memory_space<vmem>>, vector<1x16xf32>,
            %get3A_1420 = arith.index_cast %squeeze3A_1399 : i32 to index
            %get3A_1421 = arith.constant 32 : index
            %get3A_1422 = tpu.vector_load %arg7[%get3A_1420, %get3A_1421] {strides = array<i32>} : memref<128x256xf32, #tpu.memory_space<vmem>>, vector<1x16xf32>,
            %get3A_1423 = vector.shape_cast %get3A_1422 : vector<1x16xf32> to vector<16xf32>
            %swap3A_1424 = arith.index_cast %squeeze3A_1401 : i32 to index
            %swap3A_1425 = arith.constant 32 : index
            %swap3A_1426 = tpu.vector_load %arg8[%swap3A_1424, %swap3A_1425] {strides = array<i32>} : memref<136x256xf32, #tpu.memory_space<vmem>>, vector<1x16xf32>,
            %swap3A_1427 = vector.shape_cast %swap3A_1426 : vector<1x16xf32> to vector<16xf32>
            %swap3A_1428 = vector.shape_cast %get3A_1423 : vector<16xf32> to vector<1x16xf32>
            tpu.vector_store %arg8[%swap3A_1424, %swap3A_1425], %swap3A_1428 {add = true, strides = array<i32>} : memref<136x256xf32, #tpu.memory_space<vmem>>, vector<1x16xf32>,
            %get3A_1429 = arith.index_cast %squeeze3A_1399 : i32 to index
            %get3A_1430 = arith.constant 48 : index
            %get3A_1431 = tpu.vector_load %arg7[%get3A_1429, %get3A_1430] {strides = array<i32>} : memref<128x256xf32, #tpu.memory_space<vmem>>, vector<1x16xf32>,
            %get3A_1432 = vector.shape_cast %get3A_1431 : vector<1x16xf32> to vector<16xf32>
            %swap3A_1433 = arith.index_cast %squeeze3A_1401 : i32 to index
            %swap3A_1434 = arith.constant 48 : index
            %swap3A_1435 = tpu.vector_load %arg8[%swap3A_1433, %swap3A_1434] {strides = array<i32>} : memref<136x256xf32, #tpu.memory_space<vmem>>, vector<1x16xf32>,
            %swap3A_1436 = vector.shape_cast %swap3A_1435 : vector<1x16xf32> to vector<16xf32>
            %swap3A_1437 = vector.shape_cast %get3A_1432 : vector<16xf32> to vector<1x16xf32>
            tpu.vector_store %arg8[%swap3A_1433, %swap3A_1434], %swap3A_1437 {add = true, strides = array<i32>} : memref<136x256xf32, #tpu.memory_space<vmem>>, vector<1x16xf32>,
            %get3A_1438 = arith.index_cast %squeeze3A_1399 : i32 to index
            %get3A_1439 = arith.constant 64 : index
            %get3A_1440 = tpu.vector_load %arg7[%get3A_1438, %get3A_1439] {strides = array<i32>} : memref<128x256xf32, #tpu.memory_space<vmem>>, vector<1x16xf32>,
            %get3A_1441 = vector.shape_cast %get3A_1440 : vector<1x16xf32> to vector<16xf32>
            %swap3A_1442 = arith.index_cast %squeeze3A_1401 : i32 to index
            %swap3A_1443 = arith.constant 64 : index
            %swap3A_1444 = tpu.vector_load %arg8[%swap3A_1442, %swap3A_1443] {strides = array<i32>} : memref<136x256xf32, #tpu.memory_space<vmem>>, vector<1x16xf32>,
            %swap3A_1445 = vector.shape_cast %swap3A_1444 : vector<1x16xf32> to vector<16xf32>
            %swap3A_1446 = vector.shape_cast %get3A_1441 : vector<16xf32> to vector<1x16xf32>
            tpu.vector_store %arg8[%swap3A_1442, %swap3A_1443], %swap3A_1446 {add = true, strides = array<i32>} : memref<136x256xf32, #tpu.memory_space<vmem>>, vector<1x16xf32>,
            %get3A_1447 = arith.index_cast %squeeze3A_1399 : i32 to index
            %get3A_1448 = arith.constant 80 : index
            %get3A_1449 = tpu.vector_load %arg7[%get3A_1447, %get3A_1448] {strides = array<i32>} : memref<128x256xf32, #tpu.memory_space<vmem>>, vector<1x16xf32>,
            %get3A_1450 = vector.shape_cast %get3A_1449 : vector<1x16xf32> to vector<16xf32>
            %swap3A_1451 = arith.index_cast %squeeze3A_1401 : i32 to index
            %swap3A_1452 = arith.constant 80 : index
            %swap3A_1453 = tpu.vector_load %arg8[%swap3A_1451, %swap3A_1452] {strides = array<i32>} : memref<136x256xf32, #tpu.memory_space<vmem>>, vector<1x16xf32>,
            %swap3A_1454 = vector.shape_cast %swap3A_1453 : vector<1x16xf32> to vector<16xf32>
            %swap3A_1455 = vector.shape_cast %get3A_1450 : vector<16xf32> to vector<1x16xf32>
            tpu.vector_store %arg8[%swap3A_1451, %swap3A_1452], %swap3A_1455 {add = true, strides = array<i32>} : memref<136x256xf32, #tpu.memory_space<vmem>>, vector<1x16xf32>,
            %get3A_1456 = arith.index_cast %squeeze3A_1399 : i32 to index
            %get3A_1457 = arith.constant 96 : index
            %get3A_1458 = tpu.vector_load %arg7[%get3A_1456, %get3A_1457] {strides = array<i32>} : memref<128x256xf32, #tpu.memory_space<vmem>>, vector<1x16xf32>,
            %get3A_1459 = vector.shape_cast %get3A_1458 : vector<1x16xf32> to vector<16xf32>
            %swap3A_1460 = arith.index_cast %squeeze3A_1401 : i32 to index
            %swap3A_1461 = arith.constant 96 : index
            %swap3A_1462 = tpu.vector_load %arg8[%swap3A_1460, %swap3A_1461] {strides = array<i32>} : memref<136x256xf32, #tpu.memory_space<vmem>>, vector<1x16xf32>,
            %swap3A_1463 = vector.shape_cast %swap3A_1462 : vector<1x16xf32> to vector<16xf32>
            %swap3A_1464 = vector.shape_cast %get3A_1459 : vector<16xf32> to vector<1x16xf32>
            tpu.vector_store %arg8[%swap3A_1460, %swap3A_1461], %swap3A_1464 {add = true, strides = array<i32>} : memref<136x256xf32, #tpu.memory_space<vmem>>, vector<1x16xf32>,
            %get3A_1465 = arith.index_cast %squeeze3A_1399 : i32 to index
            %get3A_1466 = arith.constant 112 : index
            %get3A_1467 = tpu.vector_load %arg7[%get3A_1465, %get3A_1466] {strides = array<i32>} : memref<128x256xf32, #tpu.memory_space<vmem>>, vector<1x16xf32>,
            %get3A_1468 = vector.shape_cast %get3A_1467 : vector<1x16xf32> to vector<16xf32>
            %swap3A_1469 = arith.index_cast %squeeze3A_1401 : i32 to index
            %swap3A_1470 = arith.constant 112 : index
            %swap3A_1471 = tpu.vector_load %arg8[%swap3A_1469, %swap3A_1470] {strides = array<i32>} : memref<136x256xf32, #tpu.memory_space<vmem>>, vector<1x16xf32>,
            %swap3A_1472 = vector.shape_cast %swap3A_1471 : vector<1x16xf32> to vector<16xf32>
            %swap3A_1473 = vector.shape_cast %get3A_1468 : vector<16xf32> to vector<1x16xf32>
            tpu.vector_store %arg8[%swap3A_1469, %swap3A_1470], %swap3A_1473 {add = true, strides = array<i32>} : memref<136x256xf32, #tpu.memory_space<vmem>>, vector<1x16xf32>,
            %get3A_1474 = arith.index_cast %squeeze3A_1399 : i32 to index
            %get3A_1475 = arith.constant 128 : index
            %get3A_1476 = tpu.vector_load %arg7[%get3A_1474, %get3A_1475] {strides = array<i32>} : memref<128x256xf32, #tpu.memory_space<vmem>>, vector<1x16xf32>,
            %get3A_1477 = vector.shape_cast %get3A_1476 : vector<1x16xf32> to vector<16xf32>
            %swap3A_1478 = arith.index_cast %squeeze3A_1401 : i32 to index
            %swap3A_1479 = arith.constant 128 : index
            %swap3A_1480 = tpu.vector_load %arg8[%swap3A_1478, %swap3A_1479] {strides = array<i32>} : memref<136x256xf32, #tpu.memory_space<vmem>>, vector<1x16xf32>,
            %swap3A_1481 = vector.shape_cast %swap3A_1480 : vector<1x16xf32> to vector<16xf32>
            %swap3A_1482 = vector.shape_cast %get3A_1477 : vector<16xf32> to vector<1x16xf32>
            tpu.vector_store %arg8[%swap3A_1478, %swap3A_1479], %swap3A_1482 {add = true, strides = array<i32>} : memref<136x256xf32, #tpu.memory_space<vmem>>, vector<1x16xf32>,
            %get3A_1483 = arith.index_cast %squeeze3A_1399 : i32 to index
            %get3A_1484 = arith.constant 144 : index
            %get3A_1485 = tpu.vector_load %arg7[%get3A_1483, %get3A_1484] {strides = array<i32>} : memref<128x256xf32, #tpu.memory_space<vmem>>, vector<1x16xf32>,
            %get3A_1486 = vector.shape_cast %get3A_1485 : vector<1x16xf32> to vector<16xf32>
            %swap3A_1487 = arith.index_cast %squeeze3A_1401 : i32 to index
            %swap3A_1488 = arith.constant 144 : index
            %swap3A_1489 = tpu.vector_load %arg8[%swap3A_1487, %swap3A_1488] {strides = array<i32>} : memref<136x256xf32, #tpu.memory_space<vmem>>, vector<1x16xf32>,
            %swap3A_1490 = vector.shape_cast %swap3A_1489 : vector<1x16xf32> to vector<16xf32>
            %swap3A_1491 = vector.shape_cast %get3A_1486 : vector<16xf32> to vector<1x16xf32>
            tpu.vector_store %arg8[%swap3A_1487, %swap3A_1488], %swap3A_1491 {add = true, strides = array<i32>} : memref<136x256xf32, #tpu.memory_space<vmem>>, vector<1x16xf32>,
            %get3A_1492 = arith.index_cast %squeeze3A_1399 : i32 to index
            %get3A_1493 = arith.constant 160 : index
            %get3A_1494 = tpu.vector_load %arg7[%get3A_1492, %get3A_1493] {strides = array<i32>} : memref<128x256xf32, #tpu.memory_space<vmem>>, vector<1x16xf32>,
            %get3A_1495 = vector.shape_cast %get3A_1494 : vector<1x16xf32> to vector<16xf32>
            %swap3A_1496 = arith.index_cast %squeeze3A_1401 : i32 to index
            %swap3A_1497 = arith.constant 160 : index
            %swap3A_1498 = tpu.vector_load %arg8[%swap3A_1496, %swap3A_1497] {strides = array<i32>} : memref<136x256xf32, #tpu.memory_space<vmem>>, vector<1x16xf32>,
            %swap3A_1499 = vector.shape_cast %swap3A_1498 : vector<1x16xf32> to vector<16xf32>
            %swap3A_1500 = vector.shape_cast %get3A_1495 : vector<16xf32> to vector<1x16xf32>
            tpu.vector_store %arg8[%swap3A_1496, %swap3A_1497], %swap3A_1500 {add = true, strides = array<i32>} : memref<136x256xf32, #tpu.memory_space<vmem>>, vector<1x16xf32>,
            %get3A_1501 = arith.index_cast %squeeze3A_1399 : i32 to index
            %get3A_1502 = arith.constant 176 : index
            %get3A_1503 = tpu.vector_load %arg7[%get3A_1501, %get3A_1502] {strides = array<i32>} : memref<128x256xf32, #tpu.memory_space<vmem>>, vector<1x16xf32>,
            %get3A_1504 = vector.shape_cast %get3A_1503 : vector<1x16xf32> to vector<16xf32>
            %swap3A_1505 = arith.index_cast %squeeze3A_1401 : i32 to index
            %swap3A_1506 = arith.constant 176 : index
            %swap3A_1507 = tpu.vector_load %arg8[%swap3A_1505, %swap3A_1506] {strides = array<i32>} : memref<136x256xf32, #tpu.memory_space<vmem>>, vector<1x16xf32>,
            %swap3A_1508 = vector.shape_cast %swap3A_1507 : vector<1x16xf32> to vector<16xf32>
            %swap3A_1509 = vector.shape_cast %get3A_1504 : vector<16xf32> to vector<1x16xf32>
            tpu.vector_store %arg8[%swap3A_1505, %swap3A_1506], %swap3A_1509 {add = true, strides = array<i32>} : memref<136x256xf32, #tpu.memory_space<vmem>>, vector<1x16xf32>,
            %get3A_1510 = arith.index_cast %squeeze3A_1399 : i32 to index
            %get3A_1511 = arith.constant 192 : index
            %get3A_1512 = tpu.vector_load %arg7[%get3A_1510, %get3A_1511] {strides = array<i32>} : memref<128x256xf32, #tpu.memory_space<vmem>>, vector<1x16xf32>,
            %get3A_1513 = vector.shape_cast %get3A_1512 : vector<1x16xf32> to vector<16xf32>
            %swap3A_1514 = arith.index_cast %squeeze3A_1401 : i32 to index
            %swap3A_1515 = arith.constant 192 : index
            %swap3A_1516 = tpu.vector_load %arg8[%swap3A_1514, %swap3A_1515] {strides = array<i32>} : memref<136x256xf32, #tpu.memory_space<vmem>>, vector<1x16xf32>,
            %swap3A_1517 = vector.shape_cast %swap3A_1516 : vector<1x16xf32> to vector<16xf32>
            %swap3A_1518 = vector.shape_cast %get3A_1513 : vector<16xf32> to vector<1x16xf32>
            tpu.vector_store %arg8[%swap3A_1514, %swap3A_1515], %swap3A_1518 {add = true, strides = array<i32>} : memref<136x256xf32, #tpu.memory_space<vmem>>, vector<1x16xf32>,
            %get3A_1519 = arith.index_cast %squeeze3A_1399 : i32 to index
            %get3A_1520 = arith.constant 208 : index
            %get3A_1521 = tpu.vector_load %arg7[%get3A_1519, %get3A_1520] {strides = array<i32>} : memref<128x256xf32, #tpu.memory_space<vmem>>, vector<1x16xf32>,
            %get3A_1522 = vector.shape_cast %get3A_1521 : vector<1x16xf32> to vector<16xf32>
            %swap3A_1523 = arith.index_cast %squeeze3A_1401 : i32 to index
            %swap3A_1524 = arith.constant 208 : index
            %swap3A_1525 = tpu.vector_load %arg8[%swap3A_1523, %swap3A_1524] {strides = array<i32>} : memref<136x256xf32, #tpu.memory_space<vmem>>, vector<1x16xf32>,
            %swap3A_1526 = vector.shape_cast %swap3A_1525 : vector<1x16xf32> to vector<16xf32>
            %swap3A_1527 = vector.shape_cast %get3A_1522 : vector<16xf32> to vector<1x16xf32>
            tpu.vector_store %arg8[%swap3A_1523, %swap3A_1524], %swap3A_1527 {add = true, strides = array<i32>} : memref<136x256xf32, #tpu.memory_space<vmem>>, vector<1x16xf32>,
            %get3A_1528 = arith.index_cast %squeeze3A_1399 : i32 to index
            %get3A_1529 = arith.constant 224 : index
            %get3A_1530 = tpu.vector_load %arg7[%get3A_1528, %get3A_1529] {strides = array<i32>} : memref<128x256xf32, #tpu.memory_space<vmem>>, vector<1x16xf32>,
            %get3A_1531 = vector.shape_cast %get3A_1530 : vector<1x16xf32> to vector<16xf32>
            %swap3A_1532 = arith.index_cast %squeeze3A_1401 : i32 to index
            %swap3A_1533 = arith.constant 224 : index
            %swap3A_1534 = tpu.vector_load %arg8[%swap3A_1532, %swap3A_1533] {strides = array<i32>} : memref<136x256xf32, #tpu.memory_space<vmem>>, vector<1x16xf32>,
            %swap3A_1535 = vector.shape_cast %swap3A_1534 : vector<1x16xf32> to vector<16xf32>
            %swap3A_1536 = vector.shape_cast %get3A_1531 : vector<16xf32> to vector<1x16xf32>
            tpu.vector_store %arg8[%swap3A_1532, %swap3A_1533], %swap3A_1536 {add = true, strides = array<i32>} : memref<136x256xf32, #tpu.memory_space<vmem>>, vector<1x16xf32>,
            %get3A_1537 = arith.index_cast %squeeze3A_1399 : i32 to index
            %get3A_1538 = arith.constant 240 : index
            %get3A_1539 = tpu.vector_load %arg7[%get3A_1537, %get3A_1538] {strides = array<i32>} : memref<128x256xf32, #tpu.memory_space<vmem>>, vector<1x16xf32>,
            %get3A_1540 = vector.shape_cast %get3A_1539 : vector<1x16xf32> to vector<16xf32>
            %swap3A_1541 = arith.index_cast %squeeze3A_1401 : i32 to index
            %swap3A_1542 = arith.constant 240 : index
            %swap3A_1543 = tpu.vector_load %arg8[%swap3A_1541, %swap3A_1542] {strides = array<i32>} : memref<136x256xf32, #tpu.memory_space<vmem>>, vector<1x16xf32>,
            %swap3A_1544 = vector.shape_cast %swap3A_1543 : vector<1x16xf32> to vector<16xf32>
            %swap3A_1545 = vector.shape_cast %get3A_1540 : vector<16xf32> to vector<1x16xf32>
            tpu.vector_store %arg8[%swap3A_1541, %swap3A_1542], %swap3A_1545 {add = true, strides = array<i32>} : memref<136x256xf32, #tpu.memory_space<vmem>>, vector<1x16xf32>,
            %slice3A_1546 = vector.extract_strided_slice %select_n3A_502 {offsets = [7], sizes = [1], strides = [1]} : vector<16xi32> to vector<1xi32>
            %squeeze3A_1547 = vector.extract %slice3A_1546[0] : i32 from vector<1xi32>
            %slice3A_1548 = vector.extract_strided_slice %select_n3A_510 {offsets = [7], sizes = [1], strides = [1]} : vector<16xi32> to vector<1xi32>
            %squeeze3A_1549 = vector.extract %slice3A_1548[0] : i32 from vector<1xi32>
            %get3A_1550 = arith.index_cast %squeeze3A_1547 : i32 to index
            %get3A_1551 = arith.constant 0 : index
            %get3A_1552 = tpu.vector_load %arg7[%get3A_1550, %get3A_1551] {strides = array<i32>} : memref<128x256xf32, #tpu.memory_space<vmem>>, vector<1x16xf32>,
            %get3A_1553 = vector.shape_cast %get3A_1552 : vector<1x16xf32> to vector<16xf32>
            %swap3A_1554 = arith.index_cast %squeeze3A_1549 : i32 to index
            %swap3A_1555 = arith.constant 0 : index
            %swap3A_1556 = tpu.vector_load %arg8[%swap3A_1554, %swap3A_1555] {strides = array<i32>} : memref<136x256xf32, #tpu.memory_space<vmem>>, vector<1x16xf32>,
            %swap3A_1557 = vector.shape_cast %swap3A_1556 : vector<1x16xf32> to vector<16xf32>
            %swap3A_1558 = vector.shape_cast %get3A_1553 : vector<16xf32> to vector<1x16xf32>
            tpu.vector_store %arg8[%swap3A_1554, %swap3A_1555], %swap3A_1558 {add = true, strides = array<i32>} : memref<136x256xf32, #tpu.memory_space<vmem>>, vector<1x16xf32>,
            %get3A_1559 = arith.index_cast %squeeze3A_1547 : i32 to index
            %get3A_1560 = arith.constant 16 : index
            %get3A_1561 = tpu.vector_load %arg7[%get3A_1559, %get3A_1560] {strides = array<i32>} : memref<128x256xf32, #tpu.memory_space<vmem>>, vector<1x16xf32>,
            %get3A_1562 = vector.shape_cast %get3A_1561 : vector<1x16xf32> to vector<16xf32>
            %swap3A_1563 = arith.index_cast %squeeze3A_1549 : i32 to index
            %swap3A_1564 = arith.constant 16 : index
            %swap3A_1565 = tpu.vector_load %arg8[%swap3A_1563, %swap3A_1564] {strides = array<i32>} : memref<136x256xf32, #tpu.memory_space<vmem>>, vector<1x16xf32>,
            %swap3A_1566 = vector.shape_cast %swap3A_1565 : vector<1x16xf32> to vector<16xf32>
            %swap3A_1567 = vector.shape_cast %get3A_1562 : vector<16xf32> to vector<1x16xf32>
            tpu.vector_store %arg8[%swap3A_1563, %swap3A_1564], %swap3A_1567 {add = true, strides = array<i32>} : memref<136x256xf32, #tpu.memory_space<vmem>>, vector<1x16xf32>,
            %get3A_1568 = arith.index_cast %squeeze3A_1547 : i32 to index
            %get3A_1569 = arith.constant 32 : index
            %get3A_1570 = tpu.vector_load %arg7[%get3A_1568, %get3A_1569] {strides = array<i32>} : memref<128x256xf32, #tpu.memory_space<vmem>>, vector<1x16xf32>,
            %get3A_1571 = vector.shape_cast %get3A_1570 : vector<1x16xf32> to vector<16xf32>
            %swap3A_1572 = arith.index_cast %squeeze3A_1549 : i32 to index
            %swap3A_1573 = arith.constant 32 : index
            %swap3A_1574 = tpu.vector_load %arg8[%swap3A_1572, %swap3A_1573] {strides = array<i32>} : memref<136x256xf32, #tpu.memory_space<vmem>>, vector<1x16xf32>,
            %swap3A_1575 = vector.shape_cast %swap3A_1574 : vector<1x16xf32> to vector<16xf32>
            %swap3A_1576 = vector.shape_cast %get3A_1571 : vector<16xf32> to vector<1x16xf32>
            tpu.vector_store %arg8[%swap3A_1572, %swap3A_1573], %swap3A_1576 {add = true, strides = array<i32>} : memref<136x256xf32, #tpu.memory_space<vmem>>, vector<1x16xf32>,
            %get3A_1577 = arith.index_cast %squeeze3A_1547 : i32 to index
            %get3A_1578 = arith.constant 48 : index
            %get3A_1579 = tpu.vector_load %arg7[%get3A_1577, %get3A_1578] {strides = array<i32>} : memref<128x256xf32, #tpu.memory_space<vmem>>, vector<1x16xf32>,
            %get3A_1580 = vector.shape_cast %get3A_1579 : vector<1x16xf32> to vector<16xf32>
            %swap3A_1581 = arith.index_cast %squeeze3A_1549 : i32 to index
            %swap3A_1582 = arith.constant 48 : index
            %swap3A_1583 = tpu.vector_load %arg8[%swap3A_1581, %swap3A_1582] {strides = array<i32>} : memref<136x256xf32, #tpu.memory_space<vmem>>, vector<1x16xf32>,
            %swap3A_1584 = vector.shape_cast %swap3A_1583 : vector<1x16xf32> to vector<16xf32>
            %swap3A_1585 = vector.shape_cast %get3A_1580 : vector<16xf32> to vector<1x16xf32>
            tpu.vector_store %arg8[%swap3A_1581, %swap3A_1582], %swap3A_1585 {add = true, strides = array<i32>} : memref<136x256xf32, #tpu.memory_space<vmem>>, vector<1x16xf32>,
            %get3A_1586 = arith.index_cast %squeeze3A_1547 : i32 to index
            %get3A_1587 = arith.constant 64 : index
            %get3A_1588 = tpu.vector_load %arg7[%get3A_1586, %get3A_1587] {strides = array<i32>} : memref<128x256xf32, #tpu.memory_space<vmem>>, vector<1x16xf32>,
            %get3A_1589 = vector.shape_cast %get3A_1588 : vector<1x16xf32> to vector<16xf32>
            %swap3A_1590 = arith.index_cast %squeeze3A_1549 : i32 to index
            %swap3A_1591 = arith.constant 64 : index
            %swap3A_1592 = tpu.vector_load %arg8[%swap3A_1590, %swap3A_1591] {strides = array<i32>} : memref<136x256xf32, #tpu.memory_space<vmem>>, vector<1x16xf32>,
            %swap3A_1593 = vector.shape_cast %swap3A_1592 : vector<1x16xf32> to vector<16xf32>
            %swap3A_1594 = vector.shape_cast %get3A_1589 : vector<16xf32> to vector<1x16xf32>
            tpu.vector_store %arg8[%swap3A_1590, %swap3A_1591], %swap3A_1594 {add = true, strides = array<i32>} : memref<136x256xf32, #tpu.memory_space<vmem>>, vector<1x16xf32>,
            %get3A_1595 = arith.index_cast %squeeze3A_1547 : i32 to index
            %get3A_1596 = arith.constant 80 : index
            %get3A_1597 = tpu.vector_load %arg7[%get3A_1595, %get3A_1596] {strides = array<i32>} : memref<128x256xf32, #tpu.memory_space<vmem>>, vector<1x16xf32>,
            %get3A_1598 = vector.shape_cast %get3A_1597 : vector<1x16xf32> to vector<16xf32>
            %swap3A_1599 = arith.index_cast %squeeze3A_1549 : i32 to index
            %swap3A_1600 = arith.constant 80 : index
            %swap3A_1601 = tpu.vector_load %arg8[%swap3A_1599, %swap3A_1600] {strides = array<i32>} : memref<136x256xf32, #tpu.memory_space<vmem>>, vector<1x16xf32>,
            %swap3A_1602 = vector.shape_cast %swap3A_1601 : vector<1x16xf32> to vector<16xf32>
            %swap3A_1603 = vector.shape_cast %get3A_1598 : vector<16xf32> to vector<1x16xf32>
            tpu.vector_store %arg8[%swap3A_1599, %swap3A_1600], %swap3A_1603 {add = true, strides = array<i32>} : memref<136x256xf32, #tpu.memory_space<vmem>>, vector<1x16xf32>,
            %get3A_1604 = arith.index_cast %squeeze3A_1547 : i32 to index
            %get3A_1605 = arith.constant 96 : index
            %get3A_1606 = tpu.vector_load %arg7[%get3A_1604, %get3A_1605] {strides = array<i32>} : memref<128x256xf32, #tpu.memory_space<vmem>>, vector<1x16xf32>,
            %get3A_1607 = vector.shape_cast %get3A_1606 : vector<1x16xf32> to vector<16xf32>
            %swap3A_1608 = arith.index_cast %squeeze3A_1549 : i32 to index
            %swap3A_1609 = arith.constant 96 : index
            %swap3A_1610 = tpu.vector_load %arg8[%swap3A_1608, %swap3A_1609] {strides = array<i32>} : memref<136x256xf32, #tpu.memory_space<vmem>>, vector<1x16xf32>,
            %swap3A_1611 = vector.shape_cast %swap3A_1610 : vector<1x16xf32> to vector<16xf32>
            %swap3A_1612 = vector.shape_cast %get3A_1607 : vector<16xf32> to vector<1x16xf32>
            tpu.vector_store %arg8[%swap3A_1608, %swap3A_1609], %swap3A_1612 {add = true, strides = array<i32>} : memref<136x256xf32, #tpu.memory_space<vmem>>, vector<1x16xf32>,
            %get3A_1613 = arith.index_cast %squeeze3A_1547 : i32 to index
            %get3A_1614 = arith.constant 112 : index
            %get3A_1615 = tpu.vector_load %arg7[%get3A_1613, %get3A_1614] {strides = array<i32>} : memref<128x256xf32, #tpu.memory_space<vmem>>, vector<1x16xf32>,
            %get3A_1616 = vector.shape_cast %get3A_1615 : vector<1x16xf32> to vector<16xf32>
            %swap3A_1617 = arith.index_cast %squeeze3A_1549 : i32 to index
            %swap3A_1618 = arith.constant 112 : index
            %swap3A_1619 = tpu.vector_load %arg8[%swap3A_1617, %swap3A_1618] {strides = array<i32>} : memref<136x256xf32, #tpu.memory_space<vmem>>, vector<1x16xf32>,
            %swap3A_1620 = vector.shape_cast %swap3A_1619 : vector<1x16xf32> to vector<16xf32>
            %swap3A_1621 = vector.shape_cast %get3A_1616 : vector<16xf32> to vector<1x16xf32>
            tpu.vector_store %arg8[%swap3A_1617, %swap3A_1618], %swap3A_1621 {add = true, strides = array<i32>} : memref<136x256xf32, #tpu.memory_space<vmem>>, vector<1x16xf32>,
            %get3A_1622 = arith.index_cast %squeeze3A_1547 : i32 to index
            %get3A_1623 = arith.constant 128 : index
            %get3A_1624 = tpu.vector_load %arg7[%get3A_1622, %get3A_1623] {strides = array<i32>} : memref<128x256xf32, #tpu.memory_space<vmem>>, vector<1x16xf32>,
            %get3A_1625 = vector.shape_cast %get3A_1624 : vector<1x16xf32> to vector<16xf32>
            %swap3A_1626 = arith.index_cast %squeeze3A_1549 : i32 to index
            %swap3A_1627 = arith.constant 128 : index
            %swap3A_1628 = tpu.vector_load %arg8[%swap3A_1626, %swap3A_1627] {strides = array<i32>} : memref<136x256xf32, #tpu.memory_space<vmem>>, vector<1x16xf32>,
            %swap3A_1629 = vector.shape_cast %swap3A_1628 : vector<1x16xf32> to vector<16xf32>
            %swap3A_1630 = vector.shape_cast %get3A_1625 : vector<16xf32> to vector<1x16xf32>
            tpu.vector_store %arg8[%swap3A_1626, %swap3A_1627], %swap3A_1630 {add = true, strides = array<i32>} : memref<136x256xf32, #tpu.memory_space<vmem>>, vector<1x16xf32>,
            %get3A_1631 = arith.index_cast %squeeze3A_1547 : i32 to index
            %get3A_1632 = arith.constant 144 : index
            %get3A_1633 = tpu.vector_load %arg7[%get3A_1631, %get3A_1632] {strides = array<i32>} : memref<128x256xf32, #tpu.memory_space<vmem>>, vector<1x16xf32>,
            %get3A_1634 = vector.shape_cast %get3A_1633 : vector<1x16xf32> to vector<16xf32>
            %swap3A_1635 = arith.index_cast %squeeze3A_1549 : i32 to index
            %swap3A_1636 = arith.constant 144 : index
            %swap3A_1637 = tpu.vector_load %arg8[%swap3A_1635, %swap3A_1636] {strides = array<i32>} : memref<136x256xf32, #tpu.memory_space<vmem>>, vector<1x16xf32>,
            %swap3A_1638 = vector.shape_cast %swap3A_1637 : vector<1x16xf32> to vector<16xf32>
            %swap3A_1639 = vector.shape_cast %get3A_1634 : vector<16xf32> to vector<1x16xf32>
            tpu.vector_store %arg8[%swap3A_1635, %swap3A_1636], %swap3A_1639 {add = true, strides = array<i32>} : memref<136x256xf32, #tpu.memory_space<vmem>>, vector<1x16xf32>,
            %get3A_1640 = arith.index_cast %squeeze3A_1547 : i32 to index
            %get3A_1641 = arith.constant 160 : index
            %get3A_1642 = tpu.vector_load %arg7[%get3A_1640, %get3A_1641] {strides = array<i32>} : memref<128x256xf32, #tpu.memory_space<vmem>>, vector<1x16xf32>,
            %get3A_1643 = vector.shape_cast %get3A_1642 : vector<1x16xf32> to vector<16xf32>
            %swap3A_1644 = arith.index_cast %squeeze3A_1549 : i32 to index
            %swap3A_1645 = arith.constant 160 : index
            %swap3A_1646 = tpu.vector_load %arg8[%swap3A_1644, %swap3A_1645] {strides = array<i32>} : memref<136x256xf32, #tpu.memory_space<vmem>>, vector<1x16xf32>,
            %swap3A_1647 = vector.shape_cast %swap3A_1646 : vector<1x16xf32> to vector<16xf32>
            %swap3A_1648 = vector.shape_cast %get3A_1643 : vector<16xf32> to vector<1x16xf32>
            tpu.vector_store %arg8[%swap3A_1644, %swap3A_1645], %swap3A_1648 {add = true, strides = array<i32>} : memref<136x256xf32, #tpu.memory_space<vmem>>, vector<1x16xf32>,
            %get3A_1649 = arith.index_cast %squeeze3A_1547 : i32 to index
            %get3A_1650 = arith.constant 176 : index
            %get3A_1651 = tpu.vector_load %arg7[%get3A_1649, %get3A_1650] {strides = array<i32>} : memref<128x256xf32, #tpu.memory_space<vmem>>, vector<1x16xf32>,
            %get3A_1652 = vector.shape_cast %get3A_1651 : vector<1x16xf32> to vector<16xf32>
            %swap3A_1653 = arith.index_cast %squeeze3A_1549 : i32 to index
            %swap3A_1654 = arith.constant 176 : index
            %swap3A_1655 = tpu.vector_load %arg8[%swap3A_1653, %swap3A_1654] {strides = array<i32>} : memref<136x256xf32, #tpu.memory_space<vmem>>, vector<1x16xf32>,
            %swap3A_1656 = vector.shape_cast %swap3A_1655 : vector<1x16xf32> to vector<16xf32>
            %swap3A_1657 = vector.shape_cast %get3A_1652 : vector<16xf32> to vector<1x16xf32>
            tpu.vector_store %arg8[%swap3A_1653, %swap3A_1654], %swap3A_1657 {add = true, strides = array<i32>} : memref<136x256xf32, #tpu.memory_space<vmem>>, vector<1x16xf32>,
            %get3A_1658 = arith.index_cast %squeeze3A_1547 : i32 to index
            %get3A_1659 = arith.constant 192 : index
            %get3A_1660 = tpu.vector_load %arg7[%get3A_1658, %get3A_1659] {strides = array<i32>} : memref<128x256xf32, #tpu.memory_space<vmem>>, vector<1x16xf32>,
            %get3A_1661 = vector.shape_cast %get3A_1660 : vector<1x16xf32> to vector<16xf32>
            %swap3A_1662 = arith.index_cast %squeeze3A_1549 : i32 to index
            %swap3A_1663 = arith.constant 192 : index
            %swap3A_1664 = tpu.vector_load %arg8[%swap3A_1662, %swap3A_1663] {strides = array<i32>} : memref<136x256xf32, #tpu.memory_space<vmem>>, vector<1x16xf32>,
            %swap3A_1665 = vector.shape_cast %swap3A_1664 : vector<1x16xf32> to vector<16xf32>
            %swap3A_1666 = vector.shape_cast %get3A_1661 : vector<16xf32> to vector<1x16xf32>
            tpu.vector_store %arg8[%swap3A_1662, %swap3A_1663], %swap3A_1666 {add = true, strides = array<i32>} : memref<136x256xf32, #tpu.memory_space<vmem>>, vector<1x16xf32>,
            %get3A_1667 = arith.index_cast %squeeze3A_1547 : i32 to index
            %get3A_1668 = arith.constant 208 : index
            %get3A_1669 = tpu.vector_load %arg7[%get3A_1667, %get3A_1668] {strides = array<i32>} : memref<128x256xf32, #tpu.memory_space<vmem>>, vector<1x16xf32>,
            %get3A_1670 = vector.shape_cast %get3A_1669 : vector<1x16xf32> to vector<16xf32>
            %swap3A_1671 = arith.index_cast %squeeze3A_1549 : i32 to index
            %swap3A_1672 = arith.constant 208 : index
            %swap3A_1673 = tpu.vector_load %arg8[%swap3A_1671, %swap3A_1672] {strides = array<i32>} : memref<136x256xf32, #tpu.memory_space<vmem>>, vector<1x16xf32>,
            %swap3A_1674 = vector.shape_cast %swap3A_1673 : vector<1x16xf32> to vector<16xf32>
            %swap3A_1675 = vector.shape_cast %get3A_1670 : vector<16xf32> to vector<1x16xf32>
            tpu.vector_store %arg8[%swap3A_1671, %swap3A_1672], %swap3A_1675 {add = true, strides = array<i32>} : memref<136x256xf32, #tpu.memory_space<vmem>>, vector<1x16xf32>,
            %get3A_1676 = arith.index_cast %squeeze3A_1547 : i32 to index
            %get3A_1677 = arith.constant 224 : index
            %get3A_1678 = tpu.vector_load %arg7[%get3A_1676, %get3A_1677] {strides = array<i32>} : memref<128x256xf32, #tpu.memory_space<vmem>>, vector<1x16xf32>,
            %get3A_1679 = vector.shape_cast %get3A_1678 : vector<1x16xf32> to vector<16xf32>
            %swap3A_1680 = arith.index_cast %squeeze3A_1549 : i32 to index
            %swap3A_1681 = arith.constant 224 : index
            %swap3A_1682 = tpu.vector_load %arg8[%swap3A_1680, %swap3A_1681] {strides = array<i32>} : memref<136x256xf32, #tpu.memory_space<vmem>>, vector<1x16xf32>,
            %swap3A_1683 = vector.shape_cast %swap3A_1682 : vector<1x16xf32> to vector<16xf32>
            %swap3A_1684 = vector.shape_cast %get3A_1679 : vector<16xf32> to vector<1x16xf32>
            tpu.vector_store %arg8[%swap3A_1680, %swap3A_1681], %swap3A_1684 {add = true, strides = array<i32>} : memref<136x256xf32, #tpu.memory_space<vmem>>, vector<1x16xf32>,
            %get3A_1685 = arith.index_cast %squeeze3A_1547 : i32 to index
            %get3A_1686 = arith.constant 240 : index
            %get3A_1687 = tpu.vector_load %arg7[%get3A_1685, %get3A_1686] {strides = array<i32>} : memref<128x256xf32, #tpu.memory_space<vmem>>, vector<1x16xf32>,
            %get3A_1688 = vector.shape_cast %get3A_1687 : vector<1x16xf32> to vector<16xf32>
            %swap3A_1689 = arith.index_cast %squeeze3A_1549 : i32 to index
            %swap3A_1690 = arith.constant 240 : index
            %swap3A_1691 = tpu.vector_load %arg8[%swap3A_1689, %swap3A_1690] {strides = array<i32>} : memref<136x256xf32, #tpu.memory_space<vmem>>, vector<1x16xf32>,
            %swap3A_1692 = vector.shape_cast %swap3A_1691 : vector<1x16xf32> to vector<16xf32>
            %swap3A_1693 = vector.shape_cast %get3A_1688 : vector<16xf32> to vector<1x16xf32>
            tpu.vector_store %arg8[%swap3A_1689, %swap3A_1690], %swap3A_1693 {add = true, strides = array<i32>} : memref<136x256xf32, #tpu.memory_space<vmem>>, vector<1x16xf32>,
            %slice3A_1694 = vector.extract_strided_slice %select_n3A_502 {offsets = [8], sizes = [1], strides = [1]} : vector<16xi32> to vector<1xi32>
            %squeeze3A_1695 = vector.extract %slice3A_1694[0] : i32 from vector<1xi32>
            %slice3A_1696 = vector.extract_strided_slice %select_n3A_510 {offsets = [8], sizes = [1], strides = [1]} : vector<16xi32> to vector<1xi32>
            %squeeze3A_1697 = vector.extract %slice3A_1696[0] : i32 from vector<1xi32>
            %get3A_1698 = arith.index_cast %squeeze3A_1695 : i32 to index
            %get3A_1699 = arith.constant 0 : index
            %get3A_1700 = tpu.vector_load %arg7[%get3A_1698, %get3A_1699] {strides = array<i32>} : memref<128x256xf32, #tpu.memory_space<vmem>>, vector<1x16xf32>,
            %get3A_1701 = vector.shape_cast %get3A_1700 : vector<1x16xf32> to vector<16xf32>
            %swap3A_1702 = arith.index_cast %squeeze3A_1697 : i32 to index
            %swap3A_1703 = arith.constant 0 : index
            %swap3A_1704 = tpu.vector_load %arg8[%swap3A_1702, %swap3A_1703] {strides = array<i32>} : memref<136x256xf32, #tpu.memory_space<vmem>>, vector<1x16xf32>,
            %swap3A_1705 = vector.shape_cast %swap3A_1704 : vector<1x16xf32> to vector<16xf32>
            %swap3A_1706 = vector.shape_cast %get3A_1701 : vector<16xf32> to vector<1x16xf32>
            tpu.vector_store %arg8[%swap3A_1702, %swap3A_1703], %swap3A_1706 {add = true, strides = array<i32>} : memref<136x256xf32, #tpu.memory_space<vmem>>, vector<1x16xf32>,
            %get3A_1707 = arith.index_cast %squeeze3A_1695 : i32 to index
            %get3A_1708 = arith.constant 16 : index
            %get3A_1709 = tpu.vector_load %arg7[%get3A_1707, %get3A_1708] {strides = array<i32>} : memref<128x256xf32, #tpu.memory_space<vmem>>, vector<1x16xf32>,
            %get3A_1710 = vector.shape_cast %get3A_1709 : vector<1x16xf32> to vector<16xf32>
            %swap3A_1711 = arith.index_cast %squeeze3A_1697 : i32 to index
            %swap3A_1712 = arith.constant 16 : index
            %swap3A_1713 = tpu.vector_load %arg8[%swap3A_1711, %swap3A_1712] {strides = array<i32>} : memref<136x256xf32, #tpu.memory_space<vmem>>, vector<1x16xf32>,
            %swap3A_1714 = vector.shape_cast %swap3A_1713 : vector<1x16xf32> to vector<16xf32>
            %swap3A_1715 = vector.shape_cast %get3A_1710 : vector<16xf32> to vector<1x16xf32>
            tpu.vector_store %arg8[%swap3A_1711, %swap3A_1712], %swap3A_1715 {add = true, strides = array<i32>} : memref<136x256xf32, #tpu.memory_space<vmem>>, vector<1x16xf32>,
            %get3A_1716 = arith.index_cast %squeeze3A_1695 : i32 to index
            %get3A_1717 = arith.constant 32 : index
            %get3A_1718 = tpu.vector_load %arg7[%get3A_1716, %get3A_1717] {strides = array<i32>} : memref<128x256xf32, #tpu.memory_space<vmem>>, vector<1x16xf32>,
            %get3A_1719 = vector.shape_cast %get3A_1718 : vector<1x16xf32> to vector<16xf32>
            %swap3A_1720 = arith.index_cast %squeeze3A_1697 : i32 to index
            %swap3A_1721 = arith.constant 32 : index
            %swap3A_1722 = tpu.vector_load %arg8[%swap3A_1720, %swap3A_1721] {strides = array<i32>} : memref<136x256xf32, #tpu.memory_space<vmem>>, vector<1x16xf32>,
            %swap3A_1723 = vector.shape_cast %swap3A_1722 : vector<1x16xf32> to vector<16xf32>
            %swap3A_1724 = vector.shape_cast %get3A_1719 : vector<16xf32> to vector<1x16xf32>
            tpu.vector_store %arg8[%swap3A_1720, %swap3A_1721], %swap3A_1724 {add = true, strides = array<i32>} : memref<136x256xf32, #tpu.memory_space<vmem>>, vector<1x16xf32>,
            %get3A_1725 = arith.index_cast %squeeze3A_1695 : i32 to index
            %get3A_1726 = arith.constant 48 : index
            %get3A_1727 = tpu.vector_load %arg7[%get3A_1725, %get3A_1726] {strides = array<i32>} : memref<128x256xf32, #tpu.memory_space<vmem>>, vector<1x16xf32>,
            %get3A_1728 = vector.shape_cast %get3A_1727 : vector<1x16xf32> to vector<16xf32>
            %swap3A_1729 = arith.index_cast %squeeze3A_1697 : i32 to index
            %swap3A_1730 = arith.constant 48 : index
            %swap3A_1731 = tpu.vector_load %arg8[%swap3A_1729, %swap3A_1730] {strides = array<i32>} : memref<136x256xf32, #tpu.memory_space<vmem>>, vector<1x16xf32>,
            %swap3A_1732 = vector.shape_cast %swap3A_1731 : vector<1x16xf32> to vector<16xf32>
            %swap3A_1733 = vector.shape_cast %get3A_1728 : vector<16xf32> to vector<1x16xf32>
            tpu.vector_store %arg8[%swap3A_1729, %swap3A_1730], %swap3A_1733 {add = true, strides = array<i32>} : memref<136x256xf32, #tpu.memory_space<vmem>>, vector<1x16xf32>,
            %get3A_1734 = arith.index_cast %squeeze3A_1695 : i32 to index
            %get3A_1735 = arith.constant 64 : index
            %get3A_1736 = tpu.vector_load %arg7[%get3A_1734, %get3A_1735] {strides = array<i32>} : memref<128x256xf32, #tpu.memory_space<vmem>>, vector<1x16xf32>,
            %get3A_1737 = vector.shape_cast %get3A_1736 : vector<1x16xf32> to vector<16xf32>
            %swap3A_1738 = arith.index_cast %squeeze3A_1697 : i32 to index
            %swap3A_1739 = arith.constant 64 : index
            %swap3A_1740 = tpu.vector_load %arg8[%swap3A_1738, %swap3A_1739] {strides = array<i32>} : memref<136x256xf32, #tpu.memory_space<vmem>>, vector<1x16xf32>,
            %swap3A_1741 = vector.shape_cast %swap3A_1740 : vector<1x16xf32> to vector<16xf32>
            %swap3A_1742 = vector.shape_cast %get3A_1737 : vector<16xf32> to vector<1x16xf32>
            tpu.vector_store %arg8[%swap3A_1738, %swap3A_1739], %swap3A_1742 {add = true, strides = array<i32>} : memref<136x256xf32, #tpu.memory_space<vmem>>, vector<1x16xf32>,
            %get3A_1743 = arith.index_cast %squeeze3A_1695 : i32 to index
            %get3A_1744 = arith.constant 80 : index
            %get3A_1745 = tpu.vector_load %arg7[%get3A_1743, %get3A_1744] {strides = array<i32>} : memref<128x256xf32, #tpu.memory_space<vmem>>, vector<1x16xf32>,
            %get3A_1746 = vector.shape_cast %get3A_1745 : vector<1x16xf32> to vector<16xf32>
            %swap3A_1747 = arith.index_cast %squeeze3A_1697 : i32 to index
            %swap3A_1748 = arith.constant 80 : index
            %swap3A_1749 = tpu.vector_load %arg8[%swap3A_1747, %swap3A_1748] {strides = array<i32>} : memref<136x256xf32, #tpu.memory_space<vmem>>, vector<1x16xf32>,
            %swap3A_1750 = vector.shape_cast %swap3A_1749 : vector<1x16xf32> to vector<16xf32>
            %swap3A_1751 = vector.shape_cast %get3A_1746 : vector<16xf32> to vector<1x16xf32>
            tpu.vector_store %arg8[%swap3A_1747, %swap3A_1748], %swap3A_1751 {add = true, strides = array<i32>} : memref<136x256xf32, #tpu.memory_space<vmem>>, vector<1x16xf32>,
            %get3A_1752 = arith.index_cast %squeeze3A_1695 : i32 to index
            %get3A_1753 = arith.constant 96 : index
            %get3A_1754 = tpu.vector_load %arg7[%get3A_1752, %get3A_1753] {strides = array<i32>} : memref<128x256xf32, #tpu.memory_space<vmem>>, vector<1x16xf32>,
            %get3A_1755 = vector.shape_cast %get3A_1754 : vector<1x16xf32> to vector<16xf32>
            %swap3A_1756 = arith.index_cast %squeeze3A_1697 : i32 to index
            %swap3A_1757 = arith.constant 96 : index
            %swap3A_1758 = tpu.vector_load %arg8[%swap3A_1756, %swap3A_1757] {strides = array<i32>} : memref<136x256xf32, #tpu.memory_space<vmem>>, vector<1x16xf32>,
            %swap3A_1759 = vector.shape_cast %swap3A_1758 : vector<1x16xf32> to vector<16xf32>
            %swap3A_1760 = vector.shape_cast %get3A_1755 : vector<16xf32> to vector<1x16xf32>
            tpu.vector_store %arg8[%swap3A_1756, %swap3A_1757], %swap3A_1760 {add = true, strides = array<i32>} : memref<136x256xf32, #tpu.memory_space<vmem>>, vector<1x16xf32>,
            %get3A_1761 = arith.index_cast %squeeze3A_1695 : i32 to index
            %get3A_1762 = arith.constant 112 : index
            %get3A_1763 = tpu.vector_load %arg7[%get3A_1761, %get3A_1762] {strides = array<i32>} : memref<128x256xf32, #tpu.memory_space<vmem>>, vector<1x16xf32>,
            %get3A_1764 = vector.shape_cast %get3A_1763 : vector<1x16xf32> to vector<16xf32>
            %swap3A_1765 = arith.index_cast %squeeze3A_1697 : i32 to index
            %swap3A_1766 = arith.constant 112 : index
            %swap3A_1767 = tpu.vector_load %arg8[%swap3A_1765, %swap3A_1766] {strides = array<i32>} : memref<136x256xf32, #tpu.memory_space<vmem>>, vector<1x16xf32>,
            %swap3A_1768 = vector.shape_cast %swap3A_1767 : vector<1x16xf32> to vector<16xf32>
            %swap3A_1769 = vector.shape_cast %get3A_1764 : vector<16xf32> to vector<1x16xf32>
            tpu.vector_store %arg8[%swap3A_1765, %swap3A_1766], %swap3A_1769 {add = true, strides = array<i32>} : memref<136x256xf32, #tpu.memory_space<vmem>>, vector<1x16xf32>,
            %get3A_1770 = arith.index_cast %squeeze3A_1695 : i32 to index
            %get3A_1771 = arith.constant 128 : index
            %get3A_1772 = tpu.vector_load %arg7[%get3A_1770, %get3A_1771] {strides = array<i32>} : memref<128x256xf32, #tpu.memory_space<vmem>>, vector<1x16xf32>,
            %get3A_1773 = vector.shape_cast %get3A_1772 : vector<1x16xf32> to vector<16xf32>
            %swap3A_1774 = arith.index_cast %squeeze3A_1697 : i32 to index
            %swap3A_1775 = arith.constant 128 : index
            %swap3A_1776 = tpu.vector_load %arg8[%swap3A_1774, %swap3A_1775] {strides = array<i32>} : memref<136x256xf32, #tpu.memory_space<vmem>>, vector<1x16xf32>,
            %swap3A_1777 = vector.shape_cast %swap3A_1776 : vector<1x16xf32> to vector<16xf32>
            %swap3A_1778 = vector.shape_cast %get3A_1773 : vector<16xf32> to vector<1x16xf32>
            tpu.vector_store %arg8[%swap3A_1774, %swap3A_1775], %swap3A_1778 {add = true, strides = array<i32>} : memref<136x256xf32, #tpu.memory_space<vmem>>, vector<1x16xf32>,
            %get3A_1779 = arith.index_cast %squeeze3A_1695 : i32 to index
            %get3A_1780 = arith.constant 144 : index
            %get3A_1781 = tpu.vector_load %arg7[%get3A_1779, %get3A_1780] {strides = array<i32>} : memref<128x256xf32, #tpu.memory_space<vmem>>, vector<1x16xf32>,
            %get3A_1782 = vector.shape_cast %get3A_1781 : vector<1x16xf32> to vector<16xf32>
            %swap3A_1783 = arith.index_cast %squeeze3A_1697 : i32 to index
            %swap3A_1784 = arith.constant 144 : index
            %swap3A_1785 = tpu.vector_load %arg8[%swap3A_1783, %swap3A_1784] {strides = array<i32>} : memref<136x256xf32, #tpu.memory_space<vmem>>, vector<1x16xf32>,
            %swap3A_1786 = vector.shape_cast %swap3A_1785 : vector<1x16xf32> to vector<16xf32>
            %swap3A_1787 = vector.shape_cast %get3A_1782 : vector<16xf32> to vector<1x16xf32>
            tpu.vector_store %arg8[%swap3A_1783, %swap3A_1784], %swap3A_1787 {add = true, strides = array<i32>} : memref<136x256xf32, #tpu.memory_space<vmem>>, vector<1x16xf32>,
            %get3A_1788 = arith.index_cast %squeeze3A_1695 : i32 to index
            %get3A_1789 = arith.constant 160 : index
            %get3A_1790 = tpu.vector_load %arg7[%get3A_1788, %get3A_1789] {strides = array<i32>} : memref<128x256xf32, #tpu.memory_space<vmem>>, vector<1x16xf32>,
            %get3A_1791 = vector.shape_cast %get3A_1790 : vector<1x16xf32> to vector<16xf32>
            %swap3A_1792 = arith.index_cast %squeeze3A_1697 : i32 to index
            %swap3A_1793 = arith.constant 160 : index
            %swap3A_1794 = tpu.vector_load %arg8[%swap3A_1792, %swap3A_1793] {strides = array<i32>} : memref<136x256xf32, #tpu.memory_space<vmem>>, vector<1x16xf32>,
            %swap3A_1795 = vector.shape_cast %swap3A_1794 : vector<1x16xf32> to vector<16xf32>
            %swap3A_1796 = vector.shape_cast %get3A_1791 : vector<16xf32> to vector<1x16xf32>
            tpu.vector_store %arg8[%swap3A_1792, %swap3A_1793], %swap3A_1796 {add = true, strides = array<i32>} : memref<136x256xf32, #tpu.memory_space<vmem>>, vector<1x16xf32>,
            %get3A_1797 = arith.index_cast %squeeze3A_1695 : i32 to index
            %get3A_1798 = arith.constant 176 : index
            %get3A_1799 = tpu.vector_load %arg7[%get3A_1797, %get3A_1798] {strides = array<i32>} : memref<128x256xf32, #tpu.memory_space<vmem>>, vector<1x16xf32>,
            %get3A_1800 = vector.shape_cast %get3A_1799 : vector<1x16xf32> to vector<16xf32>
            %swap3A_1801 = arith.index_cast %squeeze3A_1697 : i32 to index
            %swap3A_1802 = arith.constant 176 : index
            %swap3A_1803 = tpu.vector_load %arg8[%swap3A_1801, %swap3A_1802] {strides = array<i32>} : memref<136x256xf32, #tpu.memory_space<vmem>>, vector<1x16xf32>,
            %swap3A_1804 = vector.shape_cast %swap3A_1803 : vector<1x16xf32> to vector<16xf32>
            %swap3A_1805 = vector.shape_cast %get3A_1800 : vector<16xf32> to vector<1x16xf32>
            tpu.vector_store %arg8[%swap3A_1801, %swap3A_1802], %swap3A_1805 {add = true, strides = array<i32>} : memref<136x256xf32, #tpu.memory_space<vmem>>, vector<1x16xf32>,
            %get3A_1806 = arith.index_cast %squeeze3A_1695 : i32 to index
            %get3A_1807 = arith.constant 192 : index
            %get3A_1808 = tpu.vector_load %arg7[%get3A_1806, %get3A_1807] {strides = array<i32>} : memref<128x256xf32, #tpu.memory_space<vmem>>, vector<1x16xf32>,
            %get3A_1809 = vector.shape_cast %get3A_1808 : vector<1x16xf32> to vector<16xf32>
            %swap3A_1810 = arith.index_cast %squeeze3A_1697 : i32 to index
            %swap3A_1811 = arith.constant 192 : index
            %swap3A_1812 = tpu.vector_load %arg8[%swap3A_1810, %swap3A_1811] {strides = array<i32>} : memref<136x256xf32, #tpu.memory_space<vmem>>, vector<1x16xf32>,
            %swap3A_1813 = vector.shape_cast %swap3A_1812 : vector<1x16xf32> to vector<16xf32>
            %swap3A_1814 = vector.shape_cast %get3A_1809 : vector<16xf32> to vector<1x16xf32>
            tpu.vector_store %arg8[%swap3A_1810, %swap3A_1811], %swap3A_1814 {add = true, strides = array<i32>} : memref<136x256xf32, #tpu.memory_space<vmem>>, vector<1x16xf32>,
            %get3A_1815 = arith.index_cast %squeeze3A_1695 : i32 to index
            %get3A_1816 = arith.constant 208 : index
            %get3A_1817 = tpu.vector_load %arg7[%get3A_1815, %get3A_1816] {strides = array<i32>} : memref<128x256xf32, #tpu.memory_space<vmem>>, vector<1x16xf32>,
            %get3A_1818 = vector.shape_cast %get3A_1817 : vector<1x16xf32> to vector<16xf32>
            %swap3A_1819 = arith.index_cast %squeeze3A_1697 : i32 to index
            %swap3A_1820 = arith.constant 208 : index
            %swap3A_1821 = tpu.vector_load %arg8[%swap3A_1819, %swap3A_1820] {strides = array<i32>} : memref<136x256xf32, #tpu.memory_space<vmem>>, vector<1x16xf32>,
            %swap3A_1822 = vector.shape_cast %swap3A_1821 : vector<1x16xf32> to vector<16xf32>
            %swap3A_1823 = vector.shape_cast %get3A_1818 : vector<16xf32> to vector<1x16xf32>
            tpu.vector_store %arg8[%swap3A_1819, %swap3A_1820], %swap3A_1823 {add = true, strides = array<i32>} : memref<136x256xf32, #tpu.memory_space<vmem>>, vector<1x16xf32>,
            %get3A_1824 = arith.index_cast %squeeze3A_1695 : i32 to index
            %get3A_1825 = arith.constant 224 : index
            %get3A_1826 = tpu.vector_load %arg7[%get3A_1824, %get3A_1825] {strides = array<i32>} : memref<128x256xf32, #tpu.memory_space<vmem>>, vector<1x16xf32>,
            %get3A_1827 = vector.shape_cast %get3A_1826 : vector<1x16xf32> to vector<16xf32>
            %swap3A_1828 = arith.index_cast %squeeze3A_1697 : i32 to index
            %swap3A_1829 = arith.constant 224 : index
            %swap3A_1830 = tpu.vector_load %arg8[%swap3A_1828, %swap3A_1829] {strides = array<i32>} : memref<136x256xf32, #tpu.memory_space<vmem>>, vector<1x16xf32>,
            %swap3A_1831 = vector.shape_cast %swap3A_1830 : vector<1x16xf32> to vector<16xf32>
            %swap3A_1832 = vector.shape_cast %get3A_1827 : vector<16xf32> to vector<1x16xf32>
            tpu.vector_store %arg8[%swap3A_1828, %swap3A_1829], %swap3A_1832 {add = true, strides = array<i32>} : memref<136x256xf32, #tpu.memory_space<vmem>>, vector<1x16xf32>,
            %get3A_1833 = arith.index_cast %squeeze3A_1695 : i32 to index
            %get3A_1834 = arith.constant 240 : index
            %get3A_1835 = tpu.vector_load %arg7[%get3A_1833, %get3A_1834] {strides = array<i32>} : memref<128x256xf32, #tpu.memory_space<vmem>>, vector<1x16xf32>,
            %get3A_1836 = vector.shape_cast %get3A_1835 : vector<1x16xf32> to vector<16xf32>
            %swap3A_1837 = arith.index_cast %squeeze3A_1697 : i32 to index
            %swap3A_1838 = arith.constant 240 : index
            %swap3A_1839 = tpu.vector_load %arg8[%swap3A_1837, %swap3A_1838] {strides = array<i32>} : memref<136x256xf32, #tpu.memory_space<vmem>>, vector<1x16xf32>,
            %swap3A_1840 = vector.shape_cast %swap3A_1839 : vector<1x16xf32> to vector<16xf32>
            %swap3A_1841 = vector.shape_cast %get3A_1836 : vector<16xf32> to vector<1x16xf32>
            tpu.vector_store %arg8[%swap3A_1837, %swap3A_1838], %swap3A_1841 {add = true, strides = array<i32>} : memref<136x256xf32, #tpu.memory_space<vmem>>, vector<1x16xf32>,
            %slice3A_1842 = vector.extract_strided_slice %select_n3A_502 {offsets = [9], sizes = [1], strides = [1]} : vector<16xi32> to vector<1xi32>
            %squeeze3A_1843 = vector.extract %slice3A_1842[0] : i32 from vector<1xi32>
            %slice3A_1844 = vector.extract_strided_slice %select_n3A_510 {offsets = [9], sizes = [1], strides = [1]} : vector<16xi32> to vector<1xi32>
            %squeeze3A_1845 = vector.extract %slice3A_1844[0] : i32 from vector<1xi32>
            %get3A_1846 = arith.index_cast %squeeze3A_1843 : i32 to index
            %get3A_1847 = arith.constant 0 : index
            %get3A_1848 = tpu.vector_load %arg7[%get3A_1846, %get3A_1847] {strides = array<i32>} : memref<128x256xf32, #tpu.memory_space<vmem>>, vector<1x16xf32>,
            %get3A_1849 = vector.shape_cast %get3A_1848 : vector<1x16xf32> to vector<16xf32>
            %swap3A_1850 = arith.index_cast %squeeze3A_1845 : i32 to index
            %swap3A_1851 = arith.constant 0 : index
            %swap3A_1852 = tpu.vector_load %arg8[%swap3A_1850, %swap3A_1851] {strides = array<i32>} : memref<136x256xf32, #tpu.memory_space<vmem>>, vector<1x16xf32>,
            %swap3A_1853 = vector.shape_cast %swap3A_1852 : vector<1x16xf32> to vector<16xf32>
            %swap3A_1854 = vector.shape_cast %get3A_1849 : vector<16xf32> to vector<1x16xf32>
            tpu.vector_store %arg8[%swap3A_1850, %swap3A_1851], %swap3A_1854 {add = true, strides = array<i32>} : memref<136x256xf32, #tpu.memory_space<vmem>>, vector<1x16xf32>,
            %get3A_1855 = arith.index_cast %squeeze3A_1843 : i32 to index
            %get3A_1856 = arith.constant 16 : index
            %get3A_1857 = tpu.vector_load %arg7[%get3A_1855, %get3A_1856] {strides = array<i32>} : memref<128x256xf32, #tpu.memory_space<vmem>>, vector<1x16xf32>,
            %get3A_1858 = vector.shape_cast %get3A_1857 : vector<1x16xf32> to vector<16xf32>
            %swap3A_1859 = arith.index_cast %squeeze3A_1845 : i32 to index
            %swap3A_1860 = arith.constant 16 : index
            %swap3A_1861 = tpu.vector_load %arg8[%swap3A_1859, %swap3A_1860] {strides = array<i32>} : memref<136x256xf32, #tpu.memory_space<vmem>>, vector<1x16xf32>,
            %swap3A_1862 = vector.shape_cast %swap3A_1861 : vector<1x16xf32> to vector<16xf32>
            %swap3A_1863 = vector.shape_cast %get3A_1858 : vector<16xf32> to vector<1x16xf32>
            tpu.vector_store %arg8[%swap3A_1859, %swap3A_1860], %swap3A_1863 {add = true, strides = array<i32>} : memref<136x256xf32, #tpu.memory_space<vmem>>, vector<1x16xf32>,
            %get3A_1864 = arith.index_cast %squeeze3A_1843 : i32 to index
            %get3A_1865 = arith.constant 32 : index
            %get3A_1866 = tpu.vector_load %arg7[%get3A_1864, %get3A_1865] {strides = array<i32>} : memref<128x256xf32, #tpu.memory_space<vmem>>, vector<1x16xf32>,
            %get3A_1867 = vector.shape_cast %get3A_1866 : vector<1x16xf32> to vector<16xf32>
            %swap3A_1868 = arith.index_cast %squeeze3A_1845 : i32 to index
            %swap3A_1869 = arith.constant 32 : index
            %swap3A_1870 = tpu.vector_load %arg8[%swap3A_1868, %swap3A_1869] {strides = array<i32>} : memref<136x256xf32, #tpu.memory_space<vmem>>, vector<1x16xf32>,
            %swap3A_1871 = vector.shape_cast %swap3A_1870 : vector<1x16xf32> to vector<16xf32>
            %swap3A_1872 = vector.shape_cast %get3A_1867 : vector<16xf32> to vector<1x16xf32>
            tpu.vector_store %arg8[%swap3A_1868, %swap3A_1869], %swap3A_1872 {add = true, strides = array<i32>} : memref<136x256xf32, #tpu.memory_space<vmem>>, vector<1x16xf32>,
            %get3A_1873 = arith.index_cast %squeeze3A_1843 : i32 to index
            %get3A_1874 = arith.constant 48 : index
            %get3A_1875 = tpu.vector_load %arg7[%get3A_1873, %get3A_1874] {strides = array<i32>} : memref<128x256xf32, #tpu.memory_space<vmem>>, vector<1x16xf32>,
            %get3A_1876 = vector.shape_cast %get3A_1875 : vector<1x16xf32> to vector<16xf32>
            %swap3A_1877 = arith.index_cast %squeeze3A_1845 : i32 to index
            %swap3A_1878 = arith.constant 48 : index
            %swap3A_1879 = tpu.vector_load %arg8[%swap3A_1877, %swap3A_1878] {strides = array<i32>} : memref<136x256xf32, #tpu.memory_space<vmem>>, vector<1x16xf32>,
            %swap3A_1880 = vector.shape_cast %swap3A_1879 : vector<1x16xf32> to vector<16xf32>
            %swap3A_1881 = vector.shape_cast %get3A_1876 : vector<16xf32> to vector<1x16xf32>
            tpu.vector_store %arg8[%swap3A_1877, %swap3A_1878], %swap3A_1881 {add = true, strides = array<i32>} : memref<136x256xf32, #tpu.memory_space<vmem>>, vector<1x16xf32>,
            %get3A_1882 = arith.index_cast %squeeze3A_1843 : i32 to index
            %get3A_1883 = arith.constant 64 : index
            %get3A_1884 = tpu.vector_load %arg7[%get3A_1882, %get3A_1883] {strides = array<i32>} : memref<128x256xf32, #tpu.memory_space<vmem>>, vector<1x16xf32>,
            %get3A_1885 = vector.shape_cast %get3A_1884 : vector<1x16xf32> to vector<16xf32>
            %swap3A_1886 = arith.index_cast %squeeze3A_1845 : i32 to index
            %swap3A_1887 = arith.constant 64 : index
            %swap3A_1888 = tpu.vector_load %arg8[%swap3A_1886, %swap3A_1887] {strides = array<i32>} : memref<136x256xf32, #tpu.memory_space<vmem>>, vector<1x16xf32>,
            %swap3A_1889 = vector.shape_cast %swap3A_1888 : vector<1x16xf32> to vector<16xf32>
            %swap3A_1890 = vector.shape_cast %get3A_1885 : vector<16xf32> to vector<1x16xf32>
            tpu.vector_store %arg8[%swap3A_1886, %swap3A_1887], %swap3A_1890 {add = true, strides = array<i32>} : memref<136x256xf32, #tpu.memory_space<vmem>>, vector<1x16xf32>,
            %get3A_1891 = arith.index_cast %squeeze3A_1843 : i32 to index
            %get3A_1892 = arith.constant 80 : index
            %get3A_1893 = tpu.vector_load %arg7[%get3A_1891, %get3A_1892] {strides = array<i32>} : memref<128x256xf32, #tpu.memory_space<vmem>>, vector<1x16xf32>,
            %get3A_1894 = vector.shape_cast %get3A_1893 : vector<1x16xf32> to vector<16xf32>
            %swap3A_1895 = arith.index_cast %squeeze3A_1845 : i32 to index
            %swap3A_1896 = arith.constant 80 : index
            %swap3A_1897 = tpu.vector_load %arg8[%swap3A_1895, %swap3A_1896] {strides = array<i32>} : memref<136x256xf32, #tpu.memory_space<vmem>>, vector<1x16xf32>,
            %swap3A_1898 = vector.shape_cast %swap3A_1897 : vector<1x16xf32> to vector<16xf32>
            %swap3A_1899 = vector.shape_cast %get3A_1894 : vector<16xf32> to vector<1x16xf32>
            tpu.vector_store %arg8[%swap3A_1895, %swap3A_1896], %swap3A_1899 {add = true, strides = array<i32>} : memref<136x256xf32, #tpu.memory_space<vmem>>, vector<1x16xf32>,
            %get3A_1900 = arith.index_cast %squeeze3A_1843 : i32 to index
            %get3A_1901 = arith.constant 96 : index
            %get3A_1902 = tpu.vector_load %arg7[%get3A_1900, %get3A_1901] {strides = array<i32>} : memref<128x256xf32, #tpu.memory_space<vmem>>, vector<1x16xf32>,
            %get3A_1903 = vector.shape_cast %get3A_1902 : vector<1x16xf32> to vector<16xf32>
            %swap3A_1904 = arith.index_cast %squeeze3A_1845 : i32 to index
            %swap3A_1905 = arith.constant 96 : index
            %swap3A_1906 = tpu.vector_load %arg8[%swap3A_1904, %swap3A_1905] {strides = array<i32>} : memref<136x256xf32, #tpu.memory_space<vmem>>, vector<1x16xf32>,
            %swap3A_1907 = vector.shape_cast %swap3A_1906 : vector<1x16xf32> to vector<16xf32>
            %swap3A_1908 = vector.shape_cast %get3A_1903 : vector<16xf32> to vector<1x16xf32>
            tpu.vector_store %arg8[%swap3A_1904, %swap3A_1905], %swap3A_1908 {add = true, strides = array<i32>} : memref<136x256xf32, #tpu.memory_space<vmem>>, vector<1x16xf32>,
            %get3A_1909 = arith.index_cast %squeeze3A_1843 : i32 to index
            %get3A_1910 = arith.constant 112 : index
            %get3A_1911 = tpu.vector_load %arg7[%get3A_1909, %get3A_1910] {strides = array<i32>} : memref<128x256xf32, #tpu.memory_space<vmem>>, vector<1x16xf32>,
            %get3A_1912 = vector.shape_cast %get3A_1911 : vector<1x16xf32> to vector<16xf32>
            %swap3A_1913 = arith.index_cast %squeeze3A_1845 : i32 to index
            %swap3A_1914 = arith.constant 112 : index
            %swap3A_1915 = tpu.vector_load %arg8[%swap3A_1913, %swap3A_1914] {strides = array<i32>} : memref<136x256xf32, #tpu.memory_space<vmem>>, vector<1x16xf32>,
            %swap3A_1916 = vector.shape_cast %swap3A_1915 : vector<1x16xf32> to vector<16xf32>
            %swap3A_1917 = vector.shape_cast %get3A_1912 : vector<16xf32> to vector<1x16xf32>
            tpu.vector_store %arg8[%swap3A_1913, %swap3A_1914], %swap3A_1917 {add = true, strides = array<i32>} : memref<136x256xf32, #tpu.memory_space<vmem>>, vector<1x16xf32>,
            %get3A_1918 = arith.index_cast %squeeze3A_1843 : i32 to index
            %get3A_1919 = arith.constant 128 : index
            %get3A_1920 = tpu.vector_load %arg7[%get3A_1918, %get3A_1919] {strides = array<i32>} : memref<128x256xf32, #tpu.memory_space<vmem>>, vector<1x16xf32>,
            %get3A_1921 = vector.shape_cast %get3A_1920 : vector<1x16xf32> to vector<16xf32>
            %swap3A_1922 = arith.index_cast %squeeze3A_1845 : i32 to index
            %swap3A_1923 = arith.constant 128 : index
            %swap3A_1924 = tpu.vector_load %arg8[%swap3A_1922, %swap3A_1923] {strides = array<i32>} : memref<136x256xf32, #tpu.memory_space<vmem>>, vector<1x16xf32>,
            %swap3A_1925 = vector.shape_cast %swap3A_1924 : vector<1x16xf32> to vector<16xf32>
            %swap3A_1926 = vector.shape_cast %get3A_1921 : vector<16xf32> to vector<1x16xf32>
            tpu.vector_store %arg8[%swap3A_1922, %swap3A_1923], %swap3A_1926 {add = true, strides = array<i32>} : memref<136x256xf32, #tpu.memory_space<vmem>>, vector<1x16xf32>,
            %get3A_1927 = arith.index_cast %squeeze3A_1843 : i32 to index
            %get3A_1928 = arith.constant 144 : index
            %get3A_1929 = tpu.vector_load %arg7[%get3A_1927, %get3A_1928] {strides = array<i32>} : memref<128x256xf32, #tpu.memory_space<vmem>>, vector<1x16xf32>,
            %get3A_1930 = vector.shape_cast %get3A_1929 : vector<1x16xf32> to vector<16xf32>
            %swap3A_1931 = arith.index_cast %squeeze3A_1845 : i32 to index
            %swap3A_1932 = arith.constant 144 : index
            %swap3A_1933 = tpu.vector_load %arg8[%swap3A_1931, %swap3A_1932] {strides = array<i32>} : memref<136x256xf32, #tpu.memory_space<vmem>>, vector<1x16xf32>,
            %swap3A_1934 = vector.shape_cast %swap3A_1933 : vector<1x16xf32> to vector<16xf32>
            %swap3A_1935 = vector.shape_cast %get3A_1930 : vector<16xf32> to vector<1x16xf32>
            tpu.vector_store %arg8[%swap3A_1931, %swap3A_1932], %swap3A_1935 {add = true, strides = array<i32>} : memref<136x256xf32, #tpu.memory_space<vmem>>, vector<1x16xf32>,
            %get3A_1936 = arith.index_cast %squeeze3A_1843 : i32 to index
            %get3A_1937 = arith.constant 160 : index
            %get3A_1938 = tpu.vector_load %arg7[%get3A_1936, %get3A_1937] {strides = array<i32>} : memref<128x256xf32, #tpu.memory_space<vmem>>, vector<1x16xf32>,
            %get3A_1939 = vector.shape_cast %get3A_1938 : vector<1x16xf32> to vector<16xf32>
            %swap3A_1940 = arith.index_cast %squeeze3A_1845 : i32 to index
            %swap3A_1941 = arith.constant 160 : index
            %swap3A_1942 = tpu.vector_load %arg8[%swap3A_1940, %swap3A_1941] {strides = array<i32>} : memref<136x256xf32, #tpu.memory_space<vmem>>, vector<1x16xf32>,
            %swap3A_1943 = vector.shape_cast %swap3A_1942 : vector<1x16xf32> to vector<16xf32>
            %swap3A_1944 = vector.shape_cast %get3A_1939 : vector<16xf32> to vector<1x16xf32>
            tpu.vector_store %arg8[%swap3A_1940, %swap3A_1941], %swap3A_1944 {add = true, strides = array<i32>} : memref<136x256xf32, #tpu.memory_space<vmem>>, vector<1x16xf32>,
            %get3A_1945 = arith.index_cast %squeeze3A_1843 : i32 to index
            %get3A_1946 = arith.constant 176 : index
            %get3A_1947 = tpu.vector_load %arg7[%get3A_1945, %get3A_1946] {strides = array<i32>} : memref<128x256xf32, #tpu.memory_space<vmem>>, vector<1x16xf32>,
            %get3A_1948 = vector.shape_cast %get3A_1947 : vector<1x16xf32> to vector<16xf32>
            %swap3A_1949 = arith.index_cast %squeeze3A_1845 : i32 to index
            %swap3A_1950 = arith.constant 176 : index
            %swap3A_1951 = tpu.vector_load %arg8[%swap3A_1949, %swap3A_1950] {strides = array<i32>} : memref<136x256xf32, #tpu.memory_space<vmem>>, vector<1x16xf32>,
            %swap3A_1952 = vector.shape_cast %swap3A_1951 : vector<1x16xf32> to vector<16xf32>
            %swap3A_1953 = vector.shape_cast %get3A_1948 : vector<16xf32> to vector<1x16xf32>
            tpu.vector_store %arg8[%swap3A_1949, %swap3A_1950], %swap3A_1953 {add = true, strides = array<i32>} : memref<136x256xf32, #tpu.memory_space<vmem>>, vector<1x16xf32>,
            %get3A_1954 = arith.index_cast %squeeze3A_1843 : i32 to index
            %get3A_1955 = arith.constant 192 : index
            %get3A_1956 = tpu.vector_load %arg7[%get3A_1954, %get3A_1955] {strides = array<i32>} : memref<128x256xf32, #tpu.memory_space<vmem>>, vector<1x16xf32>,
            %get3A_1957 = vector.shape_cast %get3A_1956 : vector<1x16xf32> to vector<16xf32>
            %swap3A_1958 = arith.index_cast %squeeze3A_1845 : i32 to index
            %swap3A_1959 = arith.constant 192 : index
            %swap3A_1960 = tpu.vector_load %arg8[%swap3A_1958, %swap3A_1959] {strides = array<i32>} : memref<136x256xf32, #tpu.memory_space<vmem>>, vector<1x16xf32>,
            %swap3A_1961 = vector.shape_cast %swap3A_1960 : vector<1x16xf32> to vector<16xf32>
            %swap3A_1962 = vector.shape_cast %get3A_1957 : vector<16xf32> to vector<1x16xf32>
            tpu.vector_store %arg8[%swap3A_1958, %swap3A_1959], %swap3A_1962 {add = true, strides = array<i32>} : memref<136x256xf32, #tpu.memory_space<vmem>>, vector<1x16xf32>,
            %get3A_1963 = arith.index_cast %squeeze3A_1843 : i32 to index
            %get3A_1964 = arith.constant 208 : index
            %get3A_1965 = tpu.vector_load %arg7[%get3A_1963, %get3A_1964] {strides = array<i32>} : memref<128x256xf32, #tpu.memory_space<vmem>>, vector<1x16xf32>,
            %get3A_1966 = vector.shape_cast %get3A_1965 : vector<1x16xf32> to vector<16xf32>
            %swap3A_1967 = arith.index_cast %squeeze3A_1845 : i32 to index
            %swap3A_1968 = arith.constant 208 : index
            %swap3A_1969 = tpu.vector_load %arg8[%swap3A_1967, %swap3A_1968] {strides = array<i32>} : memref<136x256xf32, #tpu.memory_space<vmem>>, vector<1x16xf32>,
            %swap3A_1970 = vector.shape_cast %swap3A_1969 : vector<1x16xf32> to vector<16xf32>
            %swap3A_1971 = vector.shape_cast %get3A_1966 : vector<16xf32> to vector<1x16xf32>
            tpu.vector_store %arg8[%swap3A_1967, %swap3A_1968], %swap3A_1971 {add = true, strides = array<i32>} : memref<136x256xf32, #tpu.memory_space<vmem>>, vector<1x16xf32>,
            %get3A_1972 = arith.index_cast %squeeze3A_1843 : i32 to index
            %get3A_1973 = arith.constant 224 : index
            %get3A_1974 = tpu.vector_load %arg7[%get3A_1972, %get3A_1973] {strides = array<i32>} : memref<128x256xf32, #tpu.memory_space<vmem>>, vector<1x16xf32>,
            %get3A_1975 = vector.shape_cast %get3A_1974 : vector<1x16xf32> to vector<16xf32>
            %swap3A_1976 = arith.index_cast %squeeze3A_1845 : i32 to index
            %swap3A_1977 = arith.constant 224 : index
            %swap3A_1978 = tpu.vector_load %arg8[%swap3A_1976, %swap3A_1977] {strides = array<i32>} : memref<136x256xf32, #tpu.memory_space<vmem>>, vector<1x16xf32>,
            %swap3A_1979 = vector.shape_cast %swap3A_1978 : vector<1x16xf32> to vector<16xf32>
            %swap3A_1980 = vector.shape_cast %get3A_1975 : vector<16xf32> to vector<1x16xf32>
            tpu.vector_store %arg8[%swap3A_1976, %swap3A_1977], %swap3A_1980 {add = true, strides = array<i32>} : memref<136x256xf32, #tpu.memory_space<vmem>>, vector<1x16xf32>,
            %get3A_1981 = arith.index_cast %squeeze3A_1843 : i32 to index
            %get3A_1982 = arith.constant 240 : index
            %get3A_1983 = tpu.vector_load %arg7[%get3A_1981, %get3A_1982] {strides = array<i32>} : memref<128x256xf32, #tpu.memory_space<vmem>>, vector<1x16xf32>,
            %get3A_1984 = vector.shape_cast %get3A_1983 : vector<1x16xf32> to vector<16xf32>
            %swap3A_1985 = arith.index_cast %squeeze3A_1845 : i32 to index
            %swap3A_1986 = arith.constant 240 : index
            %swap3A_1987 = tpu.vector_load %arg8[%swap3A_1985, %swap3A_1986] {strides = array<i32>} : memref<136x256xf32, #tpu.memory_space<vmem>>, vector<1x16xf32>,
            %swap3A_1988 = vector.shape_cast %swap3A_1987 : vector<1x16xf32> to vector<16xf32>
            %swap3A_1989 = vector.shape_cast %get3A_1984 : vector<16xf32> to vector<1x16xf32>
            tpu.vector_store %arg8[%swap3A_1985, %swap3A_1986], %swap3A_1989 {add = true, strides = array<i32>} : memref<136x256xf32, #tpu.memory_space<vmem>>, vector<1x16xf32>,
            %slice3A_1990 = vector.extract_strided_slice %select_n3A_502 {offsets = [10], sizes = [1], strides = [1]} : vector<16xi32> to vector<1xi32>
            %squeeze3A_1991 = vector.extract %slice3A_1990[0] : i32 from vector<1xi32>
            %slice3A_1992 = vector.extract_strided_slice %select_n3A_510 {offsets = [10], sizes = [1], strides = [1]} : vector<16xi32> to vector<1xi32>
            %squeeze3A_1993 = vector.extract %slice3A_1992[0] : i32 from vector<1xi32>
            %get3A_1994 = arith.index_cast %squeeze3A_1991 : i32 to index
            %get3A_1995 = arith.constant 0 : index
            %get3A_1996 = tpu.vector_load %arg7[%get3A_1994, %get3A_1995] {strides = array<i32>} : memref<128x256xf32, #tpu.memory_space<vmem>>, vector<1x16xf32>,
            %get3A_1997 = vector.shape_cast %get3A_1996 : vector<1x16xf32> to vector<16xf32>
            %swap3A_1998 = arith.index_cast %squeeze3A_1993 : i32 to index
            %swap3A_1999 = arith.constant 0 : index
            %swap3A_2000 = tpu.vector_load %arg8[%swap3A_1998, %swap3A_1999] {strides = array<i32>} : memref<136x256xf32, #tpu.memory_space<vmem>>, vector<1x16xf32>,
            %swap3A_2001 = vector.shape_cast %swap3A_2000 : vector<1x16xf32> to vector<16xf32>
            %swap3A_2002 = vector.shape_cast %get3A_1997 : vector<16xf32> to vector<1x16xf32>
            tpu.vector_store %arg8[%swap3A_1998, %swap3A_1999], %swap3A_2002 {add = true, strides = array<i32>} : memref<136x256xf32, #tpu.memory_space<vmem>>, vector<1x16xf32>,
            %get3A_2003 = arith.index_cast %squeeze3A_1991 : i32 to index
            %get3A_2004 = arith.constant 16 : index
            %get3A_2005 = tpu.vector_load %arg7[%get3A_2003, %get3A_2004] {strides = array<i32>} : memref<128x256xf32, #tpu.memory_space<vmem>>, vector<1x16xf32>,
            %get3A_2006 = vector.shape_cast %get3A_2005 : vector<1x16xf32> to vector<16xf32>
            %swap3A_2007 = arith.index_cast %squeeze3A_1993 : i32 to index
            %swap3A_2008 = arith.constant 16 : index
            %swap3A_2009 = tpu.vector_load %arg8[%swap3A_2007, %swap3A_2008] {strides = array<i32>} : memref<136x256xf32, #tpu.memory_space<vmem>>, vector<1x16xf32>,
            %swap3A_2010 = vector.shape_cast %swap3A_2009 : vector<1x16xf32> to vector<16xf32>
            %swap3A_2011 = vector.shape_cast %get3A_2006 : vector<16xf32> to vector<1x16xf32>
            tpu.vector_store %arg8[%swap3A_2007, %swap3A_2008], %swap3A_2011 {add = true, strides = array<i32>} : memref<136x256xf32, #tpu.memory_space<vmem>>, vector<1x16xf32>,
            %get3A_2012 = arith.index_cast %squeeze3A_1991 : i32 to index
            %get3A_2013 = arith.constant 32 : index
            %get3A_2014 = tpu.vector_load %arg7[%get3A_2012, %get3A_2013] {strides = array<i32>} : memref<128x256xf32, #tpu.memory_space<vmem>>, vector<1x16xf32>,
            %get3A_2015 = vector.shape_cast %get3A_2014 : vector<1x16xf32> to vector<16xf32>
            %swap3A_2016 = arith.index_cast %squeeze3A_1993 : i32 to index
            %swap3A_2017 = arith.constant 32 : index
            %swap3A_2018 = tpu.vector_load %arg8[%swap3A_2016, %swap3A_2017] {strides = array<i32>} : memref<136x256xf32, #tpu.memory_space<vmem>>, vector<1x16xf32>,
            %swap3A_2019 = vector.shape_cast %swap3A_2018 : vector<1x16xf32> to vector<16xf32>
            %swap3A_2020 = vector.shape_cast %get3A_2015 : vector<16xf32> to vector<1x16xf32>
            tpu.vector_store %arg8[%swap3A_2016, %swap3A_2017], %swap3A_2020 {add = true, strides = array<i32>} : memref<136x256xf32, #tpu.memory_space<vmem>>, vector<1x16xf32>,
            %get3A_2021 = arith.index_cast %squeeze3A_1991 : i32 to index
            %get3A_2022 = arith.constant 48 : index
            %get3A_2023 = tpu.vector_load %arg7[%get3A_2021, %get3A_2022] {strides = array<i32>} : memref<128x256xf32, #tpu.memory_space<vmem>>, vector<1x16xf32>,
            %get3A_2024 = vector.shape_cast %get3A_2023 : vector<1x16xf32> to vector<16xf32>
            %swap3A_2025 = arith.index_cast %squeeze3A_1993 : i32 to index
            %swap3A_2026 = arith.constant 48 : index
            %swap3A_2027 = tpu.vector_load %arg8[%swap3A_2025, %swap3A_2026] {strides = array<i32>} : memref<136x256xf32, #tpu.memory_space<vmem>>, vector<1x16xf32>,
            %swap3A_2028 = vector.shape_cast %swap3A_2027 : vector<1x16xf32> to vector<16xf32>
            %swap3A_2029 = vector.shape_cast %get3A_2024 : vector<16xf32> to vector<1x16xf32>
            tpu.vector_store %arg8[%swap3A_2025, %swap3A_2026], %swap3A_2029 {add = true, strides = array<i32>} : memref<136x256xf32, #tpu.memory_space<vmem>>, vector<1x16xf32>,
            %get3A_2030 = arith.index_cast %squeeze3A_1991 : i32 to index
            %get3A_2031 = arith.constant 64 : index
            %get3A_2032 = tpu.vector_load %arg7[%get3A_2030, %get3A_2031] {strides = array<i32>} : memref<128x256xf32, #tpu.memory_space<vmem>>, vector<1x16xf32>,
            %get3A_2033 = vector.shape_cast %get3A_2032 : vector<1x16xf32> to vector<16xf32>
            %swap3A_2034 = arith.index_cast %squeeze3A_1993 : i32 to index
            %swap3A_2035 = arith.constant 64 : index
            %swap3A_2036 = tpu.vector_load %arg8[%swap3A_2034, %swap3A_2035] {strides = array<i32>} : memref<136x256xf32, #tpu.memory_space<vmem>>, vector<1x16xf32>,
            %swap3A_2037 = vector.shape_cast %swap3A_2036 : vector<1x16xf32> to vector<16xf32>
            %swap3A_2038 = vector.shape_cast %get3A_2033 : vector<16xf32> to vector<1x16xf32>
            tpu.vector_store %arg8[%swap3A_2034, %swap3A_2035], %swap3A_2038 {add = true, strides = array<i32>} : memref<136x256xf32, #tpu.memory_space<vmem>>, vector<1x16xf32>,
            %get3A_2039 = arith.index_cast %squeeze3A_1991 : i32 to index
            %get3A_2040 = arith.constant 80 : index
            %get3A_2041 = tpu.vector_load %arg7[%get3A_2039, %get3A_2040] {strides = array<i32>} : memref<128x256xf32, #tpu.memory_space<vmem>>, vector<1x16xf32>,
            %get3A_2042 = vector.shape_cast %get3A_2041 : vector<1x16xf32> to vector<16xf32>
            %swap3A_2043 = arith.index_cast %squeeze3A_1993 : i32 to index
            %swap3A_2044 = arith.constant 80 : index
            %swap3A_2045 = tpu.vector_load %arg8[%swap3A_2043, %swap3A_2044] {strides = array<i32>} : memref<136x256xf32, #tpu.memory_space<vmem>>, vector<1x16xf32>,
            %swap3A_2046 = vector.shape_cast %swap3A_2045 : vector<1x16xf32> to vector<16xf32>
            %swap3A_2047 = vector.shape_cast %get3A_2042 : vector<16xf32> to vector<1x16xf32>
            tpu.vector_store %arg8[%swap3A_2043, %swap3A_2044], %swap3A_2047 {add = true, strides = array<i32>} : memref<136x256xf32, #tpu.memory_space<vmem>>, vector<1x16xf32>,
            %get3A_2048 = arith.index_cast %squeeze3A_1991 : i32 to index
            %get3A_2049 = arith.constant 96 : index
            %get3A_2050 = tpu.vector_load %arg7[%get3A_2048, %get3A_2049] {strides = array<i32>} : memref<128x256xf32, #tpu.memory_space<vmem>>, vector<1x16xf32>,
            %get3A_2051 = vector.shape_cast %get3A_2050 : vector<1x16xf32> to vector<16xf32>
            %swap3A_2052 = arith.index_cast %squeeze3A_1993 : i32 to index
            %swap3A_2053 = arith.constant 96 : index
            %swap3A_2054 = tpu.vector_load %arg8[%swap3A_2052, %swap3A_2053] {strides = array<i32>} : memref<136x256xf32, #tpu.memory_space<vmem>>, vector<1x16xf32>,
            %swap3A_2055 = vector.shape_cast %swap3A_2054 : vector<1x16xf32> to vector<16xf32>
            %swap3A_2056 = vector.shape_cast %get3A_2051 : vector<16xf32> to vector<1x16xf32>
            tpu.vector_store %arg8[%swap3A_2052, %swap3A_2053], %swap3A_2056 {add = true, strides = array<i32>} : memref<136x256xf32, #tpu.memory_space<vmem>>, vector<1x16xf32>,
            %get3A_2057 = arith.index_cast %squeeze3A_1991 : i32 to index
            %get3A_2058 = arith.constant 112 : index
            %get3A_2059 = tpu.vector_load %arg7[%get3A_2057, %get3A_2058] {strides = array<i32>} : memref<128x256xf32, #tpu.memory_space<vmem>>, vector<1x16xf32>,
            %get3A_2060 = vector.shape_cast %get3A_2059 : vector<1x16xf32> to vector<16xf32>
            %swap3A_2061 = arith.index_cast %squeeze3A_1993 : i32 to index
            %swap3A_2062 = arith.constant 112 : index
            %swap3A_2063 = tpu.vector_load %arg8[%swap3A_2061, %swap3A_2062] {strides = array<i32>} : memref<136x256xf32, #tpu.memory_space<vmem>>, vector<1x16xf32>,
            %swap3A_2064 = vector.shape_cast %swap3A_2063 : vector<1x16xf32> to vector<16xf32>
            %swap3A_2065 = vector.shape_cast %get3A_2060 : vector<16xf32> to vector<1x16xf32>
            tpu.vector_store %arg8[%swap3A_2061, %swap3A_2062], %swap3A_2065 {add = true, strides = array<i32>} : memref<136x256xf32, #tpu.memory_space<vmem>>, vector<1x16xf32>,
            %get3A_2066 = arith.index_cast %squeeze3A_1991 : i32 to index
            %get3A_2067 = arith.constant 128 : index
            %get3A_2068 = tpu.vector_load %arg7[%get3A_2066, %get3A_2067] {strides = array<i32>} : memref<128x256xf32, #tpu.memory_space<vmem>>, vector<1x16xf32>,
            %get3A_2069 = vector.shape_cast %get3A_2068 : vector<1x16xf32> to vector<16xf32>
            %swap3A_2070 = arith.index_cast %squeeze3A_1993 : i32 to index
            %swap3A_2071 = arith.constant 128 : index
            %swap3A_2072 = tpu.vector_load %arg8[%swap3A_2070, %swap3A_2071] {strides = array<i32>} : memref<136x256xf32, #tpu.memory_space<vmem>>, vector<1x16xf32>,
            %swap3A_2073 = vector.shape_cast %swap3A_2072 : vector<1x16xf32> to vector<16xf32>
            %swap3A_2074 = vector.shape_cast %get3A_2069 : vector<16xf32> to vector<1x16xf32>
            tpu.vector_store %arg8[%swap3A_2070, %swap3A_2071], %swap3A_2074 {add = true, strides = array<i32>} : memref<136x256xf32, #tpu.memory_space<vmem>>, vector<1x16xf32>,
            %get3A_2075 = arith.index_cast %squeeze3A_1991 : i32 to index
            %get3A_2076 = arith.constant 144 : index
            %get3A_2077 = tpu.vector_load %arg7[%get3A_2075, %get3A_2076] {strides = array<i32>} : memref<128x256xf32, #tpu.memory_space<vmem>>, vector<1x16xf32>,
            %get3A_2078 = vector.shape_cast %get3A_2077 : vector<1x16xf32> to vector<16xf32>
            %swap3A_2079 = arith.index_cast %squeeze3A_1993 : i32 to index
            %swap3A_2080 = arith.constant 144 : index
            %swap3A_2081 = tpu.vector_load %arg8[%swap3A_2079, %swap3A_2080] {strides = array<i32>} : memref<136x256xf32, #tpu.memory_space<vmem>>, vector<1x16xf32>,
            %swap3A_2082 = vector.shape_cast %swap3A_2081 : vector<1x16xf32> to vector<16xf32>
            %swap3A_2083 = vector.shape_cast %get3A_2078 : vector<16xf32> to vector<1x16xf32>
            tpu.vector_store %arg8[%swap3A_2079, %swap3A_2080], %swap3A_2083 {add = true, strides = array<i32>} : memref<136x256xf32, #tpu.memory_space<vmem>>, vector<1x16xf32>,
            %get3A_2084 = arith.index_cast %squeeze3A_1991 : i32 to index
            %get3A_2085 = arith.constant 160 : index
            %get3A_2086 = tpu.vector_load %arg7[%get3A_2084, %get3A_2085] {strides = array<i32>} : memref<128x256xf32, #tpu.memory_space<vmem>>, vector<1x16xf32>,
            %get3A_2087 = vector.shape_cast %get3A_2086 : vector<1x16xf32> to vector<16xf32>
            %swap3A_2088 = arith.index_cast %squeeze3A_1993 : i32 to index
            %swap3A_2089 = arith.constant 160 : index
            %swap3A_2090 = tpu.vector_load %arg8[%swap3A_2088, %swap3A_2089] {strides = array<i32>} : memref<136x256xf32, #tpu.memory_space<vmem>>, vector<1x16xf32>,
            %swap3A_2091 = vector.shape_cast %swap3A_2090 : vector<1x16xf32> to vector<16xf32>
            %swap3A_2092 = vector.shape_cast %get3A_2087 : vector<16xf32> to vector<1x16xf32>
            tpu.vector_store %arg8[%swap3A_2088, %swap3A_2089], %swap3A_2092 {add = true, strides = array<i32>} : memref<136x256xf32, #tpu.memory_space<vmem>>, vector<1x16xf32>,
            %get3A_2093 = arith.index_cast %squeeze3A_1991 : i32 to index
            %get3A_2094 = arith.constant 176 : index
            %get3A_2095 = tpu.vector_load %arg7[%get3A_2093, %get3A_2094] {strides = array<i32>} : memref<128x256xf32, #tpu.memory_space<vmem>>, vector<1x16xf32>,
            %get3A_2096 = vector.shape_cast %get3A_2095 : vector<1x16xf32> to vector<16xf32>
            %swap3A_2097 = arith.index_cast %squeeze3A_1993 : i32 to index
            %swap3A_2098 = arith.constant 176 : index
            %swap3A_2099 = tpu.vector_load %arg8[%swap3A_2097, %swap3A_2098] {strides = array<i32>} : memref<136x256xf32, #tpu.memory_space<vmem>>, vector<1x16xf32>,
            %swap3A_2100 = vector.shape_cast %swap3A_2099 : vector<1x16xf32> to vector<16xf32>
            %swap3A_2101 = vector.shape_cast %get3A_2096 : vector<16xf32> to vector<1x16xf32>
            tpu.vector_store %arg8[%swap3A_2097, %swap3A_2098], %swap3A_2101 {add = true, strides = array<i32>} : memref<136x256xf32, #tpu.memory_space<vmem>>, vector<1x16xf32>,
            %get3A_2102 = arith.index_cast %squeeze3A_1991 : i32 to index
            %get3A_2103 = arith.constant 192 : index
            %get3A_2104 = tpu.vector_load %arg7[%get3A_2102, %get3A_2103] {strides = array<i32>} : memref<128x256xf32, #tpu.memory_space<vmem>>, vector<1x16xf32>,
            %get3A_2105 = vector.shape_cast %get3A_2104 : vector<1x16xf32> to vector<16xf32>
            %swap3A_2106 = arith.index_cast %squeeze3A_1993 : i32 to index
            %swap3A_2107 = arith.constant 192 : index
            %swap3A_2108 = tpu.vector_load %arg8[%swap3A_2106, %swap3A_2107] {strides = array<i32>} : memref<136x256xf32, #tpu.memory_space<vmem>>, vector<1x16xf32>,
            %swap3A_2109 = vector.shape_cast %swap3A_2108 : vector<1x16xf32> to vector<16xf32>
            %swap3A_2110 = vector.shape_cast %get3A_2105 : vector<16xf32> to vector<1x16xf32>
            tpu.vector_store %arg8[%swap3A_2106, %swap3A_2107], %swap3A_2110 {add = true, strides = array<i32>} : memref<136x256xf32, #tpu.memory_space<vmem>>, vector<1x16xf32>,
            %get3A_2111 = arith.index_cast %squeeze3A_1991 : i32 to index
            %get3A_2112 = arith.constant 208 : index
            %get3A_2113 = tpu.vector_load %arg7[%get3A_2111, %get3A_2112] {strides = array<i32>} : memref<128x256xf32, #tpu.memory_space<vmem>>, vector<1x16xf32>,
            %get3A_2114 = vector.shape_cast %get3A_2113 : vector<1x16xf32> to vector<16xf32>
            %swap3A_2115 = arith.index_cast %squeeze3A_1993 : i32 to index
            %swap3A_2116 = arith.constant 208 : index
            %swap3A_2117 = tpu.vector_load %arg8[%swap3A_2115, %swap3A_2116] {strides = array<i32>} : memref<136x256xf32, #tpu.memory_space<vmem>>, vector<1x16xf32>,
            %swap3A_2118 = vector.shape_cast %swap3A_2117 : vector<1x16xf32> to vector<16xf32>
            %swap3A_2119 = vector.shape_cast %get3A_2114 : vector<16xf32> to vector<1x16xf32>
            tpu.vector_store %arg8[%swap3A_2115, %swap3A_2116], %swap3A_2119 {add = true, strides = array<i32>} : memref<136x256xf32, #tpu.memory_space<vmem>>, vector<1x16xf32>,
            %get3A_2120 = arith.index_cast %squeeze3A_1991 : i32 to index
            %get3A_2121 = arith.constant 224 : index
            %get3A_2122 = tpu.vector_load %arg7[%get3A_2120, %get3A_2121] {strides = array<i32>} : memref<128x256xf32, #tpu.memory_space<vmem>>, vector<1x16xf32>,
            %get3A_2123 = vector.shape_cast %get3A_2122 : vector<1x16xf32> to vector<16xf32>
            %swap3A_2124 = arith.index_cast %squeeze3A_1993 : i32 to index
            %swap3A_2125 = arith.constant 224 : index
            %swap3A_2126 = tpu.vector_load %arg8[%swap3A_2124, %swap3A_2125] {strides = array<i32>} : memref<136x256xf32, #tpu.memory_space<vmem>>, vector<1x16xf32>,
            %swap3A_2127 = vector.shape_cast %swap3A_2126 : vector<1x16xf32> to vector<16xf32>
            %swap3A_2128 = vector.shape_cast %get3A_2123 : vector<16xf32> to vector<1x16xf32>
            tpu.vector_store %arg8[%swap3A_2124, %swap3A_2125], %swap3A_2128 {add = true, strides = array<i32>} : memref<136x256xf32, #tpu.memory_space<vmem>>, vector<1x16xf32>,
            %get3A_2129 = arith.index_cast %squeeze3A_1991 : i32 to index
            %get3A_2130 = arith.constant 240 : index
            %get3A_2131 = tpu.vector_load %arg7[%get3A_2129, %get3A_2130] {strides = array<i32>} : memref<128x256xf32, #tpu.memory_space<vmem>>, vector<1x16xf32>,
            %get3A_2132 = vector.shape_cast %get3A_2131 : vector<1x16xf32> to vector<16xf32>
            %swap3A_2133 = arith.index_cast %squeeze3A_1993 : i32 to index
            %swap3A_2134 = arith.constant 240 : index
            %swap3A_2135 = tpu.vector_load %arg8[%swap3A_2133, %swap3A_2134] {strides = array<i32>} : memref<136x256xf32, #tpu.memory_space<vmem>>, vector<1x16xf32>,
            %swap3A_2136 = vector.shape_cast %swap3A_2135 : vector<1x16xf32> to vector<16xf32>
            %swap3A_2137 = vector.shape_cast %get3A_2132 : vector<16xf32> to vector<1x16xf32>
            tpu.vector_store %arg8[%swap3A_2133, %swap3A_2134], %swap3A_2137 {add = true, strides = array<i32>} : memref<136x256xf32, #tpu.memory_space<vmem>>, vector<1x16xf32>,
            %slice3A_2138 = vector.extract_strided_slice %select_n3A_502 {offsets = [11], sizes = [1], strides = [1]} : vector<16xi32> to vector<1xi32>
            %squeeze3A_2139 = vector.extract %slice3A_2138[0] : i32 from vector<1xi32>
            %slice3A_2140 = vector.extract_strided_slice %select_n3A_510 {offsets = [11], sizes = [1], strides = [1]} : vector<16xi32> to vector<1xi32>
            %squeeze3A_2141 = vector.extract %slice3A_2140[0] : i32 from vector<1xi32>
            %get3A_2142 = arith.index_cast %squeeze3A_2139 : i32 to index
            %get3A_2143 = arith.constant 0 : index
            %get3A_2144 = tpu.vector_load %arg7[%get3A_2142, %get3A_2143] {strides = array<i32>} : memref<128x256xf32, #tpu.memory_space<vmem>>, vector<1x16xf32>,
            %get3A_2145 = vector.shape_cast %get3A_2144 : vector<1x16xf32> to vector<16xf32>
            %swap3A_2146 = arith.index_cast %squeeze3A_2141 : i32 to index
            %swap3A_2147 = arith.constant 0 : index
            %swap3A_2148 = tpu.vector_load %arg8[%swap3A_2146, %swap3A_2147] {strides = array<i32>} : memref<136x256xf32, #tpu.memory_space<vmem>>, vector<1x16xf32>,
            %swap3A_2149 = vector.shape_cast %swap3A_2148 : vector<1x16xf32> to vector<16xf32>
            %swap3A_2150 = vector.shape_cast %get3A_2145 : vector<16xf32> to vector<1x16xf32>
            tpu.vector_store %arg8[%swap3A_2146, %swap3A_2147], %swap3A_2150 {add = true, strides = array<i32>} : memref<136x256xf32, #tpu.memory_space<vmem>>, vector<1x16xf32>,
            %get3A_2151 = arith.index_cast %squeeze3A_2139 : i32 to index
            %get3A_2152 = arith.constant 16 : index
            %get3A_2153 = tpu.vector_load %arg7[%get3A_2151, %get3A_2152] {strides = array<i32>} : memref<128x256xf32, #tpu.memory_space<vmem>>, vector<1x16xf32>,
            %get3A_2154 = vector.shape_cast %get3A_2153 : vector<1x16xf32> to vector<16xf32>
            %swap3A_2155 = arith.index_cast %squeeze3A_2141 : i32 to index
            %swap3A_2156 = arith.constant 16 : index
            %swap3A_2157 = tpu.vector_load %arg8[%swap3A_2155, %swap3A_2156] {strides = array<i32>} : memref<136x256xf32, #tpu.memory_space<vmem>>, vector<1x16xf32>,
            %swap3A_2158 = vector.shape_cast %swap3A_2157 : vector<1x16xf32> to vector<16xf32>
            %swap3A_2159 = vector.shape_cast %get3A_2154 : vector<16xf32> to vector<1x16xf32>
            tpu.vector_store %arg8[%swap3A_2155, %swap3A_2156], %swap3A_2159 {add = true, strides = array<i32>} : memref<136x256xf32, #tpu.memory_space<vmem>>, vector<1x16xf32>,
            %get3A_2160 = arith.index_cast %squeeze3A_2139 : i32 to index
            %get3A_2161 = arith.constant 32 : index
            %get3A_2162 = tpu.vector_load %arg7[%get3A_2160, %get3A_2161] {strides = array<i32>} : memref<128x256xf32, #tpu.memory_space<vmem>>, vector<1x16xf32>,
            %get3A_2163 = vector.shape_cast %get3A_2162 : vector<1x16xf32> to vector<16xf32>
            %swap3A_2164 = arith.index_cast %squeeze3A_2141 : i32 to index
            %swap3A_2165 = arith.constant 32 : index
            %swap3A_2166 = tpu.vector_load %arg8[%swap3A_2164, %swap3A_2165] {strides = array<i32>} : memref<136x256xf32, #tpu.memory_space<vmem>>, vector<1x16xf32>,
            %swap3A_2167 = vector.shape_cast %swap3A_2166 : vector<1x16xf32> to vector<16xf32>
            %swap3A_2168 = vector.shape_cast %get3A_2163 : vector<16xf32> to vector<1x16xf32>
            tpu.vector_store %arg8[%swap3A_2164, %swap3A_2165], %swap3A_2168 {add = true, strides = array<i32>} : memref<136x256xf32, #tpu.memory_space<vmem>>, vector<1x16xf32>,
            %get3A_2169 = arith.index_cast %squeeze3A_2139 : i32 to index
            %get3A_2170 = arith.constant 48 : index
            %get3A_2171 = tpu.vector_load %arg7[%get3A_2169, %get3A_2170] {strides = array<i32>} : memref<128x256xf32, #tpu.memory_space<vmem>>, vector<1x16xf32>,
            %get3A_2172 = vector.shape_cast %get3A_2171 : vector<1x16xf32> to vector<16xf32>
            %swap3A_2173 = arith.index_cast %squeeze3A_2141 : i32 to index
            %swap3A_2174 = arith.constant 48 : index
            %swap3A_2175 = tpu.vector_load %arg8[%swap3A_2173, %swap3A_2174] {strides = array<i32>} : memref<136x256xf32, #tpu.memory_space<vmem>>, vector<1x16xf32>,
            %swap3A_2176 = vector.shape_cast %swap3A_2175 : vector<1x16xf32> to vector<16xf32>
            %swap3A_2177 = vector.shape_cast %get3A_2172 : vector<16xf32> to vector<1x16xf32>
            tpu.vector_store %arg8[%swap3A_2173, %swap3A_2174], %swap3A_2177 {add = true, strides = array<i32>} : memref<136x256xf32, #tpu.memory_space<vmem>>, vector<1x16xf32>,
            %get3A_2178 = arith.index_cast %squeeze3A_2139 : i32 to index
            %get3A_2179 = arith.constant 64 : index
            %get3A_2180 = tpu.vector_load %arg7[%get3A_2178, %get3A_2179] {strides = array<i32>} : memref<128x256xf32, #tpu.memory_space<vmem>>, vector<1x16xf32>,
            %get3A_2181 = vector.shape_cast %get3A_2180 : vector<1x16xf32> to vector<16xf32>
            %swap3A_2182 = arith.index_cast %squeeze3A_2141 : i32 to index
            %swap3A_2183 = arith.constant 64 : index
            %swap3A_2184 = tpu.vector_load %arg8[%swap3A_2182, %swap3A_2183] {strides = array<i32>} : memref<136x256xf32, #tpu.memory_space<vmem>>, vector<1x16xf32>,
            %swap3A_2185 = vector.shape_cast %swap3A_2184 : vector<1x16xf32> to vector<16xf32>
            %swap3A_2186 = vector.shape_cast %get3A_2181 : vector<16xf32> to vector<1x16xf32>
            tpu.vector_store %arg8[%swap3A_2182, %swap3A_2183], %swap3A_2186 {add = true, strides = array<i32>} : memref<136x256xf32, #tpu.memory_space<vmem>>, vector<1x16xf32>,
            %get3A_2187 = arith.index_cast %squeeze3A_2139 : i32 to index
            %get3A_2188 = arith.constant 80 : index
            %get3A_2189 = tpu.vector_load %arg7[%get3A_2187, %get3A_2188] {strides = array<i32>} : memref<128x256xf32, #tpu.memory_space<vmem>>, vector<1x16xf32>,
            %get3A_2190 = vector.shape_cast %get3A_2189 : vector<1x16xf32> to vector<16xf32>
            %swap3A_2191 = arith.index_cast %squeeze3A_2141 : i32 to index
            %swap3A_2192 = arith.constant 80 : index
            %swap3A_2193 = tpu.vector_load %arg8[%swap3A_2191, %swap3A_2192] {strides = array<i32>} : memref<136x256xf32, #tpu.memory_space<vmem>>, vector<1x16xf32>,
            %swap3A_2194 = vector.shape_cast %swap3A_2193 : vector<1x16xf32> to vector<16xf32>
            %swap3A_2195 = vector.shape_cast %get3A_2190 : vector<16xf32> to vector<1x16xf32>
            tpu.vector_store %arg8[%swap3A_2191, %swap3A_2192], %swap3A_2195 {add = true, strides = array<i32>} : memref<136x256xf32, #tpu.memory_space<vmem>>, vector<1x16xf32>,
            %get3A_2196 = arith.index_cast %squeeze3A_2139 : i32 to index
            %get3A_2197 = arith.constant 96 : index
            %get3A_2198 = tpu.vector_load %arg7[%get3A_2196, %get3A_2197] {strides = array<i32>} : memref<128x256xf32, #tpu.memory_space<vmem>>, vector<1x16xf32>,
            %get3A_2199 = vector.shape_cast %get3A_2198 : vector<1x16xf32> to vector<16xf32>
            %swap3A_2200 = arith.index_cast %squeeze3A_2141 : i32 to index
            %swap3A_2201 = arith.constant 96 : index
            %swap3A_2202 = tpu.vector_load %arg8[%swap3A_2200, %swap3A_2201] {strides = array<i32>} : memref<136x256xf32, #tpu.memory_space<vmem>>, vector<1x16xf32>,
            %swap3A_2203 = vector.shape_cast %swap3A_2202 : vector<1x16xf32> to vector<16xf32>
            %swap3A_2204 = vector.shape_cast %get3A_2199 : vector<16xf32> to vector<1x16xf32>
            tpu.vector_store %arg8[%swap3A_2200, %swap3A_2201], %swap3A_2204 {add = true, strides = array<i32>} : memref<136x256xf32, #tpu.memory_space<vmem>>, vector<1x16xf32>,
            %get3A_2205 = arith.index_cast %squeeze3A_2139 : i32 to index
            %get3A_2206 = arith.constant 112 : index
            %get3A_2207 = tpu.vector_load %arg7[%get3A_2205, %get3A_2206] {strides = array<i32>} : memref<128x256xf32, #tpu.memory_space<vmem>>, vector<1x16xf32>,
            %get3A_2208 = vector.shape_cast %get3A_2207 : vector<1x16xf32> to vector<16xf32>
            %swap3A_2209 = arith.index_cast %squeeze3A_2141 : i32 to index
            %swap3A_2210 = arith.constant 112 : index
            %swap3A_2211 = tpu.vector_load %arg8[%swap3A_2209, %swap3A_2210] {strides = array<i32>} : memref<136x256xf32, #tpu.memory_space<vmem>>, vector<1x16xf32>,
            %swap3A_2212 = vector.shape_cast %swap3A_2211 : vector<1x16xf32> to vector<16xf32>
            %swap3A_2213 = vector.shape_cast %get3A_2208 : vector<16xf32> to vector<1x16xf32>
            tpu.vector_store %arg8[%swap3A_2209, %swap3A_2210], %swap3A_2213 {add = true, strides = array<i32>} : memref<136x256xf32, #tpu.memory_space<vmem>>, vector<1x16xf32>,
            %get3A_2214 = arith.index_cast %squeeze3A_2139 : i32 to index
            %get3A_2215 = arith.constant 128 : index
            %get3A_2216 = tpu.vector_load %arg7[%get3A_2214, %get3A_2215] {strides = array<i32>} : memref<128x256xf32, #tpu.memory_space<vmem>>, vector<1x16xf32>,
            %get3A_2217 = vector.shape_cast %get3A_2216 : vector<1x16xf32> to vector<16xf32>
            %swap3A_2218 = arith.index_cast %squeeze3A_2141 : i32 to index
            %swap3A_2219 = arith.constant 128 : index
            %swap3A_2220 = tpu.vector_load %arg8[%swap3A_2218, %swap3A_2219] {strides = array<i32>} : memref<136x256xf32, #tpu.memory_space<vmem>>, vector<1x16xf32>,
            %swap3A_2221 = vector.shape_cast %swap3A_2220 : vector<1x16xf32> to vector<16xf32>
            %swap3A_2222 = vector.shape_cast %get3A_2217 : vector<16xf32> to vector<1x16xf32>
            tpu.vector_store %arg8[%swap3A_2218, %swap3A_2219], %swap3A_2222 {add = true, strides = array<i32>} : memref<136x256xf32, #tpu.memory_space<vmem>>, vector<1x16xf32>,
            %get3A_2223 = arith.index_cast %squeeze3A_2139 : i32 to index
            %get3A_2224 = arith.constant 144 : index
            %get3A_2225 = tpu.vector_load %arg7[%get3A_2223, %get3A_2224] {strides = array<i32>} : memref<128x256xf32, #tpu.memory_space<vmem>>, vector<1x16xf32>,
            %get3A_2226 = vector.shape_cast %get3A_2225 : vector<1x16xf32> to vector<16xf32>
            %swap3A_2227 = arith.index_cast %squeeze3A_2141 : i32 to index
            %swap3A_2228 = arith.constant 144 : index
            %swap3A_2229 = tpu.vector_load %arg8[%swap3A_2227, %swap3A_2228] {strides = array<i32>} : memref<136x256xf32, #tpu.memory_space<vmem>>, vector<1x16xf32>,
            %swap3A_2230 = vector.shape_cast %swap3A_2229 : vector<1x16xf32> to vector<16xf32>
            %swap3A_2231 = vector.shape_cast %get3A_2226 : vector<16xf32> to vector<1x16xf32>
            tpu.vector_store %arg8[%swap3A_2227, %swap3A_2228], %swap3A_2231 {add = true, strides = array<i32>} : memref<136x256xf32, #tpu.memory_space<vmem>>, vector<1x16xf32>,
            %get3A_2232 = arith.index_cast %squeeze3A_2139 : i32 to index
            %get3A_2233 = arith.constant 160 : index
            %get3A_2234 = tpu.vector_load %arg7[%get3A_2232, %get3A_2233] {strides = array<i32>} : memref<128x256xf32, #tpu.memory_space<vmem>>, vector<1x16xf32>,
            %get3A_2235 = vector.shape_cast %get3A_2234 : vector<1x16xf32> to vector<16xf32>
            %swap3A_2236 = arith.index_cast %squeeze3A_2141 : i32 to index
            %swap3A_2237 = arith.constant 160 : index
            %swap3A_2238 = tpu.vector_load %arg8[%swap3A_2236, %swap3A_2237] {strides = array<i32>} : memref<136x256xf32, #tpu.memory_space<vmem>>, vector<1x16xf32>,
            %swap3A_2239 = vector.shape_cast %swap3A_2238 : vector<1x16xf32> to vector<16xf32>
            %swap3A_2240 = vector.shape_cast %get3A_2235 : vector<16xf32> to vector<1x16xf32>
            tpu.vector_store %arg8[%swap3A_2236, %swap3A_2237], %swap3A_2240 {add = true, strides = array<i32>} : memref<136x256xf32, #tpu.memory_space<vmem>>, vector<1x16xf32>,
            %get3A_2241 = arith.index_cast %squeeze3A_2139 : i32 to index
            %get3A_2242 = arith.constant 176 : index
            %get3A_2243 = tpu.vector_load %arg7[%get3A_2241, %get3A_2242] {strides = array<i32>} : memref<128x256xf32, #tpu.memory_space<vmem>>, vector<1x16xf32>,
            %get3A_2244 = vector.shape_cast %get3A_2243 : vector<1x16xf32> to vector<16xf32>
            %swap3A_2245 = arith.index_cast %squeeze3A_2141 : i32 to index
            %swap3A_2246 = arith.constant 176 : index
            %swap3A_2247 = tpu.vector_load %arg8[%swap3A_2245, %swap3A_2246] {strides = array<i32>} : memref<136x256xf32, #tpu.memory_space<vmem>>, vector<1x16xf32>,
            %swap3A_2248 = vector.shape_cast %swap3A_2247 : vector<1x16xf32> to vector<16xf32>
            %swap3A_2249 = vector.shape_cast %get3A_2244 : vector<16xf32> to vector<1x16xf32>
            tpu.vector_store %arg8[%swap3A_2245, %swap3A_2246], %swap3A_2249 {add = true, strides = array<i32>} : memref<136x256xf32, #tpu.memory_space<vmem>>, vector<1x16xf32>,
            %get3A_2250 = arith.index_cast %squeeze3A_2139 : i32 to index
            %get3A_2251 = arith.constant 192 : index
            %get3A_2252 = tpu.vector_load %arg7[%get3A_2250, %get3A_2251] {strides = array<i32>} : memref<128x256xf32, #tpu.memory_space<vmem>>, vector<1x16xf32>,
            %get3A_2253 = vector.shape_cast %get3A_2252 : vector<1x16xf32> to vector<16xf32>
            %swap3A_2254 = arith.index_cast %squeeze3A_2141 : i32 to index
            %swap3A_2255 = arith.constant 192 : index
            %swap3A_2256 = tpu.vector_load %arg8[%swap3A_2254, %swap3A_2255] {strides = array<i32>} : memref<136x256xf32, #tpu.memory_space<vmem>>, vector<1x16xf32>,
            %swap3A_2257 = vector.shape_cast %swap3A_2256 : vector<1x16xf32> to vector<16xf32>
            %swap3A_2258 = vector.shape_cast %get3A_2253 : vector<16xf32> to vector<1x16xf32>
            tpu.vector_store %arg8[%swap3A_2254, %swap3A_2255], %swap3A_2258 {add = true, strides = array<i32>} : memref<136x256xf32, #tpu.memory_space<vmem>>, vector<1x16xf32>,
            %get3A_2259 = arith.index_cast %squeeze3A_2139 : i32 to index
            %get3A_2260 = arith.constant 208 : index
            %get3A_2261 = tpu.vector_load %arg7[%get3A_2259, %get3A_2260] {strides = array<i32>} : memref<128x256xf32, #tpu.memory_space<vmem>>, vector<1x16xf32>,
            %get3A_2262 = vector.shape_cast %get3A_2261 : vector<1x16xf32> to vector<16xf32>
            %swap3A_2263 = arith.index_cast %squeeze3A_2141 : i32 to index
            %swap3A_2264 = arith.constant 208 : index
            %swap3A_2265 = tpu.vector_load %arg8[%swap3A_2263, %swap3A_2264] {strides = array<i32>} : memref<136x256xf32, #tpu.memory_space<vmem>>, vector<1x16xf32>,
            %swap3A_2266 = vector.shape_cast %swap3A_2265 : vector<1x16xf32> to vector<16xf32>
            %swap3A_2267 = vector.shape_cast %get3A_2262 : vector<16xf32> to vector<1x16xf32>
            tpu.vector_store %arg8[%swap3A_2263, %swap3A_2264], %swap3A_2267 {add = true, strides = array<i32>} : memref<136x256xf32, #tpu.memory_space<vmem>>, vector<1x16xf32>,
            %get3A_2268 = arith.index_cast %squeeze3A_2139 : i32 to index
            %get3A_2269 = arith.constant 224 : index
            %get3A_2270 = tpu.vector_load %arg7[%get3A_2268, %get3A_2269] {strides = array<i32>} : memref<128x256xf32, #tpu.memory_space<vmem>>, vector<1x16xf32>,
            %get3A_2271 = vector.shape_cast %get3A_2270 : vector<1x16xf32> to vector<16xf32>
            %swap3A_2272 = arith.index_cast %squeeze3A_2141 : i32 to index
            %swap3A_2273 = arith.constant 224 : index
            %swap3A_2274 = tpu.vector_load %arg8[%swap3A_2272, %swap3A_2273] {strides = array<i32>} : memref<136x256xf32, #tpu.memory_space<vmem>>, vector<1x16xf32>,
            %swap3A_2275 = vector.shape_cast %swap3A_2274 : vector<1x16xf32> to vector<16xf32>
            %swap3A_2276 = vector.shape_cast %get3A_2271 : vector<16xf32> to vector<1x16xf32>
            tpu.vector_store %arg8[%swap3A_2272, %swap3A_2273], %swap3A_2276 {add = true, strides = array<i32>} : memref<136x256xf32, #tpu.memory_space<vmem>>, vector<1x16xf32>,
            %get3A_2277 = arith.index_cast %squeeze3A_2139 : i32 to index
            %get3A_2278 = arith.constant 240 : index
            %get3A_2279 = tpu.vector_load %arg7[%get3A_2277, %get3A_2278] {strides = array<i32>} : memref<128x256xf32, #tpu.memory_space<vmem>>, vector<1x16xf32>,
            %get3A_2280 = vector.shape_cast %get3A_2279 : vector<1x16xf32> to vector<16xf32>
            %swap3A_2281 = arith.index_cast %squeeze3A_2141 : i32 to index
            %swap3A_2282 = arith.constant 240 : index
            %swap3A_2283 = tpu.vector_load %arg8[%swap3A_2281, %swap3A_2282] {strides = array<i32>} : memref<136x256xf32, #tpu.memory_space<vmem>>, vector<1x16xf32>,
            %swap3A_2284 = vector.shape_cast %swap3A_2283 : vector<1x16xf32> to vector<16xf32>
            %swap3A_2285 = vector.shape_cast %get3A_2280 : vector<16xf32> to vector<1x16xf32>
            tpu.vector_store %arg8[%swap3A_2281, %swap3A_2282], %swap3A_2285 {add = true, strides = array<i32>} : memref<136x256xf32, #tpu.memory_space<vmem>>, vector<1x16xf32>,
            %slice3A_2286 = vector.extract_strided_slice %select_n3A_502 {offsets = [12], sizes = [1], strides = [1]} : vector<16xi32> to vector<1xi32>
            %squeeze3A_2287 = vector.extract %slice3A_2286[0] : i32 from vector<1xi32>
            %slice3A_2288 = vector.extract_strided_slice %select_n3A_510 {offsets = [12], sizes = [1], strides = [1]} : vector<16xi32> to vector<1xi32>
            %squeeze3A_2289 = vector.extract %slice3A_2288[0] : i32 from vector<1xi32>
            %get3A_2290 = arith.index_cast %squeeze3A_2287 : i32 to index
            %get3A_2291 = arith.constant 0 : index
            %get3A_2292 = tpu.vector_load %arg7[%get3A_2290, %get3A_2291] {strides = array<i32>} : memref<128x256xf32, #tpu.memory_space<vmem>>, vector<1x16xf32>,
            %get3A_2293 = vector.shape_cast %get3A_2292 : vector<1x16xf32> to vector<16xf32>
            %swap3A_2294 = arith.index_cast %squeeze3A_2289 : i32 to index
            %swap3A_2295 = arith.constant 0 : index
            %swap3A_2296 = tpu.vector_load %arg8[%swap3A_2294, %swap3A_2295] {strides = array<i32>} : memref<136x256xf32, #tpu.memory_space<vmem>>, vector<1x16xf32>,
            %swap3A_2297 = vector.shape_cast %swap3A_2296 : vector<1x16xf32> to vector<16xf32>
            %swap3A_2298 = vector.shape_cast %get3A_2293 : vector<16xf32> to vector<1x16xf32>
            tpu.vector_store %arg8[%swap3A_2294, %swap3A_2295], %swap3A_2298 {add = true, strides = array<i32>} : memref<136x256xf32, #tpu.memory_space<vmem>>, vector<1x16xf32>,
            %get3A_2299 = arith.index_cast %squeeze3A_2287 : i32 to index
            %get3A_2300 = arith.constant 16 : index
            %get3A_2301 = tpu.vector_load %arg7[%get3A_2299, %get3A_2300] {strides = array<i32>} : memref<128x256xf32, #tpu.memory_space<vmem>>, vector<1x16xf32>,
            %get3A_2302 = vector.shape_cast %get3A_2301 : vector<1x16xf32> to vector<16xf32>
            %swap3A_2303 = arith.index_cast %squeeze3A_2289 : i32 to index
            %swap3A_2304 = arith.constant 16 : index
            %swap3A_2305 = tpu.vector_load %arg8[%swap3A_2303, %swap3A_2304] {strides = array<i32>} : memref<136x256xf32, #tpu.memory_space<vmem>>, vector<1x16xf32>,
            %swap3A_2306 = vector.shape_cast %swap3A_2305 : vector<1x16xf32> to vector<16xf32>
            %swap3A_2307 = vector.shape_cast %get3A_2302 : vector<16xf32> to vector<1x16xf32>
            tpu.vector_store %arg8[%swap3A_2303, %swap3A_2304], %swap3A_2307 {add = true, strides = array<i32>} : memref<136x256xf32, #tpu.memory_space<vmem>>, vector<1x16xf32>,
            %get3A_2308 = arith.index_cast %squeeze3A_2287 : i32 to index
            %get3A_2309 = arith.constant 32 : index
            %get3A_2310 = tpu.vector_load %arg7[%get3A_2308, %get3A_2309] {strides = array<i32>} : memref<128x256xf32, #tpu.memory_space<vmem>>, vector<1x16xf32>,
            %get3A_2311 = vector.shape_cast %get3A_2310 : vector<1x16xf32> to vector<16xf32>
            %swap3A_2312 = arith.index_cast %squeeze3A_2289 : i32 to index
            %swap3A_2313 = arith.constant 32 : index
            %swap3A_2314 = tpu.vector_load %arg8[%swap3A_2312, %swap3A_2313] {strides = array<i32>} : memref<136x256xf32, #tpu.memory_space<vmem>>, vector<1x16xf32>,
            %swap3A_2315 = vector.shape_cast %swap3A_2314 : vector<1x16xf32> to vector<16xf32>
            %swap3A_2316 = vector.shape_cast %get3A_2311 : vector<16xf32> to vector<1x16xf32>
            tpu.vector_store %arg8[%swap3A_2312, %swap3A_2313], %swap3A_2316 {add = true, strides = array<i32>} : memref<136x256xf32, #tpu.memory_space<vmem>>, vector<1x16xf32>,
            %get3A_2317 = arith.index_cast %squeeze3A_2287 : i32 to index
            %get3A_2318 = arith.constant 48 : index
            %get3A_2319 = tpu.vector_load %arg7[%get3A_2317, %get3A_2318] {strides = array<i32>} : memref<128x256xf32, #tpu.memory_space<vmem>>, vector<1x16xf32>,
            %get3A_2320 = vector.shape_cast %get3A_2319 : vector<1x16xf32> to vector<16xf32>
            %swap3A_2321 = arith.index_cast %squeeze3A_2289 : i32 to index
            %swap3A_2322 = arith.constant 48 : index
            %swap3A_2323 = tpu.vector_load %arg8[%swap3A_2321, %swap3A_2322] {strides = array<i32>} : memref<136x256xf32, #tpu.memory_space<vmem>>, vector<1x16xf32>,
            %swap3A_2324 = vector.shape_cast %swap3A_2323 : vector<1x16xf32> to vector<16xf32>
            %swap3A_2325 = vector.shape_cast %get3A_2320 : vector<16xf32> to vector<1x16xf32>
            tpu.vector_store %arg8[%swap3A_2321, %swap3A_2322], %swap3A_2325 {add = true, strides = array<i32>} : memref<136x256xf32, #tpu.memory_space<vmem>>, vector<1x16xf32>,
            %get3A_2326 = arith.index_cast %squeeze3A_2287 : i32 to index
            %get3A_2327 = arith.constant 64 : index
            %get3A_2328 = tpu.vector_load %arg7[%get3A_2326, %get3A_2327] {strides = array<i32>} : memref<128x256xf32, #tpu.memory_space<vmem>>, vector<1x16xf32>,
            %get3A_2329 = vector.shape_cast %get3A_2328 : vector<1x16xf32> to vector<16xf32>
            %swap3A_2330 = arith.index_cast %squeeze3A_2289 : i32 to index
            %swap3A_2331 = arith.constant 64 : index
            %swap3A_2332 = tpu.vector_load %arg8[%swap3A_2330, %swap3A_2331] {strides = array<i32>} : memref<136x256xf32, #tpu.memory_space<vmem>>, vector<1x16xf32>,
            %swap3A_2333 = vector.shape_cast %swap3A_2332 : vector<1x16xf32> to vector<16xf32>
            %swap3A_2334 = vector.shape_cast %get3A_2329 : vector<16xf32> to vector<1x16xf32>
            tpu.vector_store %arg8[%swap3A_2330, %swap3A_2331], %swap3A_2334 {add = true, strides = array<i32>} : memref<136x256xf32, #tpu.memory_space<vmem>>, vector<1x16xf32>,
            %get3A_2335 = arith.index_cast %squeeze3A_2287 : i32 to index
            %get3A_2336 = arith.constant 80 : index
            %get3A_2337 = tpu.vector_load %arg7[%get3A_2335, %get3A_2336] {strides = array<i32>} : memref<128x256xf32, #tpu.memory_space<vmem>>, vector<1x16xf32>,
            %get3A_2338 = vector.shape_cast %get3A_2337 : vector<1x16xf32> to vector<16xf32>
            %swap3A_2339 = arith.index_cast %squeeze3A_2289 : i32 to index
            %swap3A_2340 = arith.constant 80 : index
            %swap3A_2341 = tpu.vector_load %arg8[%swap3A_2339, %swap3A_2340] {strides = array<i32>} : memref<136x256xf32, #tpu.memory_space<vmem>>, vector<1x16xf32>,
            %swap3A_2342 = vector.shape_cast %swap3A_2341 : vector<1x16xf32> to vector<16xf32>
            %swap3A_2343 = vector.shape_cast %get3A_2338 : vector<16xf32> to vector<1x16xf32>
            tpu.vector_store %arg8[%swap3A_2339, %swap3A_2340], %swap3A_2343 {add = true, strides = array<i32>} : memref<136x256xf32, #tpu.memory_space<vmem>>, vector<1x16xf32>,
            %get3A_2344 = arith.index_cast %squeeze3A_2287 : i32 to index
            %get3A_2345 = arith.constant 96 : index
            %get3A_2346 = tpu.vector_load %arg7[%get3A_2344, %get3A_2345] {strides = array<i32>} : memref<128x256xf32, #tpu.memory_space<vmem>>, vector<1x16xf32>,
            %get3A_2347 = vector.shape_cast %get3A_2346 : vector<1x16xf32> to vector<16xf32>
            %swap3A_2348 = arith.index_cast %squeeze3A_2289 : i32 to index
            %swap3A_2349 = arith.constant 96 : index
            %swap3A_2350 = tpu.vector_load %arg8[%swap3A_2348, %swap3A_2349] {strides = array<i32>} : memref<136x256xf32, #tpu.memory_space<vmem>>, vector<1x16xf32>,
            %swap3A_2351 = vector.shape_cast %swap3A_2350 : vector<1x16xf32> to vector<16xf32>
            %swap3A_2352 = vector.shape_cast %get3A_2347 : vector<16xf32> to vector<1x16xf32>
            tpu.vector_store %arg8[%swap3A_2348, %swap3A_2349], %swap3A_2352 {add = true, strides = array<i32>} : memref<136x256xf32, #tpu.memory_space<vmem>>, vector<1x16xf32>,
            %get3A_2353 = arith.index_cast %squeeze3A_2287 : i32 to index
            %get3A_2354 = arith.constant 112 : index
            %get3A_2355 = tpu.vector_load %arg7[%get3A_2353, %get3A_2354] {strides = array<i32>} : memref<128x256xf32, #tpu.memory_space<vmem>>, vector<1x16xf32>,
            %get3A_2356 = vector.shape_cast %get3A_2355 : vector<1x16xf32> to vector<16xf32>
            %swap3A_2357 = arith.index_cast %squeeze3A_2289 : i32 to index
            %swap3A_2358 = arith.constant 112 : index
            %swap3A_2359 = tpu.vector_load %arg8[%swap3A_2357, %swap3A_2358] {strides = array<i32>} : memref<136x256xf32, #tpu.memory_space<vmem>>, vector<1x16xf32>,
            %swap3A_2360 = vector.shape_cast %swap3A_2359 : vector<1x16xf32> to vector<16xf32>
            %swap3A_2361 = vector.shape_cast %get3A_2356 : vector<16xf32> to vector<1x16xf32>
            tpu.vector_store %arg8[%swap3A_2357, %swap3A_2358], %swap3A_2361 {add = true, strides = array<i32>} : memref<136x256xf32, #tpu.memory_space<vmem>>, vector<1x16xf32>,
            %get3A_2362 = arith.index_cast %squeeze3A_2287 : i32 to index
            %get3A_2363 = arith.constant 128 : index
            %get3A_2364 = tpu.vector_load %arg7[%get3A_2362, %get3A_2363] {strides = array<i32>} : memref<128x256xf32, #tpu.memory_space<vmem>>, vector<1x16xf32>,
            %get3A_2365 = vector.shape_cast %get3A_2364 : vector<1x16xf32> to vector<16xf32>
            %swap3A_2366 = arith.index_cast %squeeze3A_2289 : i32 to index
            %swap3A_2367 = arith.constant 128 : index
            %swap3A_2368 = tpu.vector_load %arg8[%swap3A_2366, %swap3A_2367] {strides = array<i32>} : memref<136x256xf32, #tpu.memory_space<vmem>>, vector<1x16xf32>,
            %swap3A_2369 = vector.shape_cast %swap3A_2368 : vector<1x16xf32> to vector<16xf32>
            %swap3A_2370 = vector.shape_cast %get3A_2365 : vector<16xf32> to vector<1x16xf32>
            tpu.vector_store %arg8[%swap3A_2366, %swap3A_2367], %swap3A_2370 {add = true, strides = array<i32>} : memref<136x256xf32, #tpu.memory_space<vmem>>, vector<1x16xf32>,
            %get3A_2371 = arith.index_cast %squeeze3A_2287 : i32 to index
            %get3A_2372 = arith.constant 144 : index
            %get3A_2373 = tpu.vector_load %arg7[%get3A_2371, %get3A_2372] {strides = array<i32>} : memref<128x256xf32, #tpu.memory_space<vmem>>, vector<1x16xf32>,
            %get3A_2374 = vector.shape_cast %get3A_2373 : vector<1x16xf32> to vector<16xf32>
            %swap3A_2375 = arith.index_cast %squeeze3A_2289 : i32 to index
            %swap3A_2376 = arith.constant 144 : index
            %swap3A_2377 = tpu.vector_load %arg8[%swap3A_2375, %swap3A_2376] {strides = array<i32>} : memref<136x256xf32, #tpu.memory_space<vmem>>, vector<1x16xf32>,
            %swap3A_2378 = vector.shape_cast %swap3A_2377 : vector<1x16xf32> to vector<16xf32>
            %swap3A_2379 = vector.shape_cast %get3A_2374 : vector<16xf32> to vector<1x16xf32>
            tpu.vector_store %arg8[%swap3A_2375, %swap3A_2376], %swap3A_2379 {add = true, strides = array<i32>} : memref<136x256xf32, #tpu.memory_space<vmem>>, vector<1x16xf32>,
            %get3A_2380 = arith.index_cast %squeeze3A_2287 : i32 to index
            %get3A_2381 = arith.constant 160 : index
            %get3A_2382 = tpu.vector_load %arg7[%get3A_2380, %get3A_2381] {strides = array<i32>} : memref<128x256xf32, #tpu.memory_space<vmem>>, vector<1x16xf32>,
            %get3A_2383 = vector.shape_cast %get3A_2382 : vector<1x16xf32> to vector<16xf32>
            %swap3A_2384 = arith.index_cast %squeeze3A_2289 : i32 to index
            %swap3A_2385 = arith.constant 160 : index
            %swap3A_2386 = tpu.vector_load %arg8[%swap3A_2384, %swap3A_2385] {strides = array<i32>} : memref<136x256xf32, #tpu.memory_space<vmem>>, vector<1x16xf32>,
            %swap3A_2387 = vector.shape_cast %swap3A_2386 : vector<1x16xf32> to vector<16xf32>
            %swap3A_2388 = vector.shape_cast %get3A_2383 : vector<16xf32> to vector<1x16xf32>
            tpu.vector_store %arg8[%swap3A_2384, %swap3A_2385], %swap3A_2388 {add = true, strides = array<i32>} : memref<136x256xf32, #tpu.memory_space<vmem>>, vector<1x16xf32>,
            %get3A_2389 = arith.index_cast %squeeze3A_2287 : i32 to index
            %get3A_2390 = arith.constant 176 : index
            %get3A_2391 = tpu.vector_load %arg7[%get3A_2389, %get3A_2390] {strides = array<i32>} : memref<128x256xf32, #tpu.memory_space<vmem>>, vector<1x16xf32>,
            %get3A_2392 = vector.shape_cast %get3A_2391 : vector<1x16xf32> to vector<16xf32>
            %swap3A_2393 = arith.index_cast %squeeze3A_2289 : i32 to index
            %swap3A_2394 = arith.constant 176 : index
            %swap3A_2395 = tpu.vector_load %arg8[%swap3A_2393, %swap3A_2394] {strides = array<i32>} : memref<136x256xf32, #tpu.memory_space<vmem>>, vector<1x16xf32>,
            %swap3A_2396 = vector.shape_cast %swap3A_2395 : vector<1x16xf32> to vector<16xf32>
            %swap3A_2397 = vector.shape_cast %get3A_2392 : vector<16xf32> to vector<1x16xf32>
            tpu.vector_store %arg8[%swap3A_2393, %swap3A_2394], %swap3A_2397 {add = true, strides = array<i32>} : memref<136x256xf32, #tpu.memory_space<vmem>>, vector<1x16xf32>,
            %get3A_2398 = arith.index_cast %squeeze3A_2287 : i32 to index
            %get3A_2399 = arith.constant 192 : index
            %get3A_2400 = tpu.vector_load %arg7[%get3A_2398, %get3A_2399] {strides = array<i32>} : memref<128x256xf32, #tpu.memory_space<vmem>>, vector<1x16xf32>,
            %get3A_2401 = vector.shape_cast %get3A_2400 : vector<1x16xf32> to vector<16xf32>
            %swap3A_2402 = arith.index_cast %squeeze3A_2289 : i32 to index
            %swap3A_2403 = arith.constant 192 : index
            %swap3A_2404 = tpu.vector_load %arg8[%swap3A_2402, %swap3A_2403] {strides = array<i32>} : memref<136x256xf32, #tpu.memory_space<vmem>>, vector<1x16xf32>,
            %swap3A_2405 = vector.shape_cast %swap3A_2404 : vector<1x16xf32> to vector<16xf32>
            %swap3A_2406 = vector.shape_cast %get3A_2401 : vector<16xf32> to vector<1x16xf32>
            tpu.vector_store %arg8[%swap3A_2402, %swap3A_2403], %swap3A_2406 {add = true, strides = array<i32>} : memref<136x256xf32, #tpu.memory_space<vmem>>, vector<1x16xf32>,
            %get3A_2407 = arith.index_cast %squeeze3A_2287 : i32 to index
            %get3A_2408 = arith.constant 208 : index
            %get3A_2409 = tpu.vector_load %arg7[%get3A_2407, %get3A_2408] {strides = array<i32>} : memref<128x256xf32, #tpu.memory_space<vmem>>, vector<1x16xf32>,
            %get3A_2410 = vector.shape_cast %get3A_2409 : vector<1x16xf32> to vector<16xf32>
            %swap3A_2411 = arith.index_cast %squeeze3A_2289 : i32 to index
            %swap3A_2412 = arith.constant 208 : index
            %swap3A_2413 = tpu.vector_load %arg8[%swap3A_2411, %swap3A_2412] {strides = array<i32>} : memref<136x256xf32, #tpu.memory_space<vmem>>, vector<1x16xf32>,
            %swap3A_2414 = vector.shape_cast %swap3A_2413 : vector<1x16xf32> to vector<16xf32>
            %swap3A_2415 = vector.shape_cast %get3A_2410 : vector<16xf32> to vector<1x16xf32>
            tpu.vector_store %arg8[%swap3A_2411, %swap3A_2412], %swap3A_2415 {add = true, strides = array<i32>} : memref<136x256xf32, #tpu.memory_space<vmem>>, vector<1x16xf32>,
            %get3A_2416 = arith.index_cast %squeeze3A_2287 : i32 to index
            %get3A_2417 = arith.constant 224 : index
            %get3A_2418 = tpu.vector_load %arg7[%get3A_2416, %get3A_2417] {strides = array<i32>} : memref<128x256xf32, #tpu.memory_space<vmem>>, vector<1x16xf32>,
            %get3A_2419 = vector.shape_cast %get3A_2418 : vector<1x16xf32> to vector<16xf32>
            %swap3A_2420 = arith.index_cast %squeeze3A_2289 : i32 to index
            %swap3A_2421 = arith.constant 224 : index
            %swap3A_2422 = tpu.vector_load %arg8[%swap3A_2420, %swap3A_2421] {strides = array<i32>} : memref<136x256xf32, #tpu.memory_space<vmem>>, vector<1x16xf32>,
            %swap3A_2423 = vector.shape_cast %swap3A_2422 : vector<1x16xf32> to vector<16xf32>
            %swap3A_2424 = vector.shape_cast %get3A_2419 : vector<16xf32> to vector<1x16xf32>
            tpu.vector_store %arg8[%swap3A_2420, %swap3A_2421], %swap3A_2424 {add = true, strides = array<i32>} : memref<136x256xf32, #tpu.memory_space<vmem>>, vector<1x16xf32>,
            %get3A_2425 = arith.index_cast %squeeze3A_2287 : i32 to index
            %get3A_2426 = arith.constant 240 : index
            %get3A_2427 = tpu.vector_load %arg7[%get3A_2425, %get3A_2426] {strides = array<i32>} : memref<128x256xf32, #tpu.memory_space<vmem>>, vector<1x16xf32>,
            %get3A_2428 = vector.shape_cast %get3A_2427 : vector<1x16xf32> to vector<16xf32>
            %swap3A_2429 = arith.index_cast %squeeze3A_2289 : i32 to index
            %swap3A_2430 = arith.constant 240 : index
            %swap3A_2431 = tpu.vector_load %arg8[%swap3A_2429, %swap3A_2430] {strides = array<i32>} : memref<136x256xf32, #tpu.memory_space<vmem>>, vector<1x16xf32>,
            %swap3A_2432 = vector.shape_cast %swap3A_2431 : vector<1x16xf32> to vector<16xf32>
            %swap3A_2433 = vector.shape_cast %get3A_2428 : vector<16xf32> to vector<1x16xf32>
            tpu.vector_store %arg8[%swap3A_2429, %swap3A_2430], %swap3A_2433 {add = true, strides = array<i32>} : memref<136x256xf32, #tpu.memory_space<vmem>>, vector<1x16xf32>,
            %slice3A_2434 = vector.extract_strided_slice %select_n3A_502 {offsets = [13], sizes = [1], strides = [1]} : vector<16xi32> to vector<1xi32>
            %squeeze3A_2435 = vector.extract %slice3A_2434[0] : i32 from vector<1xi32>
            %slice3A_2436 = vector.extract_strided_slice %select_n3A_510 {offsets = [13], sizes = [1], strides = [1]} : vector<16xi32> to vector<1xi32>
            %squeeze3A_2437 = vector.extract %slice3A_2436[0] : i32 from vector<1xi32>
            %get3A_2438 = arith.index_cast %squeeze3A_2435 : i32 to index
            %get3A_2439 = arith.constant 0 : index
            %get3A_2440 = tpu.vector_load %arg7[%get3A_2438, %get3A_2439] {strides = array<i32>} : memref<128x256xf32, #tpu.memory_space<vmem>>, vector<1x16xf32>,
            %get3A_2441 = vector.shape_cast %get3A_2440 : vector<1x16xf32> to vector<16xf32>
            %swap3A_2442 = arith.index_cast %squeeze3A_2437 : i32 to index
            %swap3A_2443 = arith.constant 0 : index
            %swap3A_2444 = tpu.vector_load %arg8[%swap3A_2442, %swap3A_2443] {strides = array<i32>} : memref<136x256xf32, #tpu.memory_space<vmem>>, vector<1x16xf32>,
            %swap3A_2445 = vector.shape_cast %swap3A_2444 : vector<1x16xf32> to vector<16xf32>
            %swap3A_2446 = vector.shape_cast %get3A_2441 : vector<16xf32> to vector<1x16xf32>
            tpu.vector_store %arg8[%swap3A_2442, %swap3A_2443], %swap3A_2446 {add = true, strides = array<i32>} : memref<136x256xf32, #tpu.memory_space<vmem>>, vector<1x16xf32>,
            %get3A_2447 = arith.index_cast %squeeze3A_2435 : i32 to index
            %get3A_2448 = arith.constant 16 : index
            %get3A_2449 = tpu.vector_load %arg7[%get3A_2447, %get3A_2448] {strides = array<i32>} : memref<128x256xf32, #tpu.memory_space<vmem>>, vector<1x16xf32>,
            %get3A_2450 = vector.shape_cast %get3A_2449 : vector<1x16xf32> to vector<16xf32>
            %swap3A_2451 = arith.index_cast %squeeze3A_2437 : i32 to index
            %swap3A_2452 = arith.constant 16 : index
            %swap3A_2453 = tpu.vector_load %arg8[%swap3A_2451, %swap3A_2452] {strides = array<i32>} : memref<136x256xf32, #tpu.memory_space<vmem>>, vector<1x16xf32>,
            %swap3A_2454 = vector.shape_cast %swap3A_2453 : vector<1x16xf32> to vector<16xf32>
            %swap3A_2455 = vector.shape_cast %get3A_2450 : vector<16xf32> to vector<1x16xf32>
            tpu.vector_store %arg8[%swap3A_2451, %swap3A_2452], %swap3A_2455 {add = true, strides = array<i32>} : memref<136x256xf32, #tpu.memory_space<vmem>>, vector<1x16xf32>,
            %get3A_2456 = arith.index_cast %squeeze3A_2435 : i32 to index
            %get3A_2457 = arith.constant 32 : index
            %get3A_2458 = tpu.vector_load %arg7[%get3A_2456, %get3A_2457] {strides = array<i32>} : memref<128x256xf32, #tpu.memory_space<vmem>>, vector<1x16xf32>,
            %get3A_2459 = vector.shape_cast %get3A_2458 : vector<1x16xf32> to vector<16xf32>
            %swap3A_2460 = arith.index_cast %squeeze3A_2437 : i32 to index
            %swap3A_2461 = arith.constant 32 : index
            %swap3A_2462 = tpu.vector_load %arg8[%swap3A_2460, %swap3A_2461] {strides = array<i32>} : memref<136x256xf32, #tpu.memory_space<vmem>>, vector<1x16xf32>,
            %swap3A_2463 = vector.shape_cast %swap3A_2462 : vector<1x16xf32> to vector<16xf32>
            %swap3A_2464 = vector.shape_cast %get3A_2459 : vector<16xf32> to vector<1x16xf32>
            tpu.vector_store %arg8[%swap3A_2460, %swap3A_2461], %swap3A_2464 {add = true, strides = array<i32>} : memref<136x256xf32, #tpu.memory_space<vmem>>, vector<1x16xf32>,
            %get3A_2465 = arith.index_cast %squeeze3A_2435 : i32 to index
            %get3A_2466 = arith.constant 48 : index
            %get3A_2467 = tpu.vector_load %arg7[%get3A_2465, %get3A_2466] {strides = array<i32>} : memref<128x256xf32, #tpu.memory_space<vmem>>, vector<1x16xf32>,
            %get3A_2468 = vector.shape_cast %get3A_2467 : vector<1x16xf32> to vector<16xf32>
            %swap3A_2469 = arith.index_cast %squeeze3A_2437 : i32 to index
            %swap3A_2470 = arith.constant 48 : index
            %swap3A_2471 = tpu.vector_load %arg8[%swap3A_2469, %swap3A_2470] {strides = array<i32>} : memref<136x256xf32, #tpu.memory_space<vmem>>, vector<1x16xf32>,
            %swap3A_2472 = vector.shape_cast %swap3A_2471 : vector<1x16xf32> to vector<16xf32>
            %swap3A_2473 = vector.shape_cast %get3A_2468 : vector<16xf32> to vector<1x16xf32>
            tpu.vector_store %arg8[%swap3A_2469, %swap3A_2470], %swap3A_2473 {add = true, strides = array<i32>} : memref<136x256xf32, #tpu.memory_space<vmem>>, vector<1x16xf32>,
            %get3A_2474 = arith.index_cast %squeeze3A_2435 : i32 to index
            %get3A_2475 = arith.constant 64 : index
            %get3A_2476 = tpu.vector_load %arg7[%get3A_2474, %get3A_2475] {strides = array<i32>} : memref<128x256xf32, #tpu.memory_space<vmem>>, vector<1x16xf32>,
            %get3A_2477 = vector.shape_cast %get3A_2476 : vector<1x16xf32> to vector<16xf32>
            %swap3A_2478 = arith.index_cast %squeeze3A_2437 : i32 to index
            %swap3A_2479 = arith.constant 64 : index
            %swap3A_2480 = tpu.vector_load %arg8[%swap3A_2478, %swap3A_2479] {strides = array<i32>} : memref<136x256xf32, #tpu.memory_space<vmem>>, vector<1x16xf32>,
            %swap3A_2481 = vector.shape_cast %swap3A_2480 : vector<1x16xf32> to vector<16xf32>
            %swap3A_2482 = vector.shape_cast %get3A_2477 : vector<16xf32> to vector<1x16xf32>
            tpu.vector_store %arg8[%swap3A_2478, %swap3A_2479], %swap3A_2482 {add = true, strides = array<i32>} : memref<136x256xf32, #tpu.memory_space<vmem>>, vector<1x16xf32>,
            %get3A_2483 = arith.index_cast %squeeze3A_2435 : i32 to index
            %get3A_2484 = arith.constant 80 : index
            %get3A_2485 = tpu.vector_load %arg7[%get3A_2483, %get3A_2484] {strides = array<i32>} : memref<128x256xf32, #tpu.memory_space<vmem>>, vector<1x16xf32>,
            %get3A_2486 = vector.shape_cast %get3A_2485 : vector<1x16xf32> to vector<16xf32>
            %swap3A_2487 = arith.index_cast %squeeze3A_2437 : i32 to index
            %swap3A_2488 = arith.constant 80 : index
            %swap3A_2489 = tpu.vector_load %arg8[%swap3A_2487, %swap3A_2488] {strides = array<i32>} : memref<136x256xf32, #tpu.memory_space<vmem>>, vector<1x16xf32>,
            %swap3A_2490 = vector.shape_cast %swap3A_2489 : vector<1x16xf32> to vector<16xf32>
            %swap3A_2491 = vector.shape_cast %get3A_2486 : vector<16xf32> to vector<1x16xf32>
            tpu.vector_store %arg8[%swap3A_2487, %swap3A_2488], %swap3A_2491 {add = true, strides = array<i32>} : memref<136x256xf32, #tpu.memory_space<vmem>>, vector<1x16xf32>,
            %get3A_2492 = arith.index_cast %squeeze3A_2435 : i32 to index
            %get3A_2493 = arith.constant 96 : index
            %get3A_2494 = tpu.vector_load %arg7[%get3A_2492, %get3A_2493] {strides = array<i32>} : memref<128x256xf32, #tpu.memory_space<vmem>>, vector<1x16xf32>,
            %get3A_2495 = vector.shape_cast %get3A_2494 : vector<1x16xf32> to vector<16xf32>
            %swap3A_2496 = arith.index_cast %squeeze3A_2437 : i32 to index
            %swap3A_2497 = arith.constant 96 : index
            %swap3A_2498 = tpu.vector_load %arg8[%swap3A_2496, %swap3A_2497] {strides = array<i32>} : memref<136x256xf32, #tpu.memory_space<vmem>>, vector<1x16xf32>,
            %swap3A_2499 = vector.shape_cast %swap3A_2498 : vector<1x16xf32> to vector<16xf32>
            %swap3A_2500 = vector.shape_cast %get3A_2495 : vector<16xf32> to vector<1x16xf32>
            tpu.vector_store %arg8[%swap3A_2496, %swap3A_2497], %swap3A_2500 {add = true, strides = array<i32>} : memref<136x256xf32, #tpu.memory_space<vmem>>, vector<1x16xf32>,
            %get3A_2501 = arith.index_cast %squeeze3A_2435 : i32 to index
            %get3A_2502 = arith.constant 112 : index
            %get3A_2503 = tpu.vector_load %arg7[%get3A_2501, %get3A_2502] {strides = array<i32>} : memref<128x256xf32, #tpu.memory_space<vmem>>, vector<1x16xf32>,
            %get3A_2504 = vector.shape_cast %get3A_2503 : vector<1x16xf32> to vector<16xf32>
            %swap3A_2505 = arith.index_cast %squeeze3A_2437 : i32 to index
            %swap3A_2506 = arith.constant 112 : index
            %swap3A_2507 = tpu.vector_load %arg8[%swap3A_2505, %swap3A_2506] {strides = array<i32>} : memref<136x256xf32, #tpu.memory_space<vmem>>, vector<1x16xf32>,
            %swap3A_2508 = vector.shape_cast %swap3A_2507 : vector<1x16xf32> to vector<16xf32>
            %swap3A_2509 = vector.shape_cast %get3A_2504 : vector<16xf32> to vector<1x16xf32>
            tpu.vector_store %arg8[%swap3A_2505, %swap3A_2506], %swap3A_2509 {add = true, strides = array<i32>} : memref<136x256xf32, #tpu.memory_space<vmem>>, vector<1x16xf32>,
            %get3A_2510 = arith.index_cast %squeeze3A_2435 : i32 to index
            %get3A_2511 = arith.constant 128 : index
            %get3A_2512 = tpu.vector_load %arg7[%get3A_2510, %get3A_2511] {strides = array<i32>} : memref<128x256xf32, #tpu.memory_space<vmem>>, vector<1x16xf32>,
            %get3A_2513 = vector.shape_cast %get3A_2512 : vector<1x16xf32> to vector<16xf32>
            %swap3A_2514 = arith.index_cast %squeeze3A_2437 : i32 to index
            %swap3A_2515 = arith.constant 128 : index
            %swap3A_2516 = tpu.vector_load %arg8[%swap3A_2514, %swap3A_2515] {strides = array<i32>} : memref<136x256xf32, #tpu.memory_space<vmem>>, vector<1x16xf32>,
            %swap3A_2517 = vector.shape_cast %swap3A_2516 : vector<1x16xf32> to vector<16xf32>
            %swap3A_2518 = vector.shape_cast %get3A_2513 : vector<16xf32> to vector<1x16xf32>
            tpu.vector_store %arg8[%swap3A_2514, %swap3A_2515], %swap3A_2518 {add = true, strides = array<i32>} : memref<136x256xf32, #tpu.memory_space<vmem>>, vector<1x16xf32>,
            %get3A_2519 = arith.index_cast %squeeze3A_2435 : i32 to index
            %get3A_2520 = arith.constant 144 : index
            %get3A_2521 = tpu.vector_load %arg7[%get3A_2519, %get3A_2520] {strides = array<i32>} : memref<128x256xf32, #tpu.memory_space<vmem>>, vector<1x16xf32>,
            %get3A_2522 = vector.shape_cast %get3A_2521 : vector<1x16xf32> to vector<16xf32>
            %swap3A_2523 = arith.index_cast %squeeze3A_2437 : i32 to index
            %swap3A_2524 = arith.constant 144 : index
            %swap3A_2525 = tpu.vector_load %arg8[%swap3A_2523, %swap3A_2524] {strides = array<i32>} : memref<136x256xf32, #tpu.memory_space<vmem>>, vector<1x16xf32>,
            %swap3A_2526 = vector.shape_cast %swap3A_2525 : vector<1x16xf32> to vector<16xf32>
            %swap3A_2527 = vector.shape_cast %get3A_2522 : vector<16xf32> to vector<1x16xf32>
            tpu.vector_store %arg8[%swap3A_2523, %swap3A_2524], %swap3A_2527 {add = true, strides = array<i32>} : memref<136x256xf32, #tpu.memory_space<vmem>>, vector<1x16xf32>,
            %get3A_2528 = arith.index_cast %squeeze3A_2435 : i32 to index
            %get3A_2529 = arith.constant 160 : index
            %get3A_2530 = tpu.vector_load %arg7[%get3A_2528, %get3A_2529] {strides = array<i32>} : memref<128x256xf32, #tpu.memory_space<vmem>>, vector<1x16xf32>,
            %get3A_2531 = vector.shape_cast %get3A_2530 : vector<1x16xf32> to vector<16xf32>
            %swap3A_2532 = arith.index_cast %squeeze3A_2437 : i32 to index
            %swap3A_2533 = arith.constant 160 : index
            %swap3A_2534 = tpu.vector_load %arg8[%swap3A_2532, %swap3A_2533] {strides = array<i32>} : memref<136x256xf32, #tpu.memory_space<vmem>>, vector<1x16xf32>,
            %swap3A_2535 = vector.shape_cast %swap3A_2534 : vector<1x16xf32> to vector<16xf32>
            %swap3A_2536 = vector.shape_cast %get3A_2531 : vector<16xf32> to vector<1x16xf32>
            tpu.vector_store %arg8[%swap3A_2532, %swap3A_2533], %swap3A_2536 {add = true, strides = array<i32>} : memref<136x256xf32, #tpu.memory_space<vmem>>, vector<1x16xf32>,
            %get3A_2537 = arith.index_cast %squeeze3A_2435 : i32 to index
            %get3A_2538 = arith.constant 176 : index
            %get3A_2539 = tpu.vector_load %arg7[%get3A_2537, %get3A_2538] {strides = array<i32>} : memref<128x256xf32, #tpu.memory_space<vmem>>, vector<1x16xf32>,
            %get3A_2540 = vector.shape_cast %get3A_2539 : vector<1x16xf32> to vector<16xf32>
            %swap3A_2541 = arith.index_cast %squeeze3A_2437 : i32 to index
            %swap3A_2542 = arith.constant 176 : index
            %swap3A_2543 = tpu.vector_load %arg8[%swap3A_2541, %swap3A_2542] {strides = array<i32>} : memref<136x256xf32, #tpu.memory_space<vmem>>, vector<1x16xf32>,
            %swap3A_2544 = vector.shape_cast %swap3A_2543 : vector<1x16xf32> to vector<16xf32>
            %swap3A_2545 = vector.shape_cast %get3A_2540 : vector<16xf32> to vector<1x16xf32>
            tpu.vector_store %arg8[%swap3A_2541, %swap3A_2542], %swap3A_2545 {add = true, strides = array<i32>} : memref<136x256xf32, #tpu.memory_space<vmem>>, vector<1x16xf32>,
            %get3A_2546 = arith.index_cast %squeeze3A_2435 : i32 to index
            %get3A_2547 = arith.constant 192 : index
            %get3A_2548 = tpu.vector_load %arg7[%get3A_2546, %get3A_2547] {strides = array<i32>} : memref<128x256xf32, #tpu.memory_space<vmem>>, vector<1x16xf32>,
            %get3A_2549 = vector.shape_cast %get3A_2548 : vector<1x16xf32> to vector<16xf32>
            %swap3A_2550 = arith.index_cast %squeeze3A_2437 : i32 to index
            %swap3A_2551 = arith.constant 192 : index
            %swap3A_2552 = tpu.vector_load %arg8[%swap3A_2550, %swap3A_2551] {strides = array<i32>} : memref<136x256xf32, #tpu.memory_space<vmem>>, vector<1x16xf32>,
            %swap3A_2553 = vector.shape_cast %swap3A_2552 : vector<1x16xf32> to vector<16xf32>
            %swap3A_2554 = vector.shape_cast %get3A_2549 : vector<16xf32> to vector<1x16xf32>
            tpu.vector_store %arg8[%swap3A_2550, %swap3A_2551], %swap3A_2554 {add = true, strides = array<i32>} : memref<136x256xf32, #tpu.memory_space<vmem>>, vector<1x16xf32>,
            %get3A_2555 = arith.index_cast %squeeze3A_2435 : i32 to index
            %get3A_2556 = arith.constant 208 : index
            %get3A_2557 = tpu.vector_load %arg7[%get3A_2555, %get3A_2556] {strides = array<i32>} : memref<128x256xf32, #tpu.memory_space<vmem>>, vector<1x16xf32>,
            %get3A_2558 = vector.shape_cast %get3A_2557 : vector<1x16xf32> to vector<16xf32>
            %swap3A_2559 = arith.index_cast %squeeze3A_2437 : i32 to index
            %swap3A_2560 = arith.constant 208 : index
            %swap3A_2561 = tpu.vector_load %arg8[%swap3A_2559, %swap3A_2560] {strides = array<i32>} : memref<136x256xf32, #tpu.memory_space<vmem>>, vector<1x16xf32>,
            %swap3A_2562 = vector.shape_cast %swap3A_2561 : vector<1x16xf32> to vector<16xf32>
            %swap3A_2563 = vector.shape_cast %get3A_2558 : vector<16xf32> to vector<1x16xf32>
            tpu.vector_store %arg8[%swap3A_2559, %swap3A_2560], %swap3A_2563 {add = true, strides = array<i32>} : memref<136x256xf32, #tpu.memory_space<vmem>>, vector<1x16xf32>,
            %get3A_2564 = arith.index_cast %squeeze3A_2435 : i32 to index
            %get3A_2565 = arith.constant 224 : index
            %get3A_2566 = tpu.vector_load %arg7[%get3A_2564, %get3A_2565] {strides = array<i32>} : memref<128x256xf32, #tpu.memory_space<vmem>>, vector<1x16xf32>,
            %get3A_2567 = vector.shape_cast %get3A_2566 : vector<1x16xf32> to vector<16xf32>
            %swap3A_2568 = arith.index_cast %squeeze3A_2437 : i32 to index
            %swap3A_2569 = arith.constant 224 : index
            %swap3A_2570 = tpu.vector_load %arg8[%swap3A_2568, %swap3A_2569] {strides = array<i32>} : memref<136x256xf32, #tpu.memory_space<vmem>>, vector<1x16xf32>,
            %swap3A_2571 = vector.shape_cast %swap3A_2570 : vector<1x16xf32> to vector<16xf32>
            %swap3A_2572 = vector.shape_cast %get3A_2567 : vector<16xf32> to vector<1x16xf32>
            tpu.vector_store %arg8[%swap3A_2568, %swap3A_2569], %swap3A_2572 {add = true, strides = array<i32>} : memref<136x256xf32, #tpu.memory_space<vmem>>, vector<1x16xf32>,
            %get3A_2573 = arith.index_cast %squeeze3A_2435 : i32 to index
            %get3A_2574 = arith.constant 240 : index
            %get3A_2575 = tpu.vector_load %arg7[%get3A_2573, %get3A_2574] {strides = array<i32>} : memref<128x256xf32, #tpu.memory_space<vmem>>, vector<1x16xf32>,
            %get3A_2576 = vector.shape_cast %get3A_2575 : vector<1x16xf32> to vector<16xf32>
            %swap3A_2577 = arith.index_cast %squeeze3A_2437 : i32 to index
            %swap3A_2578 = arith.constant 240 : index
            %swap3A_2579 = tpu.vector_load %arg8[%swap3A_2577, %swap3A_2578] {strides = array<i32>} : memref<136x256xf32, #tpu.memory_space<vmem>>, vector<1x16xf32>,
            %swap3A_2580 = vector.shape_cast %swap3A_2579 : vector<1x16xf32> to vector<16xf32>
            %swap3A_2581 = vector.shape_cast %get3A_2576 : vector<16xf32> to vector<1x16xf32>
            tpu.vector_store %arg8[%swap3A_2577, %swap3A_2578], %swap3A_2581 {add = true, strides = array<i32>} : memref<136x256xf32, #tpu.memory_space<vmem>>, vector<1x16xf32>,
            %slice3A_2582 = vector.extract_strided_slice %select_n3A_502 {offsets = [14], sizes = [1], strides = [1]} : vector<16xi32> to vector<1xi32>
            %squeeze3A_2583 = vector.extract %slice3A_2582[0] : i32 from vector<1xi32>
            %slice3A_2584 = vector.extract_strided_slice %select_n3A_510 {offsets = [14], sizes = [1], strides = [1]} : vector<16xi32> to vector<1xi32>
            %squeeze3A_2585 = vector.extract %slice3A_2584[0] : i32 from vector<1xi32>
            %get3A_2586 = arith.index_cast %squeeze3A_2583 : i32 to index
            %get3A_2587 = arith.constant 0 : index
            %get3A_2588 = tpu.vector_load %arg7[%get3A_2586, %get3A_2587] {strides = array<i32>} : memref<128x256xf32, #tpu.memory_space<vmem>>, vector<1x16xf32>,
            %get3A_2589 = vector.shape_cast %get3A_2588 : vector<1x16xf32> to vector<16xf32>
            %swap3A_2590 = arith.index_cast %squeeze3A_2585 : i32 to index
            %swap3A_2591 = arith.constant 0 : index
            %swap3A_2592 = tpu.vector_load %arg8[%swap3A_2590, %swap3A_2591] {strides = array<i32>} : memref<136x256xf32, #tpu.memory_space<vmem>>, vector<1x16xf32>,
            %swap3A_2593 = vector.shape_cast %swap3A_2592 : vector<1x16xf32> to vector<16xf32>
            %swap3A_2594 = vector.shape_cast %get3A_2589 : vector<16xf32> to vector<1x16xf32>
            tpu.vector_store %arg8[%swap3A_2590, %swap3A_2591], %swap3A_2594 {add = true, strides = array<i32>} : memref<136x256xf32, #tpu.memory_space<vmem>>, vector<1x16xf32>,
            %get3A_2595 = arith.index_cast %squeeze3A_2583 : i32 to index
            %get3A_2596 = arith.constant 16 : index
            %get3A_2597 = tpu.vector_load %arg7[%get3A_2595, %get3A_2596] {strides = array<i32>} : memref<128x256xf32, #tpu.memory_space<vmem>>, vector<1x16xf32>,
            %get3A_2598 = vector.shape_cast %get3A_2597 : vector<1x16xf32> to vector<16xf32>
            %swap3A_2599 = arith.index_cast %squeeze3A_2585 : i32 to index
            %swap3A_2600 = arith.constant 16 : index
            %swap3A_2601 = tpu.vector_load %arg8[%swap3A_2599, %swap3A_2600] {strides = array<i32>} : memref<136x256xf32, #tpu.memory_space<vmem>>, vector<1x16xf32>,
            %swap3A_2602 = vector.shape_cast %swap3A_2601 : vector<1x16xf32> to vector<16xf32>
            %swap3A_2603 = vector.shape_cast %get3A_2598 : vector<16xf32> to vector<1x16xf32>
            tpu.vector_store %arg8[%swap3A_2599, %swap3A_2600], %swap3A_2603 {add = true, strides = array<i32>} : memref<136x256xf32, #tpu.memory_space<vmem>>, vector<1x16xf32>,
            %get3A_2604 = arith.index_cast %squeeze3A_2583 : i32 to index
            %get3A_2605 = arith.constant 32 : index
            %get3A_2606 = tpu.vector_load %arg7[%get3A_2604, %get3A_2605] {strides = array<i32>} : memref<128x256xf32, #tpu.memory_space<vmem>>, vector<1x16xf32>,
            %get3A_2607 = vector.shape_cast %get3A_2606 : vector<1x16xf32> to vector<16xf32>
            %swap3A_2608 = arith.index_cast %squeeze3A_2585 : i32 to index
            %swap3A_2609 = arith.constant 32 : index
            %swap3A_2610 = tpu.vector_load %arg8[%swap3A_2608, %swap3A_2609] {strides = array<i32>} : memref<136x256xf32, #tpu.memory_space<vmem>>, vector<1x16xf32>,
            %swap3A_2611 = vector.shape_cast %swap3A_2610 : vector<1x16xf32> to vector<16xf32>
            %swap3A_2612 = vector.shape_cast %get3A_2607 : vector<16xf32> to vector<1x16xf32>
            tpu.vector_store %arg8[%swap3A_2608, %swap3A_2609], %swap3A_2612 {add = true, strides = array<i32>} : memref<136x256xf32, #tpu.memory_space<vmem>>, vector<1x16xf32>,
            %get3A_2613 = arith.index_cast %squeeze3A_2583 : i32 to index
            %get3A_2614 = arith.constant 48 : index
            %get3A_2615 = tpu.vector_load %arg7[%get3A_2613, %get3A_2614] {strides = array<i32>} : memref<128x256xf32, #tpu.memory_space<vmem>>, vector<1x16xf32>,
            %get3A_2616 = vector.shape_cast %get3A_2615 : vector<1x16xf32> to vector<16xf32>
            %swap3A_2617 = arith.index_cast %squeeze3A_2585 : i32 to index
            %swap3A_2618 = arith.constant 48 : index
            %swap3A_2619 = tpu.vector_load %arg8[%swap3A_2617, %swap3A_2618] {strides = array<i32>} : memref<136x256xf32, #tpu.memory_space<vmem>>, vector<1x16xf32>,
            %swap3A_2620 = vector.shape_cast %swap3A_2619 : vector<1x16xf32> to vector<16xf32>
            %swap3A_2621 = vector.shape_cast %get3A_2616 : vector<16xf32> to vector<1x16xf32>
            tpu.vector_store %arg8[%swap3A_2617, %swap3A_2618], %swap3A_2621 {add = true, strides = array<i32>} : memref<136x256xf32, #tpu.memory_space<vmem>>, vector<1x16xf32>,
            %get3A_2622 = arith.index_cast %squeeze3A_2583 : i32 to index
            %get3A_2623 = arith.constant 64 : index
            %get3A_2624 = tpu.vector_load %arg7[%get3A_2622, %get3A_2623] {strides = array<i32>} : memref<128x256xf32, #tpu.memory_space<vmem>>, vector<1x16xf32>,
            %get3A_2625 = vector.shape_cast %get3A_2624 : vector<1x16xf32> to vector<16xf32>
            %swap3A_2626 = arith.index_cast %squeeze3A_2585 : i32 to index
            %swap3A_2627 = arith.constant 64 : index
            %swap3A_2628 = tpu.vector_load %arg8[%swap3A_2626, %swap3A_2627] {strides = array<i32>} : memref<136x256xf32, #tpu.memory_space<vmem>>, vector<1x16xf32>,
            %swap3A_2629 = vector.shape_cast %swap3A_2628 : vector<1x16xf32> to vector<16xf32>
            %swap3A_2630 = vector.shape_cast %get3A_2625 : vector<16xf32> to vector<1x16xf32>
            tpu.vector_store %arg8[%swap3A_2626, %swap3A_2627], %swap3A_2630 {add = true, strides = array<i32>} : memref<136x256xf32, #tpu.memory_space<vmem>>, vector<1x16xf32>,
            %get3A_2631 = arith.index_cast %squeeze3A_2583 : i32 to index
            %get3A_2632 = arith.constant 80 : index
            %get3A_2633 = tpu.vector_load %arg7[%get3A_2631, %get3A_2632] {strides = array<i32>} : memref<128x256xf32, #tpu.memory_space<vmem>>, vector<1x16xf32>,
            %get3A_2634 = vector.shape_cast %get3A_2633 : vector<1x16xf32> to vector<16xf32>
            %swap3A_2635 = arith.index_cast %squeeze3A_2585 : i32 to index
            %swap3A_2636 = arith.constant 80 : index
            %swap3A_2637 = tpu.vector_load %arg8[%swap3A_2635, %swap3A_2636] {strides = array<i32>} : memref<136x256xf32, #tpu.memory_space<vmem>>, vector<1x16xf32>,
            %swap3A_2638 = vector.shape_cast %swap3A_2637 : vector<1x16xf32> to vector<16xf32>
            %swap3A_2639 = vector.shape_cast %get3A_2634 : vector<16xf32> to vector<1x16xf32>
            tpu.vector_store %arg8[%swap3A_2635, %swap3A_2636], %swap3A_2639 {add = true, strides = array<i32>} : memref<136x256xf32, #tpu.memory_space<vmem>>, vector<1x16xf32>,
            %get3A_2640 = arith.index_cast %squeeze3A_2583 : i32 to index
            %get3A_2641 = arith.constant 96 : index
            %get3A_2642 = tpu.vector_load %arg7[%get3A_2640, %get3A_2641] {strides = array<i32>} : memref<128x256xf32, #tpu.memory_space<vmem>>, vector<1x16xf32>,
            %get3A_2643 = vector.shape_cast %get3A_2642 : vector<1x16xf32> to vector<16xf32>
            %swap3A_2644 = arith.index_cast %squeeze3A_2585 : i32 to index
            %swap3A_2645 = arith.constant 96 : index
            %swap3A_2646 = tpu.vector_load %arg8[%swap3A_2644, %swap3A_2645] {strides = array<i32>} : memref<136x256xf32, #tpu.memory_space<vmem>>, vector<1x16xf32>,
            %swap3A_2647 = vector.shape_cast %swap3A_2646 : vector<1x16xf32> to vector<16xf32>
            %swap3A_2648 = vector.shape_cast %get3A_2643 : vector<16xf32> to vector<1x16xf32>
            tpu.vector_store %arg8[%swap3A_2644, %swap3A_2645], %swap3A_2648 {add = true, strides = array<i32>} : memref<136x256xf32, #tpu.memory_space<vmem>>, vector<1x16xf32>,
            %get3A_2649 = arith.index_cast %squeeze3A_2583 : i32 to index
            %get3A_2650 = arith.constant 112 : index
            %get3A_2651 = tpu.vector_load %arg7[%get3A_2649, %get3A_2650] {strides = array<i32>} : memref<128x256xf32, #tpu.memory_space<vmem>>, vector<1x16xf32>,
            %get3A_2652 = vector.shape_cast %get3A_2651 : vector<1x16xf32> to vector<16xf32>
            %swap3A_2653 = arith.index_cast %squeeze3A_2585 : i32 to index
            %swap3A_2654 = arith.constant 112 : index
            %swap3A_2655 = tpu.vector_load %arg8[%swap3A_2653, %swap3A_2654] {strides = array<i32>} : memref<136x256xf32, #tpu.memory_space<vmem>>, vector<1x16xf32>,
            %swap3A_2656 = vector.shape_cast %swap3A_2655 : vector<1x16xf32> to vector<16xf32>
            %swap3A_2657 = vector.shape_cast %get3A_2652 : vector<16xf32> to vector<1x16xf32>
            tpu.vector_store %arg8[%swap3A_2653, %swap3A_2654], %swap3A_2657 {add = true, strides = array<i32>} : memref<136x256xf32, #tpu.memory_space<vmem>>, vector<1x16xf32>,
            %get3A_2658 = arith.index_cast %squeeze3A_2583 : i32 to index
            %get3A_2659 = arith.constant 128 : index
            %get3A_2660 = tpu.vector_load %arg7[%get3A_2658, %get3A_2659] {strides = array<i32>} : memref<128x256xf32, #tpu.memory_space<vmem>>, vector<1x16xf32>,
            %get3A_2661 = vector.shape_cast %get3A_2660 : vector<1x16xf32> to vector<16xf32>
            %swap3A_2662 = arith.index_cast %squeeze3A_2585 : i32 to index
            %swap3A_2663 = arith.constant 128 : index
            %swap3A_2664 = tpu.vector_load %arg8[%swap3A_2662, %swap3A_2663] {strides = array<i32>} : memref<136x256xf32, #tpu.memory_space<vmem>>, vector<1x16xf32>,
            %swap3A_2665 = vector.shape_cast %swap3A_2664 : vector<1x16xf32> to vector<16xf32>
            %swap3A_2666 = vector.shape_cast %get3A_2661 : vector<16xf32> to vector<1x16xf32>
            tpu.vector_store %arg8[%swap3A_2662, %swap3A_2663], %swap3A_2666 {add = true, strides = array<i32>} : memref<136x256xf32, #tpu.memory_space<vmem>>, vector<1x16xf32>,
            %get3A_2667 = arith.index_cast %squeeze3A_2583 : i32 to index
            %get3A_2668 = arith.constant 144 : index
            %get3A_2669 = tpu.vector_load %arg7[%get3A_2667, %get3A_2668] {strides = array<i32>} : memref<128x256xf32, #tpu.memory_space<vmem>>, vector<1x16xf32>,
            %get3A_2670 = vector.shape_cast %get3A_2669 : vector<1x16xf32> to vector<16xf32>
            %swap3A_2671 = arith.index_cast %squeeze3A_2585 : i32 to index
            %swap3A_2672 = arith.constant 144 : index
            %swap3A_2673 = tpu.vector_load %arg8[%swap3A_2671, %swap3A_2672] {strides = array<i32>} : memref<136x256xf32, #tpu.memory_space<vmem>>, vector<1x16xf32>,
            %swap3A_2674 = vector.shape_cast %swap3A_2673 : vector<1x16xf32> to vector<16xf32>
            %swap3A_2675 = vector.shape_cast %get3A_2670 : vector<16xf32> to vector<1x16xf32>
            tpu.vector_store %arg8[%swap3A_2671, %swap3A_2672], %swap3A_2675 {add = true, strides = array<i32>} : memref<136x256xf32, #tpu.memory_space<vmem>>, vector<1x16xf32>,
            %get3A_2676 = arith.index_cast %squeeze3A_2583 : i32 to index
            %get3A_2677 = arith.constant 160 : index
            %get3A_2678 = tpu.vector_load %arg7[%get3A_2676, %get3A_2677] {strides = array<i32>} : memref<128x256xf32, #tpu.memory_space<vmem>>, vector<1x16xf32>,
            %get3A_2679 = vector.shape_cast %get3A_2678 : vector<1x16xf32> to vector<16xf32>
            %swap3A_2680 = arith.index_cast %squeeze3A_2585 : i32 to index
            %swap3A_2681 = arith.constant 160 : index
            %swap3A_2682 = tpu.vector_load %arg8[%swap3A_2680, %swap3A_2681] {strides = array<i32>} : memref<136x256xf32, #tpu.memory_space<vmem>>, vector<1x16xf32>,
            %swap3A_2683 = vector.shape_cast %swap3A_2682 : vector<1x16xf32> to vector<16xf32>
            %swap3A_2684 = vector.shape_cast %get3A_2679 : vector<16xf32> to vector<1x16xf32>
            tpu.vector_store %arg8[%swap3A_2680, %swap3A_2681], %swap3A_2684 {add = true, strides = array<i32>} : memref<136x256xf32, #tpu.memory_space<vmem>>, vector<1x16xf32>,
            %get3A_2685 = arith.index_cast %squeeze3A_2583 : i32 to index
            %get3A_2686 = arith.constant 176 : index
            %get3A_2687 = tpu.vector_load %arg7[%get3A_2685, %get3A_2686] {strides = array<i32>} : memref<128x256xf32, #tpu.memory_space<vmem>>, vector<1x16xf32>,
            %get3A_2688 = vector.shape_cast %get3A_2687 : vector<1x16xf32> to vector<16xf32>
            %swap3A_2689 = arith.index_cast %squeeze3A_2585 : i32 to index
            %swap3A_2690 = arith.constant 176 : index
            %swap3A_2691 = tpu.vector_load %arg8[%swap3A_2689, %swap3A_2690] {strides = array<i32>} : memref<136x256xf32, #tpu.memory_space<vmem>>, vector<1x16xf32>,
            %swap3A_2692 = vector.shape_cast %swap3A_2691 : vector<1x16xf32> to vector<16xf32>
            %swap3A_2693 = vector.shape_cast %get3A_2688 : vector<16xf32> to vector<1x16xf32>
            tpu.vector_store %arg8[%swap3A_2689, %swap3A_2690], %swap3A_2693 {add = true, strides = array<i32>} : memref<136x256xf32, #tpu.memory_space<vmem>>, vector<1x16xf32>,
            %get3A_2694 = arith.index_cast %squeeze3A_2583 : i32 to index
            %get3A_2695 = arith.constant 192 : index
            %get3A_2696 = tpu.vector_load %arg7[%get3A_2694, %get3A_2695] {strides = array<i32>} : memref<128x256xf32, #tpu.memory_space<vmem>>, vector<1x16xf32>,
            %get3A_2697 = vector.shape_cast %get3A_2696 : vector<1x16xf32> to vector<16xf32>
            %swap3A_2698 = arith.index_cast %squeeze3A_2585 : i32 to index
            %swap3A_2699 = arith.constant 192 : index
            %swap3A_2700 = tpu.vector_load %arg8[%swap3A_2698, %swap3A_2699] {strides = array<i32>} : memref<136x256xf32, #tpu.memory_space<vmem>>, vector<1x16xf32>,
            %swap3A_2701 = vector.shape_cast %swap3A_2700 : vector<1x16xf32> to vector<16xf32>
            %swap3A_2702 = vector.shape_cast %get3A_2697 : vector<16xf32> to vector<1x16xf32>
            tpu.vector_store %arg8[%swap3A_2698, %swap3A_2699], %swap3A_2702 {add = true, strides = array<i32>} : memref<136x256xf32, #tpu.memory_space<vmem>>, vector<1x16xf32>,
            %get3A_2703 = arith.index_cast %squeeze3A_2583 : i32 to index
            %get3A_2704 = arith.constant 208 : index
            %get3A_2705 = tpu.vector_load %arg7[%get3A_2703, %get3A_2704] {strides = array<i32>} : memref<128x256xf32, #tpu.memory_space<vmem>>, vector<1x16xf32>,
            %get3A_2706 = vector.shape_cast %get3A_2705 : vector<1x16xf32> to vector<16xf32>
            %swap3A_2707 = arith.index_cast %squeeze3A_2585 : i32 to index
            %swap3A_2708 = arith.constant 208 : index
            %swap3A_2709 = tpu.vector_load %arg8[%swap3A_2707, %swap3A_2708] {strides = array<i32>} : memref<136x256xf32, #tpu.memory_space<vmem>>, vector<1x16xf32>,
            %swap3A_2710 = vector.shape_cast %swap3A_2709 : vector<1x16xf32> to vector<16xf32>
            %swap3A_2711 = vector.shape_cast %get3A_2706 : vector<16xf32> to vector<1x16xf32>
            tpu.vector_store %arg8[%swap3A_2707, %swap3A_2708], %swap3A_2711 {add = true, strides = array<i32>} : memref<136x256xf32, #tpu.memory_space<vmem>>, vector<1x16xf32>,
            %get3A_2712 = arith.index_cast %squeeze3A_2583 : i32 to index
            %get3A_2713 = arith.constant 224 : index
            %get3A_2714 = tpu.vector_load %arg7[%get3A_2712, %get3A_2713] {strides = array<i32>} : memref<128x256xf32, #tpu.memory_space<vmem>>, vector<1x16xf32>,
            %get3A_2715 = vector.shape_cast %get3A_2714 : vector<1x16xf32> to vector<16xf32>
            %swap3A_2716 = arith.index_cast %squeeze3A_2585 : i32 to index
            %swap3A_2717 = arith.constant 224 : index
            %swap3A_2718 = tpu.vector_load %arg8[%swap3A_2716, %swap3A_2717] {strides = array<i32>} : memref<136x256xf32, #tpu.memory_space<vmem>>, vector<1x16xf32>,
            %swap3A_2719 = vector.shape_cast %swap3A_2718 : vector<1x16xf32> to vector<16xf32>
            %swap3A_2720 = vector.shape_cast %get3A_2715 : vector<16xf32> to vector<1x16xf32>
            tpu.vector_store %arg8[%swap3A_2716, %swap3A_2717], %swap3A_2720 {add = true, strides = array<i32>} : memref<136x256xf32, #tpu.memory_space<vmem>>, vector<1x16xf32>,
            %get3A_2721 = arith.index_cast %squeeze3A_2583 : i32 to index
            %get3A_2722 = arith.constant 240 : index
            %get3A_2723 = tpu.vector_load %arg7[%get3A_2721, %get3A_2722] {strides = array<i32>} : memref<128x256xf32, #tpu.memory_space<vmem>>, vector<1x16xf32>,
            %get3A_2724 = vector.shape_cast %get3A_2723 : vector<1x16xf32> to vector<16xf32>
            %swap3A_2725 = arith.index_cast %squeeze3A_2585 : i32 to index
            %swap3A_2726 = arith.constant 240 : index
            %swap3A_2727 = tpu.vector_load %arg8[%swap3A_2725, %swap3A_2726] {strides = array<i32>} : memref<136x256xf32, #tpu.memory_space<vmem>>, vector<1x16xf32>,
            %swap3A_2728 = vector.shape_cast %swap3A_2727 : vector<1x16xf32> to vector<16xf32>
            %swap3A_2729 = vector.shape_cast %get3A_2724 : vector<16xf32> to vector<1x16xf32>
            tpu.vector_store %arg8[%swap3A_2725, %swap3A_2726], %swap3A_2729 {add = true, strides = array<i32>} : memref<136x256xf32, #tpu.memory_space<vmem>>, vector<1x16xf32>,
            %slice3A_2730 = vector.extract_strided_slice %select_n3A_502 {offsets = [15], sizes = [1], strides = [1]} : vector<16xi32> to vector<1xi32>
            %squeeze3A_2731 = vector.extract %slice3A_2730[0] : i32 from vector<1xi32>
            %slice3A_2732 = vector.extract_strided_slice %select_n3A_510 {offsets = [15], sizes = [1], strides = [1]} : vector<16xi32> to vector<1xi32>
            %squeeze3A_2733 = vector.extract %slice3A_2732[0] : i32 from vector<1xi32>
            %get3A_2734 = arith.index_cast %squeeze3A_2731 : i32 to index
            %get3A_2735 = arith.constant 0 : index
            %get3A_2736 = tpu.vector_load %arg7[%get3A_2734, %get3A_2735] {strides = array<i32>} : memref<128x256xf32, #tpu.memory_space<vmem>>, vector<1x16xf32>,
            %get3A_2737 = vector.shape_cast %get3A_2736 : vector<1x16xf32> to vector<16xf32>
            %swap3A_2738 = arith.index_cast %squeeze3A_2733 : i32 to index
            %swap3A_2739 = arith.constant 0 : index
            %swap3A_2740 = tpu.vector_load %arg8[%swap3A_2738, %swap3A_2739] {strides = array<i32>} : memref<136x256xf32, #tpu.memory_space<vmem>>, vector<1x16xf32>,
            %swap3A_2741 = vector.shape_cast %swap3A_2740 : vector<1x16xf32> to vector<16xf32>
            %swap3A_2742 = vector.shape_cast %get3A_2737 : vector<16xf32> to vector<1x16xf32>
            tpu.vector_store %arg8[%swap3A_2738, %swap3A_2739], %swap3A_2742 {add = true, strides = array<i32>} : memref<136x256xf32, #tpu.memory_space<vmem>>, vector<1x16xf32>,
            %get3A_2743 = arith.index_cast %squeeze3A_2731 : i32 to index
            %get3A_2744 = arith.constant 16 : index
            %get3A_2745 = tpu.vector_load %arg7[%get3A_2743, %get3A_2744] {strides = array<i32>} : memref<128x256xf32, #tpu.memory_space<vmem>>, vector<1x16xf32>,
            %get3A_2746 = vector.shape_cast %get3A_2745 : vector<1x16xf32> to vector<16xf32>
            %swap3A_2747 = arith.index_cast %squeeze3A_2733 : i32 to index
            %swap3A_2748 = arith.constant 16 : index
            %swap3A_2749 = tpu.vector_load %arg8[%swap3A_2747, %swap3A_2748] {strides = array<i32>} : memref<136x256xf32, #tpu.memory_space<vmem>>, vector<1x16xf32>,
            %swap3A_2750 = vector.shape_cast %swap3A_2749 : vector<1x16xf32> to vector<16xf32>
            %swap3A_2751 = vector.shape_cast %get3A_2746 : vector<16xf32> to vector<1x16xf32>
            tpu.vector_store %arg8[%swap3A_2747, %swap3A_2748], %swap3A_2751 {add = true, strides = array<i32>} : memref<136x256xf32, #tpu.memory_space<vmem>>, vector<1x16xf32>,
            %get3A_2752 = arith.index_cast %squeeze3A_2731 : i32 to index
            %get3A_2753 = arith.constant 32 : index
            %get3A_2754 = tpu.vector_load %arg7[%get3A_2752, %get3A_2753] {strides = array<i32>} : memref<128x256xf32, #tpu.memory_space<vmem>>, vector<1x16xf32>,
            %get3A_2755 = vector.shape_cast %get3A_2754 : vector<1x16xf32> to vector<16xf32>
            %swap3A_2756 = arith.index_cast %squeeze3A_2733 : i32 to index
            %swap3A_2757 = arith.constant 32 : index
            %swap3A_2758 = tpu.vector_load %arg8[%swap3A_2756, %swap3A_2757] {strides = array<i32>} : memref<136x256xf32, #tpu.memory_space<vmem>>, vector<1x16xf32>,
            %swap3A_2759 = vector.shape_cast %swap3A_2758 : vector<1x16xf32> to vector<16xf32>
            %swap3A_2760 = vector.shape_cast %get3A_2755 : vector<16xf32> to vector<1x16xf32>
            tpu.vector_store %arg8[%swap3A_2756, %swap3A_2757], %swap3A_2760 {add = true, strides = array<i32>} : memref<136x256xf32, #tpu.memory_space<vmem>>, vector<1x16xf32>,
            %get3A_2761 = arith.index_cast %squeeze3A_2731 : i32 to index
            %get3A_2762 = arith.constant 48 : index
            %get3A_2763 = tpu.vector_load %arg7[%get3A_2761, %get3A_2762] {strides = array<i32>} : memref<128x256xf32, #tpu.memory_space<vmem>>, vector<1x16xf32>,
            %get3A_2764 = vector.shape_cast %get3A_2763 : vector<1x16xf32> to vector<16xf32>
            %swap3A_2765 = arith.index_cast %squeeze3A_2733 : i32 to index
            %swap3A_2766 = arith.constant 48 : index
            %swap3A_2767 = tpu.vector_load %arg8[%swap3A_2765, %swap3A_2766] {strides = array<i32>} : memref<136x256xf32, #tpu.memory_space<vmem>>, vector<1x16xf32>,
            %swap3A_2768 = vector.shape_cast %swap3A_2767 : vector<1x16xf32> to vector<16xf32>
            %swap3A_2769 = vector.shape_cast %get3A_2764 : vector<16xf32> to vector<1x16xf32>
            tpu.vector_store %arg8[%swap3A_2765, %swap3A_2766], %swap3A_2769 {add = true, strides = array<i32>} : memref<136x256xf32, #tpu.memory_space<vmem>>, vector<1x16xf32>,
            %get3A_2770 = arith.index_cast %squeeze3A_2731 : i32 to index
            %get3A_2771 = arith.constant 64 : index
            %get3A_2772 = tpu.vector_load %arg7[%get3A_2770, %get3A_2771] {strides = array<i32>} : memref<128x256xf32, #tpu.memory_space<vmem>>, vector<1x16xf32>,
            %get3A_2773 = vector.shape_cast %get3A_2772 : vector<1x16xf32> to vector<16xf32>
            %swap3A_2774 = arith.index_cast %squeeze3A_2733 : i32 to index
            %swap3A_2775 = arith.constant 64 : index
            %swap3A_2776 = tpu.vector_load %arg8[%swap3A_2774, %swap3A_2775] {strides = array<i32>} : memref<136x256xf32, #tpu.memory_space<vmem>>, vector<1x16xf32>,
            %swap3A_2777 = vector.shape_cast %swap3A_2776 : vector<1x16xf32> to vector<16xf32>
            %swap3A_2778 = vector.shape_cast %get3A_2773 : vector<16xf32> to vector<1x16xf32>
            tpu.vector_store %arg8[%swap3A_2774, %swap3A_2775], %swap3A_2778 {add = true, strides = array<i32>} : memref<136x256xf32, #tpu.memory_space<vmem>>, vector<1x16xf32>,
            %get3A_2779 = arith.index_cast %squeeze3A_2731 : i32 to index
            %get3A_2780 = arith.constant 80 : index
            %get3A_2781 = tpu.vector_load %arg7[%get3A_2779, %get3A_2780] {strides = array<i32>} : memref<128x256xf32, #tpu.memory_space<vmem>>, vector<1x16xf32>,
            %get3A_2782 = vector.shape_cast %get3A_2781 : vector<1x16xf32> to vector<16xf32>
            %swap3A_2783 = arith.index_cast %squeeze3A_2733 : i32 to index
            %swap3A_2784 = arith.constant 80 : index
            %swap3A_2785 = tpu.vector_load %arg8[%swap3A_2783, %swap3A_2784] {strides = array<i32>} : memref<136x256xf32, #tpu.memory_space<vmem>>, vector<1x16xf32>,
            %swap3A_2786 = vector.shape_cast %swap3A_2785 : vector<1x16xf32> to vector<16xf32>
            %swap3A_2787 = vector.shape_cast %get3A_2782 : vector<16xf32> to vector<1x16xf32>
            tpu.vector_store %arg8[%swap3A_2783, %swap3A_2784], %swap3A_2787 {add = true, strides = array<i32>} : memref<136x256xf32, #tpu.memory_space<vmem>>, vector<1x16xf32>,
            %get3A_2788 = arith.index_cast %squeeze3A_2731 : i32 to index
            %get3A_2789 = arith.constant 96 : index
            %get3A_2790 = tpu.vector_load %arg7[%get3A_2788, %get3A_2789] {strides = array<i32>} : memref<128x256xf32, #tpu.memory_space<vmem>>, vector<1x16xf32>,
            %get3A_2791 = vector.shape_cast %get3A_2790 : vector<1x16xf32> to vector<16xf32>
            %swap3A_2792 = arith.index_cast %squeeze3A_2733 : i32 to index
            %swap3A_2793 = arith.constant 96 : index
            %swap3A_2794 = tpu.vector_load %arg8[%swap3A_2792, %swap3A_2793] {strides = array<i32>} : memref<136x256xf32, #tpu.memory_space<vmem>>, vector<1x16xf32>,
            %swap3A_2795 = vector.shape_cast %swap3A_2794 : vector<1x16xf32> to vector<16xf32>
            %swap3A_2796 = vector.shape_cast %get3A_2791 : vector<16xf32> to vector<1x16xf32>
            tpu.vector_store %arg8[%swap3A_2792, %swap3A_2793], %swap3A_2796 {add = true, strides = array<i32>} : memref<136x256xf32, #tpu.memory_space<vmem>>, vector<1x16xf32>,
            %get3A_2797 = arith.index_cast %squeeze3A_2731 : i32 to index
            %get3A_2798 = arith.constant 112 : index
            %get3A_2799 = tpu.vector_load %arg7[%get3A_2797, %get3A_2798] {strides = array<i32>} : memref<128x256xf32, #tpu.memory_space<vmem>>, vector<1x16xf32>,
            %get3A_2800 = vector.shape_cast %get3A_2799 : vector<1x16xf32> to vector<16xf32>
            %swap3A_2801 = arith.index_cast %squeeze3A_2733 : i32 to index
            %swap3A_2802 = arith.constant 112 : index
            %swap3A_2803 = tpu.vector_load %arg8[%swap3A_2801, %swap3A_2802] {strides = array<i32>} : memref<136x256xf32, #tpu.memory_space<vmem>>, vector<1x16xf32>,
            %swap3A_2804 = vector.shape_cast %swap3A_2803 : vector<1x16xf32> to vector<16xf32>
            %swap3A_2805 = vector.shape_cast %get3A_2800 : vector<16xf32> to vector<1x16xf32>
            tpu.vector_store %arg8[%swap3A_2801, %swap3A_2802], %swap3A_2805 {add = true, strides = array<i32>} : memref<136x256xf32, #tpu.memory_space<vmem>>, vector<1x16xf32>,
            %get3A_2806 = arith.index_cast %squeeze3A_2731 : i32 to index
            %get3A_2807 = arith.constant 128 : index
            %get3A_2808 = tpu.vector_load %arg7[%get3A_2806, %get3A_2807] {strides = array<i32>} : memref<128x256xf32, #tpu.memory_space<vmem>>, vector<1x16xf32>,
            %get3A_2809 = vector.shape_cast %get3A_2808 : vector<1x16xf32> to vector<16xf32>
            %swap3A_2810 = arith.index_cast %squeeze3A_2733 : i32 to index
            %swap3A_2811 = arith.constant 128 : index
            %swap3A_2812 = tpu.vector_load %arg8[%swap3A_2810, %swap3A_2811] {strides = array<i32>} : memref<136x256xf32, #tpu.memory_space<vmem>>, vector<1x16xf32>,
            %swap3A_2813 = vector.shape_cast %swap3A_2812 : vector<1x16xf32> to vector<16xf32>
            %swap3A_2814 = vector.shape_cast %get3A_2809 : vector<16xf32> to vector<1x16xf32>
            tpu.vector_store %arg8[%swap3A_2810, %swap3A_2811], %swap3A_2814 {add = true, strides = array<i32>} : memref<136x256xf32, #tpu.memory_space<vmem>>, vector<1x16xf32>,
            %get3A_2815 = arith.index_cast %squeeze3A_2731 : i32 to index
            %get3A_2816 = arith.constant 144 : index
            %get3A_2817 = tpu.vector_load %arg7[%get3A_2815, %get3A_2816] {strides = array<i32>} : memref<128x256xf32, #tpu.memory_space<vmem>>, vector<1x16xf32>,
            %get3A_2818 = vector.shape_cast %get3A_2817 : vector<1x16xf32> to vector<16xf32>
            %swap3A_2819 = arith.index_cast %squeeze3A_2733 : i32 to index
            %swap3A_2820 = arith.constant 144 : index
            %swap3A_2821 = tpu.vector_load %arg8[%swap3A_2819, %swap3A_2820] {strides = array<i32>} : memref<136x256xf32, #tpu.memory_space<vmem>>, vector<1x16xf32>,
            %swap3A_2822 = vector.shape_cast %swap3A_2821 : vector<1x16xf32> to vector<16xf32>
            %swap3A_2823 = vector.shape_cast %get3A_2818 : vector<16xf32> to vector<1x16xf32>
            tpu.vector_store %arg8[%swap3A_2819, %swap3A_2820], %swap3A_2823 {add = true, strides = array<i32>} : memref<136x256xf32, #tpu.memory_space<vmem>>, vector<1x16xf32>,
            %get3A_2824 = arith.index_cast %squeeze3A_2731 : i32 to index
            %get3A_2825 = arith.constant 160 : index
            %get3A_2826 = tpu.vector_load %arg7[%get3A_2824, %get3A_2825] {strides = array<i32>} : memref<128x256xf32, #tpu.memory_space<vmem>>, vector<1x16xf32>,
            %get3A_2827 = vector.shape_cast %get3A_2826 : vector<1x16xf32> to vector<16xf32>
            %swap3A_2828 = arith.index_cast %squeeze3A_2733 : i32 to index
            %swap3A_2829 = arith.constant 160 : index
            %swap3A_2830 = tpu.vector_load %arg8[%swap3A_2828, %swap3A_2829] {strides = array<i32>} : memref<136x256xf32, #tpu.memory_space<vmem>>, vector<1x16xf32>,
            %swap3A_2831 = vector.shape_cast %swap3A_2830 : vector<1x16xf32> to vector<16xf32>
            %swap3A_2832 = vector.shape_cast %get3A_2827 : vector<16xf32> to vector<1x16xf32>
            tpu.vector_store %arg8[%swap3A_2828, %swap3A_2829], %swap3A_2832 {add = true, strides = array<i32>} : memref<136x256xf32, #tpu.memory_space<vmem>>, vector<1x16xf32>,
            %get3A_2833 = arith.index_cast %squeeze3A_2731 : i32 to index
            %get3A_2834 = arith.constant 176 : index
            %get3A_2835 = tpu.vector_load %arg7[%get3A_2833, %get3A_2834] {strides = array<i32>} : memref<128x256xf32, #tpu.memory_space<vmem>>, vector<1x16xf32>,
            %get3A_2836 = vector.shape_cast %get3A_2835 : vector<1x16xf32> to vector<16xf32>
            %swap3A_2837 = arith.index_cast %squeeze3A_2733 : i32 to index
            %swap3A_2838 = arith.constant 176 : index
            %swap3A_2839 = tpu.vector_load %arg8[%swap3A_2837, %swap3A_2838] {strides = array<i32>} : memref<136x256xf32, #tpu.memory_space<vmem>>, vector<1x16xf32>,
            %swap3A_2840 = vector.shape_cast %swap3A_2839 : vector<1x16xf32> to vector<16xf32>
            %swap3A_2841 = vector.shape_cast %get3A_2836 : vector<16xf32> to vector<1x16xf32>
            tpu.vector_store %arg8[%swap3A_2837, %swap3A_2838], %swap3A_2841 {add = true, strides = array<i32>} : memref<136x256xf32, #tpu.memory_space<vmem>>, vector<1x16xf32>,
            %get3A_2842 = arith.index_cast %squeeze3A_2731 : i32 to index
            %get3A_2843 = arith.constant 192 : index
            %get3A_2844 = tpu.vector_load %arg7[%get3A_2842, %get3A_2843] {strides = array<i32>} : memref<128x256xf32, #tpu.memory_space<vmem>>, vector<1x16xf32>,
            %get3A_2845 = vector.shape_cast %get3A_2844 : vector<1x16xf32> to vector<16xf32>
            %swap3A_2846 = arith.index_cast %squeeze3A_2733 : i32 to index
            %swap3A_2847 = arith.constant 192 : index
            %swap3A_2848 = tpu.vector_load %arg8[%swap3A_2846, %swap3A_2847] {strides = array<i32>} : memref<136x256xf32, #tpu.memory_space<vmem>>, vector<1x16xf32>,
            %swap3A_2849 = vector.shape_cast %swap3A_2848 : vector<1x16xf32> to vector<16xf32>
            %swap3A_2850 = vector.shape_cast %get3A_2845 : vector<16xf32> to vector<1x16xf32>
            tpu.vector_store %arg8[%swap3A_2846, %swap3A_2847], %swap3A_2850 {add = true, strides = array<i32>} : memref<136x256xf32, #tpu.memory_space<vmem>>, vector<1x16xf32>,
            %get3A_2851 = arith.index_cast %squeeze3A_2731 : i32 to index
            %get3A_2852 = arith.constant 208 : index
            %get3A_2853 = tpu.vector_load %arg7[%get3A_2851, %get3A_2852] {strides = array<i32>} : memref<128x256xf32, #tpu.memory_space<vmem>>, vector<1x16xf32>,
            %get3A_2854 = vector.shape_cast %get3A_2853 : vector<1x16xf32> to vector<16xf32>
            %swap3A_2855 = arith.index_cast %squeeze3A_2733 : i32 to index
            %swap3A_2856 = arith.constant 208 : index
            %swap3A_2857 = tpu.vector_load %arg8[%swap3A_2855, %swap3A_2856] {strides = array<i32>} : memref<136x256xf32, #tpu.memory_space<vmem>>, vector<1x16xf32>,
            %swap3A_2858 = vector.shape_cast %swap3A_2857 : vector<1x16xf32> to vector<16xf32>
            %swap3A_2859 = vector.shape_cast %get3A_2854 : vector<16xf32> to vector<1x16xf32>
            tpu.vector_store %arg8[%swap3A_2855, %swap3A_2856], %swap3A_2859 {add = true, strides = array<i32>} : memref<136x256xf32, #tpu.memory_space<vmem>>, vector<1x16xf32>,
            %get3A_2860 = arith.index_cast %squeeze3A_2731 : i32 to index
            %get3A_2861 = arith.constant 224 : index
            %get3A_2862 = tpu.vector_load %arg7[%get3A_2860, %get3A_2861] {strides = array<i32>} : memref<128x256xf32, #tpu.memory_space<vmem>>, vector<1x16xf32>,
            %get3A_2863 = vector.shape_cast %get3A_2862 : vector<1x16xf32> to vector<16xf32>
            %swap3A_2864 = arith.index_cast %squeeze3A_2733 : i32 to index
            %swap3A_2865 = arith.constant 224 : index
            %swap3A_2866 = tpu.vector_load %arg8[%swap3A_2864, %swap3A_2865] {strides = array<i32>} : memref<136x256xf32, #tpu.memory_space<vmem>>, vector<1x16xf32>,
            %swap3A_2867 = vector.shape_cast %swap3A_2866 : vector<1x16xf32> to vector<16xf32>
            %swap3A_2868 = vector.shape_cast %get3A_2863 : vector<16xf32> to vector<1x16xf32>
            tpu.vector_store %arg8[%swap3A_2864, %swap3A_2865], %swap3A_2868 {add = true, strides = array<i32>} : memref<136x256xf32, #tpu.memory_space<vmem>>, vector<1x16xf32>,
            %get3A_2869 = arith.index_cast %squeeze3A_2731 : i32 to index
            %get3A_2870 = arith.constant 240 : index
            %get3A_2871 = tpu.vector_load %arg7[%get3A_2869, %get3A_2870] {strides = array<i32>} : memref<128x256xf32, #tpu.memory_space<vmem>>, vector<1x16xf32>,
            %get3A_2872 = vector.shape_cast %get3A_2871 : vector<1x16xf32> to vector<16xf32>
            %swap3A_2873 = arith.index_cast %squeeze3A_2733 : i32 to index
            %swap3A_2874 = arith.constant 240 : index
            %swap3A_2875 = tpu.vector_load %arg8[%swap3A_2873, %swap3A_2874] {strides = array<i32>} : memref<136x256xf32, #tpu.memory_space<vmem>>, vector<1x16xf32>,
            %swap3A_2876 = vector.shape_cast %swap3A_2875 : vector<1x16xf32> to vector<16xf32>
            %swap3A_2877 = vector.shape_cast %get3A_2872 : vector<16xf32> to vector<1x16xf32>
            tpu.vector_store %arg8[%swap3A_2873, %swap3A_2874], %swap3A_2877 {add = true, strides = array<i32>} : memref<136x256xf32, #tpu.memory_space<vmem>>, vector<1x16xf32>,
          }
          %scan3A_484 = arith.constant 4 : i32
        } else {
        }
        %convert_element_type3A_475 = arith.extui %gt3A_458 : i1 to i32
        %cond3A_476 = arith.constant 0 : i32
        %cond3A_477 = arith.cmpi ne, %convert_element_type3A_475, %cond3A_476 : i32
        %cond3A_478:2 = scf.if %cond3A_477 -> (i32, i32) {
          %broadcast_in_dim3A = arith.constant 512 : i32
          %broadcast_in_dim3A_479 = vector.broadcast %broadcast_in_dim3A : i32 to vector<16xi32>
          %broadcast_in_dim3A_480 = arith.constant 0 : i32
          %broadcast_in_dim3A_481 = vector.broadcast %broadcast_in_dim3A_480 : i32 to vector<16xi32>
          %add3A_482 = arith.constant 0 : i32
          %add3A_483 = arith.addi %mul3A_318, %add3A_482 : i32
          %get3A_484 = arith.index_cast %add3A_483 : i32 to index
          %get3A_485 = tpu.vector_load %arg6[%get3A_484] {strides = array<i32>} : memref<1024xi32, #tpu.memory_space<vmem>>, vector<16xi32>,
          %get3A_486 = vector.shape_cast %get3A_485 : vector<16xi32> to vector<16xi32>
          %add3A_487 = arith.constant 64 : i32
          %add3A_488 = arith.addi %multiple_of3A_465, %add3A_487 : i32
          %lt3A_489 = vector.broadcast %add3A_488 : i32 to vector<16xi32>
          %lt3A_490 = arith.cmpi slt, %get3A_486, %lt3A_489 : vector<16xi32>
          %ge3A_491 = arith.constant 512 : i32
          %ge3A_492 = vector.broadcast %ge3A_491 : i32 to vector<16xi32>
          %ge3A_493 = arith.cmpi sge, %get3A_486, %ge3A_492 : vector<16xi32>
          %or3A = arith.ori %lt3A_490, %ge3A_493 : vector<16xi1>
          %jit3A_494 = arith.constant 1 : i32
          %jit3A_495 = arith.constant 0 : i32
          %broadcast_in_dim3A_496 = vector.broadcast %jit3A_494 : i32 to vector<16xi32>
          %broadcast_in_dim3A_497 = vector.broadcast %jit3A_495 : i32 to vector<16xi32>
          %select_n3A_498 = arith.select %or3A, %broadcast_in_dim3A_496, %broadcast_in_dim3A_497 : vector<16xi1>, vector<16xi32>
          %gt3A_499 = arith.constant 0 : i32
          %gt3A_500 = vector.broadcast %gt3A_499 : i32 to vector<16xi32>
          %gt3A_501 = arith.cmpi sgt, %select_n3A_498, %gt3A_500 : vector<16xi32>
          %jit3A_502 = arith.constant 512 : i32
          %broadcast_in_dim3A_503 = vector.broadcast %jit3A_502 : i32 to vector<16xi32>
          %select_n3A_504 = arith.select %gt3A_501, %broadcast_in_dim3A_503, %get3A_486 : vector<16xi1>, vector<16xi32>
          %min3A_505 = arith.minsi %broadcast_in_dim3A_479, %select_n3A_504 : vector<16xi32>
          %sub3A = arith.constant 1 : i32
          %sub3A_506 = vector.broadcast %sub3A : i32 to vector<16xi32>
          %sub3A_507 = arith.subi %sub3A_506, %select_n3A_498 : vector<16xi32>
          %max3A = arith.maxsi %broadcast_in_dim3A_481, %sub3A_507 : vector<16xi32>
          %add3A_508 = arith.constant 16 : i32
          %add3A_509 = arith.addi %mul3A_318, %add3A_508 : i32
          %get3A_510 = arith.index_cast %add3A_509 : i32 to index
          %get3A_511 = tpu.vector_load %arg6[%get3A_510] {strides = array<i32>} : memref<1024xi32, #tpu.memory_space<vmem>>, vector<16xi32>,
          %get3A_512 = vector.shape_cast %get3A_511 : vector<16xi32> to vector<16xi32>
          %add3A_513 = arith.constant 64 : i32
          %add3A_514 = arith.addi %multiple_of3A_465, %add3A_513 : i32
          %lt3A_515 = vector.broadcast %add3A_514 : i32 to vector<16xi32>
          %lt3A_516 = arith.cmpi slt, %get3A_512, %lt3A_515 : vector<16xi32>
          %ge3A_517 = arith.constant 512 : i32
          %ge3A_518 = vector.broadcast %ge3A_517 : i32 to vector<16xi32>
          %ge3A_519 = arith.cmpi sge, %get3A_512, %ge3A_518 : vector<16xi32>
          %or3A_520 = arith.ori %lt3A_516, %ge3A_519 : vector<16xi1>
          %jit3A_521 = arith.constant 1 : i32
          %jit3A_522 = arith.constant 0 : i32
          %broadcast_in_dim3A_523 = vector.broadcast %jit3A_521 : i32 to vector<16xi32>
          %broadcast_in_dim3A_524 = vector.broadcast %jit3A_522 : i32 to vector<16xi32>
          %select_n3A_525 = arith.select %or3A_520, %broadcast_in_dim3A_523, %broadcast_in_dim3A_524 : vector<16xi1>, vector<16xi32>
          %gt3A_526 = arith.constant 0 : i32
          %gt3A_527 = vector.broadcast %gt3A_526 : i32 to vector<16xi32>
          %gt3A_528 = arith.cmpi sgt, %select_n3A_525, %gt3A_527 : vector<16xi32>
          %jit3A_529 = arith.constant 512 : i32
          %broadcast_in_dim3A_530 = vector.broadcast %jit3A_529 : i32 to vector<16xi32>
          %select_n3A_531 = arith.select %gt3A_528, %broadcast_in_dim3A_530, %get3A_512 : vector<16xi1>, vector<16xi32>
          %min3A_532 = arith.minsi %min3A_505, %select_n3A_531 : vector<16xi32>
          %sub3A_533 = arith.constant 1 : i32
          %sub3A_534 = vector.broadcast %sub3A_533 : i32 to vector<16xi32>
          %sub3A_535 = arith.subi %sub3A_534, %select_n3A_525 : vector<16xi32>
          %max3A_536 = arith.maxsi %max3A, %sub3A_535 : vector<16xi32>
          %add3A_537 = arith.constant 32 : i32
          %add3A_538 = arith.addi %mul3A_318, %add3A_537 : i32
          %get3A_539 = arith.index_cast %add3A_538 : i32 to index
          %get3A_540 = tpu.vector_load %arg6[%get3A_539] {strides = array<i32>} : memref<1024xi32, #tpu.memory_space<vmem>>, vector<16xi32>,
          %get3A_541 = vector.shape_cast %get3A_540 : vector<16xi32> to vector<16xi32>
          %add3A_542 = arith.constant 64 : i32
          %add3A_543 = arith.addi %multiple_of3A_465, %add3A_542 : i32
          %lt3A_544 = vector.broadcast %add3A_543 : i32 to vector<16xi32>
          %lt3A_545 = arith.cmpi slt, %get3A_541, %lt3A_544 : vector<16xi32>
          %ge3A_546 = arith.constant 512 : i32
          %ge3A_547 = vector.broadcast %ge3A_546 : i32 to vector<16xi32>
          %ge3A_548 = arith.cmpi sge, %get3A_541, %ge3A_547 : vector<16xi32>
          %or3A_549 = arith.ori %lt3A_545, %ge3A_548 : vector<16xi1>
          %jit3A_550 = arith.constant 1 : i32
          %jit3A_551 = arith.constant 0 : i32
          %broadcast_in_dim3A_552 = vector.broadcast %jit3A_550 : i32 to vector<16xi32>
          %broadcast_in_dim3A_553 = vector.broadcast %jit3A_551 : i32 to vector<16xi32>
          %select_n3A_554 = arith.select %or3A_549, %broadcast_in_dim3A_552, %broadcast_in_dim3A_553 : vector<16xi1>, vector<16xi32>
          %gt3A_555 = arith.constant 0 : i32
          %gt3A_556 = vector.broadcast %gt3A_555 : i32 to vector<16xi32>
          %gt3A_557 = arith.cmpi sgt, %select_n3A_554, %gt3A_556 : vector<16xi32>
          %jit3A_558 = arith.constant 512 : i32
          %broadcast_in_dim3A_559 = vector.broadcast %jit3A_558 : i32 to vector<16xi32>
          %select_n3A_560 = arith.select %gt3A_557, %broadcast_in_dim3A_559, %get3A_541 : vector<16xi1>, vector<16xi32>
          %min3A_561 = arith.minsi %min3A_532, %select_n3A_560 : vector<16xi32>
          %sub3A_562 = arith.constant 1 : i32
          %sub3A_563 = vector.broadcast %sub3A_562 : i32 to vector<16xi32>
          %sub3A_564 = arith.subi %sub3A_563, %select_n3A_554 : vector<16xi32>
          %max3A_565 = arith.maxsi %max3A_536, %sub3A_564 : vector<16xi32>
          %add3A_566 = arith.constant 48 : i32
          %add3A_567 = arith.addi %mul3A_318, %add3A_566 : i32
          %get3A_568 = arith.index_cast %add3A_567 : i32 to index
          %get3A_569 = tpu.vector_load %arg6[%get3A_568] {strides = array<i32>} : memref<1024xi32, #tpu.memory_space<vmem>>, vector<16xi32>,
          %get3A_570 = vector.shape_cast %get3A_569 : vector<16xi32> to vector<16xi32>
          %add3A_571 = arith.constant 64 : i32
          %add3A_572 = arith.addi %multiple_of3A_465, %add3A_571 : i32
          %lt3A_573 = vector.broadcast %add3A_572 : i32 to vector<16xi32>
          %lt3A_574 = arith.cmpi slt, %get3A_570, %lt3A_573 : vector<16xi32>
          %ge3A_575 = arith.constant 512 : i32
          %ge3A_576 = vector.broadcast %ge3A_575 : i32 to vector<16xi32>
          %ge3A_577 = arith.cmpi sge, %get3A_570, %ge3A_576 : vector<16xi32>
          %or3A_578 = arith.ori %lt3A_574, %ge3A_577 : vector<16xi1>
          %jit3A_579 = arith.constant 1 : i32
          %jit3A_580 = arith.constant 0 : i32
          %broadcast_in_dim3A_581 = vector.broadcast %jit3A_579 : i32 to vector<16xi32>
          %broadcast_in_dim3A_582 = vector.broadcast %jit3A_580 : i32 to vector<16xi32>
          %select_n3A_583 = arith.select %or3A_578, %broadcast_in_dim3A_581, %broadcast_in_dim3A_582 : vector<16xi1>, vector<16xi32>
          %gt3A_584 = arith.constant 0 : i32
          %gt3A_585 = vector.broadcast %gt3A_584 : i32 to vector<16xi32>
          %gt3A_586 = arith.cmpi sgt, %select_n3A_583, %gt3A_585 : vector<16xi32>
          %jit3A_587 = arith.constant 512 : i32
          %broadcast_in_dim3A_588 = vector.broadcast %jit3A_587 : i32 to vector<16xi32>
          %select_n3A_589 = arith.select %gt3A_586, %broadcast_in_dim3A_588, %get3A_570 : vector<16xi1>, vector<16xi32>
          %min3A_590 = arith.minsi %min3A_561, %select_n3A_589 : vector<16xi32>
          %sub3A_591 = arith.constant 1 : i32
          %sub3A_592 = vector.broadcast %sub3A_591 : i32 to vector<16xi32>
          %sub3A_593 = arith.subi %sub3A_592, %select_n3A_583 : vector<16xi32>
          %max3A_594 = arith.maxsi %max3A_565, %sub3A_593 : vector<16xi32>
          %rev3A_595 = arith.constant 15 : i32
          %rev3A_596 = vector.broadcast %rev3A_595 : i32 to vector<16xi32>
          %rev3A_597 = tpu.iota {dimensions = array<i32: 0>} : vector<16xi32>
          %rev3A_598 = arith.subi %rev3A_596, %rev3A_597 : vector<16xi32>
          %rev3A_599 = tpu.dynamic_gather %min3A_590[%rev3A_598] in [0] : vector<16xi32>, vector<16xi32> -> vector<16xi32>
          %min3A_600 = arith.minsi %min3A_590, %rev3A_599 : vector<16xi32>
          %rev3A_601 = arith.constant 15 : i32
          %rev3A_602 = vector.broadcast %rev3A_601 : i32 to vector<16xi32>
          %rev3A_603 = tpu.iota {dimensions = array<i32: 0>} : vector<16xi32>
          %rev3A_604 = arith.subi %rev3A_602, %rev3A_603 : vector<16xi32>
          %rev3A_605 = tpu.dynamic_gather %min3A_600[%rev3A_604] in [0] : vector<16xi32>, vector<16xi32> -> vector<16xi32>
          %min3A_606 = arith.minsi %min3A_600, %rev3A_605 : vector<16xi32>
          %rev3A_607 = arith.constant 15 : i32
          %rev3A_608 = vector.broadcast %rev3A_607 : i32 to vector<16xi32>
          %rev3A_609 = tpu.iota {dimensions = array<i32: 0>} : vector<16xi32>
          %rev3A_610 = arith.subi %rev3A_608, %rev3A_609 : vector<16xi32>
          %rev3A_611 = tpu.dynamic_gather %min3A_606[%rev3A_610] in [0] : vector<16xi32>, vector<16xi32> -> vector<16xi32>
          %min3A_612 = arith.minsi %min3A_606, %rev3A_611 : vector<16xi32>
          %rev3A_613 = arith.constant 15 : i32
          %rev3A_614 = vector.broadcast %rev3A_613 : i32 to vector<16xi32>
          %rev3A_615 = tpu.iota {dimensions = array<i32: 0>} : vector<16xi32>
          %rev3A_616 = arith.subi %rev3A_614, %rev3A_615 : vector<16xi32>
          %rev3A_617 = tpu.dynamic_gather %min3A_612[%rev3A_616] in [0] : vector<16xi32>, vector<16xi32> -> vector<16xi32>
          %min3A_618 = arith.minsi %min3A_612, %rev3A_617 : vector<16xi32>
          %slice3A_619 = vector.extract_strided_slice %min3A_618 {offsets = [0], sizes = [1], strides = [1]} : vector<16xi32> to vector<1xi32>
          %squeeze3A_620 = vector.extract %slice3A_619[0] : i32 from vector<1xi32>
          %rev3A_621 = arith.constant 15 : i32
          %rev3A_622 = vector.broadcast %rev3A_621 : i32 to vector<16xi32>
          %rev3A_623 = tpu.iota {dimensions = array<i32: 0>} : vector<16xi32>
          %rev3A_624 = arith.subi %rev3A_622, %rev3A_623 : vector<16xi32>
          %rev3A_625 = tpu.dynamic_gather %max3A_594[%rev3A_624] in [0] : vector<16xi32>, vector<16xi32> -> vector<16xi32>
          %max3A_626 = arith.maxsi %max3A_594, %rev3A_625 : vector<16xi32>
          %rev3A_627 = arith.constant 15 : i32
          %rev3A_628 = vector.broadcast %rev3A_627 : i32 to vector<16xi32>
          %rev3A_629 = tpu.iota {dimensions = array<i32: 0>} : vector<16xi32>
          %rev3A_630 = arith.subi %rev3A_628, %rev3A_629 : vector<16xi32>
          %rev3A_631 = tpu.dynamic_gather %max3A_626[%rev3A_630] in [0] : vector<16xi32>, vector<16xi32> -> vector<16xi32>
          %max3A_632 = arith.maxsi %max3A_626, %rev3A_631 : vector<16xi32>
          %rev3A_633 = arith.constant 15 : i32
          %rev3A_634 = vector.broadcast %rev3A_633 : i32 to vector<16xi32>
          %rev3A_635 = tpu.iota {dimensions = array<i32: 0>} : vector<16xi32>
          %rev3A_636 = arith.subi %rev3A_634, %rev3A_635 : vector<16xi32>
          %rev3A_637 = tpu.dynamic_gather %max3A_632[%rev3A_636] in [0] : vector<16xi32>, vector<16xi32> -> vector<16xi32>
          %max3A_638 = arith.maxsi %max3A_632, %rev3A_637 : vector<16xi32>
          %rev3A_639 = arith.constant 15 : i32
          %rev3A_640 = vector.broadcast %rev3A_639 : i32 to vector<16xi32>
          %rev3A_641 = tpu.iota {dimensions = array<i32: 0>} : vector<16xi32>
          %rev3A_642 = arith.subi %rev3A_640, %rev3A_641 : vector<16xi32>
          %rev3A_643 = tpu.dynamic_gather %max3A_638[%rev3A_642] in [0] : vector<16xi32>, vector<16xi32> -> vector<16xi32>
          %max3A_644 = arith.maxsi %max3A_638, %rev3A_643 : vector<16xi32>
          %slice3A_645 = vector.extract_strided_slice %max3A_644 {offsets = [0], sizes = [1], strides = [1]} : vector<16xi32> to vector<1xi32>
          %squeeze3A_646 = vector.extract %slice3A_645[0] : i32 from vector<1xi32>
          scf.yield %squeeze3A_620, %squeeze3A_646 : i32, i32
        } else {
          %cond3A_479 = arith.constant 0 : i32
          scf.yield %scan3A_456, %cond3A_479 : i32, i32
        }
        scf.yield %cond3A_478#0, %cond3A_478#1 : i32, i32
      }
      %scan3A_443 = arith.constant 12 : i32
      %mul3A_444 = arith.constant 2048 : i32
      %mul3A_445 = arith.muli %scan3A_315, %mul3A_444 : i32
      %add3A_446 = arith.addi %mul3A_445, %mul3A_2 : i32
      %dma_start3A_447 = arith.constant 0 : i32
      %dma_start3A_448 = tpu.memref_slice %arg8[%multiple_of3A_337, %dma_start3A_447] : memref<136x256xf32, #tpu.memory_space<vmem>> -> memref<64x256xf32, #tpu.memory_space<vmem>>
      %dma_start3A_449 = arith.constant 0 : i32
      %dma_start3A_450 = tpu.memref_slice %arg5[%add3A_446, %dma_start3A_449] : memref<32768x256xf32, #tpu.memory_space<hbm>> -> memref<64x256xf32, #tpu.memory_space<hbm>>
      %dma_start3A_451 = arith.constant 0 : i32
      %dma_start3A_452 = tpu.memref_slice %arg5[%add3A_446, %dma_start3A_451] : memref<32768x256xf32, #tpu.memory_space<hbm>> -> memref<64x256xf32, #tpu.memory_space<hbm>>
      %dma_start3A_453 = arith.constant 0 : i32
      %dma_start3A_454 = tpu.memref_slice %arg8[%multiple_of3A_337, %dma_start3A_453] : memref<136x256xf32, #tpu.memory_space<vmem>> -> memref<64x256xf32, #tpu.memory_space<vmem>>
      tpu.enqueue_dma source(%dma_start3A_454 : memref<64x256xf32, #tpu.memory_space<vmem>>) target(%dma_start3A_452 : memref<64x256xf32, #tpu.memory_space<hbm>>) target_semaphore(%arg10 : memref<!tpu.dma_semaphore, #tpu.memory_space<semaphore_mem>>)
      scf.yield %min3A_429 : i32
    }
    %scan3A_294 = arith.constant 16 : i32
    %dma_wait3A_295 = arith.constant 0 : i32
    %dma_wait3A_296 = arith.constant 0 : i32
    %dma_wait3A_297 = tpu.memref_slice %arg8[%dma_wait3A_295, %dma_wait3A_296] : memref<136x256xf32, #tpu.memory_space<vmem>> -> memref<64x256xf32, #tpu.memory_space<vmem>>
    %dma_wait3A_298 = arith.constant 0 : i32
    %dma_wait3A_299 = tpu.memref_slice %arg5[%mul3A_2, %dma_wait3A_298] : memref<32768x256xf32, #tpu.memory_space<hbm>> -> memref<64x256xf32, #tpu.memory_space<hbm>>
    %dma_wait3A_300 = arith.constant 0 : i32
    %dma_wait3A_301 = tpu.memref_slice %arg5[%mul3A_2, %dma_wait3A_300] : memref<32768x256xf32, #tpu.memory_space<hbm>> -> memref<64x256xf32, #tpu.memory_space<hbm>>
    %dma_wait3A_302 = arith.constant 0 : i32
    %dma_wait3A_303 = arith.constant 0 : i32
    %dma_wait3A_304 = tpu.memref_slice %arg8[%dma_wait3A_302, %dma_wait3A_303] : memref<136x256xf32, #tpu.memory_space<vmem>> -> memref<64x256xf32, #tpu.memory_space<vmem>>
    tpu.wait_dma2 semaphore(%arg10 : memref<!tpu.dma_semaphore, #tpu.memory_space<semaphore_mem>>) src(%dma_wait3A_304 : memref<64x256xf32, #tpu.memory_space<vmem>>) dst(%dma_wait3A_301 : memref<64x256xf32, #tpu.memory_space<hbm>>)
    %dma_wait3A_305 = arith.constant 0 : i32
    %dma_wait3A_306 = arith.constant 0 : i32
    %dma_wait3A_307 = tpu.memref_slice %arg8[%dma_wait3A_305, %dma_wait3A_306] : memref<136x256xf32, #tpu.memory_space<vmem>> -> memref<64x256xf32, #tpu.memory_space<vmem>>
    %dma_wait3A_308 = arith.constant 0 : i32
    %dma_wait3A_309 = tpu.memref_slice %arg5[%mul3A_2, %dma_wait3A_308] : memref<32768x256xf32, #tpu.memory_space<hbm>> -> memref<64x256xf32, #tpu.memory_space<hbm>>
    %dma_wait3A_310 = arith.constant 0 : i32
    %dma_wait3A_311 = tpu.memref_slice %arg5[%mul3A_2, %dma_wait3A_310] : memref<32768x256xf32, #tpu.memory_space<hbm>> -> memref<64x256xf32, #tpu.memory_space<hbm>>
    %dma_wait3A_312 = arith.constant 0 : i32
    %dma_wait3A_313 = arith.constant 0 : i32
    %dma_wait3A_314 = tpu.memref_slice %arg8[%dma_wait3A_312, %dma_wait3A_313] : memref<136x256xf32, #tpu.memory_space<vmem>> -> memref<64x256xf32, #tpu.memory_space<vmem>>
    tpu.wait_dma2 semaphore(%arg10 : memref<!tpu.dma_semaphore, #tpu.memory_space<semaphore_mem>>) src(%dma_wait3A_314 : memref<64x256xf32, #tpu.memory_space<vmem>>) dst(%dma_wait3A_311 : memref<64x256xf32, #tpu.memory_space<hbm>>)
    return
  }
}

module attributes {stable_mosaic.version = 14 : i64} {
  func.func @_idx_body(%arg0: i32, %arg1: memref<1x1x512xi32, #tpu.memory_space<vmem>>, %arg2: memref<1x2048x1xi32, #tpu.memory_space<vmem>>, %arg3: memref<1x1x1xi32, #tpu.memory_space<vmem>>) attributes {dimension_semantics = [#tpu.dimension_semantics<arbitrary>], iteration_bounds = array<i64: 16>, scalar_prefetch = 0 : i64, scratch_operands = 0 : i64, tpu.core_type = #tpu.core_type<tc>, window_params = [{transform_indices = @transform_0, window_bounds = array<i64: 1, 1, 512>}, {transform_indices = @transform_1, window_bounds = array<i64: 1, 2048, 1>}, {transform_indices = @transform_2, window_bounds = array<i64: 1, 1, 1>}]} {
    %get3A = arith.constant 0 : index
    %get3A_0 = arith.constant 0 : index
    %get3A_1 = arith.constant 0 : index
    %get3A_2 = vector.load %arg1[%get3A, %get3A_0, %get3A_1] : memref<1x1x512xi32, #tpu.memory_space<vmem>>, vector<1x1x512xi32>
    %get3A_3 = vector.shape_cast %get3A_2 : vector<1x1x512xi32> to vector<1x512xi32>
    %broadcast_in_dim3A = arith.constant 0 : i32
    %broadcast_in_dim3A_4 = vector.broadcast %broadcast_in_dim3A : i32 to vector<1x1xi32>
    %slice3A = vector.extract_strided_slice %get3A_3 {offsets = [0, 0], sizes = [1, 511], strides = [1, 1]} : vector<1x512xi32> to vector<1x511xi32>
    %concatenate3A = tpu.concatenate %broadcast_in_dim3A_4, %slice3A in 1 : vector<1x1xi32>, vector<1x511xi32> -> vector<1x512xi32>
    %add3A = arith.addi %get3A_3, %concatenate3A : vector<1x512xi32>
    %broadcast_in_dim3A_5 = arith.constant 0 : i32
    %broadcast_in_dim3A_6 = vector.broadcast %broadcast_in_dim3A_5 : i32 to vector<1x2xi32>
    %slice3A_7 = vector.extract_strided_slice %add3A {offsets = [0, 0], sizes = [1, 510], strides = [1, 1]} : vector<1x512xi32> to vector<1x510xi32>
    %concatenate3A_8 = tpu.concatenate %broadcast_in_dim3A_6, %slice3A_7 in 1 : vector<1x2xi32>, vector<1x510xi32> -> vector<1x512xi32>
    %add3A_9 = arith.addi %add3A, %concatenate3A_8 : vector<1x512xi32>
    %broadcast_in_dim3A_10 = arith.constant 0 : i32
    %broadcast_in_dim3A_11 = vector.broadcast %broadcast_in_dim3A_10 : i32 to vector<1x4xi32>
    %slice3A_12 = vector.extract_strided_slice %add3A_9 {offsets = [0, 0], sizes = [1, 508], strides = [1, 1]} : vector<1x512xi32> to vector<1x508xi32>
    %concatenate3A_13 = tpu.concatenate %broadcast_in_dim3A_11, %slice3A_12 in 1 : vector<1x4xi32>, vector<1x508xi32> -> vector<1x512xi32>
    %add3A_14 = arith.addi %add3A_9, %concatenate3A_13 : vector<1x512xi32>
    %broadcast_in_dim3A_15 = arith.constant 0 : i32
    %broadcast_in_dim3A_16 = vector.broadcast %broadcast_in_dim3A_15 : i32 to vector<1x8xi32>
    %slice3A_17 = vector.extract_strided_slice %add3A_14 {offsets = [0, 0], sizes = [1, 504], strides = [1, 1]} : vector<1x512xi32> to vector<1x504xi32>
    %concatenate3A_18 = tpu.concatenate %broadcast_in_dim3A_16, %slice3A_17 in 1 : vector<1x8xi32>, vector<1x504xi32> -> vector<1x512xi32>
    %add3A_19 = arith.addi %add3A_14, %concatenate3A_18 : vector<1x512xi32>
    %broadcast_in_dim3A_20 = arith.constant 0 : i32
    %broadcast_in_dim3A_21 = vector.broadcast %broadcast_in_dim3A_20 : i32 to vector<1x16xi32>
    %slice3A_22 = vector.extract_strided_slice %add3A_19 {offsets = [0, 0], sizes = [1, 496], strides = [1, 1]} : vector<1x512xi32> to vector<1x496xi32>
    %concatenate3A_23 = tpu.concatenate %broadcast_in_dim3A_21, %slice3A_22 in 1 : vector<1x16xi32>, vector<1x496xi32> -> vector<1x512xi32>
    %add3A_24 = arith.addi %add3A_19, %concatenate3A_23 : vector<1x512xi32>
    %broadcast_in_dim3A_25 = arith.constant 0 : i32
    %broadcast_in_dim3A_26 = vector.broadcast %broadcast_in_dim3A_25 : i32 to vector<1x32xi32>
    %slice3A_27 = vector.extract_strided_slice %add3A_24 {offsets = [0, 0], sizes = [1, 480], strides = [1, 1]} : vector<1x512xi32> to vector<1x480xi32>
    %concatenate3A_28 = tpu.concatenate %broadcast_in_dim3A_26, %slice3A_27 in 1 : vector<1x32xi32>, vector<1x480xi32> -> vector<1x512xi32>
    %add3A_29 = arith.addi %add3A_24, %concatenate3A_28 : vector<1x512xi32>
    %broadcast_in_dim3A_30 = arith.constant 0 : i32
    %broadcast_in_dim3A_31 = vector.broadcast %broadcast_in_dim3A_30 : i32 to vector<1x64xi32>
    %slice3A_32 = vector.extract_strided_slice %add3A_29 {offsets = [0, 0], sizes = [1, 448], strides = [1, 1]} : vector<1x512xi32> to vector<1x448xi32>
    %concatenate3A_33 = tpu.concatenate %broadcast_in_dim3A_31, %slice3A_32 in 1 : vector<1x64xi32>, vector<1x448xi32> -> vector<1x512xi32>
    %add3A_34 = arith.addi %add3A_29, %concatenate3A_33 : vector<1x512xi32>
    %broadcast_in_dim3A_35 = arith.constant 0 : i32
    %broadcast_in_dim3A_36 = vector.broadcast %broadcast_in_dim3A_35 : i32 to vector<1x128xi32>
    %slice3A_37 = vector.extract_strided_slice %add3A_34 {offsets = [0, 0], sizes = [1, 384], strides = [1, 1]} : vector<1x512xi32> to vector<1x384xi32>
    %concatenate3A_38 = tpu.concatenate %broadcast_in_dim3A_36, %slice3A_37 in 1 : vector<1x128xi32>, vector<1x384xi32> -> vector<1x512xi32>
    %add3A_39 = arith.addi %add3A_34, %concatenate3A_38 : vector<1x512xi32>
    %broadcast_in_dim3A_40 = arith.constant 0 : i32
    %broadcast_in_dim3A_41 = vector.broadcast %broadcast_in_dim3A_40 : i32 to vector<1x256xi32>
    %slice3A_42 = vector.extract_strided_slice %add3A_39 {offsets = [0, 0], sizes = [1, 256], strides = [1, 1]} : vector<1x512xi32> to vector<1x256xi32>
    %concatenate3A_43 = tpu.concatenate %broadcast_in_dim3A_41, %slice3A_42 in 1 : vector<1x256xi32>, vector<1x256xi32> -> vector<1x512xi32>
    %add3A_44 = arith.addi %add3A_39, %concatenate3A_43 : vector<1x512xi32>
    %iota3A = tpu.iota {dimensions = array<i32: 0>} : vector<2048x512xi32>
    %le3A = vector.broadcast %add3A_44 : vector<1x512xi32> to vector<2048x512xi32>
    %le3A_45 = arith.cmpi sle, %le3A, %iota3A : vector<2048x512xi32>
    %convert_element_type3A = arith.extui %le3A_45 : vector<2048x512xi1> to vector<2048x512xi32>
    %reduce_sum3A = arith.constant dense<0> : vector<2048xi32>
    %reduce_sum3A_46 = vector.multi_reduction <add>, %convert_element_type3A, %reduce_sum3A [1] : vector<2048x512xi32> to vector<2048xi32>
    %broadcast_in_dim3A_47 = vector.shape_cast %reduce_sum3A_46 : vector<2048xi32> to vector<2048x1xi32>
    %swap3A = arith.constant 0 : index
    %swap3A_48 = arith.constant 0 : index
    %swap3A_49 = arith.constant 0 : index
    %swap3A_50 = vector.load %arg2[%swap3A, %swap3A_48, %swap3A_49] : memref<1x2048x1xi32, #tpu.memory_space<vmem>>, vector<1x2048x1xi32>
    %swap3A_51 = vector.shape_cast %swap3A_50 : vector<1x2048x1xi32> to vector<2048x1xi32>
    %swap3A_52 = vector.shape_cast %broadcast_in_dim3A_47 : vector<2048x1xi32> to vector<1x2048x1xi32>
    tpu.vector_store %arg2[%swap3A, %swap3A_48, %swap3A_49], %swap3A_52 {strides = array<i32>} : memref<1x2048x1xi32, #tpu.memory_space<vmem>>, vector<1x2048x1xi32>,
    %slice3A_53 = vector.extract_strided_slice %add3A_44 {offsets = [0, 511], sizes = [1, 1], strides = [1, 1]} : vector<1x512xi32> to vector<1x1xi32>
    %swap3A_54 = arith.constant 0 : index
    %swap3A_55 = arith.constant 0 : index
    %swap3A_56 = arith.constant 0 : index
    %swap3A_57 = vector.load %arg3[%swap3A_54, %swap3A_55, %swap3A_56] : memref<1x1x1xi32, #tpu.memory_space<vmem>>, vector<1x1x1xi32>
    %swap3A_58 = vector.shape_cast %swap3A_57 : vector<1x1x1xi32> to vector<1x1xi32>
    %swap3A_59 = vector.shape_cast %slice3A_53 : vector<1x1xi32> to vector<1x1x1xi32>
    tpu.vector_store %arg3[%swap3A_54, %swap3A_55, %swap3A_56], %swap3A_59 {strides = array<i32>} : memref<1x1x1xi32, #tpu.memory_space<vmem>>, vector<1x1x1xi32>,
    return
  }
  func.func @transform_0(%arg0: i32) -> (i32, i32, i32) {
    %c0_i32 = arith.constant 0 : i32
    %c0_i32_0 = arith.constant 0 : i32
    %c0_i32_1 = arith.constant 0 : i32
    return %arg0, %c0_i32, %c0_i32_0 : i32, i32, i32
  }
  func.func @transform_1(%arg0: i32) -> (i32, i32, i32) {
    %c0_i32 = arith.constant 0 : i32
    %c0_i32_0 = arith.constant 0 : i32
    %c0_i32_1 = arith.constant 0 : i32
    return %arg0, %c0_i32, %c0_i32_0 : i32, i32, i32
  }
  func.func @transform_2(%arg0: i32) -> (i32, i32, i32) {
    %c0_i32 = arith.constant 0 : i32
    %c0_i32_0 = arith.constant 0 : i32
    %c0_i32_1 = arith.constant 0 : i32
    return %arg0, %c0_i32, %c0_i32_0 : i32, i32, i32
  }
}

module attributes {stable_mosaic.version = 14 : i64} {
  func.func @_vp_body(%arg0: i32, %arg1: memref<1x512x256xf32, #tpu.memory_space<vmem>>, %arg2: memref<1x1x256xf32, #tpu.memory_space<vmem>>, %arg3: memref<1x512x1xf32, #tpu.memory_space<vmem>>, %arg4: memref<3x256x256xf32, #tpu.memory_space<vmem>>, %arg5: memref<1x256xf32, #tpu.memory_space<vmem>>, %arg6: memref<1x256xf32, #tpu.memory_space<vmem>>, %arg7: memref<1x256xf32, #tpu.memory_space<vmem>>, %arg8: memref<3x256x256xf32, #tpu.memory_space<vmem>>, %arg9: memref<1x256xf32, #tpu.memory_space<vmem>>, %arg10: memref<1x256xf32, #tpu.memory_space<vmem>>, %arg11: memref<1x256xf32, #tpu.memory_space<vmem>>, %arg12: memref<1x256xf32, #tpu.memory_space<vmem>>, %arg13: memref<1x1xf32, #tpu.memory_space<vmem>>, %arg14: memref<1x512x1xf32, #tpu.memory_space<vmem>>) attributes {dimension_semantics = [#tpu.dimension_semantics<arbitrary>], iteration_bounds = array<i64: 16>, scalar_prefetch = 0 : i64, scratch_operands = 0 : i64, tpu.core_type = #tpu.core_type<tc>, window_params = [{transform_indices = @transform_0, window_bounds = array<i64: 1, 512, 256>}, {transform_indices = @transform_1, window_bounds = array<i64: 1, 1, 256>}, {transform_indices = @transform_2, window_bounds = array<i64: 1, 512, 1>}, {pipeline_mode = #tpu.pipeline_mode<synchronous>, transform_indices = @transform_3, window_bounds = array<i64: 3, 256, 256>}, {pipeline_mode = #tpu.pipeline_mode<synchronous>, transform_indices = @transform_4, window_bounds = array<i64: 1, 256>}, {pipeline_mode = #tpu.pipeline_mode<synchronous>, transform_indices = @transform_5, window_bounds = array<i64: 1, 256>}, {pipeline_mode = #tpu.pipeline_mode<synchronous>, transform_indices = @transform_6, window_bounds = array<i64: 1, 256>}, {pipeline_mode = #tpu.pipeline_mode<synchronous>, transform_indices = @transform_7, window_bounds = array<i64: 3, 256, 256>}, {pipeline_mode = #tpu.pipeline_mode<synchronous>, transform_indices = @transform_8, window_bounds = array<i64: 1, 256>}, {pipeline_mode = #tpu.pipeline_mode<synchronous>, transform_indices = @transform_9, window_bounds = array<i64: 1, 256>}, {pipeline_mode = #tpu.pipeline_mode<synchronous>, transform_indices = @transform_10, window_bounds = array<i64: 1, 256>}, {pipeline_mode = #tpu.pipeline_mode<synchronous>, transform_indices = @transform_11, window_bounds = array<i64: 1, 256>}, {pipeline_mode = #tpu.pipeline_mode<synchronous>, transform_indices = @transform_12, window_bounds = array<i64: 1, 1>}, {transform_indices = @transform_13, window_bounds = array<i64: 1, 512, 1>}]} {
    %get3A = arith.constant 0 : index
    %get3A_0 = arith.constant 0 : index
    %get3A_1 = arith.constant 0 : index
    %get3A_2 = vector.load %arg1[%get3A, %get3A_0, %get3A_1] : memref<1x512x256xf32, #tpu.memory_space<vmem>>, vector<1x512x256xf32>
    %get3A_3 = vector.shape_cast %get3A_2 : vector<1x512x256xf32> to vector<512x256xf32>
    %get3A_4 = arith.constant 0 : index
    %get3A_5 = arith.constant 0 : index
    %get3A_6 = arith.constant 0 : index
    %get3A_7 = vector.load %arg2[%get3A_4, %get3A_5, %get3A_6] : memref<1x1x256xf32, #tpu.memory_space<vmem>>, vector<1x1x256xf32>
    %get3A_8 = vector.shape_cast %get3A_7 : vector<1x1x256xf32> to vector<1x256xf32>
    %add3A = vector.broadcast %get3A_8 : vector<1x256xf32> to vector<512x256xf32>
    %add3A_9 = arith.addf %get3A_3, %add3A : vector<512x256xf32>
    %get3A_10 = arith.constant 0 : index
    %get3A_11 = arith.constant 0 : index
    %get3A_12 = vector.load %arg5[%get3A_10, %get3A_11] : memref<1x256xf32, #tpu.memory_space<vmem>>, vector<1x256xf32>
    %get3A_13 = vector.shape_cast %get3A_12 : vector<1x256xf32> to vector<256xf32>
    %get3A_14 = arith.constant 0 : index
    %get3A_15 = arith.constant 0 : index
    %get3A_16 = vector.load %arg6[%get3A_14, %get3A_15] : memref<1x256xf32, #tpu.memory_space<vmem>>, vector<1x256xf32>
    %get3A_17 = vector.shape_cast %get3A_16 : vector<1x256xf32> to vector<256xf32>
    %get3A_18 = arith.constant 0 : index
    %get3A_19 = arith.constant 0 : index
    %get3A_20 = vector.load %arg7[%get3A_18, %get3A_19] : memref<1x256xf32, #tpu.memory_space<vmem>>, vector<1x256xf32>
    %get3A_21 = vector.shape_cast %get3A_20 : vector<1x256xf32> to vector<256xf32>
    %broadcast_in_dim3A = arith.constant 0.000000e+00 : f32
    %broadcast_in_dim3A_22 = vector.broadcast %broadcast_in_dim3A : f32 to vector<1x256xf32>
    %slice3A = vector.extract_strided_slice %add3A_9 {offsets = [0, 0], sizes = [511, 256], strides = [1, 1]} : vector<512x256xf32> to vector<511x256xf32>
    %concatenate3A = tpu.concatenate %broadcast_in_dim3A_22, %slice3A in 0 : vector<1x256xf32>, vector<511x256xf32> -> vector<512x256xf32>
    %slice3A_23 = vector.extract_strided_slice %add3A_9 {offsets = [1, 0], sizes = [511, 256], strides = [1, 1]} : vector<512x256xf32> to vector<511x256xf32>
    %concatenate3A_24 = tpu.concatenate %slice3A_23, %broadcast_in_dim3A_22 in 0 : vector<511x256xf32>, vector<1x256xf32> -> vector<512x256xf32>
    %get3A_25 = arith.constant 0 : index
    %get3A_26 = arith.constant 0 : index
    %get3A_27 = arith.constant 0 : index
    %get3A_28 = vector.load %arg4[%get3A_25, %get3A_26, %get3A_27] : memref<3x256x256xf32, #tpu.memory_space<vmem>>, vector<1x256x256xf32>
    %get3A_29 = vector.shape_cast %get3A_28 : vector<1x256x256xf32> to vector<256x256xf32>
    %dot_general3A = arith.constant dense<0.000000e+00> : vector<512x256xf32>
    %dot_general3A_30 = tpu.matmul %concatenate3A, %get3A_29, %dot_general3A {dimension_numbers = #tpu.dot_dimension_numbers<[1], [0], [0], [1], [0, 0, 1, 1], [], []>, transpose_lhs_hint = false} : vector<512x256xf32>, vector<256x256xf32>, vector<512x256xf32> -> vector<512x256xf32>
    %get3A_31 = arith.constant 1 : index
    %get3A_32 = arith.constant 0 : index
    %get3A_33 = arith.constant 0 : index
    %get3A_34 = vector.load %arg4[%get3A_31, %get3A_32, %get3A_33] : memref<3x256x256xf32, #tpu.memory_space<vmem>>, vector<1x256x256xf32>
    %get3A_35 = vector.shape_cast %get3A_34 : vector<1x256x256xf32> to vector<256x256xf32>
    %dot_general3A_36 = arith.constant dense<0.000000e+00> : vector<512x256xf32>
    %dot_general3A_37 = tpu.matmul %add3A_9, %get3A_35, %dot_general3A_36 {dimension_numbers = #tpu.dot_dimension_numbers<[1], [0], [0], [1], [0, 0, 1, 1], [], []>, transpose_lhs_hint = false} : vector<512x256xf32>, vector<256x256xf32>, vector<512x256xf32> -> vector<512x256xf32>
    %add3A_38 = arith.addf %dot_general3A_30, %dot_general3A_37 : vector<512x256xf32>
    %get3A_39 = arith.constant 2 : index
    %get3A_40 = arith.constant 0 : index
    %get3A_41 = arith.constant 0 : index
    %get3A_42 = vector.load %arg4[%get3A_39, %get3A_40, %get3A_41] : memref<3x256x256xf32, #tpu.memory_space<vmem>>, vector<1x256x256xf32>
    %get3A_43 = vector.shape_cast %get3A_42 : vector<1x256x256xf32> to vector<256x256xf32>
    %dot_general3A_44 = arith.constant dense<0.000000e+00> : vector<512x256xf32>
    %dot_general3A_45 = tpu.matmul %concatenate3A_24, %get3A_43, %dot_general3A_44 {dimension_numbers = #tpu.dot_dimension_numbers<[1], [0], [0], [1], [0, 0, 1, 1], [], []>, transpose_lhs_hint = false} : vector<512x256xf32>, vector<256x256xf32>, vector<512x256xf32> -> vector<512x256xf32>
    %add3A_46 = arith.addf %add3A_38, %dot_general3A_45 : vector<512x256xf32>
    %broadcast_in_dim3A_47 = vector.shape_cast %get3A_13 : vector<256xf32> to vector<1x256xf32>
    %add3A_48 = vector.broadcast %broadcast_in_dim3A_47 : vector<1x256xf32> to vector<512x256xf32>
    %add3A_49 = arith.addf %add3A_46, %add3A_48 : vector<512x256xf32>
    %max3A = arith.constant 0.000000e+00 : f32
    %max3A_50 = vector.broadcast %max3A : f32 to vector<512x256xf32>
    %max3A_51 = arith.maximumf %add3A_49, %max3A_50 : vector<512x256xf32>
    %reduce_sum3A = arith.constant dense<0.000000e+00> : vector<512xf32>
    %reduce_sum3A_52 = vector.multi_reduction <add>, %max3A_51, %reduce_sum3A [1] : vector<512x256xf32> to vector<512xf32>
    %broadcast_in_dim3A_53 = vector.shape_cast %reduce_sum3A_52 : vector<512xf32> to vector<512x1xf32>
    %div3A = arith.constant 2.560000e+02 : f32
    %div3A_54 = vector.broadcast %div3A : f32 to vector<512x1xf32>
    %div3A_55 = arith.divf %broadcast_in_dim3A_53, %div3A_54 : vector<512x1xf32>
    %sub3A = vector.broadcast %div3A_55 : vector<512x1xf32> to vector<512x256xf32>
    %sub3A_56 = arith.subf %max3A_51, %sub3A : vector<512x256xf32>
    %integer_pow3A = arith.mulf %sub3A_56, %sub3A_56 : vector<512x256xf32>
    %reduce_sum3A_57 = arith.constant dense<0.000000e+00> : vector<512xf32>
    %reduce_sum3A_58 = vector.multi_reduction <add>, %integer_pow3A, %reduce_sum3A_57 [1] : vector<512x256xf32> to vector<512xf32>
    %broadcast_in_dim3A_59 = vector.shape_cast %reduce_sum3A_58 : vector<512xf32> to vector<512x1xf32>
    %div3A_60 = arith.constant 2.560000e+02 : f32
    %div3A_61 = vector.broadcast %div3A_60 : f32 to vector<512x1xf32>
    %div3A_62 = arith.divf %broadcast_in_dim3A_59, %div3A_61 : vector<512x1xf32>
    %sub3A_63 = vector.broadcast %div3A_55 : vector<512x1xf32> to vector<512x256xf32>
    %sub3A_64 = arith.subf %max3A_51, %sub3A_63 : vector<512x256xf32>
    %add3A_65 = arith.constant 9.99999974E-6 : f32
    %add3A_66 = vector.broadcast %add3A_65 : f32 to vector<512x1xf32>
    %add3A_67 = arith.addf %div3A_62, %add3A_66 : vector<512x1xf32>
    %rsqrt3A = math.rsqrt %add3A_67 : vector<512x1xf32>
    %mul3A = vector.broadcast %rsqrt3A : vector<512x1xf32> to vector<512x256xf32>
    %mul3A_68 = arith.mulf %sub3A_64, %mul3A : vector<512x256xf32>
    %broadcast_in_dim3A_69 = vector.shape_cast %get3A_17 : vector<256xf32> to vector<1x256xf32>
    %mul3A_70 = vector.broadcast %broadcast_in_dim3A_69 : vector<1x256xf32> to vector<512x256xf32>
    %mul3A_71 = arith.mulf %mul3A_68, %mul3A_70 : vector<512x256xf32>
    %broadcast_in_dim3A_72 = vector.shape_cast %get3A_21 : vector<256xf32> to vector<1x256xf32>
    %add3A_73 = vector.broadcast %broadcast_in_dim3A_72 : vector<1x256xf32> to vector<512x256xf32>
    %add3A_74 = arith.addf %mul3A_71, %add3A_73 : vector<512x256xf32>
    %get3A_75 = arith.constant 0 : index
    %get3A_76 = arith.constant 0 : index
    %get3A_77 = vector.load %arg9[%get3A_75, %get3A_76] : memref<1x256xf32, #tpu.memory_space<vmem>>, vector<1x256xf32>
    %get3A_78 = vector.shape_cast %get3A_77 : vector<1x256xf32> to vector<256xf32>
    %get3A_79 = arith.constant 0 : index
    %get3A_80 = arith.constant 0 : index
    %get3A_81 = vector.load %arg10[%get3A_79, %get3A_80] : memref<1x256xf32, #tpu.memory_space<vmem>>, vector<1x256xf32>
    %get3A_82 = vector.shape_cast %get3A_81 : vector<1x256xf32> to vector<256xf32>
    %get3A_83 = arith.constant 0 : index
    %get3A_84 = arith.constant 0 : index
    %get3A_85 = vector.load %arg11[%get3A_83, %get3A_84] : memref<1x256xf32, #tpu.memory_space<vmem>>, vector<1x256xf32>
    %get3A_86 = vector.shape_cast %get3A_85 : vector<1x256xf32> to vector<256xf32>
    %broadcast_in_dim3A_87 = arith.constant 0.000000e+00 : f32
    %broadcast_in_dim3A_88 = vector.broadcast %broadcast_in_dim3A_87 : f32 to vector<1x256xf32>
    %slice3A_89 = vector.extract_strided_slice %add3A_74 {offsets = [0, 0], sizes = [511, 256], strides = [1, 1]} : vector<512x256xf32> to vector<511x256xf32>
    %concatenate3A_90 = tpu.concatenate %broadcast_in_dim3A_88, %slice3A_89 in 0 : vector<1x256xf32>, vector<511x256xf32> -> vector<512x256xf32>
    %slice3A_91 = vector.extract_strided_slice %add3A_74 {offsets = [1, 0], sizes = [511, 256], strides = [1, 1]} : vector<512x256xf32> to vector<511x256xf32>
    %concatenate3A_92 = tpu.concatenate %slice3A_91, %broadcast_in_dim3A_88 in 0 : vector<511x256xf32>, vector<1x256xf32> -> vector<512x256xf32>
    %get3A_93 = arith.constant 0 : index
    %get3A_94 = arith.constant 0 : index
    %get3A_95 = arith.constant 0 : index
    %get3A_96 = vector.load %arg8[%get3A_93, %get3A_94, %get3A_95] : memref<3x256x256xf32, #tpu.memory_space<vmem>>, vector<1x256x256xf32>
    %get3A_97 = vector.shape_cast %get3A_96 : vector<1x256x256xf32> to vector<256x256xf32>
    %dot_general3A_98 = arith.constant dense<0.000000e+00> : vector<512x256xf32>
    %dot_general3A_99 = tpu.matmul %concatenate3A_90, %get3A_97, %dot_general3A_98 {dimension_numbers = #tpu.dot_dimension_numbers<[1], [0], [0], [1], [0, 0, 1, 1], [], []>, transpose_lhs_hint = false} : vector<512x256xf32>, vector<256x256xf32>, vector<512x256xf32> -> vector<512x256xf32>
    %get3A_100 = arith.constant 1 : index
    %get3A_101 = arith.constant 0 : index
    %get3A_102 = arith.constant 0 : index
    %get3A_103 = vector.load %arg8[%get3A_100, %get3A_101, %get3A_102] : memref<3x256x256xf32, #tpu.memory_space<vmem>>, vector<1x256x256xf32>
    %get3A_104 = vector.shape_cast %get3A_103 : vector<1x256x256xf32> to vector<256x256xf32>
    %dot_general3A_105 = arith.constant dense<0.000000e+00> : vector<512x256xf32>
    %dot_general3A_106 = tpu.matmul %add3A_74, %get3A_104, %dot_general3A_105 {dimension_numbers = #tpu.dot_dimension_numbers<[1], [0], [0], [1], [0, 0, 1, 1], [], []>, transpose_lhs_hint = false} : vector<512x256xf32>, vector<256x256xf32>, vector<512x256xf32> -> vector<512x256xf32>
    %add3A_107 = arith.addf %dot_general3A_99, %dot_general3A_106 : vector<512x256xf32>
    %get3A_108 = arith.constant 2 : index
    %get3A_109 = arith.constant 0 : index
    %get3A_110 = arith.constant 0 : index
    %get3A_111 = vector.load %arg8[%get3A_108, %get3A_109, %get3A_110] : memref<3x256x256xf32, #tpu.memory_space<vmem>>, vector<1x256x256xf32>
    %get3A_112 = vector.shape_cast %get3A_111 : vector<1x256x256xf32> to vector<256x256xf32>
    %dot_general3A_113 = arith.constant dense<0.000000e+00> : vector<512x256xf32>
    %dot_general3A_114 = tpu.matmul %concatenate3A_92, %get3A_112, %dot_general3A_113 {dimension_numbers = #tpu.dot_dimension_numbers<[1], [0], [0], [1], [0, 0, 1, 1], [], []>, transpose_lhs_hint = false} : vector<512x256xf32>, vector<256x256xf32>, vector<512x256xf32> -> vector<512x256xf32>
    %add3A_115 = arith.addf %add3A_107, %dot_general3A_114 : vector<512x256xf32>
    %broadcast_in_dim3A_116 = vector.shape_cast %get3A_78 : vector<256xf32> to vector<1x256xf32>
    %add3A_117 = vector.broadcast %broadcast_in_dim3A_116 : vector<1x256xf32> to vector<512x256xf32>
    %add3A_118 = arith.addf %add3A_115, %add3A_117 : vector<512x256xf32>
    %max3A_119 = arith.constant 0.000000e+00 : f32
    %max3A_120 = vector.broadcast %max3A_119 : f32 to vector<512x256xf32>
    %max3A_121 = arith.maximumf %add3A_118, %max3A_120 : vector<512x256xf32>
    %reduce_sum3A_122 = arith.constant dense<0.000000e+00> : vector<512xf32>
    %reduce_sum3A_123 = vector.multi_reduction <add>, %max3A_121, %reduce_sum3A_122 [1] : vector<512x256xf32> to vector<512xf32>
    %broadcast_in_dim3A_124 = vector.shape_cast %reduce_sum3A_123 : vector<512xf32> to vector<512x1xf32>
    %div3A_125 = arith.constant 2.560000e+02 : f32
    %div3A_126 = vector.broadcast %div3A_125 : f32 to vector<512x1xf32>
    %div3A_127 = arith.divf %broadcast_in_dim3A_124, %div3A_126 : vector<512x1xf32>
    %sub3A_128 = vector.broadcast %div3A_127 : vector<512x1xf32> to vector<512x256xf32>
    %sub3A_129 = arith.subf %max3A_121, %sub3A_128 : vector<512x256xf32>
    %integer_pow3A_130 = arith.mulf %sub3A_129, %sub3A_129 : vector<512x256xf32>
    %reduce_sum3A_131 = arith.constant dense<0.000000e+00> : vector<512xf32>
    %reduce_sum3A_132 = vector.multi_reduction <add>, %integer_pow3A_130, %reduce_sum3A_131 [1] : vector<512x256xf32> to vector<512xf32>
    %broadcast_in_dim3A_133 = vector.shape_cast %reduce_sum3A_132 : vector<512xf32> to vector<512x1xf32>
    %div3A_134 = arith.constant 2.560000e+02 : f32
    %div3A_135 = vector.broadcast %div3A_134 : f32 to vector<512x1xf32>
    %div3A_136 = arith.divf %broadcast_in_dim3A_133, %div3A_135 : vector<512x1xf32>
    %sub3A_137 = vector.broadcast %div3A_127 : vector<512x1xf32> to vector<512x256xf32>
    %sub3A_138 = arith.subf %max3A_121, %sub3A_137 : vector<512x256xf32>
    %add3A_139 = arith.constant 9.99999974E-6 : f32
    %add3A_140 = vector.broadcast %add3A_139 : f32 to vector<512x1xf32>
    %add3A_141 = arith.addf %div3A_136, %add3A_140 : vector<512x1xf32>
    %rsqrt3A_142 = math.rsqrt %add3A_141 : vector<512x1xf32>
    %mul3A_143 = vector.broadcast %rsqrt3A_142 : vector<512x1xf32> to vector<512x256xf32>
    %mul3A_144 = arith.mulf %sub3A_138, %mul3A_143 : vector<512x256xf32>
    %broadcast_in_dim3A_145 = vector.shape_cast %get3A_82 : vector<256xf32> to vector<1x256xf32>
    %mul3A_146 = vector.broadcast %broadcast_in_dim3A_145 : vector<1x256xf32> to vector<512x256xf32>
    %mul3A_147 = arith.mulf %mul3A_144, %mul3A_146 : vector<512x256xf32>
    %broadcast_in_dim3A_148 = vector.shape_cast %get3A_86 : vector<256xf32> to vector<1x256xf32>
    %add3A_149 = vector.broadcast %broadcast_in_dim3A_148 : vector<1x256xf32> to vector<512x256xf32>
    %add3A_150 = arith.addf %mul3A_147, %add3A_149 : vector<512x256xf32>
    %get3A_151 = arith.constant 0 : index
    %get3A_152 = arith.constant 0 : index
    %get3A_153 = vector.load %arg12[%get3A_151, %get3A_152] : memref<1x256xf32, #tpu.memory_space<vmem>>, vector<1x256xf32>
    %get3A_154 = vector.shape_cast %get3A_153 : vector<1x256xf32> to vector<256xf32>
    %broadcast_in_dim3A_155 = vector.shape_cast %get3A_154 : vector<256xf32> to vector<1x256xf32>
    %mul3A_156 = vector.broadcast %broadcast_in_dim3A_155 : vector<1x256xf32> to vector<512x256xf32>
    %mul3A_157 = arith.mulf %add3A_150, %mul3A_156 : vector<512x256xf32>
    %reduce_sum3A_158 = arith.constant dense<0.000000e+00> : vector<512xf32>
    %reduce_sum3A_159 = vector.multi_reduction <add>, %mul3A_157, %reduce_sum3A_158 [1] : vector<512x256xf32> to vector<512xf32>
    %broadcast_in_dim3A_160 = vector.shape_cast %reduce_sum3A_159 : vector<512xf32> to vector<512x1xf32>
    %get3A_161 = arith.constant 0 : index
    %get3A_162 = arith.constant 0 : index
    %get3A_163 = vector.load %arg13[%get3A_161, %get3A_162] : memref<1x1xf32, #tpu.memory_space<vmem>>, vector<1x1xf32>
    %get3A_164 = vector.extract %get3A_163[0, 0] : f32 from vector<1x1xf32>
    %add3A_165 = vector.broadcast %get3A_164 : f32 to vector<512x1xf32>
    %add3A_166 = arith.addf %broadcast_in_dim3A_160, %add3A_165 : vector<512x1xf32>
    %get3A_167 = arith.constant 0 : index
    %get3A_168 = arith.constant 0 : index
    %get3A_169 = arith.constant 0 : index
    %get3A_170 = vector.load %arg3[%get3A_167, %get3A_168, %get3A_169] : memref<1x512x1xf32, #tpu.memory_space<vmem>>, vector<1x512x1xf32>
    %get3A_171 = vector.shape_cast %get3A_170 : vector<1x512x1xf32> to vector<512x1xf32>
    %sub3A_172 = arith.constant 1.000000e+00 : f32
    %sub3A_173 = vector.broadcast %sub3A_172 : f32 to vector<512x1xf32>
    %sub3A_174 = arith.subf %sub3A_173, %get3A_171 : vector<512x1xf32>
    %mul3A_175 = arith.mulf %add3A_166, %sub3A_174 : vector<512x1xf32>
    %swap3A = arith.constant 0 : index
    %swap3A_176 = arith.constant 0 : index
    %swap3A_177 = arith.constant 0 : index
    %swap3A_178 = vector.load %arg14[%swap3A, %swap3A_176, %swap3A_177] : memref<1x512x1xf32, #tpu.memory_space<vmem>>, vector<1x512x1xf32>
    %swap3A_179 = vector.shape_cast %swap3A_178 : vector<1x512x1xf32> to vector<512x1xf32>
    %swap3A_180 = vector.shape_cast %mul3A_175 : vector<512x1xf32> to vector<1x512x1xf32>
    tpu.vector_store %arg14[%swap3A, %swap3A_176, %swap3A_177], %swap3A_180 {strides = array<i32>} : memref<1x512x1xf32, #tpu.memory_space<vmem>>, vector<1x512x1xf32>,
    return
  }
  func.func @transform_0(%arg0: i32) -> (i32, i32, i32) {
    %c0_i32 = arith.constant 0 : i32
    %c0_i32_0 = arith.constant 0 : i32
    %c0_i32_1 = arith.constant 0 : i32
    return %arg0, %c0_i32, %c0_i32_0 : i32, i32, i32
  }
  func.func @transform_1(%arg0: i32) -> (i32, i32, i32) {
    %c0_i32 = arith.constant 0 : i32
    %c0_i32_0 = arith.constant 0 : i32
    %c0_i32_1 = arith.constant 0 : i32
    return %arg0, %c0_i32, %c0_i32_0 : i32, i32, i32
  }
  func.func @transform_2(%arg0: i32) -> (i32, i32, i32) {
    %c0_i32 = arith.constant 0 : i32
    %c0_i32_0 = arith.constant 0 : i32
    %c0_i32_1 = arith.constant 0 : i32
    return %arg0, %c0_i32, %c0_i32_0 : i32, i32, i32
  }
  func.func @transform_3(%arg0: i32) -> (i32, i32, i32) {
    %c0_i32 = arith.constant 0 : i32
    %c0_i32_0 = arith.constant 0 : i32
    %c0_i32_1 = arith.constant 0 : i32
    %c0_i32_2 = arith.constant 0 : i32
    return %c0_i32, %c0_i32_0, %c0_i32_1 : i32, i32, i32
  }
  func.func @transform_4(%arg0: i32) -> (i32, i32) {
    %c0_i32 = arith.constant 0 : i32
    %c0_i32_0 = arith.constant 0 : i32
    %c0_i32_1 = arith.constant 0 : i32
    return %c0_i32, %c0_i32_0 : i32, i32
  }
  func.func @transform_5(%arg0: i32) -> (i32, i32) {
    %c0_i32 = arith.constant 0 : i32
    %c0_i32_0 = arith.constant 0 : i32
    %c0_i32_1 = arith.constant 0 : i32
    return %c0_i32, %c0_i32_0 : i32, i32
  }
  func.func @transform_6(%arg0: i32) -> (i32, i32) {
    %c0_i32 = arith.constant 0 : i32
    %c0_i32_0 = arith.constant 0 : i32
    %c0_i32_1 = arith.constant 0 : i32
    return %c0_i32, %c0_i32_0 : i32, i32
  }
  func.func @transform_7(%arg0: i32) -> (i32, i32, i32) {
    %c0_i32 = arith.constant 0 : i32
    %c0_i32_0 = arith.constant 0 : i32
    %c0_i32_1 = arith.constant 0 : i32
    %c0_i32_2 = arith.constant 0 : i32
    return %c0_i32, %c0_i32_0, %c0_i32_1 : i32, i32, i32
  }
  func.func @transform_8(%arg0: i32) -> (i32, i32) {
    %c0_i32 = arith.constant 0 : i32
    %c0_i32_0 = arith.constant 0 : i32
    %c0_i32_1 = arith.constant 0 : i32
    return %c0_i32, %c0_i32_0 : i32, i32
  }
  func.func @transform_9(%arg0: i32) -> (i32, i32) {
    %c0_i32 = arith.constant 0 : i32
    %c0_i32_0 = arith.constant 0 : i32
    %c0_i32_1 = arith.constant 0 : i32
    return %c0_i32, %c0_i32_0 : i32, i32
  }
  func.func @transform_10(%arg0: i32) -> (i32, i32) {
    %c0_i32 = arith.constant 0 : i32
    %c0_i32_0 = arith.constant 0 : i32
    %c0_i32_1 = arith.constant 0 : i32
    return %c0_i32, %c0_i32_0 : i32, i32
  }
  func.func @transform_11(%arg0: i32) -> (i32, i32) {
    %c0_i32 = arith.constant 0 : i32
    %c0_i32_0 = arith.constant 0 : i32
    %c0_i32_1 = arith.constant 0 : i32
    return %c0_i32, %c0_i32_0 : i32, i32
  }
  func.func @transform_12(%arg0: i32) -> (i32, i32) {
    %c0_i32 = arith.constant 0 : i32
    %c0_i32_0 = arith.constant 0 : i32
    %c0_i32_1 = arith.constant 0 : i32
    return %c0_i32, %c0_i32_0 : i32, i32
  }
  func.func @transform_13(%arg0: i32) -> (i32, i32, i32) {
    %c0_i32 = arith.constant 0 : i32
    %c0_i32_0 = arith.constant 0 : i32
    %c0_i32_1 = arith.constant 0 : i32
    return %arg0, %c0_i32, %c0_i32_0 : i32, i32, i32
  }
}

</mosaic_0001>

<sc_bundles>
// kernel: kernel.5.cloned.1.call-start
scs
__scs_entry_jumppad:
0x0: {  	(pc) =	sbr.rel $0x88, $3  }
0x1: {  	(tag) =	ssettag $0x0;
	lr =	simm.s32 $0x1  }
0x2: {  	[smem:$0x3F93] =	sst lr;
	_ =	strace $0xD0000000  }
0x3: {  	_ = 	snop  }
0x4: {  	_ = 	snop  }
0x5: {  	_ = 	snop  }
0x6: {  	_ = 	snop  }
0x7: {  	_ = 	snop  }
__scs_overlays_trampoline_lowered:
0x8: {  	[smem:$0x3FA2] =	sst s0  }
0x9: {  	[smem:$0x3FA3] =	sst s1  }
0xa: {  	[smem:$0x3FA4] =	sst s2  }
0xb: {  	[smem:$0x3FA5] =	sst s3  }
0xc: {  	[smem:$0x3FA6] =	sst s4  }
0xd: {  	[smem:$0x3FA7] =	sst s5  }
0xe: {  	[smem:$0x3FA8] =	sst s6  }
0xf: {  	[smem:$0x3FA9] =	sst s7  }
0x10: {  	[smem:$0x3FAA] =	sst s8  }
0x11: {  	[smem:$0x3FAB] =	sst s9;
	s0 =	simm.s32 @!p0 $0x0  }
0x12: {  	s1 =	sld [smem:$0x3F91];
	s0 =	simm.s32 @p0 $0x1  }
0x13: {  	[smem:$0x3FAC] =	sst s0;
	s0 =	simm.s32 @!p1 $0x0  }
0x14: {  	s2 =	sld [smem:$0x3F90];
	s0 =	simm.s32 @p1 $0x1  }
0x15: {  	[smem:$0x3FAD] =	sst s0;
	s0 =	simm.s32 @!p2 $0x0  }
0x16: {  	s3 =	sld [smem:$0x3FDB];
	s0 =	simm.s32 @p2 $0x1  }
0x17: {  	s4 =	simm.s32 $0x1BF5;
	[smem:$0x3FAF] =	sst s0  }
0x18: {  	s0 =	sld [smem:$0x3F92];
	_ =	swait.ge [sflag:s4], $0x0  }
0x19: {  	s7 =	sld [smem:$0x3F93]  }
0x1a: {  	s8 =	sadd.s32 $0xFFFFE003, lr  }
0x1b: {  	s9 =	sadd.s32 $0xFFFFFEF7, lr;
	s5 =	simm.s32 $0xFFFFFFFF;
	p2 =	slt.u32 s8, $0xFFFFF086  }
0x1c: {  	p1 =	slt.u32 s9, $0xF7A;
	s5 =	simm.s32 @!p2 $0x0  }
0x1d: {  	s5 =	simm.s32 @p1 $0x1;
	p0 =	seq.s32 s7, s2  }
0x1e: {  	s7 =	smul.u32 @!p0 $0xF7A, s2;
	p2 =	seq.s32 @!p0 s5, $0x0  }
0x1f: {  	s9 =	smul.u32 $0xF7A, s1;
	s8 =	simm.s32 @!p0 $0x1BF5;
	p2 =	por !p2, p0  }
0x20: {  	[sflag:s8] =	ssyncset.s32 @!p0 $0xFFFFF086;
	s6 =	sadd.s32 @!p0 s3, s7;
	s7 =	simm.s32 @!p0 $0x108  }
0x21: {  	s3 =	sadd.s32 s3, s9;
	s6 =	sadd.s32 @!p0 $0x88, s6;
	s7 =	simm.s32 @p2 $0x1082  }
0x22: {  	[simem:s7], [sflag:s8] =	dma.local @!p0 [hbm:s6], $0xF7A  }
0x23: {  	s9 =	sor.u32 $0xD0000000, s2;
	s6 =	simm.s32 $0x108;
	_ =	swait.ge @!p0 [sflag:s8], $0x0  }
0x24: {  	s3 =	sadd.s32 $0x88, s3;
	s6 =	simm.s32 @!p1 $0x1082;
	[sflag:s4] =	ssyncset.s32 $0xFFFFF086  }
0x25: {  	[simem:s6], [sflag:s4] =	dma.local [hbm:s3], $0xF7A  }
0x26: {  	[smem:$0x3F93] =	sst s1;
	(tag) =	ssettag s2;
	_ =	strace s9  }
0x27: {  	s1 =	sld [smem:$0x3FA3]  }
0x28: {  	s2 =	sld [smem:$0x3FA4]  }
0x29: {  	s4 =	sld [smem:$0x3FA6]  }
0x2a: {  	p0 =	seq.s32 s5, $0x0;
	s5 =	sld [smem:$0x3FA7]  }
0x2b: {  	s6 =	sld [smem:$0x3FA8]  }
0x2c: {  	s7 =	sld [smem:$0x3FA9]  }
0x2d: {  	s3 =	simm.s32 $0x108;
	s8 =	sld [smem:$0x3FAA]  }
0x2e: {  	s3 =	simm.s32 @!p0 $0x1082;
	s9 =	sld [smem:$0x3FAB]  }
0x2f: {  	lr =	sadd.s32 s0, s3;
	s0 =	sld [smem:$0x3FA2]  }
0x30: {  	s3 =	sld [smem:$0x3FA5]  }
0x31: {  	[smem:$0x3FAE] =	sst s10  }
0x32: {  	s10 =	sld [smem:$0x3FAC];
	_ =	sdelay $0x3  }
0x33: {  	p0 =	seq.s32 s10, $0x1;
	s10 =	sld [smem:$0x3FAE];
	_ =	sdelay $0x3  }
0x34: {  	[smem:$0x3FAE] =	sst s10  }
0x35: {  	s10 =	sld [smem:$0x3FAD];
	_ =	sdelay $0x3  }
0x36: {  	p1 =	seq.s32 s10, $0x1;
	s10 =	sld [smem:$0x3FAE];
	_ =	sdelay $0x3  }
0x37: {  	[smem:$0x3FAE] =	sst s10  }
0x38: {  	s10 =	sld [smem:$0x3FAF]  }
0x39: {  	_ = 	snop;
	(pc) =	sbr.ind lr, $3  }
0x3a: {  	_ = 	snop  }
0x3b: {  	_ = 	snop  }
0x3c: {  	p2 =	seq.s32 s10, $0x1;
	s10 =	sld [smem:$0x3FAE]  }
0x3d: {  	_ =	shalt  }
0x3e: {  	_ =	shalt  }
0x3f: {  	_ =	shalt  }
0x40: {  	_ =	shalt  }
0x41: {  	_ =	shalt  }
0x42: {  	_ =	shalt  }
0x43: {  	_ =	shalt  }
0x44: {  	_ =	shalt  }
0x45: {  	_ =	shalt  }
0x46: {  	_ =	shalt  }
0x47: {  	_ =	shalt  }
0x48: {  	_ =	shalt  }
0x49: {  	_ =	shalt  }
0x4a: {  	_ =	shalt  }
0x4b: {  	_ =	shalt  }
0x4c: {  	_ =	shalt  }
0x4d: {  	_ =	shalt  }
0x4e: {  	_ =	shalt  }
0x4f: {  	_ =	shalt  }
0x50: {  	_ =	shalt  }
0x51: {  	_ =	shalt  }
0x52: {  	_ =	shalt  }
0x53: {  	_ =	shalt  }
0x54: {  	_ =	shalt  }
0x55: {  	_ =	shalt  }
0x56: {  	_ =	shalt  }
0x57: {  	_ =	shalt  }
0x58: {  	_ =	shalt  }
0x59: {  	_ =	shalt  }
0x5a: {  	_ =	shalt  }
0x5b: {  	_ =	shalt  }
0x5c: {  	_ =	shalt  }
0x5d: {  	_ =	shalt  }
0x5e: {  	_ =	shalt  }
0x5f: {  	_ =	shalt  }
0x60: {  	_ =	shalt  }
0x61: {  	_ =	shalt  }
0x62: {  	_ =	shalt  }
0x63: {  	_ =	shalt  }
0x64: {  	_ =	shalt  }
0x65: {  	_ =	shalt  }
0x66: {  	_ =	shalt  }
0x67: {  	_ =	shalt  }
0x68: {  	_ =	shalt  }
0x69: {  	_ =	shalt  }
0x6a: {  	_ =	shalt  }
0x6b: {  	_ =	shalt  }
0x6c: {  	_ =	shalt  }
0x6d: {  	_ =	shalt  }
0x6e: {  	_ =	shalt  }
0x6f: {  	_ =	shalt  }
0x70: {  	_ =	shalt  }
0x71: {  	_ =	shalt  }
0x72: {  	_ =	shalt  }
0x73: {  	_ =	shalt  }
0x74: {  	_ =	shalt  }
0x75: {  	_ =	shalt  }
0x76: {  	_ =	shalt  }
0x77: {  	_ =	shalt  }
0x78: {  	_ =	shalt  }
0x79: {  	_ =	shalt  }
0x7a: {  	_ =	shalt  }
0x7b: {  	_ =	shalt  }
0x7c: {  	_ =	shalt  }
0x7d: {  	_ =	shalt  }
0x7e: {  	_ =	shalt  }
0x7f: {  	_ =	shalt  }
0x80: {  	_ =	shalt  }
0x81: {  	_ =	shalt  }
0x82: {  	_ =	shalt  }
0x83: {  	_ =	shalt  }
0x84: {  	_ =	shalt  }
0x85: {  	_ =	shalt  }
0x86: {  	_ =	shalt  }
0x87: {  	_ =	shalt  }
.Lfunc_end0:
.L_simem_size_0:
called_computation_lowered:
.L_overlay_start_0:
0x88: {  	s2 =	sld [smem:$0x3FD9]  }
0x89: {  	s3 =	sld [smem:$0x3FFE];
	_ =	sdelay $0x1  }
0x8a: {  	s1 =	srdreg.scid  }
0x8b: {  	s0 =	sand.u32 $0x1, s1  }
0x8c: {  	s14 =	sshll.u32 s0, $0xA;
	s2 =	sadd.s32 s3, s2  }
0x8d: {  	s2 =	sadd.s32 s2, s14  }
0x8e: {  	[smem:$0x3FBA] =	sst s2  }
0x8f: {  	_ = 	snop  }
0x90: {  	s2 =	sld [smem:$0x3FD0];
	_ =	sdelay $0x2  }
0x91: {  	s4 =	simm.s32 $0xA;
	s5 =	simm.s32 $0x10;
	s15 =	sld [smem:$0x3FC8]  }
0x92: {  	[smem:s5], [sflag:s4] =	dma.local [hbm:s2], $0x1  }
0x93: {  	_ =	swait.eq [sflag:s4], $0x1  }
0x94: {  	[sflag:s4] =	ssyncset.done $0x0  }
0x95: {  	[sflag:s4] =	ssyncadd.s32 $0xFFFFFFFF  }
0x96: {  	s16 =	sld [smem:$0x10];
	(tm) =	ssettm $0x1  }
0x97: {  	s17 =	sld [smem:$0x3FFB];
	_ =	sdelay $0x3  }
0x98: {  	_ =	strace s17  }
0x99: {  	s4 =	sld [smem:$0x3FFC];
	_ =	sdelay $0x3  }
0x9a: {  	_ =	strace s4  }
0x9b: {  	s4 =	sld [smem:$0x3FFD];
	_ =	sdelay $0x3  }
0x9c: {  	_ =	strace s4  }
0x9d: {  	_ =	strace $0x8FFFFFFF  }
0x9e: {  	s18 =	sld [smem:$0x3FDB];
	_ =	sdelay $0x1  }
0x9f: {  	s19 =	simm.s32 $_scs_section_size  }
0xa0: {  	s6 =	simm.s32 $_size__tile_overlayer_lowered;
	s7 =	simm.s32 $_tile_overlayer_lowered  }
0xa1: {  	s22 =	simm.s32 $0x1BFF;
	s21 =	sshll.u32 s7, $0x1;
	s4 =	sadd.s32 s19, s18  }
0xa2: {  	s8 =	simm.s32 $0x0;
	s20 =	sshll.u32 s6, $0x1;
	s6 =	sadd.s32 s21, s4  }
0xa3: {  	[timem:s8], [sflag:s22] =	dma.local [hbm:s6], s20  }
0xa4: {  	_ =	swait.ge [sflag:s22], s20  }
0xa5: {  	s5 =	ssub.s32 $0x0, s20;
	[sflag:s22] =	ssyncset.done $0x0  }
0xa6: {  	[sflag:s22] =	ssyncadd.s32 s5;
	_ =	sdelay $0x1  }
0xa7: {  	s23 =	simm.s32 $0x1B8B  }
0xa8: {  	_ =	swait.ge [sflag:s23], $0x1  }
0xa9: {  	[sflag:s23] =	ssyncset.done $0x0  }
0xaa: {  	s25 =	simm.s32 $0x1B8E;
	s24 =	sld [smem:$0x3FFE];
	[sflag:s23] =	ssyncadd.s32 $0xFFFFFFFF  }
0xab: {  	s26 =	simm.s32 $execute0_lowered;
	[smem:$0x3FD2] =	sst s25  }
0xac: {  	s6 =	sshll.u32 s26, $0x1;
	_ =	strace $0x80000046;
	[dreg:$0x1] =	wrdreg $0xFFFFFFFF  }
0xad: {  	s28 =	simm.s32 $_size_execute0_lowered;
	s4 =	sadd.s32 s4, s6;
	[dreg:$0x0] =	wrdreg $0x0  }
0xae: {  	s6 =	sshll.u32 s28, $0x1;
	[dreg:$0x2] =	wrdreg s4  }
0xaf: {  	[dreg:$0x3] =	wrdreg s6  }
0xb0: {  	[dreg:$0x4] =	wrdreg $0xC0  }
0xb1: {  	_ =	task [dreg:s8], $0x5FFFF  }
0xb2: {  	[dreg:$0x1] =	wrdreg $0xFFFFFFFF  }
0xb3: {  	[dreg:$0x0] =	wrdreg $0x60  }
0xb4: {  	[dreg:$0x2] =	wrdreg s15  }
0xb5: {  	[dreg:$0x3] =	wrdreg s24  }
0xb6: {  	[dreg:$0x4] =	wrdreg s16  }
0xb7: {  	[dreg:$0x5] =	wrdreg $0x10C000  }
0xb8: {  	[dreg:$0x6] =	wrdreg $0x9  }
0xb9: {  	_ =	task.clear_ibuf [dreg:s8], $0x7FFFF;
	_ =	strace $0x90000046  }
0xba: {  	s29 =	simm.s32 $0x9;
	_ =	strace $0x80000048  }
0xbb: {  	_ =	swait.ge [sflag:s29], $0x1  }
0xbc: {  	[sflag:s29] =	ssyncadd.s32 $0xFFFFFFFF  }
0xbd: {  	_ =	strace $0x90000048  }
0xbe: {  	_ =	sfence  }
0xbf: {  	s30 =	sld [smem:$0x0];
	_ =	sdelay $0x2  }
0xc0: {  	s31 =	sshll.u32 s1, $0xD;
	s1 =	sshrl.u32 s1, $0x2  }
0xc1: {  	s3 =	sand.u32 $0x4000, s31;
	s1 =	sadd.s32 s1, s30  }
0xc2: {  	s0 =	sor.u32 s3, s0;
	s1 =	sshll.u32 s1, $0x11  }
0xc3: {  	s0 =	sor.u32 s1, s0  }
0xc4: {  	s0 =	sadd.s32 $0x8F2B, s0  }
0xc5: {  	[sflag:s0] =	ssyncadd.remote.s32 $0x1  }
0xc6: {  	_ =	sfence.sel $0xFFFF  }
0xc7: {  	[dreg:$0x0] =	wrdreg $0xFFFFFFFF;
	(pc) =	sbr.abs _section_cstart, $3  }
0xc8: {  	[dreg:$0x1] =	wrdreg $0xFFFFFFFF  }
0xc9: {  	_ =	task.clear_ibuf [dreg:s8], $0x2FFFF;
	_ =	strace $0x9FFFFFFF  }
0xca: {  	(tm) =	ssettm $0x7FFFFFFF  }
0xcb: {  	_ =	shalt  }
tec
execute0_lowered:
.L_overlay_start_1:
0x0: {  	(tag) =	ssettag $0x1  }
0x1: {  	s1 =	rddreg [dreg:$0x0]  }
0x2: {  	s0 =	rddreg [dreg:$0x1]  }
0x3: {  	s2 =	rddreg [dreg:$0x2];
	s5 =	srdreg.scid  }
0x4: {  	s4 =	rddreg [dreg:$0x3];
	s9 =	stileid.u32;
	s5 =	sand.u32 $0x1, s5  }
0x5: {  	s3 =	simm.s32 $0x0;
	s6 =	sshll.u32 s9, $0x7;
	s7 =	sshll.u32 s5, $0x6  }
0x6: {  	[smem:$0x7FF] =	sst s3;
	s16 =	sshll.u32 s9, $0xE;
	s6 =	sor.u32 s7, s6  }
0x7: {  	s9 =	sshll.u32 s9, $0x6;
	s7 =	sshrl.u32 s6, $0x3;
	s6 =	sshll.u32 s6, $0x5  }
0x8: {  	s17 =	sor.u32 $0x1C04, s9;
	s7 =	sadd.s32 s7, s0;
	s0 =	sadd.s32 s6, s0  }
0x9: {  	_ =	strace $0x80000047;
	[dreg:$0x6] =	wrdreg s17;
	s0 =	sadd.s32 $0x2600, s0  }
0xa: {  	s18 =	sadd.s32 $0x1600, s7;
	[dreg:$0x5] =	wrdreg s0  }
0xb: {  	s19 =	sadd.s32 $0x1700, s7;
	[dreg:$0x7] =	wrdreg s18  }
0xc: {  	s20 =	sadd.s32 $0x1800, s7;
	[dreg:$0x8] =	wrdreg s19  }
0xd: {  	s28 =	simm.s32 $0x2;
	s21 =	sadd.s32 $0x1900, s7;
	[dreg:$0x9] =	wrdreg s20  }
0xe: {  	s30 =	simm.s32 $0x1;
	s22 =	sadd.s32 $0x1A00, s7;
	[dreg:$0xa] =	wrdreg s21  }
0xf: {  	s31 =	simm.s32 $0x3;
	s23 =	sadd.s32 $0x1B00, s7;
	[dreg:$0xb] =	wrdreg s22  }
0x10: {  	s5 =	ssub.s32 $0x2, s5;
	s24 =	sadd.s32 $0x1C00, s7;
	[dreg:$0xc] =	wrdreg s23  }
0x11: {  	s4 =	sadd.s32 s16, s4;
	s25 =	sadd.s32 $0x1D00, s7;
	[dreg:$0xd] =	wrdreg s24  }
0x12: {  	s8 =	sshrl.u32 s5, $0x1;
	s26 =	sadd.s32 $0x1E00, s7;
	[dreg:$0xe] =	wrdreg s25  }
.Ltmp0:
0x13: {  	s29 =	sadd.s32 $0x1F00, s7;
	[dreg:$0xf] =	wrdreg s26;
	(pc) =	sbr.rel .LBB2_1-.Ltmp0, $4  }
0x14: {  	v0 =	vlaneseq.u32;
	s5 =	ssub.s32 s5, s8;
	s17 =	sadd.s32 $0x2000, s7;
	[dreg:$0x10] =	wrdreg s29  }
0x15: {  	v1 =	vmul.u32 $0xFFFFFFFF, v0;
	s18 =	sadd.s32 $0x2100, s7;
	s19 =	sadd.s32 $0x2200, s7;
	s20 =	sadd.s32 $0x2300, s7  }
0x16: {  	s21 =	sadd.s32 $0x2400, s7;
	s22 =	sadd.s32 $0x2500, s7;
	s23 =	sadd.s32 s2, s6  }
0x17: {  	v2 =	vimm.s32 $0x0;
	v1 =	vadd.s32 $0xF, v1;
	s24 =	smax.u32 s5, $0x1;
	s25 =	simm.s32 $0x4;
	s0 =	simm.s32 $0x0  }
.LBB2_12:
0x18: {  	s0 =	sadd.s32 $0x1, s0  }
0x19: {  	_ =	swait.ge [sflag:s30], $0x4000;
	p0 =	sne.s32 s0, s24  }
.Ltmp1:
0x1a: {  	[sflag:s30] =	ssyncset.done $0x0;
	(pc) =	sbr.rel @!p0 .LBB2_13-.Ltmp1, $4  }
0x1b: {  	[sflag:s30] =	ssyncadd.s32 $0xFFFFC000  }
0x1c: {  	_ =	swait.ge [sflag:s30], $0x4000  }
0x1d: {  	[sflag:s30] =	ssyncset.done $0x0  }
0x1e: {  	[sflag:s30] =	ssyncadd.s32 $0xFFFFC000  }
.LBB2_1:
0x1f: {  	s5 =	rddreg [dreg:$0x5]  }
0x20: {  	s2 =	sshrl.u32 s4, $0x3;
	s6 =	rddreg [dreg:$0x6]  }
0x21: {  	[spmem:s2], [sflag:s6] =	dma.local [hbm:s5], $0x800  }
0x22: {  	_ =	swait.ge [sflag:s25], $0x800  }
0x23: {  	[sflag:s25] =	ssyncset.done $0x0  }
0x24: {  	s15 =	rddreg [dreg:$0x7];
	[sflag:s25] =	ssyncadd.s32 $0xFFFFF800  }
0x25: {  	[tilespmem:s3], [sflag:$0x2] =	stream.linear.gather [hbm4b:s15+s3], $0x40, $0x38;
	[tilespmem:$0x14C00] =	vst v63  }
0x26: {  	s26 =	simm.s32 $0x40;
	s16 =	rddreg [dreg:$0x8]  }
0x27: {  	[tilespmem:s26], [sflag:$0x2] =	stream.linear.gather [hbm4b:s16+s3], $0x40, $0x38;
	[tilespmem:$0x14C00] =	vst v63  }
0x28: {  	s7 =	simm.s32 $0x80;
	s6 =	rddreg [dreg:$0x9]  }
0x29: {  	[tilespmem:s7], [sflag:$0x2] =	stream.linear.gather [hbm4b:s6+s3], $0x40, $0x38;
	[tilespmem:$0x14C00] =	vst v63  }
0x2a: {  	s9 =	simm.s32 $0xC0;
	s8 =	rddreg [dreg:$0xa]  }
0x2b: {  	[tilespmem:s9], [sflag:$0x2] =	stream.linear.gather [hbm4b:s8+s3], $0x40, $0x38;
	[tilespmem:$0x14C00] =	vst v63  }
0x2c: {  	s11 =	simm.s32 $0x100;
	s10 =	rddreg [dreg:$0xb]  }
0x2d: {  	[tilespmem:s11], [sflag:$0x2] =	stream.linear.gather [hbm4b:s10+s3], $0x40, $0x38;
	[tilespmem:$0x14C00] =	vst v63  }
0x2e: {  	s13 =	simm.s32 $0x140;
	s12 =	rddreg [dreg:$0xc]  }
0x2f: {  	[tilespmem:s13], [sflag:$0x2] =	stream.linear.gather [hbm4b:s12+s3], $0x40, $0x38;
	[tilespmem:$0x14C00] =	vst v63  }
0x30: {  	s14 =	rddreg [dreg:$0xd];
	s15 =	simm.s32 $0x180  }
0x31: {  	[tilespmem:s15], [sflag:$0x2] =	stream.linear.gather [hbm4b:s14+s3], $0x40, $0x38;
	[tilespmem:$0x14C00] =	vst v63  }
0x32: {  	s16 =	rddreg [dreg:$0xe];
	s26 =	simm.s32 $0x1C0  }
0x33: {  	[tilespmem:s26], [sflag:$0x2] =	stream.linear.gather [hbm4b:s16+s3], $0x40, $0x38;
	[tilespmem:$0x14C00] =	vst v63  }
0x34: {  	s5 =	rddreg [dreg:$0xf];
	s6 =	simm.s32 $0x200  }
0x35: {  	[tilespmem:s6], [sflag:$0x2] =	stream.linear.gather [hbm4b:s5+s3], $0x40, $0x38;
	[tilespmem:$0x14C00] =	vst v63  }
0x36: {  	s7 =	rddreg [dreg:$0x10];
	s8 =	simm.s32 $0x240  }
0x37: {  	[tilespmem:s8], [sflag:$0x2] =	stream.linear.gather [hbm4b:s7+s3], $0x40, $0x38;
	[tilespmem:$0x14C00] =	vst v63  }
0x38: {  	s9 =	simm.s32 $0x280  }
0x39: {  	[tilespmem:s9], [sflag:$0x2] =	stream.linear.gather [hbm4b:s17+s3], $0x40, $0x38;
	[tilespmem:$0x14C00] =	vst v63  }
0x3a: {  	s10 =	simm.s32 $0x2C0  }
0x3b: {  	[tilespmem:s10], [sflag:$0x2] =	stream.linear.gather [hbm4b:s18+s3], $0x40, $0x38;
	[tilespmem:$0x14C00] =	vst v63  }
0x3c: {  	s11 =	simm.s32 $0x300  }
0x3d: {  	[tilespmem:s11], [sflag:$0x2] =	stream.linear.gather [hbm4b:s19+s3], $0x40, $0x38;
	[tilespmem:$0x14C00] =	vst v63  }
0x3e: {  	s12 =	simm.s32 $0x340  }
0x3f: {  	[tilespmem:s12], [sflag:$0x2] =	stream.linear.gather [hbm4b:s20+s3], $0x40, $0x38;
	[tilespmem:$0x14C00] =	vst v63  }
0x40: {  	s13 =	simm.s32 $0x380  }
0x41: {  	[tilespmem:s13], [sflag:$0x2] =	stream.linear.gather [hbm4b:s21+s3], $0x40, $0x38;
	[tilespmem:$0x14C00] =	vst v63  }
0x42: {  	s14 =	simm.s32 $0x3C0  }
0x43: {  	[tilespmem:s14], [sflag:$0x2] =	stream.linear.gather [hbm4b:s22+s3], $0x40, $0x38;
	[tilespmem:$0x14C00] =	vst v63  }
0x44: {  	_ =	swait.ge [sflag:s28], $0x40  }
0x45: {  	[sflag:s28] =	ssyncset.done $0x0  }
0x46: {  	[sflag:s28] =	ssyncadd.s32 $0xFFFFFFC0  }
0x47: {  	_ =	swait.ge [sflag:s28], $0x40  }
0x48: {  	[sflag:s28] =	ssyncset.done $0x0  }
0x49: {  	[sflag:s28] =	ssyncadd.s32 $0xFFFFFFC0  }
0x4a: {  	_ =	swait.ge [sflag:s28], $0x40  }
0x4b: {  	[sflag:s28] =	ssyncset.done $0x0  }
0x4c: {  	[sflag:s28] =	ssyncadd.s32 $0xFFFFFFC0  }
0x4d: {  	_ =	swait.ge [sflag:s28], $0x40  }
0x4e: {  	[sflag:s28] =	ssyncset.done $0x0  }
0x4f: {  	[sflag:s28] =	ssyncadd.s32 $0xFFFFFFC0  }
0x50: {  	_ =	swait.ge [sflag:s28], $0x40  }
0x51: {  	[sflag:s28] =	ssyncset.done $0x0  }
0x52: {  	[sflag:s28] =	ssyncadd.s32 $0xFFFFFFC0  }
0x53: {  	_ =	swait.ge [sflag:s28], $0x40  }
0x54: {  	[sflag:s28] =	ssyncset.done $0x0  }
0x55: {  	[sflag:s28] =	ssyncadd.s32 $0xFFFFFFC0  }
0x56: {  	_ =	swait.ge [sflag:s28], $0x40  }
0x57: {  	[sflag:s28] =	ssyncset.done $0x0  }
0x58: {  	[sflag:s28] =	ssyncadd.s32 $0xFFFFFFC0  }
0x59: {  	_ =	swait.ge [sflag:s28], $0x40  }
0x5a: {  	[sflag:s28] =	ssyncset.done $0x0  }
0x5b: {  	[sflag:s28] =	ssyncadd.s32 $0xFFFFFFC0  }
0x5c: {  	_ =	swait.ge [sflag:s28], $0x40  }
0x5d: {  	[sflag:s28] =	ssyncset.done $0x0  }
0x5e: {  	[sflag:s28] =	ssyncadd.s32 $0xFFFFFFC0  }
0x5f: {  	_ =	swait.ge [sflag:s28], $0x40  }
0x60: {  	[sflag:s28] =	ssyncset.done $0x0  }
0x61: {  	[sflag:s28] =	ssyncadd.s32 $0xFFFFFFC0  }
0x62: {  	_ =	swait.ge [sflag:s28], $0x40  }
0x63: {  	[sflag:s28] =	ssyncset.done $0x0  }
0x64: {  	[sflag:s28] =	ssyncadd.s32 $0xFFFFFFC0  }
0x65: {  	_ =	swait.ge [sflag:s28], $0x40  }
0x66: {  	[sflag:s28] =	ssyncset.done $0x0  }
0x67: {  	[sflag:s28] =	ssyncadd.s32 $0xFFFFFFC0  }
0x68: {  	_ =	swait.ge [sflag:s28], $0x40  }
0x69: {  	[sflag:s28] =	ssyncset.done $0x0  }
0x6a: {  	[sflag:s28] =	ssyncadd.s32 $0xFFFFFFC0  }
0x6b: {  	_ =	swait.ge [sflag:s28], $0x40  }
0x6c: {  	[sflag:s28] =	ssyncset.done $0x0  }
0x6d: {  	[sflag:s28] =	ssyncadd.s32 $0xFFFFFFC0  }
0x6e: {  	_ =	swait.ge [sflag:s28], $0x40  }
0x6f: {  	[sflag:s28] =	ssyncset.done $0x0  }
0x70: {  	[sflag:s28] =	ssyncadd.s32 $0xFFFFFFC0  }
0x71: {  	_ =	swait.ge [sflag:s28], $0x40  }
0x72: {  	[sflag:s28] =	ssyncset.done $0x0  }
0x73: {  	[sflag:s28] =	ssyncadd.s32 $0xFFFFFFC0  }
0x74: {  	v3 =	vld [tilespmem:$0x0]  }
0x75: {  	v4 =	vld [tilespmem:$0x10];
	_ =	sdelay $0x1  }
0x76: {  	v5 =	vld [tilespmem:$0x20];
	_ =	sdelay $0x1  }
0x77: {  	v6 =	vld [tilespmem:$0x30]  }
0x78: {  	vm0 =	vlt.s32 v3, v4  }
0x79: {  	v3 =	vsel vm0, v3, v4  }
0x7a: {  	vm0 =	vlt.s32 v3, v5  }
0x7b: {  	v3 =	vsel vm0, v3, v5  }
0x7c: {  	vm0 =	vlt.s32 v3, v6  }
0x7d: {  	v3 =	vsel vm0, v3, v6  }
0x7e: {  	v63 =	vperm.xlane v3, v1;
	_ =	sdelay $0x1  }
0x7f: {  	vm0 =	vlt.s32 v3, v63  }
0x80: {  	v3 =	vsel vm0, v3, v63  }
0x81: {  	v4 =	vperm.xlane v3, v1;
	_ =	sdelay $0x1  }
0x82: {  	vm0 =	vlt.s32 v3, v4  }
0x83: {  	v3 =	vsel vm0, v3, v4  }
0x84: {  	v4 =	vperm.xlane v3, v1;
	_ =	sdelay $0x1  }
0x85: {  	vm0 =	vlt.s32 v3, v4  }
0x86: {  	v3 =	vsel vm0, v3, v4  }
0x87: {  	v4 =	vperm.xlane v3, v1;
	_ =	sdelay $0x1  }
0x88: {  	vm0 =	vlt.s32 v3, v4  }
0x89: {  	v3 =	vsel vm0, v3, v4  }
0x8a: {  	(v2sf) =	vpush v3, $0x0;
	_ =	sdelay $0xe  }
0x8b: {  	s15 =	spop (v2sf)  }
0x8c: {  	s2 =	sand.u32 $0xFFFFFFF8, s15  }
0x8d: {  	p0 =	slt.s32 s2, $0x1C0  }
.Ltmp2:
0x8e: {  	s2 =	simm.s32 @!p0 $0x1C0;
	(pc) =	sbr.rel .LBB2_2-.Ltmp2, $4  }
0x8f: {  	s16 =	sshll.u32 s2, $0x5  }
0x90: {  	s26 =	simm.s32 $0x400;
	s5 =	sadd.s32 s1, s16  }
0x91: {  	[tilespmem:s26], [sflag:$0x3] =	stream.linear.gather [hbm4b:s5+s3], $0x4000, $0x38;
	[tilespmem:$0x14C00] =	vst v63  }
0x92: {  	s29 =	simm.s32 $0x0;
	p0 =	por $0x0, $0x0;
	s26 =	simm.s32 $0x0  }
.LBB2_11:
0x93: {  	p1 =	sne.s32 s7, $0x10  }
.Ltmp3:
0x94: {  	_ = 	snop;
	(pc) =	sbr.rel @!p1 .LBB2_12-.Ltmp3, $4  }
0x95: {  	_ = 	snop  }
0x96: {  	s5 =	sshll.u32 s29, $0x10;
	p0 =	por !p0, !p0  }
0x97: {  	s26 =	sadd.s32 $0x40, s26;
	s29 =	smov.u32 s7;
	s5 =	sadd.s32 s5, s23  }
0x98: {  	[hbm4b:s5+s3] =	stream.linear.scatter [tilespmem:s6], [sflag:$0x1], $0x4000, $0x38;
	[tilespmem:$0x14C00] =	vst v63  }
.LBB2_2:
0x99: {  	p1 =	slt.u32 s29, $0x2  }
0x9a: {  	s5 =	sshll.u32 s29, $0x6;
	s6 =	simm.s32 @!p1 $0x1  }
0x9b: {  	s11 =	sand.u32 $0x40, s5;
	_ =	swait.ge @!p1 [sflag:s6], $0x4000  }
0x9c: {  	s10 =	sshll.u32 s11, $0x8;
	[sflag:s6] =	ssyncset.done @!p1 $0x0  }
0x9d: {  	[sflag:s6] =	ssyncadd.s32 @!p1 $0xFFFFC000;
	s6 =	sadd.s32 $0x8400, s10  }
0x9e: {  	[tilespmem:s6], [sflag:$0x4] =	stream.linear.gather [spmem:s4], $0x4000, $0x38;
	[tilespmem:$0x14C00] =	vst v63  }
0x9f: {  	_ =	swait.ge [sflag:s25], $0x4000  }
0xa0: {  	[sflag:s25] =	ssyncset.done $0x0  }
0xa1: {  	[sflag:s25] =	ssyncadd.s32 $0xFFFFC000  }
0xa2: {  	s7 =	sadd.s32 $0x1, s29;
	_ =	swait.ge [sflag:s31], $0x4000  }
0xa3: {  	s8 =	smin.u32 s7, $0xF;
	[sflag:s31] =	ssyncset.done $0x0  }
0xa4: {  	s8 =	sshll.u32 s8, $0x6;
	[sflag:s31] =	ssyncadd.s32 $0xFFFFC000  }
0xa5: {  	v3 =	vld [tilespmem:s8+$0x0]  }
0xa6: {  	v4 =	vld [tilespmem:s8+$0x10];
	_ =	sdelay $0x1  }
0xa7: {  	v5 =	vld [tilespmem:s8+$0x20];
	_ =	sdelay $0x1  }
0xa8: {  	v6 =	vld [tilespmem:s8+$0x30]  }
0xa9: {  	vm0 =	vlt.s32 v3, v4  }
0xaa: {  	v3 =	vsel vm0, v3, v4  }
0xab: {  	vm0 =	vlt.s32 v3, v5  }
0xac: {  	v3 =	vsel vm0, v3, v5  }
0xad: {  	vm0 =	vlt.s32 v3, v6  }
0xae: {  	v3 =	vsel vm0, v3, v6  }
0xaf: {  	v4 =	vperm.xlane v3, v1;
	_ =	sdelay $0x1  }
0xb0: {  	vm0 =	vlt.s32 v3, v4  }
0xb1: {  	v3 =	vsel vm0, v3, v4  }
0xb2: {  	v4 =	vperm.xlane v3, v1;
	_ =	sdelay $0x1  }
0xb3: {  	vm0 =	vlt.s32 v3, v4  }
0xb4: {  	v3 =	vsel vm0, v3, v4  }
0xb5: {  	v4 =	vperm.xlane v3, v1;
	_ =	sdelay $0x1  }
0xb6: {  	vm0 =	vlt.s32 v3, v4  }
0xb7: {  	v3 =	vsel vm0, v3, v4  }
0xb8: {  	v4 =	vperm.xlane v3, v1;
	_ =	sdelay $0x1  }
0xb9: {  	vm0 =	vlt.s32 v3, v4  }
0xba: {  	v3 =	vsel vm0, v3, v4  }
0xbb: {  	(v2sf) =	vpush v3, $0x0;
	_ =	sdelay $0xe  }
0xbc: {  	s16 =	spop (v2sf)  }
0xbd: {  	s8 =	smov.u32 s2;
	s2 =	sand.u32 $0xFFFFFFF8, s16  }
0xbe: {  	s13 =	simm.s32 $0x1;
	p1 =	slt.s32 s2, $0x1C0  }
0xbf: {  	s13 =	simm.s32 @!p0 $0x0;
	s2 =	simm.s32 @!p1 $0x1C0;
	p1 =	seq.s32 s29, $0xF  }
0xc0: {  	s13 =	sshll.u32 s13, $0x6;
	s9 =	sshll.u32 @!p1 s7, $0x11;
	s12 =	sshll.u32 @!p1 s2, $0x8  }
.Ltmp4:
0xc1: {  	s9 =	sadd.s32 @!p1 s9, s12;
	s12 =	sshll.u32 @!p1 s7, $0xE;
	(pc) =	sbr.rel .LBB2_3-.Ltmp4, $4  }
0xc2: {  	s10 =	sadd.s32 $0x400, s10;
	v4 =	vmov s26;
	s12 =	sand.u32 @!p1 $0x4000, s12;
	s9 =	sshrl.u32 @!p1 s9, $0x3  }
0xc3: {  	s14 =	simm.s32 @!p1 $0x0;
	s9 =	sadd.s32 @!p1 s1, s9;
	s12 =	sor.u32 @!p1 $0x400, s12  }
0xc4: {  	[tilespmem:s12], [sflag:$0x3] =	stream.linear.gather @!p1 [hbm4b:s9+s14], $0x4000, $0x38;
	[tilespmem:$0x14C00] =	vst v63  }
0xc5: {  	v3 =	vmov s11;
	s11 =	simm.s32 $0x0;
	s9 =	sshll.u32 s29, $0x11;
	s14 =	simm.s32 $0x40  }
.LBB2_9:
0xc6: {  	s14 =	simm.s32 $0x0  }
.LBB2_10:
0xc7: {  	s11 =	sadd.s32 $0x1, s11  }
0xc8: {  	p1 =	sne.s32 s11, $0xC  }
.Ltmp5:
0xc9: {  	_ = 	snop;
	(pc) =	sbr.rel @!p1 .LBB2_11-.Ltmp5, $1  }
0xca: {  	_ =	sdelay $0x3  }
.LBB2_3:
0xcb: {  	p1 =	seq.s32 s11, $0x0  }
0xcc: {  	p2 =	slt.s32 @!p1 s14, $0x1  }
0xcd: {  	p1 =	por p1, p2  }
.Ltmp6:
0xce: {  	_ = 	snop;
	(pc) =	sbr.rel @p1 .LBB2_8-.Ltmp6, $4  }
0xcf: {  	_ = 	snop  }
0xd0: {  	s12 =	sand.u32 $0xFFFFFFF8, s8  }
0xd1: {  	p3 =	slt.s32 s12, $0x1C0  }
0xd2: {  	s12 =	simm.s32 @!p3 $0x1C0  }
0xd3: {  	s8 =	sshll.u32 s12, $0x8  }
0xd4: {  	s8 =	sadd.s32 s9, s8  }
0xd5: {  	s8 =	sshrl.u32 s8, $0x3  }
.Ltmp7:
0xd6: {  	s8 =	sadd.s32 s1, s8;
	(pc) =	sbr.rel .LBB2_5-.Ltmp7, $4  }
0xd7: {  	[tilespmem:s10], [sflag:$0x4] =	stream.linear.gather [hbm4b:s8+s3], $0x4000, $0x38;
	[tilespmem:$0x14C00] =	vst v63  }
0xd8: {  	_ =	swait.ge [sflag:s25], $0x4000  }
0xd9: {  	[sflag:s25] =	ssyncset.done $0x0  }
0xda: {  	[sflag:s25] =	ssyncadd.s32 $0xFFFFC000  }
.LBB2_8:
0xdb: {  	p1 =	slt.s32 s14, $0x1  }
.Ltmp8:
0xdc: {  	_ = 	snop;
	(pc) =	sbr.rel @p1 .LBB2_9-.Ltmp8, $1  }
0xdd: {  	_ =	sdelay $0x3  }
.LBB2_5:
0xde: {  	v6 =	vmov s12;
	s8 =	sadd.s32 $0x40, s12  }
0xdf: {  	s12 =	simm.s32 $0x0;
	v5 =	vmov s8;
	v7 =	vsub.s32 v3, v6;
	s8 =	smov.u32 s13  }
.LBB2_6:
0xe0: {  	s14 =	sshra.s32 s12, $0x2  }
0xe1: {  	v8 =	vld.idx.msk [tilespmem:v4+s14+$0x0 ss:$0x1], $0xffff;
	_ =	sdelay $0x4  }
0xe2: {  	vm0 =	vge.s32 v8, v6;
	vm1 =	vlt.s32 v8, v5  }
0xe3: {  	v8 =	vadd.s32 v8, v7;
	vm0 =	vmand vm0, vm1  }
0xe4: {  	v8 =	vsel vm0, v8, v3  }
0xe5: {  	(v2sf) =	vpush v8, $0x0;
	_ =	sdelay $0x2  }
0xe6: {  	v9 =	vor.u32 s8, v0  }
0xe7: {  	v9 =	vnsel vm0, $0x80, v9  }
0xe8: {  	(v2sf) =	vpush v9, $0x0;
	_ =	sdelay $0x9  }
0xe9: {  	s16 =	spop (v2sf)  }
0xea: {  	s15 =	sshll.u32 s16, $0x8;
	s14 =	sshll.u32 s16, $0x7  }
0xeb: {  	s15 =	sand.u32 $0xFFFFF800, s15;
	s14 =	sand.u32 $0x380, s14  }
0xec: {  	s14 =	sor.u32 s14, s15  }
0xed: {  	v10 =	vld [tilespmem:s14+$0x400]  }
0xee: {  	s15 =	spop (v2sf)  }
0xef: {  	s16 =	sshll.u32 s15, $0x7;
	s15 =	sshll.u32 s15, $0xA  }
0xf0: {  	s16 =	sand.u32 $0x380, s16;
	s15 =	sshra.s32 s15, $0x2  }
0xf1: {  	s15 =	sadd.s32 s16, s15  }
0xf2: {  	[tilespmem:s15+$0x8400] =	vst.add.f32.msk $0xffff, v10  }
0xf3: {  	v10 =	vld [tilespmem:s14+$0x410];
	_ =	sdelay $0x4  }
0xf4: {  	[tilespmem:s15+$0x8410] =	vst.add.f32.msk $0xffff, v10  }
0xf5: {  	v10 =	vld [tilespmem:s14+$0x420];
	_ =	sdelay $0x4  }
0xf6: {  	[tilespmem:s15+$0x8420] =	vst.add.f32.msk $0xffff, v10  }
0xf7: {  	v10 =	vld [tilespmem:s14+$0x430];
	_ =	sdelay $0x4  }
0xf8: {  	[tilespmem:s15+$0x8430] =	vst.add.f32.msk $0xffff, v10  }
0xf9: {  	v10 =	vld [tilespmem:s14+$0x440];
	_ =	sdelay $0x4  }
0xfa: {  	[tilespmem:s15+$0x8440] =	vst.add.f32.msk $0xffff, v10  }
0xfb: {  	v10 =	vld [tilespmem:s14+$0x450];
	_ =	sdelay $0x4  }
0xfc: {  	[tilespmem:s15+$0x8450] =	vst.add.f32.msk $0xffff, v10  }
0xfd: {  	v10 =	vld [tilespmem:s14+$0x460];
	_ =	sdelay $0x4  }
0xfe: {  	[tilespmem:s15+$0x8460] =	vst.add.f32.msk $0xffff, v10  }
0xff: {  	v10 =	vld [tilespmem:s14+$0x470];
	_ =	sdelay $0x4  }
0x100: {  	[tilespmem:s15+$0x8470] =	vst.add.f32.msk $0xffff, v10  }
0x101: {  	v10 =	vld [tilespmem:s14+$0x800];
	_ =	sdelay $0x4  }
0x102: {  	[tilespmem:s15+$0x8800] =	vst.add.f32.msk $0xffff, v10  }
0x103: {  	v10 =	vld [tilespmem:s14+$0x810];
	_ =	sdelay $0x4  }
0x104: {  	[tilespmem:s15+$0x8810] =	vst.add.f32.msk $0xffff, v10  }
0x105: {  	v10 =	vld [tilespmem:s14+$0x820];
	_ =	sdelay $0x4  }
0x106: {  	[tilespmem:s15+$0x8820] =	vst.add.f32.msk $0xffff, v10  }
0x107: {  	v10 =	vld [tilespmem:s14+$0x830];
	_ =	sdelay $0x4  }
0x108: {  	[tilespmem:s15+$0x8830] =	vst.add.f32.msk $0xffff, v10  }
0x109: {  	v10 =	vld [tilespmem:s14+$0x840];
	_ =	sdelay $0x4  }
0x10a: {  	(v2sf) =	vpush v8, $0x1;
	[tilespmem:s15+$0x8840] =	vst.add.f32.msk $0xffff, v10  }
0x10b: {  	v10 =	vld [tilespmem:s14+$0x850];
	_ =	sdelay $0x3  }
0x10c: {  	(v2sf) =	vpush v9, $0x1  }
0x10d: {  	[tilespmem:s15+$0x8850] =	vst.add.f32.msk $0xffff, v10  }
0x10e: {  	v10 =	vld [tilespmem:s14+$0x860];
	_ =	sdelay $0x4  }
0x10f: {  	[tilespmem:s15+$0x8860] =	vst.add.f32.msk $0xffff, v10  }
0x110: {  	v10 =	vld [tilespmem:s14+$0x870];
	_ =	sdelay $0x1  }
0x111: {  	s14 =	spop (v2sf)  }
0x112: {  	s16 =	sshll.u32 s14, $0x8;
	s14 =	sshll.u32 s14, $0x7  }
0x113: {  	s16 =	sand.u32 $0xFFFFF800, s16;
	s14 =	sand.u32 $0x380, s14  }
0x114: {  	s14 =	sor.u32 s14, s16;
	[tilespmem:s15+$0x8870] =	vst.add.f32.msk $0xffff, v10  }
0x115: {  	v10 =	vld [tilespmem:s14+$0x400]  }
0x116: {  	s15 =	spop (v2sf)  }
0x117: {  	s16 =	sshll.u32 s15, $0x8;
	s15 =	sshll.u32 s15, $0x7  }
0x118: {  	s16 =	sand.u32 $0xFFFFF800, s16;
	s15 =	sand.u32 $0x380, s15  }
0x119: {  	s15 =	sor.u32 s15, s16  }
0x11a: {  	[tilespmem:s15+$0x8400] =	vst.add.f32.msk $0xffff, v10  }
0x11b: {  	v10 =	vld [tilespmem:s14+$0x410];
	_ =	sdelay $0x4  }
0x11c: {  	[tilespmem:s15+$0x8410] =	vst.add.f32.msk $0xffff, v10  }
0x11d: {  	v10 =	vld [tilespmem:s14+$0x420];
	_ =	sdelay $0x4  }
0x11e: {  	[tilespmem:s15+$0x8420] =	vst.add.f32.msk $0xffff, v10  }
0x11f: {  	v10 =	vld [tilespmem:s14+$0x430];
	_ =	sdelay $0x4  }
0x120: {  	[tilespmem:s15+$0x8430] =	vst.add.f32.msk $0xffff, v10  }
0x121: {  	v10 =	vld [tilespmem:s14+$0x440];
	_ =	sdelay $0x4  }
0x122: {  	[tilespmem:s15+$0x8440] =	vst.add.f32.msk $0xffff, v10  }
0x123: {  	v10 =	vld [tilespmem:s14+$0x450];
	_ =	sdelay $0x4  }
0x124: {  	[tilespmem:s15+$0x8450] =	vst.add.f32.msk $0xffff, v10  }
0x125: {  	v10 =	vld [tilespmem:s14+$0x460];
	_ =	sdelay $0x4  }
0x126: {  	[tilespmem:s15+$0x8460] =	vst.add.f32.msk $0xffff, v10  }
0x127: {  	v10 =	vld [tilespmem:s14+$0x470];
	_ =	sdelay $0x4  }
0x128: {  	[tilespmem:s15+$0x8470] =	vst.add.f32.msk $0xffff, v10  }
0x129: {  	v10 =	vld [tilespmem:s14+$0x800];
	_ =	sdelay $0x4  }
0x12a: {  	[tilespmem:s15+$0x8800] =	vst.add.f32.msk $0xffff, v10  }
0x12b: {  	v10 =	vld [tilespmem:s14+$0x810];
	_ =	sdelay $0x4  }
0x12c: {  	[tilespmem:s15+$0x8810] =	vst.add.f32.msk $0xffff, v10  }
0x12d: {  	v10 =	vld [tilespmem:s14+$0x820];
	_ =	sdelay $0x4  }
0x12e: {  	[tilespmem:s15+$0x8820] =	vst.add.f32.msk $0xffff, v10  }
0x12f: {  	v10 =	vld [tilespmem:s14+$0x830];
	_ =	sdelay $0x4  }
0x130: {  	[tilespmem:s15+$0x8830] =	vst.add.f32.msk $0xffff, v10  }
0x131: {  	v10 =	vld [tilespmem:s14+$0x840];
	_ =	sdelay $0x4  }
0x132: {  	(v2sf) =	vpush v8, $0x2;
	[tilespmem:s15+$0x8840] =	vst.add.f32.msk $0xffff, v10  }
0x133: {  	v10 =	vld [tilespmem:s14+$0x850];
	_ =	sdelay $0x1  }
0x134: {  	(v2sf) =	vpush v9, $0x2;
	_ =	sdelay $0x2  }
0x135: {  	[tilespmem:s15+$0x8850] =	vst.add.f32.msk $0xffff, v10  }
0x136: {  	v10 =	vld [tilespmem:s14+$0x860];
	_ =	sdelay $0x4  }
0x137: {  	[tilespmem:s15+$0x8860] =	vst.add.f32.msk $0xffff, v10  }
0x138: {  	v10 =	vld [tilespmem:s14+$0x870];
	_ =	sdelay $0x1  }
0x139: {  	s14 =	spop (v2sf)  }
0x13a: {  	s16 =	sshll.u32 s14, $0x8;
	s14 =	sshll.u32 s14, $0x7  }
0x13b: {  	s16 =	sand.u32 $0xFFFFF800, s16;
	s14 =	sand.u32 $0x380, s14  }
0x13c: {  	s14 =	sor.u32 s14, s16;
	[tilespmem:s15+$0x8870] =	vst.add.f32.msk $0xffff, v10;
	s15 =	spop (v2sf)  }
0x13d: {  	v10 =	vld [tilespmem:s14+$0x400];
	_ =	sdelay $0x1  }
0x13e: {  	s16 =	sshll.u32 s15, $0x8;
	s15 =	sshll.u32 s15, $0x7  }
0x13f: {  	s16 =	sand.u32 $0xFFFFF800, s16;
	s15 =	sand.u32 $0x380, s15  }
0x140: {  	s15 =	sor.u32 s15, s16  }
0x141: {  	[tilespmem:s15+$0x8400] =	vst.add.f32.msk $0xffff, v10  }
0x142: {  	v10 =	vld [tilespmem:s14+$0x410];
	_ =	sdelay $0x4  }
0x143: {  	[tilespmem:s15+$0x8410] =	vst.add.f32.msk $0xffff, v10  }
0x144: {  	v10 =	vld [tilespmem:s14+$0x420];
	_ =	sdelay $0x4  }
0x145: {  	[tilespmem:s15+$0x8420] =	vst.add.f32.msk $0xffff, v10  }
0x146: {  	v10 =	vld [tilespmem:s14+$0x430];
	_ =	sdelay $0x4  }
0x147: {  	[tilespmem:s15+$0x8430] =	vst.add.f32.msk $0xffff, v10  }
0x148: {  	v10 =	vld [tilespmem:s14+$0x440];
	_ =	sdelay $0x4  }
0x149: {  	[tilespmem:s15+$0x8440] =	vst.add.f32.msk $0xffff, v10  }
0x14a: {  	v10 =	vld [tilespmem:s14+$0x450];
	_ =	sdelay $0x4  }
0x14b: {  	[tilespmem:s15+$0x8450] =	vst.add.f32.msk $0xffff, v10  }
0x14c: {  	v10 =	vld [tilespmem:s14+$0x460];
	_ =	sdelay $0x4  }
0x14d: {  	[tilespmem:s15+$0x8460] =	vst.add.f32.msk $0xffff, v10  }
0x14e: {  	v10 =	vld [tilespmem:s14+$0x470];
	_ =	sdelay $0x4  }
0x14f: {  	[tilespmem:s15+$0x8470] =	vst.add.f32.msk $0xffff, v10  }
0x150: {  	v10 =	vld [tilespmem:s14+$0x800];
	_ =	sdelay $0x4  }
0x151: {  	[tilespmem:s15+$0x8800] =	vst.add.f32.msk $0xffff, v10  }
0x152: {  	v10 =	vld [tilespmem:s14+$0x810];
	_ =	sdelay $0x4  }
0x153: {  	[tilespmem:s15+$0x8810] =	vst.add.f32.msk $0xffff, v10  }
0x154: {  	v10 =	vld [tilespmem:s14+$0x820];
	_ =	sdelay $0x4  }
0x155: {  	[tilespmem:s15+$0x8820] =	vst.add.f32.msk $0xffff, v10  }
0x156: {  	v10 =	vld [tilespmem:s14+$0x830];
	_ =	sdelay $0x4  }
0x157: {  	[tilespmem:s15+$0x8830] =	vst.add.f32.msk $0xffff, v10  }
0x158: {  	v10 =	vld [tilespmem:s14+$0x840];
	_ =	sdelay $0x4  }
0x159: {  	(v2sf) =	vpush v8, $0x3;
	[tilespmem:s15+$0x8840] =	vst.add.f32.msk $0xffff, v10  }
0x15a: {  	v10 =	vld [tilespmem:s14+$0x850];
	_ =	sdelay $0x3  }
0x15b: {  	(v2sf) =	vpush v9, $0x3  }
0x15c: {  	[tilespmem:s15+$0x8850] =	vst.add.f32.msk $0xffff, v10  }
0x15d: {  	v10 =	vld [tilespmem:s14+$0x860];
	_ =	sdelay $0x4  }
0x15e: {  	[tilespmem:s15+$0x8860] =	vst.add.f32.msk $0xffff, v10  }
0x15f: {  	v10 =	vld [tilespmem:s14+$0x870];
	_ =	sdelay $0x1  }
0x160: {  	s14 =	spop (v2sf)  }
0x161: {  	s16 =	sshll.u32 s14, $0x8;
	s14 =	sshll.u32 s14, $0x7  }
0x162: {  	s16 =	sand.u32 $0xFFFFF800, s16;
	s14 =	sand.u32 $0x380, s14  }
0x163: {  	s14 =	sor.u32 s14, s16;
	[tilespmem:s15+$0x8870] =	vst.add.f32.msk $0xffff, v10  }
0x164: {  	v10 =	vld [tilespmem:s14+$0x400]  }
0x165: {  	s15 =	spop (v2sf)  }
0x166: {  	s16 =	sshll.u32 s15, $0x8;
	s15 =	sshll.u32 s15, $0x7  }
0x167: {  	s16 =	sand.u32 $0xFFFFF800, s16;
	s15 =	sand.u32 $0x380, s15  }
0x168: {  	s15 =	sor.u32 s15, s16  }
0x169: {  	[tilespmem:s15+$0x8400] =	vst.add.f32.msk $0xffff, v10  }
0x16a: {  	v10 =	vld [tilespmem:s14+$0x410];
	_ =	sdelay $0x4  }
0x16b: {  	[tilespmem:s15+$0x8410] =	vst.add.f32.msk $0xffff, v10  }
0x16c: {  	v10 =	vld [tilespmem:s14+$0x420];
	_ =	sdelay $0x4  }
0x16d: {  	[tilespmem:s15+$0x8420] =	vst.add.f32.msk $0xffff, v10  }
0x16e: {  	v10 =	vld [tilespmem:s14+$0x430];
	_ =	sdelay $0x4  }
0x16f: {  	[tilespmem:s15+$0x8430] =	vst.add.f32.msk $0xffff, v10  }
0x170: {  	v10 =	vld [tilespmem:s14+$0x440];
	_ =	sdelay $0x4  }
0x171: {  	[tilespmem:s15+$0x8440] =	vst.add.f32.msk $0xffff, v10  }
0x172: {  	v10 =	vld [tilespmem:s14+$0x450];
	_ =	sdelay $0x4  }
0x173: {  	[tilespmem:s15+$0x8450] =	vst.add.f32.msk $0xffff, v10  }
0x174: {  	v10 =	vld [tilespmem:s14+$0x460];
	_ =	sdelay $0x4  }
0x175: {  	[tilespmem:s15+$0x8460] =	vst.add.f32.msk $0xffff, v10  }
0x176: {  	v10 =	vld [tilespmem:s14+$0x470];
	_ =	sdelay $0x4  }
0x177: {  	[tilespmem:s15+$0x8470] =	vst.add.f32.msk $0xffff, v10  }
0x178: {  	v10 =	vld [tilespmem:s14+$0x800];
	_ =	sdelay $0x4  }
0x179: {  	[tilespmem:s15+$0x8800] =	vst.add.f32.msk $0xffff, v10  }
0x17a: {  	v10 =	vld [tilespmem:s14+$0x810];
	_ =	sdelay $0x4  }
0x17b: {  	[tilespmem:s15+$0x8810] =	vst.add.f32.msk $0xffff, v10  }
0x17c: {  	v10 =	vld [tilespmem:s14+$0x820];
	_ =	sdelay $0x4  }
0x17d: {  	[tilespmem:s15+$0x8820] =	vst.add.f32.msk $0xffff, v10  }
0x17e: {  	v10 =	vld [tilespmem:s14+$0x830];
	_ =	sdelay $0x4  }
0x17f: {  	[tilespmem:s15+$0x8830] =	vst.add.f32.msk $0xffff, v10  }
0x180: {  	v10 =	vld [tilespmem:s14+$0x840];
	_ =	sdelay $0x4  }
0x181: {  	(v2sf) =	vpush v8, $0x4;
	[tilespmem:s15+$0x8840] =	vst.add.f32.msk $0xffff, v10  }
0x182: {  	v10 =	vld [tilespmem:s14+$0x850];
	_ =	sdelay $0x3  }
0x183: {  	(v2sf) =	vpush v9, $0x4  }
0x184: {  	[tilespmem:s15+$0x8850] =	vst.add.f32.msk $0xffff, v10  }
0x185: {  	v10 =	vld [tilespmem:s14+$0x860];
	_ =	sdelay $0x4  }
0x186: {  	[tilespmem:s15+$0x8860] =	vst.add.f32.msk $0xffff, v10  }
0x187: {  	v10 =	vld [tilespmem:s14+$0x870];
	_ =	sdelay $0x1  }
0x188: {  	s14 =	spop (v2sf)  }
0x189: {  	s16 =	sshll.u32 s14, $0x8;
	s14 =	sshll.u32 s14, $0x7  }
0x18a: {  	s16 =	sand.u32 $0xFFFFF800, s16;
	s14 =	sand.u32 $0x380, s14  }
0x18b: {  	s14 =	sor.u32 s14, s16;
	[tilespmem:s15+$0x8870] =	vst.add.f32.msk $0xffff, v10  }
0x18c: {  	v10 =	vld [tilespmem:s14+$0x400]  }
0x18d: {  	s15 =	spop (v2sf)  }
0x18e: {  	s16 =	sshll.u32 s15, $0x8;
	s15 =	sshll.u32 s15, $0x7  }
0x18f: {  	s16 =	sand.u32 $0xFFFFF800, s16;
	s15 =	sand.u32 $0x380, s15  }
0x190: {  	s15 =	sor.u32 s15, s16  }
0x191: {  	[tilespmem:s15+$0x8400] =	vst.add.f32.msk $0xffff, v10  }
0x192: {  	v10 =	vld [tilespmem:s14+$0x410];
	_ =	sdelay $0x4  }
0x193: {  	[tilespmem:s15+$0x8410] =	vst.add.f32.msk $0xffff, v10  }
0x194: {  	v10 =	vld [tilespmem:s14+$0x420];
	_ =	sdelay $0x4  }
0x195: {  	[tilespmem:s15+$0x8420] =	vst.add.f32.msk $0xffff, v10  }
0x196: {  	v10 =	vld [tilespmem:s14+$0x430];
	_ =	sdelay $0x4  }
0x197: {  	[tilespmem:s15+$0x8430] =	vst.add.f32.msk $0xffff, v10  }
0x198: {  	v10 =	vld [tilespmem:s14+$0x440];
	_ =	sdelay $0x4  }
0x199: {  	[tilespmem:s15+$0x8440] =	vst.add.f32.msk $0xffff, v10  }
0x19a: {  	v10 =	vld [tilespmem:s14+$0x450];
	_ =	sdelay $0x4  }
0x19b: {  	[tilespmem:s15+$0x8450] =	vst.add.f32.msk $0xffff, v10  }
0x19c: {  	v10 =	vld [tilespmem:s14+$0x460];
	_ =	sdelay $0x4  }
0x19d: {  	[tilespmem:s15+$0x8460] =	vst.add.f32.msk $0xffff, v10  }
0x19e: {  	v10 =	vld [tilespmem:s14+$0x470];
	_ =	sdelay $0x4  }
0x19f: {  	[tilespmem:s15+$0x8470] =	vst.add.f32.msk $0xffff, v10  }
0x1a0: {  	v10 =	vld [tilespmem:s14+$0x800];
	_ =	sdelay $0x4  }
0x1a1: {  	[tilespmem:s15+$0x8800] =	vst.add.f32.msk $0xffff, v10  }
0x1a2: {  	v10 =	vld [tilespmem:s14+$0x810];
	_ =	sdelay $0x4  }
0x1a3: {  	[tilespmem:s15+$0x8810] =	vst.add.f32.msk $0xffff, v10  }
0x1a4: {  	v10 =	vld [tilespmem:s14+$0x820];
	_ =	sdelay $0x4  }
0x1a5: {  	[tilespmem:s15+$0x8820] =	vst.add.f32.msk $0xffff, v10  }
0x1a6: {  	v10 =	vld [tilespmem:s14+$0x830];
	_ =	sdelay $0x4  }
0x1a7: {  	[tilespmem:s15+$0x8830] =	vst.add.f32.msk $0xffff, v10  }
0x1a8: {  	v10 =	vld [tilespmem:s14+$0x840];
	_ =	sdelay $0x4  }
0x1a9: {  	(v2sf) =	vpush v8, $0x5;
	[tilespmem:s15+$0x8840] =	vst.add.f32.msk $0xffff, v10  }
0x1aa: {  	v10 =	vld [tilespmem:s14+$0x850];
	_ =	sdelay $0x3  }
0x1ab: {  	(v2sf) =	vpush v9, $0x5  }
0x1ac: {  	[tilespmem:s15+$0x8850] =	vst.add.f32.msk $0xffff, v10  }
0x1ad: {  	v10 =	vld [tilespmem:s14+$0x860];
	_ =	sdelay $0x4  }
0x1ae: {  	[tilespmem:s15+$0x8860] =	vst.add.f32.msk $0xffff, v10  }
0x1af: {  	v10 =	vld [tilespmem:s14+$0x870];
	_ =	sdelay $0x1  }
0x1b0: {  	s14 =	spop (v2sf)  }
0x1b1: {  	s16 =	sshll.u32 s14, $0x8;
	s14 =	sshll.u32 s14, $0x7  }
0x1b2: {  	s16 =	sand.u32 $0xFFFFF800, s16;
	s14 =	sand.u32 $0x380, s14  }
0x1b3: {  	s14 =	sor.u32 s14, s16;
	[tilespmem:s15+$0x8870] =	vst.add.f32.msk $0xffff, v10  }
0x1b4: {  	v10 =	vld [tilespmem:s14+$0x400]  }
0x1b5: {  	s15 =	spop (v2sf)  }
0x1b6: {  	s16 =	sshll.u32 s15, $0x8;
	s15 =	sshll.u32 s15, $0x7  }
0x1b7: {  	s16 =	sand.u32 $0xFFFFF800, s16;
	s15 =	sand.u32 $0x380, s15  }
0x1b8: {  	s15 =	sor.u32 s15, s16  }
0x1b9: {  	[tilespmem:s15+$0x8400] =	vst.add.f32.msk $0xffff, v10  }
0x1ba: {  	v10 =	vld [tilespmem:s14+$0x410];
	_ =	sdelay $0x4  }
0x1bb: {  	[tilespmem:s15+$0x8410] =	vst.add.f32.msk $0xffff, v10  }
0x1bc: {  	v10 =	vld [tilespmem:s14+$0x420];
	_ =	sdelay $0x4  }
0x1bd: {  	[tilespmem:s15+$0x8420] =	vst.add.f32.msk $0xffff, v10  }
0x1be: {  	v10 =	vld [tilespmem:s14+$0x430];
	_ =	sdelay $0x4  }
0x1bf: {  	[tilespmem:s15+$0x8430] =	vst.add.f32.msk $0xffff, v10  }
0x1c0: {  	v10 =	vld [tilespmem:s14+$0x440];
	_ =	sdelay $0x4  }
0x1c1: {  	[tilespmem:s15+$0x8440] =	vst.add.f32.msk $0xffff, v10  }
0x1c2: {  	v10 =	vld [tilespmem:s14+$0x450];
	_ =	sdelay $0x4  }
0x1c3: {  	[tilespmem:s15+$0x8450] =	vst.add.f32.msk $0xffff, v10  }
0x1c4: {  	v10 =	vld [tilespmem:s14+$0x460];
	_ =	sdelay $0x4  }
0x1c5: {  	[tilespmem:s15+$0x8460] =	vst.add.f32.msk $0xffff, v10  }
0x1c6: {  	v10 =	vld [tilespmem:s14+$0x470];
	_ =	sdelay $0x4  }
0x1c7: {  	[tilespmem:s15+$0x8470] =	vst.add.f32.msk $0xffff, v10  }
0x1c8: {  	v10 =	vld [tilespmem:s14+$0x800];
	_ =	sdelay $0x4  }
0x1c9: {  	[tilespmem:s15+$0x8800] =	vst.add.f32.msk $0xffff, v10  }
0x1ca: {  	v10 =	vld [tilespmem:s14+$0x810];
	_ =	sdelay $0x4  }
0x1cb: {  	[tilespmem:s15+$0x8810] =	vst.add.f32.msk $0xffff, v10  }
0x1cc: {  	v10 =	vld [tilespmem:s14+$0x820];
	_ =	sdelay $0x4  }
0x1cd: {  	[tilespmem:s15+$0x8820] =	vst.add.f32.msk $0xffff, v10  }
0x1ce: {  	v10 =	vld [tilespmem:s14+$0x830];
	_ =	sdelay $0x4  }
0x1cf: {  	[tilespmem:s15+$0x8830] =	vst.add.f32.msk $0xffff, v10  }
0x1d0: {  	v10 =	vld [tilespmem:s14+$0x840];
	_ =	sdelay $0x4  }
0x1d1: {  	(v2sf) =	vpush v8, $0x6;
	[tilespmem:s15+$0x8840] =	vst.add.f32.msk $0xffff, v10  }
0x1d2: {  	v10 =	vld [tilespmem:s14+$0x850];
	_ =	sdelay $0x3  }
0x1d3: {  	(v2sf) =	vpush v9, $0x6  }
0x1d4: {  	[tilespmem:s15+$0x8850] =	vst.add.f32.msk $0xffff, v10  }
0x1d5: {  	v10 =	vld [tilespmem:s14+$0x860];
	_ =	sdelay $0x4  }
0x1d6: {  	[tilespmem:s15+$0x8860] =	vst.add.f32.msk $0xffff, v10  }
0x1d7: {  	v10 =	vld [tilespmem:s14+$0x870];
	_ =	sdelay $0x1  }
0x1d8: {  	s14 =	spop (v2sf)  }
0x1d9: {  	s16 =	sshll.u32 s14, $0x8;
	s14 =	sshll.u32 s14, $0x7  }
0x1da: {  	s16 =	sand.u32 $0xFFFFF800, s16;
	s14 =	sand.u32 $0x380, s14  }
0x1db: {  	s14 =	sor.u32 s14, s16;
	[tilespmem:s15+$0x8870] =	vst.add.f32.msk $0xffff, v10  }
0x1dc: {  	v10 =	vld [tilespmem:s14+$0x400]  }
0x1dd: {  	s15 =	spop (v2sf)  }
0x1de: {  	s16 =	sshll.u32 s15, $0x8;
	s15 =	sshll.u32 s15, $0x7  }
0x1df: {  	s16 =	sand.u32 $0xFFFFF800, s16;
	s15 =	sand.u32 $0x380, s15  }
0x1e0: {  	s15 =	sor.u32 s15, s16  }
0x1e1: {  	[tilespmem:s15+$0x8400] =	vst.add.f32.msk $0xffff, v10  }
0x1e2: {  	v10 =	vld [tilespmem:s14+$0x410];
	_ =	sdelay $0x4  }
0x1e3: {  	[tilespmem:s15+$0x8410] =	vst.add.f32.msk $0xffff, v10  }
0x1e4: {  	v10 =	vld [tilespmem:s14+$0x420];
	_ =	sdelay $0x4  }
0x1e5: {  	[tilespmem:s15+$0x8420] =	vst.add.f32.msk $0xffff, v10  }
0x1e6: {  	v10 =	vld [tilespmem:s14+$0x430];
	_ =	sdelay $0x4  }
0x1e7: {  	[tilespmem:s15+$0x8430] =	vst.add.f32.msk $0xffff, v10  }
0x1e8: {  	v10 =	vld [tilespmem:s14+$0x440];
	_ =	sdelay $0x4  }
0x1e9: {  	[tilespmem:s15+$0x8440] =	vst.add.f32.msk $0xffff, v10  }
0x1ea: {  	v10 =	vld [tilespmem:s14+$0x450];
	_ =	sdelay $0x4  }
0x1eb: {  	[tilespmem:s15+$0x8450] =	vst.add.f32.msk $0xffff, v10  }
0x1ec: {  	v10 =	vld [tilespmem:s14+$0x460];
	_ =	sdelay $0x4  }
0x1ed: {  	[tilespmem:s15+$0x8460] =	vst.add.f32.msk $0xffff, v10  }
0x1ee: {  	v10 =	vld [tilespmem:s14+$0x470];
	_ =	sdelay $0x4  }
0x1ef: {  	[tilespmem:s15+$0x8470] =	vst.add.f32.msk $0xffff, v10  }
0x1f0: {  	v10 =	vld [tilespmem:s14+$0x800];
	_ =	sdelay $0x4  }
0x1f1: {  	[tilespmem:s15+$0x8800] =	vst.add.f32.msk $0xffff, v10  }
0x1f2: {  	v10 =	vld [tilespmem:s14+$0x810];
	_ =	sdelay $0x4  }
0x1f3: {  	[tilespmem:s15+$0x8810] =	vst.add.f32.msk $0xffff, v10  }
0x1f4: {  	v10 =	vld [tilespmem:s14+$0x820];
	_ =	sdelay $0x4  }
0x1f5: {  	[tilespmem:s15+$0x8820] =	vst.add.f32.msk $0xffff, v10  }
0x1f6: {  	v10 =	vld [tilespmem:s14+$0x830];
	_ =	sdelay $0x4  }
0x1f7: {  	[tilespmem:s15+$0x8830] =	vst.add.f32.msk $0xffff, v10  }
0x1f8: {  	v10 =	vld [tilespmem:s14+$0x840];
	_ =	sdelay $0x4  }
0x1f9: {  	(v2sf) =	vpush v8, $0x7;
	[tilespmem:s15+$0x8840] =	vst.add.f32.msk $0xffff, v10  }
0x1fa: {  	v10 =	vld [tilespmem:s14+$0x850];
	_ =	sdelay $0x3  }
0x1fb: {  	(v2sf) =	vpush v9, $0x7  }
0x1fc: {  	[tilespmem:s15+$0x8850] =	vst.add.f32.msk $0xffff, v10  }
0x1fd: {  	v10 =	vld [tilespmem:s14+$0x860];
	_ =	sdelay $0x4  }
0x1fe: {  	[tilespmem:s15+$0x8860] =	vst.add.f32.msk $0xffff, v10  }
0x1ff: {  	v10 =	vld [tilespmem:s14+$0x870];
	_ =	sdelay $0x1  }
0x200: {  	s14 =	spop (v2sf)  }
0x201: {  	s16 =	sshll.u32 s14, $0x8;
	s14 =	sshll.u32 s14, $0x7  }
0x202: {  	s16 =	sand.u32 $0xFFFFF800, s16;
	s14 =	sand.u32 $0x380, s14  }
0x203: {  	s14 =	sor.u32 s14, s16;
	[tilespmem:s15+$0x8870] =	vst.add.f32.msk $0xffff, v10  }
0x204: {  	v10 =	vld [tilespmem:s14+$0x400]  }
0x205: {  	s15 =	spop (v2sf)  }
0x206: {  	s16 =	sshll.u32 s15, $0x8;
	s15 =	sshll.u32 s15, $0x7  }
0x207: {  	s16 =	sand.u32 $0xFFFFF800, s16;
	s15 =	sand.u32 $0x380, s15  }
0x208: {  	s15 =	sor.u32 s15, s16  }
0x209: {  	[tilespmem:s15+$0x8400] =	vst.add.f32.msk $0xffff, v10  }
0x20a: {  	v10 =	vld [tilespmem:s14+$0x410];
	_ =	sdelay $0x4  }
0x20b: {  	[tilespmem:s15+$0x8410] =	vst.add.f32.msk $0xffff, v10  }
0x20c: {  	v10 =	vld [tilespmem:s14+$0x420];
	_ =	sdelay $0x4  }
0x20d: {  	[tilespmem:s15+$0x8420] =	vst.add.f32.msk $0xffff, v10  }
0x20e: {  	v10 =	vld [tilespmem:s14+$0x430];
	_ =	sdelay $0x4  }
0x20f: {  	[tilespmem:s15+$0x8430] =	vst.add.f32.msk $0xffff, v10  }
0x210: {  	v10 =	vld [tilespmem:s14+$0x440];
	_ =	sdelay $0x4  }
0x211: {  	[tilespmem:s15+$0x8440] =	vst.add.f32.msk $0xffff, v10  }
0x212: {  	v10 =	vld [tilespmem:s14+$0x450];
	_ =	sdelay $0x4  }
0x213: {  	[tilespmem:s15+$0x8450] =	vst.add.f32.msk $0xffff, v10  }
0x214: {  	v10 =	vld [tilespmem:s14+$0x460];
	_ =	sdelay $0x4  }
0x215: {  	[tilespmem:s15+$0x8460] =	vst.add.f32.msk $0xffff, v10  }
0x216: {  	v10 =	vld [tilespmem:s14+$0x470];
	_ =	sdelay $0x4  }
0x217: {  	[tilespmem:s15+$0x8470] =	vst.add.f32.msk $0xffff, v10  }
0x218: {  	v10 =	vld [tilespmem:s14+$0x800];
	_ =	sdelay $0x4  }
0x219: {  	[tilespmem:s15+$0x8800] =	vst.add.f32.msk $0xffff, v10  }
0x21a: {  	v10 =	vld [tilespmem:s14+$0x810];
	_ =	sdelay $0x4  }
0x21b: {  	[tilespmem:s15+$0x8810] =	vst.add.f32.msk $0xffff, v10  }
0x21c: {  	v10 =	vld [tilespmem:s14+$0x820];
	_ =	sdelay $0x4  }
0x21d: {  	[tilespmem:s15+$0x8820] =	vst.add.f32.msk $0xffff, v10  }
0x21e: {  	v10 =	vld [tilespmem:s14+$0x830];
	_ =	sdelay $0x4  }
0x21f: {  	[tilespmem:s15+$0x8830] =	vst.add.f32.msk $0xffff, v10  }
0x220: {  	v10 =	vld [tilespmem:s14+$0x840];
	_ =	sdelay $0x4  }
0x221: {  	(v2sf) =	vpush v8, $0x8;
	[tilespmem:s15+$0x8840] =	vst.add.f32.msk $0xffff, v10  }
0x222: {  	v10 =	vld [tilespmem:s14+$0x850];
	_ =	sdelay $0x3  }
0x223: {  	(v2sf) =	vpush v9, $0x8  }
0x224: {  	[tilespmem:s15+$0x8850] =	vst.add.f32.msk $0xffff, v10  }
0x225: {  	v10 =	vld [tilespmem:s14+$0x860];
	_ =	sdelay $0x4  }
0x226: {  	[tilespmem:s15+$0x8860] =	vst.add.f32.msk $0xffff, v10  }
0x227: {  	v10 =	vld [tilespmem:s14+$0x870];
	_ =	sdelay $0x1  }
0x228: {  	s14 =	spop (v2sf)  }
0x229: {  	s16 =	sshll.u32 s14, $0x8;
	s14 =	sshll.u32 s14, $0x7  }
0x22a: {  	s16 =	sand.u32 $0xFFFFF800, s16;
	s14 =	sand.u32 $0x380, s14  }
0x22b: {  	s14 =	sor.u32 s14, s16;
	[tilespmem:s15+$0x8870] =	vst.add.f32.msk $0xffff, v10  }
0x22c: {  	v10 =	vld [tilespmem:s14+$0x400]  }
0x22d: {  	s15 =	spop (v2sf)  }
0x22e: {  	s16 =	sshll.u32 s15, $0x7;
	s15 =	sshll.u32 s15, $0xA  }
0x22f: {  	s16 =	sand.u32 $0x380, s16;
	s15 =	sshra.s32 s15, $0x2  }
0x230: {  	s15 =	sadd.s32 s16, s15  }
0x231: {  	[tilespmem:s15+$0x8400] =	vst.add.f32.msk $0xffff, v10  }
0x232: {  	v10 =	vld [tilespmem:s14+$0x410];
	_ =	sdelay $0x4  }
0x233: {  	[tilespmem:s15+$0x8410] =	vst.add.f32.msk $0xffff, v10  }
0x234: {  	v10 =	vld [tilespmem:s14+$0x420];
	_ =	sdelay $0x4  }
0x235: {  	[tilespmem:s15+$0x8420] =	vst.add.f32.msk $0xffff, v10  }
0x236: {  	v10 =	vld [tilespmem:s14+$0x430];
	_ =	sdelay $0x4  }
0x237: {  	[tilespmem:s15+$0x8430] =	vst.add.f32.msk $0xffff, v10  }
0x238: {  	v10 =	vld [tilespmem:s14+$0x440];
	_ =	sdelay $0x4  }
0x239: {  	[tilespmem:s15+$0x8440] =	vst.add.f32.msk $0xffff, v10  }
0x23a: {  	v10 =	vld [tilespmem:s14+$0x450];
	_ =	sdelay $0x4  }
0x23b: {  	[tilespmem:s15+$0x8450] =	vst.add.f32.msk $0xffff, v10  }
0x23c: {  	v10 =	vld [tilespmem:s14+$0x460];
	_ =	sdelay $0x4  }
0x23d: {  	[tilespmem:s15+$0x8460] =	vst.add.f32.msk $0xffff, v10  }
0x23e: {  	v10 =	vld [tilespmem:s14+$0x470];
	_ =	sdelay $0x4  }
0x23f: {  	[tilespmem:s15+$0x8470] =	vst.add.f32.msk $0xffff, v10  }
0x240: {  	v10 =	vld [tilespmem:s14+$0x800];
	_ =	sdelay $0x4  }
0x241: {  	[tilespmem:s15+$0x8800] =	vst.add.f32.msk $0xffff, v10  }
0x242: {  	v10 =	vld [tilespmem:s14+$0x810];
	_ =	sdelay $0x4  }
0x243: {  	[tilespmem:s15+$0x8810] =	vst.add.f32.msk $0xffff, v10  }
0x244: {  	v10 =	vld [tilespmem:s14+$0x820];
	_ =	sdelay $0x4  }
0x245: {  	[tilespmem:s15+$0x8820] =	vst.add.f32.msk $0xffff, v10  }
0x246: {  	v10 =	vld [tilespmem:s14+$0x830];
	_ =	sdelay $0x4  }
0x247: {  	[tilespmem:s15+$0x8830] =	vst.add.f32.msk $0xffff, v10  }
0x248: {  	v10 =	vld [tilespmem:s14+$0x840];
	_ =	sdelay $0x4  }
0x249: {  	(v2sf) =	vpush v8, $0x9;
	[tilespmem:s15+$0x8840] =	vst.add.f32.msk $0xffff, v10  }
0x24a: {  	v10 =	vld [tilespmem:s14+$0x850];
	_ =	sdelay $0x3  }
0x24b: {  	(v2sf) =	vpush v9, $0x9  }
0x24c: {  	[tilespmem:s15+$0x8850] =	vst.add.f32.msk $0xffff, v10  }
0x24d: {  	v10 =	vld [tilespmem:s14+$0x860];
	_ =	sdelay $0x4  }
0x24e: {  	[tilespmem:s15+$0x8860] =	vst.add.f32.msk $0xffff, v10  }
0x24f: {  	v10 =	vld [tilespmem:s14+$0x870];
	_ =	sdelay $0x1  }
0x250: {  	s14 =	spop (v2sf)  }
0x251: {  	s16 =	sshll.u32 s14, $0x8;
	s14 =	sshll.u32 s14, $0x7  }
0x252: {  	s16 =	sand.u32 $0xFFFFF800, s16;
	s14 =	sand.u32 $0x380, s14  }
0x253: {  	s14 =	sor.u32 s14, s16;
	[tilespmem:s15+$0x8870] =	vst.add.f32.msk $0xffff, v10  }
0x254: {  	v10 =	vld [tilespmem:s14+$0x400]  }
0x255: {  	s15 =	spop (v2sf)  }
0x256: {  	s16 =	sshll.u32 s15, $0x8;
	s15 =	sshll.u32 s15, $0x7  }
0x257: {  	s16 =	sand.u32 $0xFFFFF800, s16;
	s15 =	sand.u32 $0x380, s15  }
0x258: {  	s15 =	sor.u32 s15, s16  }
0x259: {  	[tilespmem:s15+$0x8400] =	vst.add.f32.msk $0xffff, v10  }
0x25a: {  	v10 =	vld [tilespmem:s14+$0x410];
	_ =	sdelay $0x4  }
0x25b: {  	[tilespmem:s15+$0x8410] =	vst.add.f32.msk $0xffff, v10  }
0x25c: {  	v10 =	vld [tilespmem:s14+$0x420];
	_ =	sdelay $0x4  }
0x25d: {  	[tilespmem:s15+$0x8420] =	vst.add.f32.msk $0xffff, v10  }
0x25e: {  	v10 =	vld [tilespmem:s14+$0x430];
	_ =	sdelay $0x4  }
0x25f: {  	[tilespmem:s15+$0x8430] =	vst.add.f32.msk $0xffff, v10  }
0x260: {  	v10 =	vld [tilespmem:s14+$0x440];
	_ =	sdelay $0x4  }
0x261: {  	[tilespmem:s15+$0x8440] =	vst.add.f32.msk $0xffff, v10  }
0x262: {  	v10 =	vld [tilespmem:s14+$0x450];
	_ =	sdelay $0x4  }
0x263: {  	[tilespmem:s15+$0x8450] =	vst.add.f32.msk $0xffff, v10  }
0x264: {  	v10 =	vld [tilespmem:s14+$0x460];
	_ =	sdelay $0x4  }
0x265: {  	[tilespmem:s15+$0x8460] =	vst.add.f32.msk $0xffff, v10  }
0x266: {  	v10 =	vld [tilespmem:s14+$0x470];
	_ =	sdelay $0x4  }
0x267: {  	[tilespmem:s15+$0x8470] =	vst.add.f32.msk $0xffff, v10  }
0x268: {  	v10 =	vld [tilespmem:s14+$0x800];
	_ =	sdelay $0x4  }
0x269: {  	[tilespmem:s15+$0x8800] =	vst.add.f32.msk $0xffff, v10  }
0x26a: {  	v10 =	vld [tilespmem:s14+$0x810];
	_ =	sdelay $0x4  }
0x26b: {  	[tilespmem:s15+$0x8810] =	vst.add.f32.msk $0xffff, v10  }
0x26c: {  	v10 =	vld [tilespmem:s14+$0x820];
	_ =	sdelay $0x4  }
0x26d: {  	[tilespmem:s15+$0x8820] =	vst.add.f32.msk $0xffff, v10  }
0x26e: {  	v10 =	vld [tilespmem:s14+$0x830];
	_ =	sdelay $0x4  }
0x26f: {  	[tilespmem:s15+$0x8830] =	vst.add.f32.msk $0xffff, v10  }
0x270: {  	v10 =	vld [tilespmem:s14+$0x840];
	_ =	sdelay $0x4  }
0x271: {  	(v2sf) =	vpush v8, $0xA;
	[tilespmem:s15+$0x8840] =	vst.add.f32.msk $0xffff, v10  }
0x272: {  	v10 =	vld [tilespmem:s14+$0x850];
	_ =	sdelay $0x3  }
0x273: {  	(v2sf) =	vpush v9, $0xA  }
0x274: {  	[tilespmem:s15+$0x8850] =	vst.add.f32.msk $0xffff, v10  }
0x275: {  	v10 =	vld [tilespmem:s14+$0x860];
	_ =	sdelay $0x4  }
0x276: {  	[tilespmem:s15+$0x8860] =	vst.add.f32.msk $0xffff, v10  }
0x277: {  	v10 =	vld [tilespmem:s14+$0x870];
	_ =	sdelay $0x1  }
0x278: {  	s14 =	spop (v2sf)  }
0x279: {  	s16 =	sshll.u32 s14, $0x8;
	s14 =	sshll.u32 s14, $0x7  }
0x27a: {  	s16 =	sand.u32 $0xFFFFF800, s16;
	s14 =	sand.u32 $0x380, s14  }
0x27b: {  	s14 =	sor.u32 s14, s16;
	[tilespmem:s15+$0x8870] =	vst.add.f32.msk $0xffff, v10  }
0x27c: {  	v10 =	vld [tilespmem:s14+$0x400]  }
0x27d: {  	s15 =	spop (v2sf)  }
0x27e: {  	s16 =	sshll.u32 s15, $0x8;
	s15 =	sshll.u32 s15, $0x7  }
0x27f: {  	s16 =	sand.u32 $0xFFFFF800, s16;
	s15 =	sand.u32 $0x380, s15  }
0x280: {  	s15 =	sor.u32 s15, s16  }
0x281: {  	[tilespmem:s15+$0x8400] =	vst.add.f32.msk $0xffff, v10  }
0x282: {  	v10 =	vld [tilespmem:s14+$0x410];
	_ =	sdelay $0x4  }
0x283: {  	[tilespmem:s15+$0x8410] =	vst.add.f32.msk $0xffff, v10  }
0x284: {  	v10 =	vld [tilespmem:s14+$0x420];
	_ =	sdelay $0x4  }
0x285: {  	[tilespmem:s15+$0x8420] =	vst.add.f32.msk $0xffff, v10  }
0x286: {  	v10 =	vld [tilespmem:s14+$0x430];
	_ =	sdelay $0x4  }
0x287: {  	[tilespmem:s15+$0x8430] =	vst.add.f32.msk $0xffff, v10  }
0x288: {  	v10 =	vld [tilespmem:s14+$0x440];
	_ =	sdelay $0x4  }
0x289: {  	[tilespmem:s15+$0x8440] =	vst.add.f32.msk $0xffff, v10  }
0x28a: {  	v10 =	vld [tilespmem:s14+$0x450];
	_ =	sdelay $0x4  }
0x28b: {  	[tilespmem:s15+$0x8450] =	vst.add.f32.msk $0xffff, v10  }
0x28c: {  	v10 =	vld [tilespmem:s14+$0x460];
	_ =	sdelay $0x4  }
0x28d: {  	[tilespmem:s15+$0x8460] =	vst.add.f32.msk $0xffff, v10  }
0x28e: {  	v10 =	vld [tilespmem:s14+$0x470];
	_ =	sdelay $0x4  }
0x28f: {  	[tilespmem:s15+$0x8470] =	vst.add.f32.msk $0xffff, v10  }
0x290: {  	v10 =	vld [tilespmem:s14+$0x800];
	_ =	sdelay $0x4  }
0x291: {  	[tilespmem:s15+$0x8800] =	vst.add.f32.msk $0xffff, v10  }
0x292: {  	v10 =	vld [tilespmem:s14+$0x810];
	_ =	sdelay $0x4  }
0x293: {  	[tilespmem:s15+$0x8810] =	vst.add.f32.msk $0xffff, v10  }
0x294: {  	v10 =	vld [tilespmem:s14+$0x820];
	_ =	sdelay $0x4  }
0x295: {  	[tilespmem:s15+$0x8820] =	vst.add.f32.msk $0xffff, v10  }
0x296: {  	v10 =	vld [tilespmem:s14+$0x830];
	_ =	sdelay $0x4  }
0x297: {  	[tilespmem:s15+$0x8830] =	vst.add.f32.msk $0xffff, v10  }
0x298: {  	v10 =	vld [tilespmem:s14+$0x840];
	_ =	sdelay $0x4  }
0x299: {  	(v2sf) =	vpush v8, $0xB;
	[tilespmem:s15+$0x8840] =	vst.add.f32.msk $0xffff, v10  }
0x29a: {  	v10 =	vld [tilespmem:s14+$0x850];
	_ =	sdelay $0x3  }
0x29b: {  	(v2sf) =	vpush v9, $0xB  }
0x29c: {  	[tilespmem:s15+$0x8850] =	vst.add.f32.msk $0xffff, v10  }
0x29d: {  	v10 =	vld [tilespmem:s14+$0x860];
	_ =	sdelay $0x4  }
0x29e: {  	[tilespmem:s15+$0x8860] =	vst.add.f32.msk $0xffff, v10  }
0x29f: {  	v10 =	vld [tilespmem:s14+$0x870];
	_ =	sdelay $0x1  }
0x2a0: {  	s14 =	spop (v2sf)  }
0x2a1: {  	s16 =	sshll.u32 s14, $0x8;
	s14 =	sshll.u32 s14, $0x7  }
0x2a2: {  	s16 =	sand.u32 $0xFFFFF800, s16;
	s14 =	sand.u32 $0x380, s14  }
0x2a3: {  	s14 =	sor.u32 s14, s16;
	[tilespmem:s15+$0x8870] =	vst.add.f32.msk $0xffff, v10  }
0x2a4: {  	v10 =	vld [tilespmem:s14+$0x400]  }
0x2a5: {  	s15 =	spop (v2sf)  }
0x2a6: {  	s16 =	sshll.u32 s15, $0x8;
	s15 =	sshll.u32 s15, $0x7  }
0x2a7: {  	s16 =	sand.u32 $0xFFFFF800, s16;
	s15 =	sand.u32 $0x380, s15  }
0x2a8: {  	s15 =	sor.u32 s15, s16  }
0x2a9: {  	[tilespmem:s15+$0x8400] =	vst.add.f32.msk $0xffff, v10  }
0x2aa: {  	v10 =	vld [tilespmem:s14+$0x410];
	_ =	sdelay $0x4  }
0x2ab: {  	[tilespmem:s15+$0x8410] =	vst.add.f32.msk $0xffff, v10  }
0x2ac: {  	v10 =	vld [tilespmem:s14+$0x420];
	_ =	sdelay $0x4  }
0x2ad: {  	[tilespmem:s15+$0x8420] =	vst.add.f32.msk $0xffff, v10  }
0x2ae: {  	v10 =	vld [tilespmem:s14+$0x430];
	_ =	sdelay $0x4  }
0x2af: {  	[tilespmem:s15+$0x8430] =	vst.add.f32.msk $0xffff, v10  }
0x2b0: {  	v10 =	vld [tilespmem:s14+$0x440];
	_ =	sdelay $0x4  }
0x2b1: {  	[tilespmem:s15+$0x8440] =	vst.add.f32.msk $0xffff, v10  }
0x2b2: {  	v10 =	vld [tilespmem:s14+$0x450];
	_ =	sdelay $0x4  }
0x2b3: {  	[tilespmem:s15+$0x8450] =	vst.add.f32.msk $0xffff, v10  }
0x2b4: {  	v10 =	vld [tilespmem:s14+$0x460];
	_ =	sdelay $0x4  }
0x2b5: {  	[tilespmem:s15+$0x8460] =	vst.add.f32.msk $0xffff, v10  }
0x2b6: {  	v10 =	vld [tilespmem:s14+$0x470];
	_ =	sdelay $0x4  }
0x2b7: {  	[tilespmem:s15+$0x8470] =	vst.add.f32.msk $0xffff, v10  }
0x2b8: {  	v10 =	vld [tilespmem:s14+$0x800];
	_ =	sdelay $0x4  }
0x2b9: {  	[tilespmem:s15+$0x8800] =	vst.add.f32.msk $0xffff, v10  }
0x2ba: {  	v10 =	vld [tilespmem:s14+$0x810];
	_ =	sdelay $0x4  }
0x2bb: {  	[tilespmem:s15+$0x8810] =	vst.add.f32.msk $0xffff, v10  }
0x2bc: {  	v10 =	vld [tilespmem:s14+$0x820];
	_ =	sdelay $0x4  }
0x2bd: {  	[tilespmem:s15+$0x8820] =	vst.add.f32.msk $0xffff, v10  }
0x2be: {  	v10 =	vld [tilespmem:s14+$0x830];
	_ =	sdelay $0x4  }
0x2bf: {  	[tilespmem:s15+$0x8830] =	vst.add.f32.msk $0xffff, v10  }
0x2c0: {  	v10 =	vld [tilespmem:s14+$0x840];
	_ =	sdelay $0x4  }
0x2c1: {  	(v2sf) =	vpush v8, $0xC;
	[tilespmem:s15+$0x8840] =	vst.add.f32.msk $0xffff, v10  }
0x2c2: {  	v10 =	vld [tilespmem:s14+$0x850];
	_ =	sdelay $0x3  }
0x2c3: {  	(v2sf) =	vpush v9, $0xC  }
0x2c4: {  	[tilespmem:s15+$0x8850] =	vst.add.f32.msk $0xffff, v10  }
0x2c5: {  	v10 =	vld [tilespmem:s14+$0x860];
	_ =	sdelay $0x4  }
0x2c6: {  	[tilespmem:s15+$0x8860] =	vst.add.f32.msk $0xffff, v10  }
0x2c7: {  	v10 =	vld [tilespmem:s14+$0x870];
	_ =	sdelay $0x1  }
0x2c8: {  	s14 =	spop (v2sf)  }
0x2c9: {  	s16 =	sshll.u32 s14, $0x8;
	s14 =	sshll.u32 s14, $0x7  }
0x2ca: {  	s16 =	sand.u32 $0xFFFFF800, s16;
	s14 =	sand.u32 $0x380, s14  }
0x2cb: {  	s14 =	sor.u32 s14, s16;
	[tilespmem:s15+$0x8870] =	vst.add.f32.msk $0xffff, v10  }
0x2cc: {  	v10 =	vld [tilespmem:s14+$0x400]  }
0x2cd: {  	s15 =	spop (v2sf)  }
0x2ce: {  	s16 =	sshll.u32 s15, $0x8;
	s15 =	sshll.u32 s15, $0x7  }
0x2cf: {  	s16 =	sand.u32 $0xFFFFF800, s16;
	s15 =	sand.u32 $0x380, s15  }
0x2d0: {  	s15 =	sor.u32 s15, s16  }
0x2d1: {  	[tilespmem:s15+$0x8400] =	vst.add.f32.msk $0xffff, v10  }
0x2d2: {  	v10 =	vld [tilespmem:s14+$0x410];
	_ =	sdelay $0x4  }
0x2d3: {  	[tilespmem:s15+$0x8410] =	vst.add.f32.msk $0xffff, v10  }
0x2d4: {  	v10 =	vld [tilespmem:s14+$0x420];
	_ =	sdelay $0x4  }
0x2d5: {  	[tilespmem:s15+$0x8420] =	vst.add.f32.msk $0xffff, v10  }
0x2d6: {  	v10 =	vld [tilespmem:s14+$0x430];
	_ =	sdelay $0x4  }
0x2d7: {  	[tilespmem:s15+$0x8430] =	vst.add.f32.msk $0xffff, v10  }
0x2d8: {  	v10 =	vld [tilespmem:s14+$0x440];
	_ =	sdelay $0x4  }
0x2d9: {  	[tilespmem:s15+$0x8440] =	vst.add.f32.msk $0xffff, v10  }
0x2da: {  	v10 =	vld [tilespmem:s14+$0x450];
	_ =	sdelay $0x4  }
0x2db: {  	[tilespmem:s15+$0x8450] =	vst.add.f32.msk $0xffff, v10  }
0x2dc: {  	v10 =	vld [tilespmem:s14+$0x460];
	_ =	sdelay $0x4  }
0x2dd: {  	[tilespmem:s15+$0x8460] =	vst.add.f32.msk $0xffff, v10  }
0x2de: {  	v10 =	vld [tilespmem:s14+$0x470];
	_ =	sdelay $0x4  }
0x2df: {  	[tilespmem:s15+$0x8470] =	vst.add.f32.msk $0xffff, v10  }
0x2e0: {  	v10 =	vld [tilespmem:s14+$0x800];
	_ =	sdelay $0x4  }
0x2e1: {  	[tilespmem:s15+$0x8800] =	vst.add.f32.msk $0xffff, v10  }
0x2e2: {  	v10 =	vld [tilespmem:s14+$0x810];
	_ =	sdelay $0x4  }
0x2e3: {  	[tilespmem:s15+$0x8810] =	vst.add.f32.msk $0xffff, v10  }
0x2e4: {  	v10 =	vld [tilespmem:s14+$0x820];
	_ =	sdelay $0x4  }
0x2e5: {  	[tilespmem:s15+$0x8820] =	vst.add.f32.msk $0xffff, v10  }
0x2e6: {  	v10 =	vld [tilespmem:s14+$0x830];
	_ =	sdelay $0x4  }
0x2e7: {  	[tilespmem:s15+$0x8830] =	vst.add.f32.msk $0xffff, v10  }
0x2e8: {  	v10 =	vld [tilespmem:s14+$0x840];
	_ =	sdelay $0x4  }
0x2e9: {  	(v2sf) =	vpush v8, $0xD;
	[tilespmem:s15+$0x8840] =	vst.add.f32.msk $0xffff, v10  }
0x2ea: {  	v10 =	vld [tilespmem:s14+$0x850];
	_ =	sdelay $0x3  }
0x2eb: {  	(v2sf) =	vpush v9, $0xD  }
0x2ec: {  	[tilespmem:s15+$0x8850] =	vst.add.f32.msk $0xffff, v10  }
0x2ed: {  	v10 =	vld [tilespmem:s14+$0x860];
	_ =	sdelay $0x4  }
0x2ee: {  	[tilespmem:s15+$0x8860] =	vst.add.f32.msk $0xffff, v10  }
0x2ef: {  	v10 =	vld [tilespmem:s14+$0x870];
	_ =	sdelay $0x1  }
0x2f0: {  	s14 =	spop (v2sf)  }
0x2f1: {  	s16 =	sshll.u32 s14, $0x8;
	s14 =	sshll.u32 s14, $0x7  }
0x2f2: {  	s16 =	sand.u32 $0xFFFFF800, s16;
	s14 =	sand.u32 $0x380, s14  }
0x2f3: {  	s14 =	sor.u32 s14, s16;
	[tilespmem:s15+$0x8870] =	vst.add.f32.msk $0xffff, v10  }
0x2f4: {  	v10 =	vld [tilespmem:s14+$0x400]  }
0x2f5: {  	s15 =	spop (v2sf)  }
0x2f6: {  	s16 =	sshll.u32 s15, $0x8;
	s15 =	sshll.u32 s15, $0x7  }
0x2f7: {  	s16 =	sand.u32 $0xFFFFF800, s16;
	s15 =	sand.u32 $0x380, s15  }
0x2f8: {  	s15 =	sor.u32 s15, s16  }
0x2f9: {  	[tilespmem:s15+$0x8400] =	vst.add.f32.msk $0xffff, v10  }
0x2fa: {  	v10 =	vld [tilespmem:s14+$0x410];
	_ =	sdelay $0x4  }
0x2fb: {  	[tilespmem:s15+$0x8410] =	vst.add.f32.msk $0xffff, v10  }
0x2fc: {  	v10 =	vld [tilespmem:s14+$0x420];
	_ =	sdelay $0x4  }
0x2fd: {  	[tilespmem:s15+$0x8420] =	vst.add.f32.msk $0xffff, v10  }
0x2fe: {  	v10 =	vld [tilespmem:s14+$0x430];
	_ =	sdelay $0x4  }
0x2ff: {  	[tilespmem:s15+$0x8430] =	vst.add.f32.msk $0xffff, v10  }
0x300: {  	v10 =	vld [tilespmem:s14+$0x440];
	_ =	sdelay $0x4  }
0x301: {  	[tilespmem:s15+$0x8440] =	vst.add.f32.msk $0xffff, v10  }
0x302: {  	v10 =	vld [tilespmem:s14+$0x450];
	_ =	sdelay $0x4  }
0x303: {  	[tilespmem:s15+$0x8450] =	vst.add.f32.msk $0xffff, v10  }
0x304: {  	v10 =	vld [tilespmem:s14+$0x460];
	_ =	sdelay $0x4  }
0x305: {  	[tilespmem:s15+$0x8460] =	vst.add.f32.msk $0xffff, v10  }
0x306: {  	v10 =	vld [tilespmem:s14+$0x470];
	_ =	sdelay $0x4  }
0x307: {  	[tilespmem:s15+$0x8470] =	vst.add.f32.msk $0xffff, v10  }
0x308: {  	v10 =	vld [tilespmem:s14+$0x800];
	_ =	sdelay $0x4  }
0x309: {  	[tilespmem:s15+$0x8800] =	vst.add.f32.msk $0xffff, v10  }
0x30a: {  	v10 =	vld [tilespmem:s14+$0x810];
	_ =	sdelay $0x4  }
0x30b: {  	[tilespmem:s15+$0x8810] =	vst.add.f32.msk $0xffff, v10  }
0x30c: {  	v10 =	vld [tilespmem:s14+$0x820];
	_ =	sdelay $0x4  }
0x30d: {  	[tilespmem:s15+$0x8820] =	vst.add.f32.msk $0xffff, v10  }
0x30e: {  	v10 =	vld [tilespmem:s14+$0x830];
	_ =	sdelay $0x4  }
0x30f: {  	[tilespmem:s15+$0x8830] =	vst.add.f32.msk $0xffff, v10  }
0x310: {  	v10 =	vld [tilespmem:s14+$0x840];
	_ =	sdelay $0x4  }
0x311: {  	(v2sf) =	vpush v8, $0xE;
	[tilespmem:s15+$0x8840] =	vst.add.f32.msk $0xffff, v10  }
0x312: {  	v10 =	vld [tilespmem:s14+$0x850];
	_ =	sdelay $0x3  }
0x313: {  	(v2sf) =	vpush v9, $0xE  }
0x314: {  	[tilespmem:s15+$0x8850] =	vst.add.f32.msk $0xffff, v10  }
0x315: {  	v10 =	vld [tilespmem:s14+$0x860];
	_ =	sdelay $0x4  }
0x316: {  	[tilespmem:s15+$0x8860] =	vst.add.f32.msk $0xffff, v10  }
0x317: {  	v10 =	vld [tilespmem:s14+$0x870];
	_ =	sdelay $0x1  }
0x318: {  	s14 =	spop (v2sf)  }
0x319: {  	s16 =	sshll.u32 s14, $0x8;
	s14 =	sshll.u32 s14, $0x7  }
0x31a: {  	s16 =	sand.u32 $0xFFFFF800, s16;
	s14 =	sand.u32 $0x380, s14  }
0x31b: {  	s14 =	sor.u32 s14, s16;
	[tilespmem:s15+$0x8870] =	vst.add.f32.msk $0xffff, v10  }
0x31c: {  	v10 =	vld [tilespmem:s14+$0x400]  }
0x31d: {  	s15 =	spop (v2sf)  }
0x31e: {  	s16 =	sshll.u32 s15, $0x8;
	s15 =	sshll.u32 s15, $0x7  }
0x31f: {  	s16 =	sand.u32 $0xFFFFF800, s16;
	s15 =	sand.u32 $0x380, s15  }
0x320: {  	s15 =	sor.u32 s15, s16  }
0x321: {  	[tilespmem:s15+$0x8400] =	vst.add.f32.msk $0xffff, v10  }
0x322: {  	v10 =	vld [tilespmem:s14+$0x410];
	_ =	sdelay $0x4  }
0x323: {  	[tilespmem:s15+$0x8410] =	vst.add.f32.msk $0xffff, v10  }
0x324: {  	v10 =	vld [tilespmem:s14+$0x420];
	_ =	sdelay $0x4  }
0x325: {  	[tilespmem:s15+$0x8420] =	vst.add.f32.msk $0xffff, v10  }
0x326: {  	v10 =	vld [tilespmem:s14+$0x430];
	_ =	sdelay $0x4  }
0x327: {  	[tilespmem:s15+$0x8430] =	vst.add.f32.msk $0xffff, v10  }
0x328: {  	v10 =	vld [tilespmem:s14+$0x440];
	_ =	sdelay $0x4  }
0x329: {  	[tilespmem:s15+$0x8440] =	vst.add.f32.msk $0xffff, v10  }
0x32a: {  	v10 =	vld [tilespmem:s14+$0x450];
	_ =	sdelay $0x4  }
0x32b: {  	[tilespmem:s15+$0x8450] =	vst.add.f32.msk $0xffff, v10  }
0x32c: {  	v10 =	vld [tilespmem:s14+$0x460];
	_ =	sdelay $0x4  }
0x32d: {  	[tilespmem:s15+$0x8460] =	vst.add.f32.msk $0xffff, v10  }
0x32e: {  	v10 =	vld [tilespmem:s14+$0x470];
	_ =	sdelay $0x4  }
0x32f: {  	[tilespmem:s15+$0x8470] =	vst.add.f32.msk $0xffff, v10  }
0x330: {  	v10 =	vld [tilespmem:s14+$0x800];
	_ =	sdelay $0x4  }
0x331: {  	[tilespmem:s15+$0x8800] =	vst.add.f32.msk $0xffff, v10  }
0x332: {  	v10 =	vld [tilespmem:s14+$0x810];
	_ =	sdelay $0x4  }
0x333: {  	[tilespmem:s15+$0x8810] =	vst.add.f32.msk $0xffff, v10  }
0x334: {  	v10 =	vld [tilespmem:s14+$0x820];
	_ =	sdelay $0x4  }
0x335: {  	[tilespmem:s15+$0x8820] =	vst.add.f32.msk $0xffff, v10  }
0x336: {  	v10 =	vld [tilespmem:s14+$0x830];
	_ =	sdelay $0x4  }
0x337: {  	[tilespmem:s15+$0x8830] =	vst.add.f32.msk $0xffff, v10  }
0x338: {  	v10 =	vld [tilespmem:s14+$0x840];
	_ =	sdelay $0x4  }
0x339: {  	(v2sf) =	vpush v8, $0xF;
	[tilespmem:s15+$0x8840] =	vst.add.f32.msk $0xffff, v10  }
0x33a: {  	v8 =	vld [tilespmem:s14+$0x850];
	_ =	sdelay $0x3  }
0x33b: {  	(v2sf) =	vpush v9, $0xF  }
0x33c: {  	[tilespmem:s15+$0x8850] =	vst.add.f32.msk $0xffff, v8  }
0x33d: {  	v8 =	vld [tilespmem:s14+$0x860];
	_ =	sdelay $0x4  }
0x33e: {  	[tilespmem:s15+$0x8860] =	vst.add.f32.msk $0xffff, v8  }
0x33f: {  	v8 =	vld [tilespmem:s14+$0x870];
	_ =	sdelay $0x1  }
0x340: {  	s14 =	spop (v2sf)  }
0x341: {  	s16 =	sshll.u32 s14, $0x8;
	s14 =	sshll.u32 s14, $0x7  }
0x342: {  	s16 =	sand.u32 $0xFFFFF800, s16;
	s14 =	sand.u32 $0x380, s14  }
0x343: {  	s14 =	sor.u32 s14, s16;
	[tilespmem:s15+$0x8870] =	vst.add.f32.msk $0xffff, v8  }
0x344: {  	v8 =	vld [tilespmem:s14+$0x400]  }
0x345: {  	s15 =	spop (v2sf)  }
0x346: {  	s16 =	sshll.u32 s15, $0x8;
	s15 =	sshll.u32 s15, $0x7  }
0x347: {  	s16 =	sand.u32 $0xFFFFF800, s16;
	s15 =	sand.u32 $0x380, s15  }
0x348: {  	s15 =	sor.u32 s15, s16  }
0x349: {  	[tilespmem:s15+$0x8400] =	vst.add.f32.msk $0xffff, v8  }
0x34a: {  	v8 =	vld [tilespmem:s14+$0x410];
	_ =	sdelay $0x4  }
0x34b: {  	[tilespmem:s15+$0x8410] =	vst.add.f32.msk $0xffff, v8  }
0x34c: {  	v8 =	vld [tilespmem:s14+$0x420];
	_ =	sdelay $0x4  }
0x34d: {  	[tilespmem:s15+$0x8420] =	vst.add.f32.msk $0xffff, v8  }
0x34e: {  	v8 =	vld [tilespmem:s14+$0x430];
	_ =	sdelay $0x4  }
0x34f: {  	[tilespmem:s15+$0x8430] =	vst.add.f32.msk $0xffff, v8  }
0x350: {  	v8 =	vld [tilespmem:s14+$0x440];
	_ =	sdelay $0x4  }
0x351: {  	[tilespmem:s15+$0x8440] =	vst.add.f32.msk $0xffff, v8  }
0x352: {  	v8 =	vld [tilespmem:s14+$0x450];
	_ =	sdelay $0x4  }
0x353: {  	[tilespmem:s15+$0x8450] =	vst.add.f32.msk $0xffff, v8  }
0x354: {  	v8 =	vld [tilespmem:s14+$0x460];
	_ =	sdelay $0x4  }
0x355: {  	[tilespmem:s15+$0x8460] =	vst.add.f32.msk $0xffff, v8  }
0x356: {  	v8 =	vld [tilespmem:s14+$0x470];
	_ =	sdelay $0x4  }
0x357: {  	[tilespmem:s15+$0x8470] =	vst.add.f32.msk $0xffff, v8  }
0x358: {  	v8 =	vld [tilespmem:s14+$0x800];
	_ =	sdelay $0x4  }
0x359: {  	[tilespmem:s15+$0x8800] =	vst.add.f32.msk $0xffff, v8  }
0x35a: {  	v8 =	vld [tilespmem:s14+$0x810];
	_ =	sdelay $0x4  }
0x35b: {  	[tilespmem:s15+$0x8810] =	vst.add.f32.msk $0xffff, v8  }
0x35c: {  	v8 =	vld [tilespmem:s14+$0x820];
	_ =	sdelay $0x4  }
0x35d: {  	[tilespmem:s15+$0x8820] =	vst.add.f32.msk $0xffff, v8  }
0x35e: {  	v8 =	vld [tilespmem:s14+$0x830];
	_ =	sdelay $0x4  }
0x35f: {  	[tilespmem:s15+$0x8830] =	vst.add.f32.msk $0xffff, v8  }
0x360: {  	v8 =	vld [tilespmem:s14+$0x840];
	_ =	sdelay $0x4  }
0x361: {  	[tilespmem:s15+$0x8840] =	vst.add.f32.msk $0xffff, v8  }
0x362: {  	v8 =	vld [tilespmem:s14+$0x850];
	_ =	sdelay $0x4  }
0x363: {  	[tilespmem:s15+$0x8850] =	vst.add.f32.msk $0xffff, v8  }
0x364: {  	v8 =	vld [tilespmem:s14+$0x860];
	_ =	sdelay $0x4  }
0x365: {  	[tilespmem:s15+$0x8860] =	vst.add.f32.msk $0xffff, v8  }
0x366: {  	p1 =	sne.s32 s12, $0xC0;
	v8 =	vld [tilespmem:s14+$0x870]  }
.Ltmp9:
0x367: {  	_ = 	snop;
	(pc) =	sbr.rel @p1 .LBB2_6-.Ltmp9, $2  }
0x368: {  	_ =	sdelay $0x2  }
0x369: {  	s8 =	sadd.s32 $0x10, s8;
	s12 =	sadd.s32 $0x40, s12;
	[tilespmem:s15+$0x8870] =	vst.add.f32.msk $0xffff, v8  }
0x36a: {  	v6 =	vld [tilespmem:s5+$0x0]  }
0x36b: {  	v7 =	vld [tilespmem:s5+$0x10]  }
0x36c: {  	v8 =	vld [tilespmem:s5+$0x20]  }
0x36d: {  	v9 =	vld [tilespmem:s5+$0x30];
	_ =	sdelay $0x1  }
0x36e: {  	vm0 =	vlt.s32 v6, $0x200  }
0x36f: {  	vm1 =	vge.s32 v6, v5;
	vm2 =	vge.s32 v7, v5;
	v6 =	vnsel vm0, $0x200, v6  }
0x370: {  	vm3 =	vlt.s32 v7, $0x200;
	vm12 =	vge.s32 v8, v5;
	v6 =	vnsel vm1, $0x200, v6  }
0x371: {  	vm4 =	vlt.s32 v8, $0x200;
	vm13 =	vge.s32 v9, v5;
	vm11 =	vlt.s32 v6, v7  }
0x372: {  	vm2 =	vmand vm2, vm3;
	vm3 =	vmand vm12, vm4;
	v7 =	vsel vm11, v6, v7  }
0x373: {  	vm5 =	vlt.s32 v9, $0x200;
	v6 =	vsel vm2, v7, v6;
	v7 =	vnsel vm3, $0x200, v8  }
0x374: {  	vm0 =	vmand vm1, vm0;
	vm14 =	vmand vm13, vm5;
	vm15 =	vlt.s32 v6, v7  }
0x375: {  	vm0 =	vmor vm0, vm2;
	v5 =	vsel vm15, v6, v7;
	v6 =	vnsel vm14, $0x200, v9  }
0x376: {  	vm0 =	vmor vm0, vm3;
	vm7 =	vlt.s32 v5, v6  }
0x377: {  	vm0 =	vmor vm0, vm14;
	v5 =	vsel vm7, v5, v6  }
0x378: {  	v6 =	vsel vm0, $0x1, v2;
	v7 =	vperm.xlane v5, v1  }
0x379: {  	v63 =	vperm.xlane v6, v1  }
0x37a: {  	vm8 =	vlt.s32 v5, v7  }
0x37b: {  	vm9 =	vgt.s32 v6, v63;
	v5 =	vsel vm8, v5, v7  }
0x37c: {  	v6 =	vsel vm9, v6, v63;
	v7 =	vperm.xlane v5, v1  }
0x37d: {  	v8 =	vperm.xlane v6, v1  }
0x37e: {  	vm10 =	vlt.s32 v5, v7  }
0x37f: {  	vm11 =	vgt.s32 v6, v8;
	v5 =	vsel vm10, v5, v7  }
0x380: {  	v6 =	vsel vm11, v6, v8;
	v7 =	vperm.xlane v5, v1  }
0x381: {  	v8 =	vperm.xlane v6, v1  }
0x382: {  	vm12 =	vlt.s32 v5, v7  }
0x383: {  	vm13 =	vgt.s32 v6, v8;
	v5 =	vsel vm12, v5, v7  }
0x384: {  	v6 =	vsel vm13, v6, v8;
	v7 =	vperm.xlane v5, v1  }
0x385: {  	v8 =	vperm.xlane v6, v1  }
0x386: {  	vm14 =	vlt.s32 v5, v7  }
0x387: {  	vm15 =	vgt.s32 v6, v8;
	v5 =	vsel vm14, v5, v7  }
0x388: {  	(v2sf) =	vpush v5, $0x0;
	v5 =	vsel vm15, v6, v8  }
0x389: {  	(v2sf) =	vpush v5, $0x0;
	_ =	sdelay $0xa  }
.Ltmp10:
0x38a: {  	_ = 	snop;
	(pc) =	sbr.rel .LBB2_10-.Ltmp10, $3  }
0x38b: {  	_ =	sdelay $0x1  }
0x38c: {  	s8 =	spop (v2sf)  }
0x38d: {  	s14 =	spop (v2sf)  }
.LBB2_13:
0x38e: {  	_ =	sfence.sel $0x180000  }
0x38f: {  	[bflag:$0x0] =	sbarrier.arrive $0xFFFF  }
0x390: {  	_ =	strace $0x90000047  }
0x391: {  	s0 =	stileid.u32;
	[bflag:$0x2] =	sbarrier.arrive $0xFFFF  }
0x392: {  	p0 =	sne.s32 s0, $0x0;
	s0 =	rddreg [dreg:$0x4]  }
0x393: {  	s0 =	sadd.s32 @!p0 $0x100000, s0  }
0x394: {  	[sflag:s0] =	ssyncadd.tile.s32 @!p0 $0x1;
	_ =	shalt  }
.Lfunc_end2:
_tile_overlayer_lowered:
.L_overlay_start_2:
0x395: {  	(tag) =	ssettag $0x2  }
0x396: {  	s0 =	rddreg [dreg:$0x0];
	s2 =	stileid.u32  }
0x397: {  	s1 =	rddreg [dreg:$0x1];
	p0 =	sne.s32 s2, $0x0  }
0x398: {  	s3 =	rddreg [dreg:$0x2];
	[bflag:$0x3] =	sbarrier.arrive $0xFFFF;
	s2 =	simm.s32 @!p0 $0x1C04  }
0x399: {  	[timem:s3], [sflag:s2] =	dma.local @!p0 [hbm:s0], s1  }
0x39a: {  	s0 =	simm.s32 @!p0 $0x4  }
0x39b: {  	_ =	swait.ge @!p0 [sflag:s0], s1  }
0x39c: {  	s1 =	ssub.s32 @!p0 $0x0, s1;
	[sflag:s0] =	ssyncset.done @!p0 $0x0  }
0x39d: {  	[sflag:s0] =	ssyncadd.s32 @!p0 s1  }
0x39e: {  	[bflag:$0x3] =	sbarrier.arrive $0xFFFF  }
0x39f: {  	_ =	shalt  }

</sc_bundles>
